<compile_context>
chip_gen: v7x
topology: tpu7x:2x2x1
jax: 0.10.2.dev20260603
libtpu: 0.0.44.dev20260713+nightly
codegen_flags: <defaults>
</compile_context>

<pallas_src>
import functools

import jax
import jax.numpy as jnp
from jax import lax
from jax.experimental import pallas as pl
from jax.experimental.pallas import tpu as pltpu
from jax.experimental.pallas import tpu_sc as plsc

N, FD, ED, S, B = 10000, 128, 64, 32, 10000
NC, NS = 2, 16
NW = NC * NS
CH = 128
NH = 2
BH = B // NH
NCH = (BH * S) // CH
EPW = 40
NCHP = NW * EPW
NBUF = 4
QCH = 40
NQCH = BH // QCH
QPW = 8
NQCHP = 128
QBUF = 2
BB = 200
PROJ_BLK = 1000


def _proj_body(x_ref, wkv_ref, wmq_ref, bkv_ref, bmq_ref, pkv_ref, pmq_ref):
    x = x_ref[:]
    pkv_ref[:] = jnp.dot(x, wkv_ref[:], preferred_element_type=jnp.float32) + bkv_ref[:]
    pmq_ref[:] = jnp.dot(x, wmq_ref[:], preferred_element_type=jnp.float32) + bmq_ref[:]


def _project(id2feat, wkv, wmq, bkv, bmq):
    nblk = N // PROJ_BLK
    full = lambda i: (0, 0)
    return pl.pallas_call(
        _proj_body,
        grid=(nblk,),
        in_specs=[
            pl.BlockSpec((PROJ_BLK, FD), lambda i: (i, 0)),
            pl.BlockSpec((FD, 2 * ED), full),
            pl.BlockSpec((FD, 2 * ED), full),
            pl.BlockSpec((1, 2 * ED), full),
            pl.BlockSpec((1, 2 * ED), full),
        ],
        out_specs=[
            pl.BlockSpec((PROJ_BLK, 2 * ED), lambda i: (i, 0)),
            pl.BlockSpec((PROJ_BLK, 2 * ED), lambda i: (i, 0)),
        ],
        out_shape=[
            jax.ShapeDtypeStruct((N, 2 * ED), jnp.float32),
            jax.ShapeDtypeStruct((N, 2 * ED), jnp.float32),
        ],
    )(id2feat, wkv, wmq, bkv, bmq)


def _make_sc_gather():
    mesh = plsc.VectorSubcoreMesh(core_axis_name="c", subcore_axis_name="s")

    @functools.partial(
        pl.kernel,
        mesh=mesh,
        out_type=jax.ShapeDtypeStruct((BH * S, 2 * ED), jnp.float32),
        scratch_types=(
            [pltpu.VMEM((EPW, CH), jnp.int32)]
            + [pltpu.VMEM((CH, 2 * ED), jnp.float32) for _ in range(NBUF)]
            + [pltpu.SemaphoreType.DMA for _ in range(2 * NBUF)]
        ),
    )
    def sc_gather(tab, idx2d, out, *scratch):
        idx_all = scratch[0]
        rows = scratch[1:1 + NBUF]
        sem_g = scratch[1 + NBUF:1 + 2 * NBUF]
        sem_w = scratch[1 + 2 * NBUF:]
        w = lax.axis_index("c") * NS + lax.axis_index("s")
        lo = w * EPW
        cnt = jnp.clip(NCH - lo, 0, EPW)
        pltpu.sync_copy(idx2d.at[pl.ds(lo, EPW)], idx_all)
        ngrp = EPW // NBUF
        kmax = ngrp * NBUF

        def grp(it, carry):
            for b in range(NBUF):
                k = it * NBUF + b

                @pl.when(jnp.logical_and(k >= NBUF, k - NBUF < cnt))
                def _():
                    pltpu.make_async_copy(
                        out.at[pl.ds(0, CH)], rows[b], sem_w[b]).wait()

                @pl.when(k < cnt)
                def _():
                    pltpu.async_copy(tab.at[idx_all.at[k]], rows[b], sem_g[b])
            for b in range(NBUF):
                k = it * NBUF + b

                @pl.when(k < cnt)
                def _():
                    pltpu.make_async_copy(
                        tab.at[idx_all.at[k]], rows[b], sem_g[b]).wait()
                    pltpu.async_copy(
                        rows[b], out.at[pl.ds((lo + k) * CH, CH)], sem_w[b])
            return carry

        lax.fori_loop(0, ngrp, grp, 0)
        for b in range(NBUF):
            @pl.when(kmax - NBUF + b < cnt)
            def _():
                pltpu.make_async_copy(
                    out.at[pl.ds(0, CH)], rows[b], sem_w[b]).wait()

    return sc_gather


_sc_gather = _make_sc_gather()


def _make_sc_q():
    mesh = plsc.VectorSubcoreMesh(core_axis_name="c", subcore_axis_name="s")

    @functools.partial(
        pl.kernel,
        mesh=mesh,
        out_type=jax.ShapeDtypeStruct((BH, 2 * ED), jnp.float32),
        scratch_types=(
            [pltpu.VMEM((QPW, QCH), jnp.int32)]
            + [pltpu.VMEM((QCH, 2 * ED), jnp.float32) for _ in range(QBUF)]
            + [pltpu.SemaphoreType.DMA for _ in range(2 * QBUF)]
        ),
    )
    def sc_q(pmq, nod_i, qg, *scratch):
        idx_q = scratch[0]
        rows_q = scratch[1:1 + QBUF]
        sem_g = scratch[1 + QBUF:1 + 2 * QBUF]
        sem_w = scratch[1 + 2 * QBUF:]
        w = lax.axis_index("c") * NS + lax.axis_index("s")
        qlo = jnp.minimum(w * QPW, NQCHP - QPW)
        qcnt = jnp.clip(NQCH - w * QPW, 0, QPW)
        pltpu.sync_copy(nod_i.at[pl.ds(qlo, QPW)], idx_q)
        qngrp = QPW // QBUF
        qkmax = qngrp * QBUF

        def qgrp(it, carry):
            for b in range(QBUF):
                k = it * QBUF + b

                @pl.when(jnp.logical_and(k >= QBUF, k - QBUF < qcnt))
                def _():
                    pltpu.make_async_copy(
                        qg.at[pl.ds(0, QCH)], rows_q[b], sem_w[b]).wait()

                @pl.when(k < qcnt)
                def _():
                    pltpu.async_copy(pmq.at[idx_q.at[k]], rows_q[b], sem_g[b])
            for b in range(QBUF):
                k = it * QBUF + b

                @pl.when(k < qcnt)
                def _():
                    pltpu.make_async_copy(
                        pmq.at[idx_q.at[k]], rows_q[b], sem_g[b]).wait()
                    pltpu.async_copy(
                        rows_q[b], qg.at[pl.ds((qlo + k) * QCH, QCH)], sem_w[b])
            return carry

        lax.fori_loop(0, qngrp, qgrp, 0)
        for b in range(QBUF):
            @pl.when(qkmax - QBUF + b < qcnt)
            def _():
                pltpu.make_async_copy(
                    qg.at[pl.ds(0, QCH)], rows_q[b], sem_w[b]).wait()

    return sc_q


_sc_q = _make_sc_q()


def _attn_body(kvg_ref, mg_ref, qg_ref, wc_ref, bc_ref, out_ref):
    kv = kvg_ref[:].reshape(BB, S, 2 * ED)
    k3 = kv[:, :, :ED]
    v3 = kv[:, :, ED:]
    q = qg_ref[:, ED:]
    logits = jnp.sum(k3 * q[:, None, :], axis=-1)
    m = jnp.max(logits, axis=-1, keepdims=True)
    e = jnp.exp(logits - m)
    attn = e / jnp.sum(e, axis=-1, keepdims=True)
    mix = jnp.sum(v3 * attn[:, :, None], axis=1)
    ctx = jnp.sum(mg_ref[:].reshape(BB, S, 2 * ED)[:, :, :ED], axis=1)
    comb = jnp.concatenate([mix, ctx], axis=-1)
    comb = jnp.tanh(jnp.dot(comb, wc_ref[:], preferred_element_type=jnp.float32)
                    + bc_ref[:])
    nrm = jnp.sqrt(jnp.sum(comb * comb, axis=-1, keepdims=True))
    out_ref[:] = comb / jnp.maximum(nrm, 1e-12)


def _attention(kvg, mqg, qg, wc, bc):
    nblk = BH // BB
    return pl.pallas_call(
        _attn_body,
        grid=(nblk,),
        in_specs=[
            pl.BlockSpec((BB * S, 2 * ED), lambda i: (i, 0)),
            pl.BlockSpec((BB * S, 2 * ED), lambda i: (i, 0)),
            pl.BlockSpec((BB, 2 * ED), lambda i: (i, 0)),
            pl.BlockSpec((2 * ED, ED), lambda i: (0, 0)),
            pl.BlockSpec((1, ED), lambda i: (0, 0)),
        ],
        out_specs=pl.BlockSpec((BB, ED), lambda i: (i, 0)),
        out_shape=jax.ShapeDtypeStruct((BH, ED), jnp.float32),
    )(kvg, mqg, qg, wc, bc)


def kernel(id2feat, nodes, adj_neighs, dis_neighs, Wm_w, Wm_b, Wq_w, Wq_b,
           Wk_w, Wk_b, Wv_w, Wv_b, WC_w, WC_b):
    wkv = jnp.concatenate([Wk_w, Wv_w], axis=1)
    bkv = jnp.concatenate([Wk_b, Wv_b])[None, :]
    wmq = jnp.concatenate([Wm_w / S, Wq_w], axis=1)
    bmq = jnp.concatenate([Wm_b / S, Wq_b])[None, :]
    pkv, pmq = _project(id2feat, wkv, wmq, bkv, bmq)
    adj = adj_neighs.astype(jnp.int32)
    dis = dis_neighs.astype(jnp.int32)
    nod = nodes.astype(jnp.int32)
    epad = jnp.zeros((NCHP - NCH, CH), jnp.int32)
    qpad = jnp.zeros((NQCHP - NQCH, QCH), jnp.int32)

    outs = []
    for h in range(NH):
        adj2 = jnp.concatenate(
            [adj[h * BH:(h + 1) * BH].reshape(NCH, CH), epad])
        dis2 = jnp.concatenate(
            [dis[h * BH:(h + 1) * BH].reshape(NCH, CH), epad])
        nod2 = jnp.concatenate(
            [nod[h * BH:(h + 1) * BH].reshape(NQCH, QCH), qpad])
        kvg = _sc_gather(pkv, adj2)
        mqg = _sc_gather(pmq, dis2)
        qg = _sc_q(pmq, nod2)
        outs.append(_attention(kvg, mqg, qg, WC_w, WC_b[None, :]))
    return jnp.concatenate(outs, axis=0)

# --- scband reference (transcript-rebuilt; emitter-appended) ---
"""Pipeline reference for scband-sage-layer1-20529943675141 (READ-ONLY COPY).

The authoritative reference and input builder live on the scoring server;
editing this copy changes nothing except your own understanding.
"""

import jax, jax.numpy as jnp
import numpy as np

N, FD, ED, S, B = 10000, 128, 64, 32, 10000

def setup_inputs(seed: int = 0):
    key = jax.random.key(seed)
    ks = jax.random.split(key, 12)
    def w(k, shape, fan_in):
        return jax.random.normal(k, shape, dtype=jnp.float32) / np.sqrt(fan_in)
    id2feat = jax.random.normal(ks[0], (N, FD), dtype=jnp.float32)
    nodes = jax.random.randint(ks[1], (B,), 0, N)
    adj_neighs = jax.random.randint(ks[2], (B, S), 0, N)
    dis_neighs = jax.random.randint(ks[3], (B, S), 0, N)
    Wm_w = w(ks[4], (FD, ED), FD); Wm_b = jnp.zeros((ED,), jnp.float32)
    Wq_w = w(ks[5], (FD, ED), FD); Wq_b = jnp.zeros((ED,), jnp.float32)
    Wk_w = w(ks[6], (FD, ED), FD); Wk_b = jnp.zeros((ED,), jnp.float32)
    Wv_w = w(ks[7], (FD, ED), FD); Wv_b = jnp.zeros((ED,), jnp.float32)
    WC_w = w(ks[8], (2 * ED, ED), 2 * ED); WC_b = jnp.zeros((ED,), jnp.float32)
    return {"id2feat": id2feat, "nodes": nodes, "adj_neighs": adj_neighs, "dis_neighs": dis_neighs,
            "Wm_w": Wm_w, "Wm_b": Wm_b, "Wq_w": Wq_w, "Wq_b": Wq_b, "Wk_w": Wk_w, "Wk_b": Wk_b,
            "Wv_w": Wv_w, "Wv_b": Wv_b, "WC_w": WC_w, "WC_b": WC_b}

def reference(id2feat, nodes, adj_neighs, dis_neighs, Wm_w, Wm_b, Wq_w, Wq_b, Wk_w, Wk_b, Wv_w, Wv_b, WC_w, WC_b):
    # MeanAggregator1: gather sampled context neighbors, linear project, mean over neighbors
    dis_feats = jnp.take(id2feat, dis_neighs, axis=0)                 # [B, S, FD] gather
    dis_emb = dis_feats @ Wm_w + Wm_b                                 # [B, S, ED]
    context_feats = jnp.mean(dis_emb, axis=1)                         # [B, ED]
    # AttnAggregator1: single-query attention over sampled adjacency neighbors + self token
    tmp = jnp.take(id2feat, adj_neighs, axis=0)                       # [B, S, FD] gather
    self_feats = jnp.take(id2feat, nodes, axis=0)                     # [B, FD] gather
    kv_in = jnp.concatenate([tmp, self_feats[:, None, :]], axis=1)    # [B, S+1, FD]
    Q = self_feats @ Wq_w + Wq_b                                      # [B, ED]
    K = kv_in @ Wk_w + Wk_b                                           # [B, S+1, ED]
    V = kv_in @ Wv_w + Wv_b                                           # [B, S+1, ED]
    attn = jnp.einsum('be,bse->bs', Q, K)                             # [B, S+1]
    # faithful to the torch mask loop: with full-length neighbor lists (len == num_sample)
    # every row masks columns >= S, i.e. the appended self token is masked out
    mask = jnp.arange(S + 1) >= S
    attn = jnp.where(mask[None, :], -jnp.inf, attn)
    attn = jax.nn.softmax(attn, axis=-1)
    mix_feats = jnp.einsum('bs,bse->be', attn, V)                     # [B, ED]
    # SageLayer1 combine
    combined = jnp.concatenate([mix_feats, context_feats], axis=-1)   # [B, 2*ED]
    combined = jnp.tanh(combined @ WC_w + WC_b)                       # [B, ED]
    nrm = jnp.linalg.norm(combined, ord=2, axis=-1, keepdims=True)
    combined = combined / jnp.maximum(nrm, 1e-12)                     # F.normalize(p=2)
    return combined

if __name__ == "__main__":
    import jax
    _d = setup_inputs()
    print(jax.jit(kernel)(*tuple(_d.values())))

</pallas_src>

<mosaic_0001>
#map = affine_map<(d0, d1) -> (0, 0)>
module attributes {stable_mosaic.version = 14 : i64} {
  func.func @sc_q(%arg0: i32, %arg1: i32, %arg2: memref<10000x128xf32, #tpu.memory_space<hbm>>, %arg3: memref<128x40xi32, #tpu.memory_space<hbm>>, %arg4: memref<5000x128xf32, #tpu.memory_space<hbm>>, %arg5: memref<8x40xi32, #tpu.memory_space<vmem>>, %arg6: memref<40x128xf32, #tpu.memory_space<vmem>>, %arg7: memref<40x128xf32, #tpu.memory_space<vmem>>, %arg8: memref<!tpu.dma_semaphore, #tpu.memory_space<semaphore_mem>>, %arg9: memref<!tpu.dma_semaphore, #tpu.memory_space<semaphore_mem>>, %arg10: memref<!tpu.dma_semaphore, #tpu.memory_space<semaphore_mem>>, %arg11: memref<!tpu.dma_semaphore, #tpu.memory_space<semaphore_mem>>) attributes {dimension_semantics = [#tpu.dimension_semantics<core_parallel>, #tpu.dimension_semantics<subcore_parallel>], iteration_bounds = array<i64: 2, 16>, scalar_prefetch = 0 : i64, scratch_operands = 7 : i64, tpu.core_type = #tpu.core_type<sc_vector_subcore>, window_params = [{transform_indices = #map}, {transform_indices = #map}, {transform_indices = #map}]} {
    %mul3A = arith.constant 16 : i32
    %mul3A_0 = arith.muli %arg0, %mul3A : i32
    %add3A = arith.addi %mul3A_0, %arg1 : i32
    %mul3A_1 = arith.constant 8 : i32
    %mul3A_2 = arith.muli %add3A, %mul3A_1 : i32
    %min3A = arith.constant 120 : i32
    %min3A_3 = arith.minsi %mul3A_2, %min3A : i32
    %mul3A_4 = arith.constant 8 : i32
    %mul3A_5 = arith.muli %add3A, %mul3A_4 : i32
    %sub3A = arith.constant 125 : i32
    %sub3A_6 = arith.subi %sub3A, %mul3A_5 : i32
    %jit3A = arith.constant 0 : i32
    %jit3A_7 = arith.constant 8 : i32
    %max3A = arith.maxsi %jit3A, %sub3A_6 : i32
    %min3A_8 = arith.minsi %jit3A_7, %max3A : i32
    "tpu.region"() ({
      %run_scoped3A = tpu.sem_alloc : memref<!tpu.dma_semaphore, #tpu.memory_space<semaphore_mem>>
      %dma_start3A = arith.constant 0 : i32
      %dma_start3A_21 = tpu.memref_slice %arg3[%min3A_3, %dma_start3A] : memref<128x40xi32, #tpu.memory_space<hbm>> -> memref<8x40xi32, #tpu.memory_space<hbm>>
      %dma_start3A_22 = arith.constant 0 : i32
      %dma_start3A_23 = tpu.memref_slice %arg3[%min3A_3, %dma_start3A_22] : memref<128x40xi32, #tpu.memory_space<hbm>> -> memref<8x40xi32, #tpu.memory_space<hbm>>
      tpu.enqueue_dma source(%dma_start3A_23 : memref<8x40xi32, #tpu.memory_space<hbm>>) target(%arg5 : memref<8x40xi32, #tpu.memory_space<vmem>>) target_semaphore(%run_scoped3A : memref<!tpu.dma_semaphore, #tpu.memory_space<semaphore_mem>>)
      %dma_wait3A = arith.constant 0 : i32
      %dma_wait3A_24 = tpu.memref_slice %arg3[%min3A_3, %dma_wait3A] : memref<128x40xi32, #tpu.memory_space<hbm>> -> memref<8x40xi32, #tpu.memory_space<hbm>>
      %dma_wait3A_25 = arith.constant 0 : i32
      %dma_wait3A_26 = tpu.memref_slice %arg3[%min3A_3, %dma_wait3A_25] : memref<128x40xi32, #tpu.memory_space<hbm>> -> memref<8x40xi32, #tpu.memory_space<hbm>>
      tpu.wait_dma2 semaphore(%run_scoped3A : memref<!tpu.dma_semaphore, #tpu.memory_space<semaphore_mem>>) src(%dma_wait3A_26 : memref<8x40xi32, #tpu.memory_space<hbm>>) dst(%arg5 : memref<8x40xi32, #tpu.memory_space<vmem>>)
      tpu.yield
    }) : () -> ()
    %scan3A = arith.constant 0 : i32
    %scan3A_9 = arith.constant 0 : i32
    %scan3A_10 = arith.constant 4 : i32
    %scan3A_11 = arith.addi %scan3A_9, %scan3A_10 : i32
    %scan3A_12 = arith.constant 1 : i32
    scf.for %scan3A_21 = %scan3A_9 to %scan3A_11 step %scan3A_12  : i32 {
      %mul3A_22 = arith.constant 2 : i32
      %mul3A_23 = arith.muli %scan3A_21, %mul3A_22 : i32
      %add3A_24 = arith.constant 0 : i32
      %add3A_25 = arith.addi %mul3A_23, %add3A_24 : i32
      %ge3A = arith.constant 2 : i32
      %ge3A_26 = arith.cmpi sge, %add3A_25, %ge3A : i32
      %sub3A_27 = arith.constant 2 : i32
      %sub3A_28 = arith.subi %add3A_25, %sub3A_27 : i32
      %lt3A = arith.cmpi slt, %sub3A_28, %min3A_8 : i32
      %and3A = arith.andi %ge3A_26, %lt3A : i1
      %convert_element_type3A_29 = arith.extui %and3A : i1 to i32
      %cond3A_30 = arith.constant 0 : i32
      %cond3A_31 = arith.cmpi ne, %convert_element_type3A_29, %cond3A_30 : i32
      scf.if %cond3A_31 {
        %dma_wait3A = arith.constant 0 : i32
        %dma_wait3A_69 = arith.constant 0 : i32
        %dma_wait3A_70 = tpu.memref_slice %arg4[%dma_wait3A, %dma_wait3A_69] : memref<5000x128xf32, #tpu.memory_space<hbm>> -> memref<40x128xf32, #tpu.memory_space<hbm>>
        %dma_wait3A_71 = arith.constant 0 : i32
        %dma_wait3A_72 = arith.constant 0 : i32
        %dma_wait3A_73 = tpu.memref_slice %arg4[%dma_wait3A_71, %dma_wait3A_72] : memref<5000x128xf32, #tpu.memory_space<hbm>> -> memref<40x128xf32, #tpu.memory_space<hbm>>
        tpu.wait_dma2 semaphore(%arg10 : memref<!tpu.dma_semaphore, #tpu.memory_space<semaphore_mem>>) src(%dma_wait3A_73 : memref<40x128xf32, #tpu.memory_space<hbm>>) dst(%arg6 : memref<40x128xf32, #tpu.memory_space<vmem>>)
      } else {
      }
      %lt3A_32 = arith.cmpi slt, %add3A_25, %min3A_8 : i32
      %convert_element_type3A_33 = arith.extui %lt3A_32 : i1 to i32
      %cond3A_34 = arith.constant 0 : i32
      %cond3A_35 = arith.cmpi ne, %convert_element_type3A_33, %cond3A_34 : i32
      scf.if %cond3A_35 {
        %dma_start3A = arith.constant 0 : i32
        %dma_start3A_69 = tpu.memref_slice %arg5[%add3A_25, %dma_start3A] : memref<8x40xi32, #tpu.memory_space<vmem>> -> memref<1x40xi32, #tpu.memory_space<vmem>>
        %dma_start3A_70 = tpu.memref_squeeze %dma_start3A_69 : memref<1x40xi32, #tpu.memory_space<vmem>> -> memref<40xi32, #tpu.memory_space<vmem>>
        %dma_start3A_71 = arith.constant 0 : i32
        %dma_start3A_72 = arith.constant 0 : i32
        %dma_start3A_73 = tpu.memref_slice %arg2[%dma_start3A_71, %dma_start3A_72] : memref<10000x128xf32, #tpu.memory_space<hbm>> -> memref<10000x128xf32, #tpu.memory_space<hbm>>
        tpu.enqueue_indirect_dma source(%dma_start3A_73 : memref<10000x128xf32, #tpu.memory_space<hbm>>) target(%arg6 : memref<40x128xf32, #tpu.memory_space<vmem>>) offsets(%dma_start3A_70 : memref<40xi32, #tpu.memory_space<vmem>>) semaphore(%arg8 : memref<!tpu.dma_semaphore, #tpu.memory_space<semaphore_mem>>)
      } else {
      }
      %mul3A_36 = arith.constant 2 : i32
      %mul3A_37 = arith.muli %scan3A_21, %mul3A_36 : i32
      %add3A_38 = arith.constant 1 : i32
      %add3A_39 = arith.addi %mul3A_37, %add3A_38 : i32
      %ge3A_40 = arith.constant 2 : i32
      %ge3A_41 = arith.cmpi sge, %add3A_39, %ge3A_40 : i32
      %sub3A_42 = arith.constant 2 : i32
      %sub3A_43 = arith.subi %add3A_39, %sub3A_42 : i32
      %lt3A_44 = arith.cmpi slt, %sub3A_43, %min3A_8 : i32
      %and3A_45 = arith.andi %ge3A_41, %lt3A_44 : i1
      %convert_element_type3A_46 = arith.extui %and3A_45 : i1 to i32
      %cond3A_47 = arith.constant 0 : i32
      %cond3A_48 = arith.cmpi ne, %convert_element_type3A_46, %cond3A_47 : i32
      scf.if %cond3A_48 {
        %dma_wait3A = arith.constant 0 : i32
        %dma_wait3A_69 = arith.constant 0 : i32
        %dma_wait3A_70 = tpu.memref_slice %arg4[%dma_wait3A, %dma_wait3A_69] : memref<5000x128xf32, #tpu.memory_space<hbm>> -> memref<40x128xf32, #tpu.memory_space<hbm>>
        %dma_wait3A_71 = arith.constant 0 : i32
        %dma_wait3A_72 = arith.constant 0 : i32
        %dma_wait3A_73 = tpu.memref_slice %arg4[%dma_wait3A_71, %dma_wait3A_72] : memref<5000x128xf32, #tpu.memory_space<hbm>> -> memref<40x128xf32, #tpu.memory_space<hbm>>
        tpu.wait_dma2 semaphore(%arg11 : memref<!tpu.dma_semaphore, #tpu.memory_space<semaphore_mem>>) src(%dma_wait3A_73 : memref<40x128xf32, #tpu.memory_space<hbm>>) dst(%arg7 : memref<40x128xf32, #tpu.memory_space<vmem>>)
      } else {
      }
      %lt3A_49 = arith.cmpi slt, %add3A_39, %min3A_8 : i32
      %convert_element_type3A_50 = arith.extui %lt3A_49 : i1 to i32
      %cond3A_51 = arith.constant 0 : i32
      %cond3A_52 = arith.cmpi ne, %convert_element_type3A_50, %cond3A_51 : i32
      scf.if %cond3A_52 {
        %dma_start3A = arith.constant 0 : i32
        %dma_start3A_69 = tpu.memref_slice %arg5[%add3A_39, %dma_start3A] : memref<8x40xi32, #tpu.memory_space<vmem>> -> memref<1x40xi32, #tpu.memory_space<vmem>>
        %dma_start3A_70 = tpu.memref_squeeze %dma_start3A_69 : memref<1x40xi32, #tpu.memory_space<vmem>> -> memref<40xi32, #tpu.memory_space<vmem>>
        %dma_start3A_71 = arith.constant 0 : i32
        %dma_start3A_72 = arith.constant 0 : i32
        %dma_start3A_73 = tpu.memref_slice %arg2[%dma_start3A_71, %dma_start3A_72] : memref<10000x128xf32, #tpu.memory_space<hbm>> -> memref<10000x128xf32, #tpu.memory_space<hbm>>
        tpu.enqueue_indirect_dma source(%dma_start3A_73 : memref<10000x128xf32, #tpu.memory_space<hbm>>) target(%arg7 : memref<40x128xf32, #tpu.memory_space<vmem>>) offsets(%dma_start3A_70 : memref<40xi32, #tpu.memory_space<vmem>>) semaphore(%arg9 : memref<!tpu.dma_semaphore, #tpu.memory_space<semaphore_mem>>)
      } else {
      }
      %mul3A_53 = arith.constant 2 : i32
      %mul3A_54 = arith.muli %scan3A_21, %mul3A_53 : i32
      %add3A_55 = arith.constant 0 : i32
      %add3A_56 = arith.addi %mul3A_54, %add3A_55 : i32
      %lt3A_57 = arith.cmpi slt, %add3A_56, %min3A_8 : i32
      %convert_element_type3A_58 = arith.extui %lt3A_57 : i1 to i32
      %cond3A_59 = arith.constant 0 : i32
      %cond3A_60 = arith.cmpi ne, %convert_element_type3A_58, %cond3A_59 : i32
      scf.if %cond3A_60 {
        %dma_wait3A = arith.constant 0 : i32
        %dma_wait3A_69 = tpu.memref_slice %arg5[%add3A_56, %dma_wait3A] : memref<8x40xi32, #tpu.memory_space<vmem>> -> memref<1x40xi32, #tpu.memory_space<vmem>>
        %dma_wait3A_70 = tpu.memref_squeeze %dma_wait3A_69 : memref<1x40xi32, #tpu.memory_space<vmem>> -> memref<40xi32, #tpu.memory_space<vmem>>
        %dma_wait3A_71 = arith.constant 0 : i32
        %dma_wait3A_72 = arith.constant 0 : i32
        %dma_wait3A_73 = tpu.memref_slice %arg2[%dma_wait3A_71, %dma_wait3A_72] : memref<10000x128xf32, #tpu.memory_space<hbm>> -> memref<10000x128xf32, #tpu.memory_space<hbm>>
        tpu.wait_indirect_dma semaphore(%arg8 : memref<!tpu.dma_semaphore, #tpu.memory_space<semaphore_mem>>) src(%dma_wait3A_73 : memref<10000x128xf32, #tpu.memory_space<hbm>>) dst(%arg6 : memref<40x128xf32, #tpu.memory_space<vmem>>)
        %add3A_74 = arith.addi %min3A_3, %add3A_56 : i32
        %mul3A_75 = arith.constant 40 : i32
        %mul3A_76 = arith.muli %add3A_74, %mul3A_75 : i32
        %dma_start3A = arith.constant 0 : i32
        %dma_start3A_77 = tpu.memref_slice %arg4[%mul3A_76, %dma_start3A] : memref<5000x128xf32, #tpu.memory_space<hbm>> -> memref<40x128xf32, #tpu.memory_space<hbm>>
        %dma_start3A_78 = arith.constant 0 : i32
        %dma_start3A_79 = tpu.memref_slice %arg4[%mul3A_76, %dma_start3A_78] : memref<5000x128xf32, #tpu.memory_space<hbm>> -> memref<40x128xf32, #tpu.memory_space<hbm>>
        tpu.enqueue_dma source(%arg6 : memref<40x128xf32, #tpu.memory_space<vmem>>) target(%dma_start3A_79 : memref<40x128xf32, #tpu.memory_space<hbm>>) target_semaphore(%arg10 : memref<!tpu.dma_semaphore, #tpu.memory_space<semaphore_mem>>)
      } else {
      }
      %mul3A_61 = arith.constant 2 : i32
      %mul3A_62 = arith.muli %scan3A_21, %mul3A_61 : i32
      %add3A_63 = arith.constant 1 : i32
      %add3A_64 = arith.addi %mul3A_62, %add3A_63 : i32
      %lt3A_65 = arith.cmpi slt, %add3A_64, %min3A_8 : i32
      %convert_element_type3A_66 = arith.extui %lt3A_65 : i1 to i32
      %cond3A_67 = arith.constant 0 : i32
      %cond3A_68 = arith.cmpi ne, %convert_element_type3A_66, %cond3A_67 : i32
      scf.if %cond3A_68 {
        %dma_wait3A = arith.constant 0 : i32
        %dma_wait3A_69 = tpu.memref_slice %arg5[%add3A_64, %dma_wait3A] : memref<8x40xi32, #tpu.memory_space<vmem>> -> memref<1x40xi32, #tpu.memory_space<vmem>>
        %dma_wait3A_70 = tpu.memref_squeeze %dma_wait3A_69 : memref<1x40xi32, #tpu.memory_space<vmem>> -> memref<40xi32, #tpu.memory_space<vmem>>
        %dma_wait3A_71 = arith.constant 0 : i32
        %dma_wait3A_72 = arith.constant 0 : i32
        %dma_wait3A_73 = tpu.memref_slice %arg2[%dma_wait3A_71, %dma_wait3A_72] : memref<10000x128xf32, #tpu.memory_space<hbm>> -> memref<10000x128xf32, #tpu.memory_space<hbm>>
        tpu.wait_indirect_dma semaphore(%arg9 : memref<!tpu.dma_semaphore, #tpu.memory_space<semaphore_mem>>) src(%dma_wait3A_73 : memref<10000x128xf32, #tpu.memory_space<hbm>>) dst(%arg7 : memref<40x128xf32, #tpu.memory_space<vmem>>)
        %add3A_74 = arith.addi %min3A_3, %add3A_64 : i32
        %mul3A_75 = arith.constant 40 : i32
        %mul3A_76 = arith.muli %add3A_74, %mul3A_75 : i32
        %dma_start3A = arith.constant 0 : i32
        %dma_start3A_77 = tpu.memref_slice %arg4[%mul3A_76, %dma_start3A] : memref<5000x128xf32, #tpu.memory_space<hbm>> -> memref<40x128xf32, #tpu.memory_space<hbm>>
        %dma_start3A_78 = arith.constant 0 : i32
        %dma_start3A_79 = tpu.memref_slice %arg4[%mul3A_76, %dma_start3A_78] : memref<5000x128xf32, #tpu.memory_space<hbm>> -> memref<40x128xf32, #tpu.memory_space<hbm>>
        tpu.enqueue_dma source(%arg7 : memref<40x128xf32, #tpu.memory_space<vmem>>) target(%dma_start3A_79 : memref<40x128xf32, #tpu.memory_space<hbm>>) target_semaphore(%arg11 : memref<!tpu.dma_semaphore, #tpu.memory_space<semaphore_mem>>)
      } else {
      }
    }
    %scan3A_13 = arith.constant 4 : i32
    %gt3A = arith.constant 6 : i32
    %gt3A_14 = arith.cmpi sgt, %min3A_8, %gt3A : i32
    %convert_element_type3A = arith.extui %gt3A_14 : i1 to i32
    %cond3A = arith.constant 0 : i32
    %cond3A_15 = arith.cmpi ne, %convert_element_type3A, %cond3A : i32
    scf.if %cond3A_15 {
      %dma_wait3A = arith.constant 0 : i32
      %dma_wait3A_21 = arith.constant 0 : i32
      %dma_wait3A_22 = tpu.memref_slice %arg4[%dma_wait3A, %dma_wait3A_21] : memref<5000x128xf32, #tpu.memory_space<hbm>> -> memref<40x128xf32, #tpu.memory_space<hbm>>
      %dma_wait3A_23 = arith.constant 0 : i32
      %dma_wait3A_24 = arith.constant 0 : i32
      %dma_wait3A_25 = tpu.memref_slice %arg4[%dma_wait3A_23, %dma_wait3A_24] : memref<5000x128xf32, #tpu.memory_space<hbm>> -> memref<40x128xf32, #tpu.memory_space<hbm>>
      tpu.wait_dma2 semaphore(%arg10 : memref<!tpu.dma_semaphore, #tpu.memory_space<semaphore_mem>>) src(%dma_wait3A_25 : memref<40x128xf32, #tpu.memory_space<hbm>>) dst(%arg6 : memref<40x128xf32, #tpu.memory_space<vmem>>)
    } else {
    }
    %gt3A_16 = arith.constant 7 : i32
    %gt3A_17 = arith.cmpi sgt, %min3A_8, %gt3A_16 : i32
    %convert_element_type3A_18 = arith.extui %gt3A_17 : i1 to i32
    %cond3A_19 = arith.constant 0 : i32
    %cond3A_20 = arith.cmpi ne, %convert_element_type3A_18, %cond3A_19 : i32
    scf.if %cond3A_20 {
      %dma_wait3A = arith.constant 0 : i32
      %dma_wait3A_21 = arith.constant 0 : i32
      %dma_wait3A_22 = tpu.memref_slice %arg4[%dma_wait3A, %dma_wait3A_21] : memref<5000x128xf32, #tpu.memory_space<hbm>> -> memref<40x128xf32, #tpu.memory_space<hbm>>
      %dma_wait3A_23 = arith.constant 0 : i32
      %dma_wait3A_24 = arith.constant 0 : i32
      %dma_wait3A_25 = tpu.memref_slice %arg4[%dma_wait3A_23, %dma_wait3A_24] : memref<5000x128xf32, #tpu.memory_space<hbm>> -> memref<40x128xf32, #tpu.memory_space<hbm>>
      tpu.wait_dma2 semaphore(%arg11 : memref<!tpu.dma_semaphore, #tpu.memory_space<semaphore_mem>>) src(%dma_wait3A_25 : memref<40x128xf32, #tpu.memory_space<hbm>>) dst(%arg7 : memref<40x128xf32, #tpu.memory_space<vmem>>)
    } else {
    }
    return
  }
}

#map = affine_map<(d0, d1) -> (0, 0)>
module attributes {stable_mosaic.version = 14 : i64} {
  func.func @sc_gather(%arg0: i32, %arg1: i32, %arg2: memref<10000x128xf32, #tpu.memory_space<hbm>>, %arg3: memref<1280x128xi32, #tpu.memory_space<hbm>>, %arg4: memref<160000x128xf32, #tpu.memory_space<hbm>>, %arg5: memref<40x128xi32, #tpu.memory_space<vmem>>, %arg6: memref<128x128xf32, #tpu.memory_space<vmem>>, %arg7: memref<128x128xf32, #tpu.memory_space<vmem>>, %arg8: memref<128x128xf32, #tpu.memory_space<vmem>>, %arg9: memref<128x128xf32, #tpu.memory_space<vmem>>, %arg10: memref<!tpu.dma_semaphore, #tpu.memory_space<semaphore_mem>>, %arg11: memref<!tpu.dma_semaphore, #tpu.memory_space<semaphore_mem>>, %arg12: memref<!tpu.dma_semaphore, #tpu.memory_space<semaphore_mem>>, %arg13: memref<!tpu.dma_semaphore, #tpu.memory_space<semaphore_mem>>, %arg14: memref<!tpu.dma_semaphore, #tpu.memory_space<semaphore_mem>>, %arg15: memref<!tpu.dma_semaphore, #tpu.memory_space<semaphore_mem>>, %arg16: memref<!tpu.dma_semaphore, #tpu.memory_space<semaphore_mem>>, %arg17: memref<!tpu.dma_semaphore, #tpu.memory_space<semaphore_mem>>) attributes {dimension_semantics = [#tpu.dimension_semantics<core_parallel>, #tpu.dimension_semantics<subcore_parallel>], iteration_bounds = array<i64: 2, 16>, scalar_prefetch = 0 : i64, scratch_operands = 13 : i64, tpu.core_type = #tpu.core_type<sc_vector_subcore>, window_params = [{transform_indices = #map}, {transform_indices = #map}, {transform_indices = #map}]} {
    %mul3A = arith.constant 16 : i32
    %mul3A_0 = arith.muli %arg0, %mul3A : i32
    %add3A = arith.addi %mul3A_0, %arg1 : i32
    %mul3A_1 = arith.constant 40 : i32
    %mul3A_2 = arith.muli %add3A, %mul3A_1 : i32
    %sub3A = arith.constant 1250 : i32
    %sub3A_3 = arith.subi %sub3A, %mul3A_2 : i32
    %jit3A = arith.constant 0 : i32
    %jit3A_4 = arith.constant 40 : i32
    %max3A = arith.maxsi %jit3A, %sub3A_3 : i32
    %min3A = arith.minsi %jit3A_4, %max3A : i32
    "tpu.region"() ({
      %run_scoped3A = tpu.sem_alloc : memref<!tpu.dma_semaphore, #tpu.memory_space<semaphore_mem>>
      %dma_start3A = arith.constant 0 : i32
      %dma_start3A_27 = tpu.memref_slice %arg3[%mul3A_2, %dma_start3A] : memref<1280x128xi32, #tpu.memory_space<hbm>> -> memref<40x128xi32, #tpu.memory_space<hbm>>
      %dma_start3A_28 = arith.constant 0 : i32
      %dma_start3A_29 = tpu.memref_slice %arg3[%mul3A_2, %dma_start3A_28] : memref<1280x128xi32, #tpu.memory_space<hbm>> -> memref<40x128xi32, #tpu.memory_space<hbm>>
      tpu.enqueue_dma source(%dma_start3A_29 : memref<40x128xi32, #tpu.memory_space<hbm>>) target(%arg5 : memref<40x128xi32, #tpu.memory_space<vmem>>) target_semaphore(%run_scoped3A : memref<!tpu.dma_semaphore, #tpu.memory_space<semaphore_mem>>)
      %dma_wait3A = arith.constant 0 : i32
      %dma_wait3A_30 = tpu.memref_slice %arg3[%mul3A_2, %dma_wait3A] : memref<1280x128xi32, #tpu.memory_space<hbm>> -> memref<40x128xi32, #tpu.memory_space<hbm>>
      %dma_wait3A_31 = arith.constant 0 : i32
      %dma_wait3A_32 = tpu.memref_slice %arg3[%mul3A_2, %dma_wait3A_31] : memref<1280x128xi32, #tpu.memory_space<hbm>> -> memref<40x128xi32, #tpu.memory_space<hbm>>
      tpu.wait_dma2 semaphore(%run_scoped3A : memref<!tpu.dma_semaphore, #tpu.memory_space<semaphore_mem>>) src(%dma_wait3A_32 : memref<40x128xi32, #tpu.memory_space<hbm>>) dst(%arg5 : memref<40x128xi32, #tpu.memory_space<vmem>>)
      tpu.yield
    }) : () -> ()
    %scan3A = arith.constant 0 : i32
    %scan3A_5 = arith.constant 0 : i32
    %scan3A_6 = arith.constant 10 : i32
    %scan3A_7 = arith.addi %scan3A_5, %scan3A_6 : i32
    %scan3A_8 = arith.constant 1 : i32
    scf.for %scan3A_27 = %scan3A_5 to %scan3A_7 step %scan3A_8  : i32 {
      %mul3A_28 = arith.constant 4 : i32
      %mul3A_29 = arith.muli %scan3A_27, %mul3A_28 : i32
      %add3A_30 = arith.constant 0 : i32
      %add3A_31 = arith.addi %mul3A_29, %add3A_30 : i32
      %ge3A = arith.constant 4 : i32
      %ge3A_32 = arith.cmpi sge, %add3A_31, %ge3A : i32
      %sub3A_33 = arith.constant 4 : i32
      %sub3A_34 = arith.subi %add3A_31, %sub3A_33 : i32
      %lt3A = arith.cmpi slt, %sub3A_34, %min3A : i32
      %and3A = arith.andi %ge3A_32, %lt3A : i1
      %convert_element_type3A_35 = arith.extui %and3A : i1 to i32
      %cond3A_36 = arith.constant 0 : i32
      %cond3A_37 = arith.cmpi ne, %convert_element_type3A_35, %cond3A_36 : i32
      scf.if %cond3A_37 {
        %dma_wait3A = arith.constant 0 : i32
        %dma_wait3A_125 = arith.constant 0 : i32
        %dma_wait3A_126 = tpu.memref_slice %arg4[%dma_wait3A, %dma_wait3A_125] : memref<160000x128xf32, #tpu.memory_space<hbm>> -> memref<128x128xf32, #tpu.memory_space<hbm>>
        %dma_wait3A_127 = arith.constant 0 : i32
        %dma_wait3A_128 = arith.constant 0 : i32
        %dma_wait3A_129 = tpu.memref_slice %arg4[%dma_wait3A_127, %dma_wait3A_128] : memref<160000x128xf32, #tpu.memory_space<hbm>> -> memref<128x128xf32, #tpu.memory_space<hbm>>
        tpu.wait_dma2 semaphore(%arg14 : memref<!tpu.dma_semaphore, #tpu.memory_space<semaphore_mem>>) src(%dma_wait3A_129 : memref<128x128xf32, #tpu.memory_space<hbm>>) dst(%arg6 : memref<128x128xf32, #tpu.memory_space<vmem>>)
      } else {
      }
      %lt3A_38 = arith.cmpi slt, %add3A_31, %min3A : i32
      %convert_element_type3A_39 = arith.extui %lt3A_38 : i1 to i32
      %cond3A_40 = arith.constant 0 : i32
      %cond3A_41 = arith.cmpi ne, %convert_element_type3A_39, %cond3A_40 : i32
      scf.if %cond3A_41 {
        %dma_start3A = arith.constant 0 : i32
        %dma_start3A_125 = tpu.memref_slice %arg5[%add3A_31, %dma_start3A] : memref<40x128xi32, #tpu.memory_space<vmem>> -> memref<1x128xi32, #tpu.memory_space<vmem>>
        %dma_start3A_126 = tpu.memref_squeeze %dma_start3A_125 : memref<1x128xi32, #tpu.memory_space<vmem>> -> memref<128xi32, #tpu.memory_space<vmem>>
        %dma_start3A_127 = arith.constant 0 : i32
        %dma_start3A_128 = arith.constant 0 : i32
        %dma_start3A_129 = tpu.memref_slice %arg2[%dma_start3A_127, %dma_start3A_128] : memref<10000x128xf32, #tpu.memory_space<hbm>> -> memref<10000x128xf32, #tpu.memory_space<hbm>>
        tpu.enqueue_indirect_dma source(%dma_start3A_129 : memref<10000x128xf32, #tpu.memory_space<hbm>>) target(%arg6 : memref<128x128xf32, #tpu.memory_space<vmem>>) offsets(%dma_start3A_126 : memref<128xi32, #tpu.memory_space<vmem>>) semaphore(%arg10 : memref<!tpu.dma_semaphore, #tpu.memory_space<semaphore_mem>>)
      } else {
      }
      %mul3A_42 = arith.constant 4 : i32
      %mul3A_43 = arith.muli %scan3A_27, %mul3A_42 : i32
      %add3A_44 = arith.constant 1 : i32
      %add3A_45 = arith.addi %mul3A_43, %add3A_44 : i32
      %ge3A_46 = arith.constant 4 : i32
      %ge3A_47 = arith.cmpi sge, %add3A_45, %ge3A_46 : i32
      %sub3A_48 = arith.constant 4 : i32
      %sub3A_49 = arith.subi %add3A_45, %sub3A_48 : i32
      %lt3A_50 = arith.cmpi slt, %sub3A_49, %min3A : i32
      %and3A_51 = arith.andi %ge3A_47, %lt3A_50 : i1
      %convert_element_type3A_52 = arith.extui %and3A_51 : i1 to i32
      %cond3A_53 = arith.constant 0 : i32
      %cond3A_54 = arith.cmpi ne, %convert_element_type3A_52, %cond3A_53 : i32
      scf.if %cond3A_54 {
        %dma_wait3A = arith.constant 0 : i32
        %dma_wait3A_125 = arith.constant 0 : i32
        %dma_wait3A_126 = tpu.memref_slice %arg4[%dma_wait3A, %dma_wait3A_125] : memref<160000x128xf32, #tpu.memory_space<hbm>> -> memref<128x128xf32, #tpu.memory_space<hbm>>
        %dma_wait3A_127 = arith.constant 0 : i32
        %dma_wait3A_128 = arith.constant 0 : i32
        %dma_wait3A_129 = tpu.memref_slice %arg4[%dma_wait3A_127, %dma_wait3A_128] : memref<160000x128xf32, #tpu.memory_space<hbm>> -> memref<128x128xf32, #tpu.memory_space<hbm>>
        tpu.wait_dma2 semaphore(%arg15 : memref<!tpu.dma_semaphore, #tpu.memory_space<semaphore_mem>>) src(%dma_wait3A_129 : memref<128x128xf32, #tpu.memory_space<hbm>>) dst(%arg7 : memref<128x128xf32, #tpu.memory_space<vmem>>)
      } else {
      }
      %lt3A_55 = arith.cmpi slt, %add3A_45, %min3A : i32
      %convert_element_type3A_56 = arith.extui %lt3A_55 : i1 to i32
      %cond3A_57 = arith.constant 0 : i32
      %cond3A_58 = arith.cmpi ne, %convert_element_type3A_56, %cond3A_57 : i32
      scf.if %cond3A_58 {
        %dma_start3A = arith.constant 0 : i32
        %dma_start3A_125 = tpu.memref_slice %arg5[%add3A_45, %dma_start3A] : memref<40x128xi32, #tpu.memory_space<vmem>> -> memref<1x128xi32, #tpu.memory_space<vmem>>
        %dma_start3A_126 = tpu.memref_squeeze %dma_start3A_125 : memref<1x128xi32, #tpu.memory_space<vmem>> -> memref<128xi32, #tpu.memory_space<vmem>>
        %dma_start3A_127 = arith.constant 0 : i32
        %dma_start3A_128 = arith.constant 0 : i32
        %dma_start3A_129 = tpu.memref_slice %arg2[%dma_start3A_127, %dma_start3A_128] : memref<10000x128xf32, #tpu.memory_space<hbm>> -> memref<10000x128xf32, #tpu.memory_space<hbm>>
        tpu.enqueue_indirect_dma source(%dma_start3A_129 : memref<10000x128xf32, #tpu.memory_space<hbm>>) target(%arg7 : memref<128x128xf32, #tpu.memory_space<vmem>>) offsets(%dma_start3A_126 : memref<128xi32, #tpu.memory_space<vmem>>) semaphore(%arg11 : memref<!tpu.dma_semaphore, #tpu.memory_space<semaphore_mem>>)
      } else {
      }
      %mul3A_59 = arith.constant 4 : i32
      %mul3A_60 = arith.muli %scan3A_27, %mul3A_59 : i32
      %add3A_61 = arith.constant 2 : i32
      %add3A_62 = arith.addi %mul3A_60, %add3A_61 : i32
      %ge3A_63 = arith.constant 4 : i32
      %ge3A_64 = arith.cmpi sge, %add3A_62, %ge3A_63 : i32
      %sub3A_65 = arith.constant 4 : i32
      %sub3A_66 = arith.subi %add3A_62, %sub3A_65 : i32
      %lt3A_67 = arith.cmpi slt, %sub3A_66, %min3A : i32
      %and3A_68 = arith.andi %ge3A_64, %lt3A_67 : i1
      %convert_element_type3A_69 = arith.extui %and3A_68 : i1 to i32
      %cond3A_70 = arith.constant 0 : i32
      %cond3A_71 = arith.cmpi ne, %convert_element_type3A_69, %cond3A_70 : i32
      scf.if %cond3A_71 {
        %dma_wait3A = arith.constant 0 : i32
        %dma_wait3A_125 = arith.constant 0 : i32
        %dma_wait3A_126 = tpu.memref_slice %arg4[%dma_wait3A, %dma_wait3A_125] : memref<160000x128xf32, #tpu.memory_space<hbm>> -> memref<128x128xf32, #tpu.memory_space<hbm>>
        %dma_wait3A_127 = arith.constant 0 : i32
        %dma_wait3A_128 = arith.constant 0 : i32
        %dma_wait3A_129 = tpu.memref_slice %arg4[%dma_wait3A_127, %dma_wait3A_128] : memref<160000x128xf32, #tpu.memory_space<hbm>> -> memref<128x128xf32, #tpu.memory_space<hbm>>
        tpu.wait_dma2 semaphore(%arg16 : memref<!tpu.dma_semaphore, #tpu.memory_space<semaphore_mem>>) src(%dma_wait3A_129 : memref<128x128xf32, #tpu.memory_space<hbm>>) dst(%arg8 : memref<128x128xf32, #tpu.memory_space<vmem>>)
      } else {
      }
      %lt3A_72 = arith.cmpi slt, %add3A_62, %min3A : i32
      %convert_element_type3A_73 = arith.extui %lt3A_72 : i1 to i32
      %cond3A_74 = arith.constant 0 : i32
      %cond3A_75 = arith.cmpi ne, %convert_element_type3A_73, %cond3A_74 : i32
      scf.if %cond3A_75 {
        %dma_start3A = arith.constant 0 : i32
        %dma_start3A_125 = tpu.memref_slice %arg5[%add3A_62, %dma_start3A] : memref<40x128xi32, #tpu.memory_space<vmem>> -> memref<1x128xi32, #tpu.memory_space<vmem>>
        %dma_start3A_126 = tpu.memref_squeeze %dma_start3A_125 : memref<1x128xi32, #tpu.memory_space<vmem>> -> memref<128xi32, #tpu.memory_space<vmem>>
        %dma_start3A_127 = arith.constant 0 : i32
        %dma_start3A_128 = arith.constant 0 : i32
        %dma_start3A_129 = tpu.memref_slice %arg2[%dma_start3A_127, %dma_start3A_128] : memref<10000x128xf32, #tpu.memory_space<hbm>> -> memref<10000x128xf32, #tpu.memory_space<hbm>>
        tpu.enqueue_indirect_dma source(%dma_start3A_129 : memref<10000x128xf32, #tpu.memory_space<hbm>>) target(%arg8 : memref<128x128xf32, #tpu.memory_space<vmem>>) offsets(%dma_start3A_126 : memref<128xi32, #tpu.memory_space<vmem>>) semaphore(%arg12 : memref<!tpu.dma_semaphore, #tpu.memory_space<semaphore_mem>>)
      } else {
      }
      %mul3A_76 = arith.constant 4 : i32
      %mul3A_77 = arith.muli %scan3A_27, %mul3A_76 : i32
      %add3A_78 = arith.constant 3 : i32
      %add3A_79 = arith.addi %mul3A_77, %add3A_78 : i32
      %ge3A_80 = arith.constant 4 : i32
      %ge3A_81 = arith.cmpi sge, %add3A_79, %ge3A_80 : i32
      %sub3A_82 = arith.constant 4 : i32
      %sub3A_83 = arith.subi %add3A_79, %sub3A_82 : i32
      %lt3A_84 = arith.cmpi slt, %sub3A_83, %min3A : i32
      %and3A_85 = arith.andi %ge3A_81, %lt3A_84 : i1
      %convert_element_type3A_86 = arith.extui %and3A_85 : i1 to i32
      %cond3A_87 = arith.constant 0 : i32
      %cond3A_88 = arith.cmpi ne, %convert_element_type3A_86, %cond3A_87 : i32
      scf.if %cond3A_88 {
        %dma_wait3A = arith.constant 0 : i32
        %dma_wait3A_125 = arith.constant 0 : i32
        %dma_wait3A_126 = tpu.memref_slice %arg4[%dma_wait3A, %dma_wait3A_125] : memref<160000x128xf32, #tpu.memory_space<hbm>> -> memref<128x128xf32, #tpu.memory_space<hbm>>
        %dma_wait3A_127 = arith.constant 0 : i32
        %dma_wait3A_128 = arith.constant 0 : i32
        %dma_wait3A_129 = tpu.memref_slice %arg4[%dma_wait3A_127, %dma_wait3A_128] : memref<160000x128xf32, #tpu.memory_space<hbm>> -> memref<128x128xf32, #tpu.memory_space<hbm>>
        tpu.wait_dma2 semaphore(%arg17 : memref<!tpu.dma_semaphore, #tpu.memory_space<semaphore_mem>>) src(%dma_wait3A_129 : memref<128x128xf32, #tpu.memory_space<hbm>>) dst(%arg9 : memref<128x128xf32, #tpu.memory_space<vmem>>)
      } else {
      }
      %lt3A_89 = arith.cmpi slt, %add3A_79, %min3A : i32
      %convert_element_type3A_90 = arith.extui %lt3A_89 : i1 to i32
      %cond3A_91 = arith.constant 0 : i32
      %cond3A_92 = arith.cmpi ne, %convert_element_type3A_90, %cond3A_91 : i32
      scf.if %cond3A_92 {
        %dma_start3A = arith.constant 0 : i32
        %dma_start3A_125 = tpu.memref_slice %arg5[%add3A_79, %dma_start3A] : memref<40x128xi32, #tpu.memory_space<vmem>> -> memref<1x128xi32, #tpu.memory_space<vmem>>
        %dma_start3A_126 = tpu.memref_squeeze %dma_start3A_125 : memref<1x128xi32, #tpu.memory_space<vmem>> -> memref<128xi32, #tpu.memory_space<vmem>>
        %dma_start3A_127 = arith.constant 0 : i32
        %dma_start3A_128 = arith.constant 0 : i32
        %dma_start3A_129 = tpu.memref_slice %arg2[%dma_start3A_127, %dma_start3A_128] : memref<10000x128xf32, #tpu.memory_space<hbm>> -> memref<10000x128xf32, #tpu.memory_space<hbm>>
        tpu.enqueue_indirect_dma source(%dma_start3A_129 : memref<10000x128xf32, #tpu.memory_space<hbm>>) target(%arg9 : memref<128x128xf32, #tpu.memory_space<vmem>>) offsets(%dma_start3A_126 : memref<128xi32, #tpu.memory_space<vmem>>) semaphore(%arg13 : memref<!tpu.dma_semaphore, #tpu.memory_space<semaphore_mem>>)
      } else {
      }
      %mul3A_93 = arith.constant 4 : i32
      %mul3A_94 = arith.muli %scan3A_27, %mul3A_93 : i32
      %add3A_95 = arith.constant 0 : i32
      %add3A_96 = arith.addi %mul3A_94, %add3A_95 : i32
      %lt3A_97 = arith.cmpi slt, %add3A_96, %min3A : i32
      %convert_element_type3A_98 = arith.extui %lt3A_97 : i1 to i32
      %cond3A_99 = arith.constant 0 : i32
      %cond3A_100 = arith.cmpi ne, %convert_element_type3A_98, %cond3A_99 : i32
      scf.if %cond3A_100 {
        %dma_wait3A = arith.constant 0 : i32
        %dma_wait3A_125 = tpu.memref_slice %arg5[%add3A_96, %dma_wait3A] : memref<40x128xi32, #tpu.memory_space<vmem>> -> memref<1x128xi32, #tpu.memory_space<vmem>>
        %dma_wait3A_126 = tpu.memref_squeeze %dma_wait3A_125 : memref<1x128xi32, #tpu.memory_space<vmem>> -> memref<128xi32, #tpu.memory_space<vmem>>
        %dma_wait3A_127 = arith.constant 0 : i32
        %dma_wait3A_128 = arith.constant 0 : i32
        %dma_wait3A_129 = tpu.memref_slice %arg2[%dma_wait3A_127, %dma_wait3A_128] : memref<10000x128xf32, #tpu.memory_space<hbm>> -> memref<10000x128xf32, #tpu.memory_space<hbm>>
        tpu.wait_indirect_dma semaphore(%arg10 : memref<!tpu.dma_semaphore, #tpu.memory_space<semaphore_mem>>) src(%dma_wait3A_129 : memref<10000x128xf32, #tpu.memory_space<hbm>>) dst(%arg6 : memref<128x128xf32, #tpu.memory_space<vmem>>)
        %add3A_130 = arith.addi %mul3A_2, %add3A_96 : i32
        %mul3A_131 = arith.constant 128 : i32
        %mul3A_132 = arith.muli %add3A_130, %mul3A_131 : i32
        %dma_start3A = arith.constant 0 : i32
        %dma_start3A_133 = tpu.memref_slice %arg4[%mul3A_132, %dma_start3A] : memref<160000x128xf32, #tpu.memory_space<hbm>> -> memref<128x128xf32, #tpu.memory_space<hbm>>
        %dma_start3A_134 = arith.constant 0 : i32
        %dma_start3A_135 = tpu.memref_slice %arg4[%mul3A_132, %dma_start3A_134] : memref<160000x128xf32, #tpu.memory_space<hbm>> -> memref<128x128xf32, #tpu.memory_space<hbm>>
        tpu.enqueue_dma source(%arg6 : memref<128x128xf32, #tpu.memory_space<vmem>>) target(%dma_start3A_135 : memref<128x128xf32, #tpu.memory_space<hbm>>) target_semaphore(%arg14 : memref<!tpu.dma_semaphore, #tpu.memory_space<semaphore_mem>>)
      } else {
      }
      %mul3A_101 = arith.constant 4 : i32
      %mul3A_102 = arith.muli %scan3A_27, %mul3A_101 : i32
      %add3A_103 = arith.constant 1 : i32
      %add3A_104 = arith.addi %mul3A_102, %add3A_103 : i32
      %lt3A_105 = arith.cmpi slt, %add3A_104, %min3A : i32
      %convert_element_type3A_106 = arith.extui %lt3A_105 : i1 to i32
      %cond3A_107 = arith.constant 0 : i32
      %cond3A_108 = arith.cmpi ne, %convert_element_type3A_106, %cond3A_107 : i32
      scf.if %cond3A_108 {
        %dma_wait3A = arith.constant 0 : i32
        %dma_wait3A_125 = tpu.memref_slice %arg5[%add3A_104, %dma_wait3A] : memref<40x128xi32, #tpu.memory_space<vmem>> -> memref<1x128xi32, #tpu.memory_space<vmem>>
        %dma_wait3A_126 = tpu.memref_squeeze %dma_wait3A_125 : memref<1x128xi32, #tpu.memory_space<vmem>> -> memref<128xi32, #tpu.memory_space<vmem>>
        %dma_wait3A_127 = arith.constant 0 : i32
        %dma_wait3A_128 = arith.constant 0 : i32
        %dma_wait3A_129 = tpu.memref_slice %arg2[%dma_wait3A_127, %dma_wait3A_128] : memref<10000x128xf32, #tpu.memory_space<hbm>> -> memref<10000x128xf32, #tpu.memory_space<hbm>>
        tpu.wait_indirect_dma semaphore(%arg11 : memref<!tpu.dma_semaphore, #tpu.memory_space<semaphore_mem>>) src(%dma_wait3A_129 : memref<10000x128xf32, #tpu.memory_space<hbm>>) dst(%arg7 : memref<128x128xf32, #tpu.memory_space<vmem>>)
        %add3A_130 = arith.addi %mul3A_2, %add3A_104 : i32
        %mul3A_131 = arith.constant 128 : i32
        %mul3A_132 = arith.muli %add3A_130, %mul3A_131 : i32
        %dma_start3A = arith.constant 0 : i32
        %dma_start3A_133 = tpu.memref_slice %arg4[%mul3A_132, %dma_start3A] : memref<160000x128xf32, #tpu.memory_space<hbm>> -> memref<128x128xf32, #tpu.memory_space<hbm>>
        %dma_start3A_134 = arith.constant 0 : i32
        %dma_start3A_135 = tpu.memref_slice %arg4[%mul3A_132, %dma_start3A_134] : memref<160000x128xf32, #tpu.memory_space<hbm>> -> memref<128x128xf32, #tpu.memory_space<hbm>>
        tpu.enqueue_dma source(%arg7 : memref<128x128xf32, #tpu.memory_space<vmem>>) target(%dma_start3A_135 : memref<128x128xf32, #tpu.memory_space<hbm>>) target_semaphore(%arg15 : memref<!tpu.dma_semaphore, #tpu.memory_space<semaphore_mem>>)
      } else {
      }
      %mul3A_109 = arith.constant 4 : i32
      %mul3A_110 = arith.muli %scan3A_27, %mul3A_109 : i32
      %add3A_111 = arith.constant 2 : i32
      %add3A_112 = arith.addi %mul3A_110, %add3A_111 : i32
      %lt3A_113 = arith.cmpi slt, %add3A_112, %min3A : i32
      %convert_element_type3A_114 = arith.extui %lt3A_113 : i1 to i32
      %cond3A_115 = arith.constant 0 : i32
      %cond3A_116 = arith.cmpi ne, %convert_element_type3A_114, %cond3A_115 : i32
      scf.if %cond3A_116 {
        %dma_wait3A = arith.constant 0 : i32
        %dma_wait3A_125 = tpu.memref_slice %arg5[%add3A_112, %dma_wait3A] : memref<40x128xi32, #tpu.memory_space<vmem>> -> memref<1x128xi32, #tpu.memory_space<vmem>>
        %dma_wait3A_126 = tpu.memref_squeeze %dma_wait3A_125 : memref<1x128xi32, #tpu.memory_space<vmem>> -> memref<128xi32, #tpu.memory_space<vmem>>
        %dma_wait3A_127 = arith.constant 0 : i32
        %dma_wait3A_128 = arith.constant 0 : i32
        %dma_wait3A_129 = tpu.memref_slice %arg2[%dma_wait3A_127, %dma_wait3A_128] : memref<10000x128xf32, #tpu.memory_space<hbm>> -> memref<10000x128xf32, #tpu.memory_space<hbm>>
        tpu.wait_indirect_dma semaphore(%arg12 : memref<!tpu.dma_semaphore, #tpu.memory_space<semaphore_mem>>) src(%dma_wait3A_129 : memref<10000x128xf32, #tpu.memory_space<hbm>>) dst(%arg8 : memref<128x128xf32, #tpu.memory_space<vmem>>)
        %add3A_130 = arith.addi %mul3A_2, %add3A_112 : i32
        %mul3A_131 = arith.constant 128 : i32
        %mul3A_132 = arith.muli %add3A_130, %mul3A_131 : i32
        %dma_start3A = arith.constant 0 : i32
        %dma_start3A_133 = tpu.memref_slice %arg4[%mul3A_132, %dma_start3A] : memref<160000x128xf32, #tpu.memory_space<hbm>> -> memref<128x128xf32, #tpu.memory_space<hbm>>
        %dma_start3A_134 = arith.constant 0 : i32
        %dma_start3A_135 = tpu.memref_slice %arg4[%mul3A_132, %dma_start3A_134] : memref<160000x128xf32, #tpu.memory_space<hbm>> -> memref<128x128xf32, #tpu.memory_space<hbm>>
        tpu.enqueue_dma source(%arg8 : memref<128x128xf32, #tpu.memory_space<vmem>>) target(%dma_start3A_135 : memref<128x128xf32, #tpu.memory_space<hbm>>) target_semaphore(%arg16 : memref<!tpu.dma_semaphore, #tpu.memory_space<semaphore_mem>>)
      } else {
      }
      %mul3A_117 = arith.constant 4 : i32
      %mul3A_118 = arith.muli %scan3A_27, %mul3A_117 : i32
      %add3A_119 = arith.constant 3 : i32
      %add3A_120 = arith.addi %mul3A_118, %add3A_119 : i32
      %lt3A_121 = arith.cmpi slt, %add3A_120, %min3A : i32
      %convert_element_type3A_122 = arith.extui %lt3A_121 : i1 to i32
      %cond3A_123 = arith.constant 0 : i32
      %cond3A_124 = arith.cmpi ne, %convert_element_type3A_122, %cond3A_123 : i32
      scf.if %cond3A_124 {
        %dma_wait3A = arith.constant 0 : i32
        %dma_wait3A_125 = tpu.memref_slice %arg5[%add3A_120, %dma_wait3A] : memref<40x128xi32, #tpu.memory_space<vmem>> -> memref<1x128xi32, #tpu.memory_space<vmem>>
        %dma_wait3A_126 = tpu.memref_squeeze %dma_wait3A_125 : memref<1x128xi32, #tpu.memory_space<vmem>> -> memref<128xi32, #tpu.memory_space<vmem>>
        %dma_wait3A_127 = arith.constant 0 : i32
        %dma_wait3A_128 = arith.constant 0 : i32
        %dma_wait3A_129 = tpu.memref_slice %arg2[%dma_wait3A_127, %dma_wait3A_128] : memref<10000x128xf32, #tpu.memory_space<hbm>> -> memref<10000x128xf32, #tpu.memory_space<hbm>>
        tpu.wait_indirect_dma semaphore(%arg13 : memref<!tpu.dma_semaphore, #tpu.memory_space<semaphore_mem>>) src(%dma_wait3A_129 : memref<10000x128xf32, #tpu.memory_space<hbm>>) dst(%arg9 : memref<128x128xf32, #tpu.memory_space<vmem>>)
        %add3A_130 = arith.addi %mul3A_2, %add3A_120 : i32
        %mul3A_131 = arith.constant 128 : i32
        %mul3A_132 = arith.muli %add3A_130, %mul3A_131 : i32
        %dma_start3A = arith.constant 0 : i32
        %dma_start3A_133 = tpu.memref_slice %arg4[%mul3A_132, %dma_start3A] : memref<160000x128xf32, #tpu.memory_space<hbm>> -> memref<128x128xf32, #tpu.memory_space<hbm>>
        %dma_start3A_134 = arith.constant 0 : i32
        %dma_start3A_135 = tpu.memref_slice %arg4[%mul3A_132, %dma_start3A_134] : memref<160000x128xf32, #tpu.memory_space<hbm>> -> memref<128x128xf32, #tpu.memory_space<hbm>>
        tpu.enqueue_dma source(%arg9 : memref<128x128xf32, #tpu.memory_space<vmem>>) target(%dma_start3A_135 : memref<128x128xf32, #tpu.memory_space<hbm>>) target_semaphore(%arg17 : memref<!tpu.dma_semaphore, #tpu.memory_space<semaphore_mem>>)
      } else {
      }
    }
    %scan3A_9 = arith.constant 10 : i32
    %gt3A = arith.constant 36 : i32
    %gt3A_10 = arith.cmpi sgt, %min3A, %gt3A : i32
    %convert_element_type3A = arith.extui %gt3A_10 : i1 to i32
    %cond3A = arith.constant 0 : i32
    %cond3A_11 = arith.cmpi ne, %convert_element_type3A, %cond3A : i32
    scf.if %cond3A_11 {
      %dma_wait3A = arith.constant 0 : i32
      %dma_wait3A_27 = arith.constant 0 : i32
      %dma_wait3A_28 = tpu.memref_slice %arg4[%dma_wait3A, %dma_wait3A_27] : memref<160000x128xf32, #tpu.memory_space<hbm>> -> memref<128x128xf32, #tpu.memory_space<hbm>>
      %dma_wait3A_29 = arith.constant 0 : i32
      %dma_wait3A_30 = arith.constant 0 : i32
      %dma_wait3A_31 = tpu.memref_slice %arg4[%dma_wait3A_29, %dma_wait3A_30] : memref<160000x128xf32, #tpu.memory_space<hbm>> -> memref<128x128xf32, #tpu.memory_space<hbm>>
      tpu.wait_dma2 semaphore(%arg14 : memref<!tpu.dma_semaphore, #tpu.memory_space<semaphore_mem>>) src(%dma_wait3A_31 : memref<128x128xf32, #tpu.memory_space<hbm>>) dst(%arg6 : memref<128x128xf32, #tpu.memory_space<vmem>>)
    } else {
    }
    %gt3A_12 = arith.constant 37 : i32
    %gt3A_13 = arith.cmpi sgt, %min3A, %gt3A_12 : i32
    %convert_element_type3A_14 = arith.extui %gt3A_13 : i1 to i32
    %cond3A_15 = arith.constant 0 : i32
    %cond3A_16 = arith.cmpi ne, %convert_element_type3A_14, %cond3A_15 : i32
    scf.if %cond3A_16 {
      %dma_wait3A = arith.constant 0 : i32
      %dma_wait3A_27 = arith.constant 0 : i32
      %dma_wait3A_28 = tpu.memref_slice %arg4[%dma_wait3A, %dma_wait3A_27] : memref<160000x128xf32, #tpu.memory_space<hbm>> -> memref<128x128xf32, #tpu.memory_space<hbm>>
      %dma_wait3A_29 = arith.constant 0 : i32
      %dma_wait3A_30 = arith.constant 0 : i32
      %dma_wait3A_31 = tpu.memref_slice %arg4[%dma_wait3A_29, %dma_wait3A_30] : memref<160000x128xf32, #tpu.memory_space<hbm>> -> memref<128x128xf32, #tpu.memory_space<hbm>>
      tpu.wait_dma2 semaphore(%arg15 : memref<!tpu.dma_semaphore, #tpu.memory_space<semaphore_mem>>) src(%dma_wait3A_31 : memref<128x128xf32, #tpu.memory_space<hbm>>) dst(%arg7 : memref<128x128xf32, #tpu.memory_space<vmem>>)
    } else {
    }
    %gt3A_17 = arith.constant 38 : i32
    %gt3A_18 = arith.cmpi sgt, %min3A, %gt3A_17 : i32
    %convert_element_type3A_19 = arith.extui %gt3A_18 : i1 to i32
    %cond3A_20 = arith.constant 0 : i32
    %cond3A_21 = arith.cmpi ne, %convert_element_type3A_19, %cond3A_20 : i32
    scf.if %cond3A_21 {
      %dma_wait3A = arith.constant 0 : i32
      %dma_wait3A_27 = arith.constant 0 : i32
      %dma_wait3A_28 = tpu.memref_slice %arg4[%dma_wait3A, %dma_wait3A_27] : memref<160000x128xf32, #tpu.memory_space<hbm>> -> memref<128x128xf32, #tpu.memory_space<hbm>>
      %dma_wait3A_29 = arith.constant 0 : i32
      %dma_wait3A_30 = arith.constant 0 : i32
      %dma_wait3A_31 = tpu.memref_slice %arg4[%dma_wait3A_29, %dma_wait3A_30] : memref<160000x128xf32, #tpu.memory_space<hbm>> -> memref<128x128xf32, #tpu.memory_space<hbm>>
      tpu.wait_dma2 semaphore(%arg16 : memref<!tpu.dma_semaphore, #tpu.memory_space<semaphore_mem>>) src(%dma_wait3A_31 : memref<128x128xf32, #tpu.memory_space<hbm>>) dst(%arg8 : memref<128x128xf32, #tpu.memory_space<vmem>>)
    } else {
    }
    %gt3A_22 = arith.constant 39 : i32
    %gt3A_23 = arith.cmpi sgt, %min3A, %gt3A_22 : i32
    %convert_element_type3A_24 = arith.extui %gt3A_23 : i1 to i32
    %cond3A_25 = arith.constant 0 : i32
    %cond3A_26 = arith.cmpi ne, %convert_element_type3A_24, %cond3A_25 : i32
    scf.if %cond3A_26 {
      %dma_wait3A = arith.constant 0 : i32
      %dma_wait3A_27 = arith.constant 0 : i32
      %dma_wait3A_28 = tpu.memref_slice %arg4[%dma_wait3A, %dma_wait3A_27] : memref<160000x128xf32, #tpu.memory_space<hbm>> -> memref<128x128xf32, #tpu.memory_space<hbm>>
      %dma_wait3A_29 = arith.constant 0 : i32
      %dma_wait3A_30 = arith.constant 0 : i32
      %dma_wait3A_31 = tpu.memref_slice %arg4[%dma_wait3A_29, %dma_wait3A_30] : memref<160000x128xf32, #tpu.memory_space<hbm>> -> memref<128x128xf32, #tpu.memory_space<hbm>>
      tpu.wait_dma2 semaphore(%arg17 : memref<!tpu.dma_semaphore, #tpu.memory_space<semaphore_mem>>) src(%dma_wait3A_31 : memref<128x128xf32, #tpu.memory_space<hbm>>) dst(%arg9 : memref<128x128xf32, #tpu.memory_space<vmem>>)
    } else {
    }
    return
  }
}

#map = affine_map<(d0, d1) -> (0, 0)>
module attributes {stable_mosaic.version = 14 : i64} {
  func.func @sc_gather(%arg0: i32, %arg1: i32, %arg2: memref<10000x128xf32, #tpu.memory_space<hbm>>, %arg3: memref<1280x128xi32, #tpu.memory_space<hbm>>, %arg4: memref<160000x128xf32, #tpu.memory_space<hbm>>, %arg5: memref<40x128xi32, #tpu.memory_space<vmem>>, %arg6: memref<128x128xf32, #tpu.memory_space<vmem>>, %arg7: memref<128x128xf32, #tpu.memory_space<vmem>>, %arg8: memref<128x128xf32, #tpu.memory_space<vmem>>, %arg9: memref<128x128xf32, #tpu.memory_space<vmem>>, %arg10: memref<!tpu.dma_semaphore, #tpu.memory_space<semaphore_mem>>, %arg11: memref<!tpu.dma_semaphore, #tpu.memory_space<semaphore_mem>>, %arg12: memref<!tpu.dma_semaphore, #tpu.memory_space<semaphore_mem>>, %arg13: memref<!tpu.dma_semaphore, #tpu.memory_space<semaphore_mem>>, %arg14: memref<!tpu.dma_semaphore, #tpu.memory_space<semaphore_mem>>, %arg15: memref<!tpu.dma_semaphore, #tpu.memory_space<semaphore_mem>>, %arg16: memref<!tpu.dma_semaphore, #tpu.memory_space<semaphore_mem>>, %arg17: memref<!tpu.dma_semaphore, #tpu.memory_space<semaphore_mem>>) attributes {dimension_semantics = [#tpu.dimension_semantics<core_parallel>, #tpu.dimension_semantics<subcore_parallel>], iteration_bounds = array<i64: 2, 16>, scalar_prefetch = 0 : i64, scratch_operands = 13 : i64, tpu.core_type = #tpu.core_type<sc_vector_subcore>, window_params = [{transform_indices = #map}, {transform_indices = #map}, {transform_indices = #map}]} {
    %mul3A = arith.constant 16 : i32
    %mul3A_0 = arith.muli %arg0, %mul3A : i32
    %add3A = arith.addi %mul3A_0, %arg1 : i32
    %mul3A_1 = arith.constant 40 : i32
    %mul3A_2 = arith.muli %add3A, %mul3A_1 : i32
    %sub3A = arith.constant 1250 : i32
    %sub3A_3 = arith.subi %sub3A, %mul3A_2 : i32
    %jit3A = arith.constant 0 : i32
    %jit3A_4 = arith.constant 40 : i32
    %max3A = arith.maxsi %jit3A, %sub3A_3 : i32
    %min3A = arith.minsi %jit3A_4, %max3A : i32
    "tpu.region"() ({
      %run_scoped3A = tpu.sem_alloc : memref<!tpu.dma_semaphore, #tpu.memory_space<semaphore_mem>>
      %dma_start3A = arith.constant 0 : i32
      %dma_start3A_27 = tpu.memref_slice %arg3[%mul3A_2, %dma_start3A] : memref<1280x128xi32, #tpu.memory_space<hbm>> -> memref<40x128xi32, #tpu.memory_space<hbm>>
      %dma_start3A_28 = arith.constant 0 : i32
      %dma_start3A_29 = tpu.memref_slice %arg3[%mul3A_2, %dma_start3A_28] : memref<1280x128xi32, #tpu.memory_space<hbm>> -> memref<40x128xi32, #tpu.memory_space<hbm>>
      tpu.enqueue_dma source(%dma_start3A_29 : memref<40x128xi32, #tpu.memory_space<hbm>>) target(%arg5 : memref<40x128xi32, #tpu.memory_space<vmem>>) target_semaphore(%run_scoped3A : memref<!tpu.dma_semaphore, #tpu.memory_space<semaphore_mem>>)
      %dma_wait3A = arith.constant 0 : i32
      %dma_wait3A_30 = tpu.memref_slice %arg3[%mul3A_2, %dma_wait3A] : memref<1280x128xi32, #tpu.memory_space<hbm>> -> memref<40x128xi32, #tpu.memory_space<hbm>>
      %dma_wait3A_31 = arith.constant 0 : i32
      %dma_wait3A_32 = tpu.memref_slice %arg3[%mul3A_2, %dma_wait3A_31] : memref<1280x128xi32, #tpu.memory_space<hbm>> -> memref<40x128xi32, #tpu.memory_space<hbm>>
      tpu.wait_dma2 semaphore(%run_scoped3A : memref<!tpu.dma_semaphore, #tpu.memory_space<semaphore_mem>>) src(%dma_wait3A_32 : memref<40x128xi32, #tpu.memory_space<hbm>>) dst(%arg5 : memref<40x128xi32, #tpu.memory_space<vmem>>)
      tpu.yield
    }) : () -> ()
    %scan3A = arith.constant 0 : i32
    %scan3A_5 = arith.constant 0 : i32
    %scan3A_6 = arith.constant 10 : i32
    %scan3A_7 = arith.addi %scan3A_5, %scan3A_6 : i32
    %scan3A_8 = arith.constant 1 : i32
    scf.for %scan3A_27 = %scan3A_5 to %scan3A_7 step %scan3A_8  : i32 {
      %mul3A_28 = arith.constant 4 : i32
      %mul3A_29 = arith.muli %scan3A_27, %mul3A_28 : i32
      %add3A_30 = arith.constant 0 : i32
      %add3A_31 = arith.addi %mul3A_29, %add3A_30 : i32
      %ge3A = arith.constant 4 : i32
      %ge3A_32 = arith.cmpi sge, %add3A_31, %ge3A : i32
      %sub3A_33 = arith.constant 4 : i32
      %sub3A_34 = arith.subi %add3A_31, %sub3A_33 : i32
      %lt3A = arith.cmpi slt, %sub3A_34, %min3A : i32
      %and3A = arith.andi %ge3A_32, %lt3A : i1
      %convert_element_type3A_35 = arith.extui %and3A : i1 to i32
      %cond3A_36 = arith.constant 0 : i32
      %cond3A_37 = arith.cmpi ne, %convert_element_type3A_35, %cond3A_36 : i32
      scf.if %cond3A_37 {
        %dma_wait3A = arith.constant 0 : i32
        %dma_wait3A_125 = arith.constant 0 : i32
        %dma_wait3A_126 = tpu.memref_slice %arg4[%dma_wait3A, %dma_wait3A_125] : memref<160000x128xf32, #tpu.memory_space<hbm>> -> memref<128x128xf32, #tpu.memory_space<hbm>>
        %dma_wait3A_127 = arith.constant 0 : i32
        %dma_wait3A_128 = arith.constant 0 : i32
        %dma_wait3A_129 = tpu.memref_slice %arg4[%dma_wait3A_127, %dma_wait3A_128] : memref<160000x128xf32, #tpu.memory_space<hbm>> -> memref<128x128xf32, #tpu.memory_space<hbm>>
        tpu.wait_dma2 semaphore(%arg14 : memref<!tpu.dma_semaphore, #tpu.memory_space<semaphore_mem>>) src(%dma_wait3A_129 : memref<128x128xf32, #tpu.memory_space<hbm>>) dst(%arg6 : memref<128x128xf32, #tpu.memory_space<vmem>>)
      } else {
      }
      %lt3A_38 = arith.cmpi slt, %add3A_31, %min3A : i32
      %convert_element_type3A_39 = arith.extui %lt3A_38 : i1 to i32
      %cond3A_40 = arith.constant 0 : i32
      %cond3A_41 = arith.cmpi ne, %convert_element_type3A_39, %cond3A_40 : i32
      scf.if %cond3A_41 {
        %dma_start3A = arith.constant 0 : i32
        %dma_start3A_125 = tpu.memref_slice %arg5[%add3A_31, %dma_start3A] : memref<40x128xi32, #tpu.memory_space<vmem>> -> memref<1x128xi32, #tpu.memory_space<vmem>>
        %dma_start3A_126 = tpu.memref_squeeze %dma_start3A_125 : memref<1x128xi32, #tpu.memory_space<vmem>> -> memref<128xi32, #tpu.memory_space<vmem>>
        %dma_start3A_127 = arith.constant 0 : i32
        %dma_start3A_128 = arith.constant 0 : i32
        %dma_start3A_129 = tpu.memref_slice %arg2[%dma_start3A_127, %dma_start3A_128] : memref<10000x128xf32, #tpu.memory_space<hbm>> -> memref<10000x128xf32, #tpu.memory_space<hbm>>
        tpu.enqueue_indirect_dma source(%dma_start3A_129 : memref<10000x128xf32, #tpu.memory_space<hbm>>) target(%arg6 : memref<128x128xf32, #tpu.memory_space<vmem>>) offsets(%dma_start3A_126 : memref<128xi32, #tpu.memory_space<vmem>>) semaphore(%arg10 : memref<!tpu.dma_semaphore, #tpu.memory_space<semaphore_mem>>)
      } else {
      }
      %mul3A_42 = arith.constant 4 : i32
      %mul3A_43 = arith.muli %scan3A_27, %mul3A_42 : i32
      %add3A_44 = arith.constant 1 : i32
      %add3A_45 = arith.addi %mul3A_43, %add3A_44 : i32
      %ge3A_46 = arith.constant 4 : i32
      %ge3A_47 = arith.cmpi sge, %add3A_45, %ge3A_46 : i32
      %sub3A_48 = arith.constant 4 : i32
      %sub3A_49 = arith.subi %add3A_45, %sub3A_48 : i32
      %lt3A_50 = arith.cmpi slt, %sub3A_49, %min3A : i32
      %and3A_51 = arith.andi %ge3A_47, %lt3A_50 : i1
      %convert_element_type3A_52 = arith.extui %and3A_51 : i1 to i32
      %cond3A_53 = arith.constant 0 : i32
      %cond3A_54 = arith.cmpi ne, %convert_element_type3A_52, %cond3A_53 : i32
      scf.if %cond3A_54 {
        %dma_wait3A = arith.constant 0 : i32
        %dma_wait3A_125 = arith.constant 0 : i32
        %dma_wait3A_126 = tpu.memref_slice %arg4[%dma_wait3A, %dma_wait3A_125] : memref<160000x128xf32, #tpu.memory_space<hbm>> -> memref<128x128xf32, #tpu.memory_space<hbm>>
        %dma_wait3A_127 = arith.constant 0 : i32
        %dma_wait3A_128 = arith.constant 0 : i32
        %dma_wait3A_129 = tpu.memref_slice %arg4[%dma_wait3A_127, %dma_wait3A_128] : memref<160000x128xf32, #tpu.memory_space<hbm>> -> memref<128x128xf32, #tpu.memory_space<hbm>>
        tpu.wait_dma2 semaphore(%arg15 : memref<!tpu.dma_semaphore, #tpu.memory_space<semaphore_mem>>) src(%dma_wait3A_129 : memref<128x128xf32, #tpu.memory_space<hbm>>) dst(%arg7 : memref<128x128xf32, #tpu.memory_space<vmem>>)
      } else {
      }
      %lt3A_55 = arith.cmpi slt, %add3A_45, %min3A : i32
      %convert_element_type3A_56 = arith.extui %lt3A_55 : i1 to i32
      %cond3A_57 = arith.constant 0 : i32
      %cond3A_58 = arith.cmpi ne, %convert_element_type3A_56, %cond3A_57 : i32
      scf.if %cond3A_58 {
        %dma_start3A = arith.constant 0 : i32
        %dma_start3A_125 = tpu.memref_slice %arg5[%add3A_45, %dma_start3A] : memref<40x128xi32, #tpu.memory_space<vmem>> -> memref<1x128xi32, #tpu.memory_space<vmem>>
        %dma_start3A_126 = tpu.memref_squeeze %dma_start3A_125 : memref<1x128xi32, #tpu.memory_space<vmem>> -> memref<128xi32, #tpu.memory_space<vmem>>
        %dma_start3A_127 = arith.constant 0 : i32
        %dma_start3A_128 = arith.constant 0 : i32
        %dma_start3A_129 = tpu.memref_slice %arg2[%dma_start3A_127, %dma_start3A_128] : memref<10000x128xf32, #tpu.memory_space<hbm>> -> memref<10000x128xf32, #tpu.memory_space<hbm>>
        tpu.enqueue_indirect_dma source(%dma_start3A_129 : memref<10000x128xf32, #tpu.memory_space<hbm>>) target(%arg7 : memref<128x128xf32, #tpu.memory_space<vmem>>) offsets(%dma_start3A_126 : memref<128xi32, #tpu.memory_space<vmem>>) semaphore(%arg11 : memref<!tpu.dma_semaphore, #tpu.memory_space<semaphore_mem>>)
      } else {
      }
      %mul3A_59 = arith.constant 4 : i32
      %mul3A_60 = arith.muli %scan3A_27, %mul3A_59 : i32
      %add3A_61 = arith.constant 2 : i32
      %add3A_62 = arith.addi %mul3A_60, %add3A_61 : i32
      %ge3A_63 = arith.constant 4 : i32
      %ge3A_64 = arith.cmpi sge, %add3A_62, %ge3A_63 : i32
      %sub3A_65 = arith.constant 4 : i32
      %sub3A_66 = arith.subi %add3A_62, %sub3A_65 : i32
      %lt3A_67 = arith.cmpi slt, %sub3A_66, %min3A : i32
      %and3A_68 = arith.andi %ge3A_64, %lt3A_67 : i1
      %convert_element_type3A_69 = arith.extui %and3A_68 : i1 to i32
      %cond3A_70 = arith.constant 0 : i32
      %cond3A_71 = arith.cmpi ne, %convert_element_type3A_69, %cond3A_70 : i32
      scf.if %cond3A_71 {
        %dma_wait3A = arith.constant 0 : i32
        %dma_wait3A_125 = arith.constant 0 : i32
        %dma_wait3A_126 = tpu.memref_slice %arg4[%dma_wait3A, %dma_wait3A_125] : memref<160000x128xf32, #tpu.memory_space<hbm>> -> memref<128x128xf32, #tpu.memory_space<hbm>>
        %dma_wait3A_127 = arith.constant 0 : i32
        %dma_wait3A_128 = arith.constant 0 : i32
        %dma_wait3A_129 = tpu.memref_slice %arg4[%dma_wait3A_127, %dma_wait3A_128] : memref<160000x128xf32, #tpu.memory_space<hbm>> -> memref<128x128xf32, #tpu.memory_space<hbm>>
        tpu.wait_dma2 semaphore(%arg16 : memref<!tpu.dma_semaphore, #tpu.memory_space<semaphore_mem>>) src(%dma_wait3A_129 : memref<128x128xf32, #tpu.memory_space<hbm>>) dst(%arg8 : memref<128x128xf32, #tpu.memory_space<vmem>>)
      } else {
      }
      %lt3A_72 = arith.cmpi slt, %add3A_62, %min3A : i32
      %convert_element_type3A_73 = arith.extui %lt3A_72 : i1 to i32
      %cond3A_74 = arith.constant 0 : i32
      %cond3A_75 = arith.cmpi ne, %convert_element_type3A_73, %cond3A_74 : i32
      scf.if %cond3A_75 {
        %dma_start3A = arith.constant 0 : i32
        %dma_start3A_125 = tpu.memref_slice %arg5[%add3A_62, %dma_start3A] : memref<40x128xi32, #tpu.memory_space<vmem>> -> memref<1x128xi32, #tpu.memory_space<vmem>>
        %dma_start3A_126 = tpu.memref_squeeze %dma_start3A_125 : memref<1x128xi32, #tpu.memory_space<vmem>> -> memref<128xi32, #tpu.memory_space<vmem>>
        %dma_start3A_127 = arith.constant 0 : i32
        %dma_start3A_128 = arith.constant 0 : i32
        %dma_start3A_129 = tpu.memref_slice %arg2[%dma_start3A_127, %dma_start3A_128] : memref<10000x128xf32, #tpu.memory_space<hbm>> -> memref<10000x128xf32, #tpu.memory_space<hbm>>
        tpu.enqueue_indirect_dma source(%dma_start3A_129 : memref<10000x128xf32, #tpu.memory_space<hbm>>) target(%arg8 : memref<128x128xf32, #tpu.memory_space<vmem>>) offsets(%dma_start3A_126 : memref<128xi32, #tpu.memory_space<vmem>>) semaphore(%arg12 : memref<!tpu.dma_semaphore, #tpu.memory_space<semaphore_mem>>)
      } else {
      }
      %mul3A_76 = arith.constant 4 : i32
      %mul3A_77 = arith.muli %scan3A_27, %mul3A_76 : i32
      %add3A_78 = arith.constant 3 : i32
      %add3A_79 = arith.addi %mul3A_77, %add3A_78 : i32
      %ge3A_80 = arith.constant 4 : i32
      %ge3A_81 = arith.cmpi sge, %add3A_79, %ge3A_80 : i32
      %sub3A_82 = arith.constant 4 : i32
      %sub3A_83 = arith.subi %add3A_79, %sub3A_82 : i32
      %lt3A_84 = arith.cmpi slt, %sub3A_83, %min3A : i32
      %and3A_85 = arith.andi %ge3A_81, %lt3A_84 : i1
      %convert_element_type3A_86 = arith.extui %and3A_85 : i1 to i32
      %cond3A_87 = arith.constant 0 : i32
      %cond3A_88 = arith.cmpi ne, %convert_element_type3A_86, %cond3A_87 : i32
      scf.if %cond3A_88 {
        %dma_wait3A = arith.constant 0 : i32
        %dma_wait3A_125 = arith.constant 0 : i32
        %dma_wait3A_126 = tpu.memref_slice %arg4[%dma_wait3A, %dma_wait3A_125] : memref<160000x128xf32, #tpu.memory_space<hbm>> -> memref<128x128xf32, #tpu.memory_space<hbm>>
        %dma_wait3A_127 = arith.constant 0 : i32
        %dma_wait3A_128 = arith.constant 0 : i32
        %dma_wait3A_129 = tpu.memref_slice %arg4[%dma_wait3A_127, %dma_wait3A_128] : memref<160000x128xf32, #tpu.memory_space<hbm>> -> memref<128x128xf32, #tpu.memory_space<hbm>>
        tpu.wait_dma2 semaphore(%arg17 : memref<!tpu.dma_semaphore, #tpu.memory_space<semaphore_mem>>) src(%dma_wait3A_129 : memref<128x128xf32, #tpu.memory_space<hbm>>) dst(%arg9 : memref<128x128xf32, #tpu.memory_space<vmem>>)
      } else {
      }
      %lt3A_89 = arith.cmpi slt, %add3A_79, %min3A : i32
      %convert_element_type3A_90 = arith.extui %lt3A_89 : i1 to i32
      %cond3A_91 = arith.constant 0 : i32
      %cond3A_92 = arith.cmpi ne, %convert_element_type3A_90, %cond3A_91 : i32
      scf.if %cond3A_92 {
        %dma_start3A = arith.constant 0 : i32
        %dma_start3A_125 = tpu.memref_slice %arg5[%add3A_79, %dma_start3A] : memref<40x128xi32, #tpu.memory_space<vmem>> -> memref<1x128xi32, #tpu.memory_space<vmem>>
        %dma_start3A_126 = tpu.memref_squeeze %dma_start3A_125 : memref<1x128xi32, #tpu.memory_space<vmem>> -> memref<128xi32, #tpu.memory_space<vmem>>
        %dma_start3A_127 = arith.constant 0 : i32
        %dma_start3A_128 = arith.constant 0 : i32
        %dma_start3A_129 = tpu.memref_slice %arg2[%dma_start3A_127, %dma_start3A_128] : memref<10000x128xf32, #tpu.memory_space<hbm>> -> memref<10000x128xf32, #tpu.memory_space<hbm>>
        tpu.enqueue_indirect_dma source(%dma_start3A_129 : memref<10000x128xf32, #tpu.memory_space<hbm>>) target(%arg9 : memref<128x128xf32, #tpu.memory_space<vmem>>) offsets(%dma_start3A_126 : memref<128xi32, #tpu.memory_space<vmem>>) semaphore(%arg13 : memref<!tpu.dma_semaphore, #tpu.memory_space<semaphore_mem>>)
      } else {
      }
      %mul3A_93 = arith.constant 4 : i32
      %mul3A_94 = arith.muli %scan3A_27, %mul3A_93 : i32
      %add3A_95 = arith.constant 0 : i32
      %add3A_96 = arith.addi %mul3A_94, %add3A_95 : i32
      %lt3A_97 = arith.cmpi slt, %add3A_96, %min3A : i32
      %convert_element_type3A_98 = arith.extui %lt3A_97 : i1 to i32
      %cond3A_99 = arith.constant 0 : i32
      %cond3A_100 = arith.cmpi ne, %convert_element_type3A_98, %cond3A_99 : i32
      scf.if %cond3A_100 {
        %dma_wait3A = arith.constant 0 : i32
        %dma_wait3A_125 = tpu.memref_slice %arg5[%add3A_96, %dma_wait3A] : memref<40x128xi32, #tpu.memory_space<vmem>> -> memref<1x128xi32, #tpu.memory_space<vmem>>
        %dma_wait3A_126 = tpu.memref_squeeze %dma_wait3A_125 : memref<1x128xi32, #tpu.memory_space<vmem>> -> memref<128xi32, #tpu.memory_space<vmem>>
        %dma_wait3A_127 = arith.constant 0 : i32
        %dma_wait3A_128 = arith.constant 0 : i32
        %dma_wait3A_129 = tpu.memref_slice %arg2[%dma_wait3A_127, %dma_wait3A_128] : memref<10000x128xf32, #tpu.memory_space<hbm>> -> memref<10000x128xf32, #tpu.memory_space<hbm>>
        tpu.wait_indirect_dma semaphore(%arg10 : memref<!tpu.dma_semaphore, #tpu.memory_space<semaphore_mem>>) src(%dma_wait3A_129 : memref<10000x128xf32, #tpu.memory_space<hbm>>) dst(%arg6 : memref<128x128xf32, #tpu.memory_space<vmem>>)
        %add3A_130 = arith.addi %mul3A_2, %add3A_96 : i32
        %mul3A_131 = arith.constant 128 : i32
        %mul3A_132 = arith.muli %add3A_130, %mul3A_131 : i32
        %dma_start3A = arith.constant 0 : i32
        %dma_start3A_133 = tpu.memref_slice %arg4[%mul3A_132, %dma_start3A] : memref<160000x128xf32, #tpu.memory_space<hbm>> -> memref<128x128xf32, #tpu.memory_space<hbm>>
        %dma_start3A_134 = arith.constant 0 : i32
        %dma_start3A_135 = tpu.memref_slice %arg4[%mul3A_132, %dma_start3A_134] : memref<160000x128xf32, #tpu.memory_space<hbm>> -> memref<128x128xf32, #tpu.memory_space<hbm>>
        tpu.enqueue_dma source(%arg6 : memref<128x128xf32, #tpu.memory_space<vmem>>) target(%dma_start3A_135 : memref<128x128xf32, #tpu.memory_space<hbm>>) target_semaphore(%arg14 : memref<!tpu.dma_semaphore, #tpu.memory_space<semaphore_mem>>)
      } else {
      }
      %mul3A_101 = arith.constant 4 : i32
      %mul3A_102 = arith.muli %scan3A_27, %mul3A_101 : i32
      %add3A_103 = arith.constant 1 : i32
      %add3A_104 = arith.addi %mul3A_102, %add3A_103 : i32
      %lt3A_105 = arith.cmpi slt, %add3A_104, %min3A : i32
      %convert_element_type3A_106 = arith.extui %lt3A_105 : i1 to i32
      %cond3A_107 = arith.constant 0 : i32
      %cond3A_108 = arith.cmpi ne, %convert_element_type3A_106, %cond3A_107 : i32
      scf.if %cond3A_108 {
        %dma_wait3A = arith.constant 0 : i32
        %dma_wait3A_125 = tpu.memref_slice %arg5[%add3A_104, %dma_wait3A] : memref<40x128xi32, #tpu.memory_space<vmem>> -> memref<1x128xi32, #tpu.memory_space<vmem>>
        %dma_wait3A_126 = tpu.memref_squeeze %dma_wait3A_125 : memref<1x128xi32, #tpu.memory_space<vmem>> -> memref<128xi32, #tpu.memory_space<vmem>>
        %dma_wait3A_127 = arith.constant 0 : i32
        %dma_wait3A_128 = arith.constant 0 : i32
        %dma_wait3A_129 = tpu.memref_slice %arg2[%dma_wait3A_127, %dma_wait3A_128] : memref<10000x128xf32, #tpu.memory_space<hbm>> -> memref<10000x128xf32, #tpu.memory_space<hbm>>
        tpu.wait_indirect_dma semaphore(%arg11 : memref<!tpu.dma_semaphore, #tpu.memory_space<semaphore_mem>>) src(%dma_wait3A_129 : memref<10000x128xf32, #tpu.memory_space<hbm>>) dst(%arg7 : memref<128x128xf32, #tpu.memory_space<vmem>>)
        %add3A_130 = arith.addi %mul3A_2, %add3A_104 : i32
        %mul3A_131 = arith.constant 128 : i32
        %mul3A_132 = arith.muli %add3A_130, %mul3A_131 : i32
        %dma_start3A = arith.constant 0 : i32
        %dma_start3A_133 = tpu.memref_slice %arg4[%mul3A_132, %dma_start3A] : memref<160000x128xf32, #tpu.memory_space<hbm>> -> memref<128x128xf32, #tpu.memory_space<hbm>>
        %dma_start3A_134 = arith.constant 0 : i32
        %dma_start3A_135 = tpu.memref_slice %arg4[%mul3A_132, %dma_start3A_134] : memref<160000x128xf32, #tpu.memory_space<hbm>> -> memref<128x128xf32, #tpu.memory_space<hbm>>
        tpu.enqueue_dma source(%arg7 : memref<128x128xf32, #tpu.memory_space<vmem>>) target(%dma_start3A_135 : memref<128x128xf32, #tpu.memory_space<hbm>>) target_semaphore(%arg15 : memref<!tpu.dma_semaphore, #tpu.memory_space<semaphore_mem>>)
      } else {
      }
      %mul3A_109 = arith.constant 4 : i32
      %mul3A_110 = arith.muli %scan3A_27, %mul3A_109 : i32
      %add3A_111 = arith.constant 2 : i32
      %add3A_112 = arith.addi %mul3A_110, %add3A_111 : i32
      %lt3A_113 = arith.cmpi slt, %add3A_112, %min3A : i32
      %convert_element_type3A_114 = arith.extui %lt3A_113 : i1 to i32
      %cond3A_115 = arith.constant 0 : i32
      %cond3A_116 = arith.cmpi ne, %convert_element_type3A_114, %cond3A_115 : i32
      scf.if %cond3A_116 {
        %dma_wait3A = arith.constant 0 : i32
        %dma_wait3A_125 = tpu.memref_slice %arg5[%add3A_112, %dma_wait3A] : memref<40x128xi32, #tpu.memory_space<vmem>> -> memref<1x128xi32, #tpu.memory_space<vmem>>
        %dma_wait3A_126 = tpu.memref_squeeze %dma_wait3A_125 : memref<1x128xi32, #tpu.memory_space<vmem>> -> memref<128xi32, #tpu.memory_space<vmem>>
        %dma_wait3A_127 = arith.constant 0 : i32
        %dma_wait3A_128 = arith.constant 0 : i32
        %dma_wait3A_129 = tpu.memref_slice %arg2[%dma_wait3A_127, %dma_wait3A_128] : memref<10000x128xf32, #tpu.memory_space<hbm>> -> memref<10000x128xf32, #tpu.memory_space<hbm>>
        tpu.wait_indirect_dma semaphore(%arg12 : memref<!tpu.dma_semaphore, #tpu.memory_space<semaphore_mem>>) src(%dma_wait3A_129 : memref<10000x128xf32, #tpu.memory_space<hbm>>) dst(%arg8 : memref<128x128xf32, #tpu.memory_space<vmem>>)
        %add3A_130 = arith.addi %mul3A_2, %add3A_112 : i32
        %mul3A_131 = arith.constant 128 : i32
        %mul3A_132 = arith.muli %add3A_130, %mul3A_131 : i32
        %dma_start3A = arith.constant 0 : i32
        %dma_start3A_133 = tpu.memref_slice %arg4[%mul3A_132, %dma_start3A] : memref<160000x128xf32, #tpu.memory_space<hbm>> -> memref<128x128xf32, #tpu.memory_space<hbm>>
        %dma_start3A_134 = arith.constant 0 : i32
        %dma_start3A_135 = tpu.memref_slice %arg4[%mul3A_132, %dma_start3A_134] : memref<160000x128xf32, #tpu.memory_space<hbm>> -> memref<128x128xf32, #tpu.memory_space<hbm>>
        tpu.enqueue_dma source(%arg8 : memref<128x128xf32, #tpu.memory_space<vmem>>) target(%dma_start3A_135 : memref<128x128xf32, #tpu.memory_space<hbm>>) target_semaphore(%arg16 : memref<!tpu.dma_semaphore, #tpu.memory_space<semaphore_mem>>)
      } else {
      }
      %mul3A_117 = arith.constant 4 : i32
      %mul3A_118 = arith.muli %scan3A_27, %mul3A_117 : i32
      %add3A_119 = arith.constant 3 : i32
      %add3A_120 = arith.addi %mul3A_118, %add3A_119 : i32
      %lt3A_121 = arith.cmpi slt, %add3A_120, %min3A : i32
      %convert_element_type3A_122 = arith.extui %lt3A_121 : i1 to i32
      %cond3A_123 = arith.constant 0 : i32
      %cond3A_124 = arith.cmpi ne, %convert_element_type3A_122, %cond3A_123 : i32
      scf.if %cond3A_124 {
        %dma_wait3A = arith.constant 0 : i32
        %dma_wait3A_125 = tpu.memref_slice %arg5[%add3A_120, %dma_wait3A] : memref<40x128xi32, #tpu.memory_space<vmem>> -> memref<1x128xi32, #tpu.memory_space<vmem>>
        %dma_wait3A_126 = tpu.memref_squeeze %dma_wait3A_125 : memref<1x128xi32, #tpu.memory_space<vmem>> -> memref<128xi32, #tpu.memory_space<vmem>>
        %dma_wait3A_127 = arith.constant 0 : i32
        %dma_wait3A_128 = arith.constant 0 : i32
        %dma_wait3A_129 = tpu.memref_slice %arg2[%dma_wait3A_127, %dma_wait3A_128] : memref<10000x128xf32, #tpu.memory_space<hbm>> -> memref<10000x128xf32, #tpu.memory_space<hbm>>
        tpu.wait_indirect_dma semaphore(%arg13 : memref<!tpu.dma_semaphore, #tpu.memory_space<semaphore_mem>>) src(%dma_wait3A_129 : memref<10000x128xf32, #tpu.memory_space<hbm>>) dst(%arg9 : memref<128x128xf32, #tpu.memory_space<vmem>>)
        %add3A_130 = arith.addi %mul3A_2, %add3A_120 : i32
        %mul3A_131 = arith.constant 128 : i32
        %mul3A_132 = arith.muli %add3A_130, %mul3A_131 : i32
        %dma_start3A = arith.constant 0 : i32
        %dma_start3A_133 = tpu.memref_slice %arg4[%mul3A_132, %dma_start3A] : memref<160000x128xf32, #tpu.memory_space<hbm>> -> memref<128x128xf32, #tpu.memory_space<hbm>>
        %dma_start3A_134 = arith.constant 0 : i32
        %dma_start3A_135 = tpu.memref_slice %arg4[%mul3A_132, %dma_start3A_134] : memref<160000x128xf32, #tpu.memory_space<hbm>> -> memref<128x128xf32, #tpu.memory_space<hbm>>
        tpu.enqueue_dma source(%arg9 : memref<128x128xf32, #tpu.memory_space<vmem>>) target(%dma_start3A_135 : memref<128x128xf32, #tpu.memory_space<hbm>>) target_semaphore(%arg17 : memref<!tpu.dma_semaphore, #tpu.memory_space<semaphore_mem>>)
      } else {
      }
    }
    %scan3A_9 = arith.constant 10 : i32
    %gt3A = arith.constant 36 : i32
    %gt3A_10 = arith.cmpi sgt, %min3A, %gt3A : i32
    %convert_element_type3A = arith.extui %gt3A_10 : i1 to i32
    %cond3A = arith.constant 0 : i32
    %cond3A_11 = arith.cmpi ne, %convert_element_type3A, %cond3A : i32
    scf.if %cond3A_11 {
      %dma_wait3A = arith.constant 0 : i32
      %dma_wait3A_27 = arith.constant 0 : i32
      %dma_wait3A_28 = tpu.memref_slice %arg4[%dma_wait3A, %dma_wait3A_27] : memref<160000x128xf32, #tpu.memory_space<hbm>> -> memref<128x128xf32, #tpu.memory_space<hbm>>
      %dma_wait3A_29 = arith.constant 0 : i32
      %dma_wait3A_30 = arith.constant 0 : i32
      %dma_wait3A_31 = tpu.memref_slice %arg4[%dma_wait3A_29, %dma_wait3A_30] : memref<160000x128xf32, #tpu.memory_space<hbm>> -> memref<128x128xf32, #tpu.memory_space<hbm>>
      tpu.wait_dma2 semaphore(%arg14 : memref<!tpu.dma_semaphore, #tpu.memory_space<semaphore_mem>>) src(%dma_wait3A_31 : memref<128x128xf32, #tpu.memory_space<hbm>>) dst(%arg6 : memref<128x128xf32, #tpu.memory_space<vmem>>)
    } else {
    }
    %gt3A_12 = arith.constant 37 : i32
    %gt3A_13 = arith.cmpi sgt, %min3A, %gt3A_12 : i32
    %convert_element_type3A_14 = arith.extui %gt3A_13 : i1 to i32
    %cond3A_15 = arith.constant 0 : i32
    %cond3A_16 = arith.cmpi ne, %convert_element_type3A_14, %cond3A_15 : i32
    scf.if %cond3A_16 {
      %dma_wait3A = arith.constant 0 : i32
      %dma_wait3A_27 = arith.constant 0 : i32
      %dma_wait3A_28 = tpu.memref_slice %arg4[%dma_wait3A, %dma_wait3A_27] : memref<160000x128xf32, #tpu.memory_space<hbm>> -> memref<128x128xf32, #tpu.memory_space<hbm>>
      %dma_wait3A_29 = arith.constant 0 : i32
      %dma_wait3A_30 = arith.constant 0 : i32
      %dma_wait3A_31 = tpu.memref_slice %arg4[%dma_wait3A_29, %dma_wait3A_30] : memref<160000x128xf32, #tpu.memory_space<hbm>> -> memref<128x128xf32, #tpu.memory_space<hbm>>
      tpu.wait_dma2 semaphore(%arg15 : memref<!tpu.dma_semaphore, #tpu.memory_space<semaphore_mem>>) src(%dma_wait3A_31 : memref<128x128xf32, #tpu.memory_space<hbm>>) dst(%arg7 : memref<128x128xf32, #tpu.memory_space<vmem>>)
    } else {
    }
    %gt3A_17 = arith.constant 38 : i32
    %gt3A_18 = arith.cmpi sgt, %min3A, %gt3A_17 : i32
    %convert_element_type3A_19 = arith.extui %gt3A_18 : i1 to i32
    %cond3A_20 = arith.constant 0 : i32
    %cond3A_21 = arith.cmpi ne, %convert_element_type3A_19, %cond3A_20 : i32
    scf.if %cond3A_21 {
      %dma_wait3A = arith.constant 0 : i32
      %dma_wait3A_27 = arith.constant 0 : i32
      %dma_wait3A_28 = tpu.memref_slice %arg4[%dma_wait3A, %dma_wait3A_27] : memref<160000x128xf32, #tpu.memory_space<hbm>> -> memref<128x128xf32, #tpu.memory_space<hbm>>
      %dma_wait3A_29 = arith.constant 0 : i32
      %dma_wait3A_30 = arith.constant 0 : i32
      %dma_wait3A_31 = tpu.memref_slice %arg4[%dma_wait3A_29, %dma_wait3A_30] : memref<160000x128xf32, #tpu.memory_space<hbm>> -> memref<128x128xf32, #tpu.memory_space<hbm>>
      tpu.wait_dma2 semaphore(%arg16 : memref<!tpu.dma_semaphore, #tpu.memory_space<semaphore_mem>>) src(%dma_wait3A_31 : memref<128x128xf32, #tpu.memory_space<hbm>>) dst(%arg8 : memref<128x128xf32, #tpu.memory_space<vmem>>)
    } else {
    }
    %gt3A_22 = arith.constant 39 : i32
    %gt3A_23 = arith.cmpi sgt, %min3A, %gt3A_22 : i32
    %convert_element_type3A_24 = arith.extui %gt3A_23 : i1 to i32
    %cond3A_25 = arith.constant 0 : i32
    %cond3A_26 = arith.cmpi ne, %convert_element_type3A_24, %cond3A_25 : i32
    scf.if %cond3A_26 {
      %dma_wait3A = arith.constant 0 : i32
      %dma_wait3A_27 = arith.constant 0 : i32
      %dma_wait3A_28 = tpu.memref_slice %arg4[%dma_wait3A, %dma_wait3A_27] : memref<160000x128xf32, #tpu.memory_space<hbm>> -> memref<128x128xf32, #tpu.memory_space<hbm>>
      %dma_wait3A_29 = arith.constant 0 : i32
      %dma_wait3A_30 = arith.constant 0 : i32
      %dma_wait3A_31 = tpu.memref_slice %arg4[%dma_wait3A_29, %dma_wait3A_30] : memref<160000x128xf32, #tpu.memory_space<hbm>> -> memref<128x128xf32, #tpu.memory_space<hbm>>
      tpu.wait_dma2 semaphore(%arg17 : memref<!tpu.dma_semaphore, #tpu.memory_space<semaphore_mem>>) src(%dma_wait3A_31 : memref<128x128xf32, #tpu.memory_space<hbm>>) dst(%arg9 : memref<128x128xf32, #tpu.memory_space<vmem>>)
    } else {
    }
    return
  }
}

#map = affine_map<(d0, d1) -> (0, 0)>
module attributes {stable_mosaic.version = 14 : i64} {
  func.func @sc_gather(%arg0: i32, %arg1: i32, %arg2: memref<10000x128xf32, #tpu.memory_space<hbm>>, %arg3: memref<1280x128xi32, #tpu.memory_space<hbm>>, %arg4: memref<160000x128xf32, #tpu.memory_space<hbm>>, %arg5: memref<40x128xi32, #tpu.memory_space<vmem>>, %arg6: memref<128x128xf32, #tpu.memory_space<vmem>>, %arg7: memref<128x128xf32, #tpu.memory_space<vmem>>, %arg8: memref<128x128xf32, #tpu.memory_space<vmem>>, %arg9: memref<128x128xf32, #tpu.memory_space<vmem>>, %arg10: memref<!tpu.dma_semaphore, #tpu.memory_space<semaphore_mem>>, %arg11: memref<!tpu.dma_semaphore, #tpu.memory_space<semaphore_mem>>, %arg12: memref<!tpu.dma_semaphore, #tpu.memory_space<semaphore_mem>>, %arg13: memref<!tpu.dma_semaphore, #tpu.memory_space<semaphore_mem>>, %arg14: memref<!tpu.dma_semaphore, #tpu.memory_space<semaphore_mem>>, %arg15: memref<!tpu.dma_semaphore, #tpu.memory_space<semaphore_mem>>, %arg16: memref<!tpu.dma_semaphore, #tpu.memory_space<semaphore_mem>>, %arg17: memref<!tpu.dma_semaphore, #tpu.memory_space<semaphore_mem>>) attributes {dimension_semantics = [#tpu.dimension_semantics<core_parallel>, #tpu.dimension_semantics<subcore_parallel>], iteration_bounds = array<i64: 2, 16>, scalar_prefetch = 0 : i64, scratch_operands = 13 : i64, tpu.core_type = #tpu.core_type<sc_vector_subcore>, window_params = [{transform_indices = #map}, {transform_indices = #map}, {transform_indices = #map}]} {
    %mul3A = arith.constant 16 : i32
    %mul3A_0 = arith.muli %arg0, %mul3A : i32
    %add3A = arith.addi %mul3A_0, %arg1 : i32
    %mul3A_1 = arith.constant 40 : i32
    %mul3A_2 = arith.muli %add3A, %mul3A_1 : i32
    %sub3A = arith.constant 1250 : i32
    %sub3A_3 = arith.subi %sub3A, %mul3A_2 : i32
    %jit3A = arith.constant 0 : i32
    %jit3A_4 = arith.constant 40 : i32
    %max3A = arith.maxsi %jit3A, %sub3A_3 : i32
    %min3A = arith.minsi %jit3A_4, %max3A : i32
    "tpu.region"() ({
      %run_scoped3A = tpu.sem_alloc : memref<!tpu.dma_semaphore, #tpu.memory_space<semaphore_mem>>
      %dma_start3A = arith.constant 0 : i32
      %dma_start3A_27 = tpu.memref_slice %arg3[%mul3A_2, %dma_start3A] : memref<1280x128xi32, #tpu.memory_space<hbm>> -> memref<40x128xi32, #tpu.memory_space<hbm>>
      %dma_start3A_28 = arith.constant 0 : i32
      %dma_start3A_29 = tpu.memref_slice %arg3[%mul3A_2, %dma_start3A_28] : memref<1280x128xi32, #tpu.memory_space<hbm>> -> memref<40x128xi32, #tpu.memory_space<hbm>>
      tpu.enqueue_dma source(%dma_start3A_29 : memref<40x128xi32, #tpu.memory_space<hbm>>) target(%arg5 : memref<40x128xi32, #tpu.memory_space<vmem>>) target_semaphore(%run_scoped3A : memref<!tpu.dma_semaphore, #tpu.memory_space<semaphore_mem>>)
      %dma_wait3A = arith.constant 0 : i32
      %dma_wait3A_30 = tpu.memref_slice %arg3[%mul3A_2, %dma_wait3A] : memref<1280x128xi32, #tpu.memory_space<hbm>> -> memref<40x128xi32, #tpu.memory_space<hbm>>
      %dma_wait3A_31 = arith.constant 0 : i32
      %dma_wait3A_32 = tpu.memref_slice %arg3[%mul3A_2, %dma_wait3A_31] : memref<1280x128xi32, #tpu.memory_space<hbm>> -> memref<40x128xi32, #tpu.memory_space<hbm>>
      tpu.wait_dma2 semaphore(%run_scoped3A : memref<!tpu.dma_semaphore, #tpu.memory_space<semaphore_mem>>) src(%dma_wait3A_32 : memref<40x128xi32, #tpu.memory_space<hbm>>) dst(%arg5 : memref<40x128xi32, #tpu.memory_space<vmem>>)
      tpu.yield
    }) : () -> ()
    %scan3A = arith.constant 0 : i32
    %scan3A_5 = arith.constant 0 : i32
    %scan3A_6 = arith.constant 10 : i32
    %scan3A_7 = arith.addi %scan3A_5, %scan3A_6 : i32
    %scan3A_8 = arith.constant 1 : i32
    scf.for %scan3A_27 = %scan3A_5 to %scan3A_7 step %scan3A_8  : i32 {
      %mul3A_28 = arith.constant 4 : i32
      %mul3A_29 = arith.muli %scan3A_27, %mul3A_28 : i32
      %add3A_30 = arith.constant 0 : i32
      %add3A_31 = arith.addi %mul3A_29, %add3A_30 : i32
      %ge3A = arith.constant 4 : i32
      %ge3A_32 = arith.cmpi sge, %add3A_31, %ge3A : i32
      %sub3A_33 = arith.constant 4 : i32
      %sub3A_34 = arith.subi %add3A_31, %sub3A_33 : i32
      %lt3A = arith.cmpi slt, %sub3A_34, %min3A : i32
      %and3A = arith.andi %ge3A_32, %lt3A : i1
      %convert_element_type3A_35 = arith.extui %and3A : i1 to i32
      %cond3A_36 = arith.constant 0 : i32
      %cond3A_37 = arith.cmpi ne, %convert_element_type3A_35, %cond3A_36 : i32
      scf.if %cond3A_37 {
        %dma_wait3A = arith.constant 0 : i32
        %dma_wait3A_125 = arith.constant 0 : i32
        %dma_wait3A_126 = tpu.memref_slice %arg4[%dma_wait3A, %dma_wait3A_125] : memref<160000x128xf32, #tpu.memory_space<hbm>> -> memref<128x128xf32, #tpu.memory_space<hbm>>
        %dma_wait3A_127 = arith.constant 0 : i32
        %dma_wait3A_128 = arith.constant 0 : i32
        %dma_wait3A_129 = tpu.memref_slice %arg4[%dma_wait3A_127, %dma_wait3A_128] : memref<160000x128xf32, #tpu.memory_space<hbm>> -> memref<128x128xf32, #tpu.memory_space<hbm>>
        tpu.wait_dma2 semaphore(%arg14 : memref<!tpu.dma_semaphore, #tpu.memory_space<semaphore_mem>>) src(%dma_wait3A_129 : memref<128x128xf32, #tpu.memory_space<hbm>>) dst(%arg6 : memref<128x128xf32, #tpu.memory_space<vmem>>)
      } else {
      }
      %lt3A_38 = arith.cmpi slt, %add3A_31, %min3A : i32
      %convert_element_type3A_39 = arith.extui %lt3A_38 : i1 to i32
      %cond3A_40 = arith.constant 0 : i32
      %cond3A_41 = arith.cmpi ne, %convert_element_type3A_39, %cond3A_40 : i32
      scf.if %cond3A_41 {
        %dma_start3A = arith.constant 0 : i32
        %dma_start3A_125 = tpu.memref_slice %arg5[%add3A_31, %dma_start3A] : memref<40x128xi32, #tpu.memory_space<vmem>> -> memref<1x128xi32, #tpu.memory_space<vmem>>
        %dma_start3A_126 = tpu.memref_squeeze %dma_start3A_125 : memref<1x128xi32, #tpu.memory_space<vmem>> -> memref<128xi32, #tpu.memory_space<vmem>>
        %dma_start3A_127 = arith.constant 0 : i32
        %dma_start3A_128 = arith.constant 0 : i32
        %dma_start3A_129 = tpu.memref_slice %arg2[%dma_start3A_127, %dma_start3A_128] : memref<10000x128xf32, #tpu.memory_space<hbm>> -> memref<10000x128xf32, #tpu.memory_space<hbm>>
        tpu.enqueue_indirect_dma source(%dma_start3A_129 : memref<10000x128xf32, #tpu.memory_space<hbm>>) target(%arg6 : memref<128x128xf32, #tpu.memory_space<vmem>>) offsets(%dma_start3A_126 : memref<128xi32, #tpu.memory_space<vmem>>) semaphore(%arg10 : memref<!tpu.dma_semaphore, #tpu.memory_space<semaphore_mem>>)
      } else {
      }
      %mul3A_42 = arith.constant 4 : i32
      %mul3A_43 = arith.muli %scan3A_27, %mul3A_42 : i32
      %add3A_44 = arith.constant 1 : i32
      %add3A_45 = arith.addi %mul3A_43, %add3A_44 : i32
      %ge3A_46 = arith.constant 4 : i32
      %ge3A_47 = arith.cmpi sge, %add3A_45, %ge3A_46 : i32
      %sub3A_48 = arith.constant 4 : i32
      %sub3A_49 = arith.subi %add3A_45, %sub3A_48 : i32
      %lt3A_50 = arith.cmpi slt, %sub3A_49, %min3A : i32
      %and3A_51 = arith.andi %ge3A_47, %lt3A_50 : i1
      %convert_element_type3A_52 = arith.extui %and3A_51 : i1 to i32
      %cond3A_53 = arith.constant 0 : i32
      %cond3A_54 = arith.cmpi ne, %convert_element_type3A_52, %cond3A_53 : i32
      scf.if %cond3A_54 {
        %dma_wait3A = arith.constant 0 : i32
        %dma_wait3A_125 = arith.constant 0 : i32
        %dma_wait3A_126 = tpu.memref_slice %arg4[%dma_wait3A, %dma_wait3A_125] : memref<160000x128xf32, #tpu.memory_space<hbm>> -> memref<128x128xf32, #tpu.memory_space<hbm>>
        %dma_wait3A_127 = arith.constant 0 : i32
        %dma_wait3A_128 = arith.constant 0 : i32
        %dma_wait3A_129 = tpu.memref_slice %arg4[%dma_wait3A_127, %dma_wait3A_128] : memref<160000x128xf32, #tpu.memory_space<hbm>> -> memref<128x128xf32, #tpu.memory_space<hbm>>
        tpu.wait_dma2 semaphore(%arg15 : memref<!tpu.dma_semaphore, #tpu.memory_space<semaphore_mem>>) src(%dma_wait3A_129 : memref<128x128xf32, #tpu.memory_space<hbm>>) dst(%arg7 : memref<128x128xf32, #tpu.memory_space<vmem>>)
      } else {
      }
      %lt3A_55 = arith.cmpi slt, %add3A_45, %min3A : i32
      %convert_element_type3A_56 = arith.extui %lt3A_55 : i1 to i32
      %cond3A_57 = arith.constant 0 : i32
      %cond3A_58 = arith.cmpi ne, %convert_element_type3A_56, %cond3A_57 : i32
      scf.if %cond3A_58 {
        %dma_start3A = arith.constant 0 : i32
        %dma_start3A_125 = tpu.memref_slice %arg5[%add3A_45, %dma_start3A] : memref<40x128xi32, #tpu.memory_space<vmem>> -> memref<1x128xi32, #tpu.memory_space<vmem>>
        %dma_start3A_126 = tpu.memref_squeeze %dma_start3A_125 : memref<1x128xi32, #tpu.memory_space<vmem>> -> memref<128xi32, #tpu.memory_space<vmem>>
        %dma_start3A_127 = arith.constant 0 : i32
        %dma_start3A_128 = arith.constant 0 : i32
        %dma_start3A_129 = tpu.memref_slice %arg2[%dma_start3A_127, %dma_start3A_128] : memref<10000x128xf32, #tpu.memory_space<hbm>> -> memref<10000x128xf32, #tpu.memory_space<hbm>>
        tpu.enqueue_indirect_dma source(%dma_start3A_129 : memref<10000x128xf32, #tpu.memory_space<hbm>>) target(%arg7 : memref<128x128xf32, #tpu.memory_space<vmem>>) offsets(%dma_start3A_126 : memref<128xi32, #tpu.memory_space<vmem>>) semaphore(%arg11 : memref<!tpu.dma_semaphore, #tpu.memory_space<semaphore_mem>>)
      } else {
      }
      %mul3A_59 = arith.constant 4 : i32
      %mul3A_60 = arith.muli %scan3A_27, %mul3A_59 : i32
      %add3A_61 = arith.constant 2 : i32
      %add3A_62 = arith.addi %mul3A_60, %add3A_61 : i32
      %ge3A_63 = arith.constant 4 : i32
      %ge3A_64 = arith.cmpi sge, %add3A_62, %ge3A_63 : i32
      %sub3A_65 = arith.constant 4 : i32
      %sub3A_66 = arith.subi %add3A_62, %sub3A_65 : i32
      %lt3A_67 = arith.cmpi slt, %sub3A_66, %min3A : i32
      %and3A_68 = arith.andi %ge3A_64, %lt3A_67 : i1
      %convert_element_type3A_69 = arith.extui %and3A_68 : i1 to i32
      %cond3A_70 = arith.constant 0 : i32
      %cond3A_71 = arith.cmpi ne, %convert_element_type3A_69, %cond3A_70 : i32
      scf.if %cond3A_71 {
        %dma_wait3A = arith.constant 0 : i32
        %dma_wait3A_125 = arith.constant 0 : i32
        %dma_wait3A_126 = tpu.memref_slice %arg4[%dma_wait3A, %dma_wait3A_125] : memref<160000x128xf32, #tpu.memory_space<hbm>> -> memref<128x128xf32, #tpu.memory_space<hbm>>
        %dma_wait3A_127 = arith.constant 0 : i32
        %dma_wait3A_128 = arith.constant 0 : i32
        %dma_wait3A_129 = tpu.memref_slice %arg4[%dma_wait3A_127, %dma_wait3A_128] : memref<160000x128xf32, #tpu.memory_space<hbm>> -> memref<128x128xf32, #tpu.memory_space<hbm>>
        tpu.wait_dma2 semaphore(%arg16 : memref<!tpu.dma_semaphore, #tpu.memory_space<semaphore_mem>>) src(%dma_wait3A_129 : memref<128x128xf32, #tpu.memory_space<hbm>>) dst(%arg8 : memref<128x128xf32, #tpu.memory_space<vmem>>)
      } else {
      }
      %lt3A_72 = arith.cmpi slt, %add3A_62, %min3A : i32
      %convert_element_type3A_73 = arith.extui %lt3A_72 : i1 to i32
      %cond3A_74 = arith.constant 0 : i32
      %cond3A_75 = arith.cmpi ne, %convert_element_type3A_73, %cond3A_74 : i32
      scf.if %cond3A_75 {
        %dma_start3A = arith.constant 0 : i32
        %dma_start3A_125 = tpu.memref_slice %arg5[%add3A_62, %dma_start3A] : memref<40x128xi32, #tpu.memory_space<vmem>> -> memref<1x128xi32, #tpu.memory_space<vmem>>
        %dma_start3A_126 = tpu.memref_squeeze %dma_start3A_125 : memref<1x128xi32, #tpu.memory_space<vmem>> -> memref<128xi32, #tpu.memory_space<vmem>>
        %dma_start3A_127 = arith.constant 0 : i32
        %dma_start3A_128 = arith.constant 0 : i32
        %dma_start3A_129 = tpu.memref_slice %arg2[%dma_start3A_127, %dma_start3A_128] : memref<10000x128xf32, #tpu.memory_space<hbm>> -> memref<10000x128xf32, #tpu.memory_space<hbm>>
        tpu.enqueue_indirect_dma source(%dma_start3A_129 : memref<10000x128xf32, #tpu.memory_space<hbm>>) target(%arg8 : memref<128x128xf32, #tpu.memory_space<vmem>>) offsets(%dma_start3A_126 : memref<128xi32, #tpu.memory_space<vmem>>) semaphore(%arg12 : memref<!tpu.dma_semaphore, #tpu.memory_space<semaphore_mem>>)
      } else {
      }
      %mul3A_76 = arith.constant 4 : i32
      %mul3A_77 = arith.muli %scan3A_27, %mul3A_76 : i32
      %add3A_78 = arith.constant 3 : i32
      %add3A_79 = arith.addi %mul3A_77, %add3A_78 : i32
      %ge3A_80 = arith.constant 4 : i32
      %ge3A_81 = arith.cmpi sge, %add3A_79, %ge3A_80 : i32
      %sub3A_82 = arith.constant 4 : i32
      %sub3A_83 = arith.subi %add3A_79, %sub3A_82 : i32
      %lt3A_84 = arith.cmpi slt, %sub3A_83, %min3A : i32
      %and3A_85 = arith.andi %ge3A_81, %lt3A_84 : i1
      %convert_element_type3A_86 = arith.extui %and3A_85 : i1 to i32
      %cond3A_87 = arith.constant 0 : i32
      %cond3A_88 = arith.cmpi ne, %convert_element_type3A_86, %cond3A_87 : i32
      scf.if %cond3A_88 {
        %dma_wait3A = arith.constant 0 : i32
        %dma_wait3A_125 = arith.constant 0 : i32
        %dma_wait3A_126 = tpu.memref_slice %arg4[%dma_wait3A, %dma_wait3A_125] : memref<160000x128xf32, #tpu.memory_space<hbm>> -> memref<128x128xf32, #tpu.memory_space<hbm>>
        %dma_wait3A_127 = arith.constant 0 : i32
        %dma_wait3A_128 = arith.constant 0 : i32
        %dma_wait3A_129 = tpu.memref_slice %arg4[%dma_wait3A_127, %dma_wait3A_128] : memref<160000x128xf32, #tpu.memory_space<hbm>> -> memref<128x128xf32, #tpu.memory_space<hbm>>
        tpu.wait_dma2 semaphore(%arg17 : memref<!tpu.dma_semaphore, #tpu.memory_space<semaphore_mem>>) src(%dma_wait3A_129 : memref<128x128xf32, #tpu.memory_space<hbm>>) dst(%arg9 : memref<128x128xf32, #tpu.memory_space<vmem>>)
      } else {
      }
      %lt3A_89 = arith.cmpi slt, %add3A_79, %min3A : i32
      %convert_element_type3A_90 = arith.extui %lt3A_89 : i1 to i32
      %cond3A_91 = arith.constant 0 : i32
      %cond3A_92 = arith.cmpi ne, %convert_element_type3A_90, %cond3A_91 : i32
      scf.if %cond3A_92 {
        %dma_start3A = arith.constant 0 : i32
        %dma_start3A_125 = tpu.memref_slice %arg5[%add3A_79, %dma_start3A] : memref<40x128xi32, #tpu.memory_space<vmem>> -> memref<1x128xi32, #tpu.memory_space<vmem>>
        %dma_start3A_126 = tpu.memref_squeeze %dma_start3A_125 : memref<1x128xi32, #tpu.memory_space<vmem>> -> memref<128xi32, #tpu.memory_space<vmem>>
        %dma_start3A_127 = arith.constant 0 : i32
        %dma_start3A_128 = arith.constant 0 : i32
        %dma_start3A_129 = tpu.memref_slice %arg2[%dma_start3A_127, %dma_start3A_128] : memref<10000x128xf32, #tpu.memory_space<hbm>> -> memref<10000x128xf32, #tpu.memory_space<hbm>>
        tpu.enqueue_indirect_dma source(%dma_start3A_129 : memref<10000x128xf32, #tpu.memory_space<hbm>>) target(%arg9 : memref<128x128xf32, #tpu.memory_space<vmem>>) offsets(%dma_start3A_126 : memref<128xi32, #tpu.memory_space<vmem>>) semaphore(%arg13 : memref<!tpu.dma_semaphore, #tpu.memory_space<semaphore_mem>>)
      } else {
      }
      %mul3A_93 = arith.constant 4 : i32
      %mul3A_94 = arith.muli %scan3A_27, %mul3A_93 : i32
      %add3A_95 = arith.constant 0 : i32
      %add3A_96 = arith.addi %mul3A_94, %add3A_95 : i32
      %lt3A_97 = arith.cmpi slt, %add3A_96, %min3A : i32
      %convert_element_type3A_98 = arith.extui %lt3A_97 : i1 to i32
      %cond3A_99 = arith.constant 0 : i32
      %cond3A_100 = arith.cmpi ne, %convert_element_type3A_98, %cond3A_99 : i32
      scf.if %cond3A_100 {
        %dma_wait3A = arith.constant 0 : i32
        %dma_wait3A_125 = tpu.memref_slice %arg5[%add3A_96, %dma_wait3A] : memref<40x128xi32, #tpu.memory_space<vmem>> -> memref<1x128xi32, #tpu.memory_space<vmem>>
        %dma_wait3A_126 = tpu.memref_squeeze %dma_wait3A_125 : memref<1x128xi32, #tpu.memory_space<vmem>> -> memref<128xi32, #tpu.memory_space<vmem>>
        %dma_wait3A_127 = arith.constant 0 : i32
        %dma_wait3A_128 = arith.constant 0 : i32
        %dma_wait3A_129 = tpu.memref_slice %arg2[%dma_wait3A_127, %dma_wait3A_128] : memref<10000x128xf32, #tpu.memory_space<hbm>> -> memref<10000x128xf32, #tpu.memory_space<hbm>>
        tpu.wait_indirect_dma semaphore(%arg10 : memref<!tpu.dma_semaphore, #tpu.memory_space<semaphore_mem>>) src(%dma_wait3A_129 : memref<10000x128xf32, #tpu.memory_space<hbm>>) dst(%arg6 : memref<128x128xf32, #tpu.memory_space<vmem>>)
        %add3A_130 = arith.addi %mul3A_2, %add3A_96 : i32
        %mul3A_131 = arith.constant 128 : i32
        %mul3A_132 = arith.muli %add3A_130, %mul3A_131 : i32
        %dma_start3A = arith.constant 0 : i32
        %dma_start3A_133 = tpu.memref_slice %arg4[%mul3A_132, %dma_start3A] : memref<160000x128xf32, #tpu.memory_space<hbm>> -> memref<128x128xf32, #tpu.memory_space<hbm>>
        %dma_start3A_134 = arith.constant 0 : i32
        %dma_start3A_135 = tpu.memref_slice %arg4[%mul3A_132, %dma_start3A_134] : memref<160000x128xf32, #tpu.memory_space<hbm>> -> memref<128x128xf32, #tpu.memory_space<hbm>>
        tpu.enqueue_dma source(%arg6 : memref<128x128xf32, #tpu.memory_space<vmem>>) target(%dma_start3A_135 : memref<128x128xf32, #tpu.memory_space<hbm>>) target_semaphore(%arg14 : memref<!tpu.dma_semaphore, #tpu.memory_space<semaphore_mem>>)
      } else {
      }
      %mul3A_101 = arith.constant 4 : i32
      %mul3A_102 = arith.muli %scan3A_27, %mul3A_101 : i32
      %add3A_103 = arith.constant 1 : i32
      %add3A_104 = arith.addi %mul3A_102, %add3A_103 : i32
      %lt3A_105 = arith.cmpi slt, %add3A_104, %min3A : i32
      %convert_element_type3A_106 = arith.extui %lt3A_105 : i1 to i32
      %cond3A_107 = arith.constant 0 : i32
      %cond3A_108 = arith.cmpi ne, %convert_element_type3A_106, %cond3A_107 : i32
      scf.if %cond3A_108 {
        %dma_wait3A = arith.constant 0 : i32
        %dma_wait3A_125 = tpu.memref_slice %arg5[%add3A_104, %dma_wait3A] : memref<40x128xi32, #tpu.memory_space<vmem>> -> memref<1x128xi32, #tpu.memory_space<vmem>>
        %dma_wait3A_126 = tpu.memref_squeeze %dma_wait3A_125 : memref<1x128xi32, #tpu.memory_space<vmem>> -> memref<128xi32, #tpu.memory_space<vmem>>
        %dma_wait3A_127 = arith.constant 0 : i32
        %dma_wait3A_128 = arith.constant 0 : i32
        %dma_wait3A_129 = tpu.memref_slice %arg2[%dma_wait3A_127, %dma_wait3A_128] : memref<10000x128xf32, #tpu.memory_space<hbm>> -> memref<10000x128xf32, #tpu.memory_space<hbm>>
        tpu.wait_indirect_dma semaphore(%arg11 : memref<!tpu.dma_semaphore, #tpu.memory_space<semaphore_mem>>) src(%dma_wait3A_129 : memref<10000x128xf32, #tpu.memory_space<hbm>>) dst(%arg7 : memref<128x128xf32, #tpu.memory_space<vmem>>)
        %add3A_130 = arith.addi %mul3A_2, %add3A_104 : i32
        %mul3A_131 = arith.constant 128 : i32
        %mul3A_132 = arith.muli %add3A_130, %mul3A_131 : i32
        %dma_start3A = arith.constant 0 : i32
        %dma_start3A_133 = tpu.memref_slice %arg4[%mul3A_132, %dma_start3A] : memref<160000x128xf32, #tpu.memory_space<hbm>> -> memref<128x128xf32, #tpu.memory_space<hbm>>
        %dma_start3A_134 = arith.constant 0 : i32
        %dma_start3A_135 = tpu.memref_slice %arg4[%mul3A_132, %dma_start3A_134] : memref<160000x128xf32, #tpu.memory_space<hbm>> -> memref<128x128xf32, #tpu.memory_space<hbm>>
        tpu.enqueue_dma source(%arg7 : memref<128x128xf32, #tpu.memory_space<vmem>>) target(%dma_start3A_135 : memref<128x128xf32, #tpu.memory_space<hbm>>) target_semaphore(%arg15 : memref<!tpu.dma_semaphore, #tpu.memory_space<semaphore_mem>>)
      } else {
      }
      %mul3A_109 = arith.constant 4 : i32
      %mul3A_110 = arith.muli %scan3A_27, %mul3A_109 : i32
      %add3A_111 = arith.constant 2 : i32
      %add3A_112 = arith.addi %mul3A_110, %add3A_111 : i32
      %lt3A_113 = arith.cmpi slt, %add3A_112, %min3A : i32
      %convert_element_type3A_114 = arith.extui %lt3A_113 : i1 to i32
      %cond3A_115 = arith.constant 0 : i32
      %cond3A_116 = arith.cmpi ne, %convert_element_type3A_114, %cond3A_115 : i32
      scf.if %cond3A_116 {
        %dma_wait3A = arith.constant 0 : i32
        %dma_wait3A_125 = tpu.memref_slice %arg5[%add3A_112, %dma_wait3A] : memref<40x128xi32, #tpu.memory_space<vmem>> -> memref<1x128xi32, #tpu.memory_space<vmem>>
        %dma_wait3A_126 = tpu.memref_squeeze %dma_wait3A_125 : memref<1x128xi32, #tpu.memory_space<vmem>> -> memref<128xi32, #tpu.memory_space<vmem>>
        %dma_wait3A_127 = arith.constant 0 : i32
        %dma_wait3A_128 = arith.constant 0 : i32
        %dma_wait3A_129 = tpu.memref_slice %arg2[%dma_wait3A_127, %dma_wait3A_128] : memref<10000x128xf32, #tpu.memory_space<hbm>> -> memref<10000x128xf32, #tpu.memory_space<hbm>>
        tpu.wait_indirect_dma semaphore(%arg12 : memref<!tpu.dma_semaphore, #tpu.memory_space<semaphore_mem>>) src(%dma_wait3A_129 : memref<10000x128xf32, #tpu.memory_space<hbm>>) dst(%arg8 : memref<128x128xf32, #tpu.memory_space<vmem>>)
        %add3A_130 = arith.addi %mul3A_2, %add3A_112 : i32
        %mul3A_131 = arith.constant 128 : i32
        %mul3A_132 = arith.muli %add3A_130, %mul3A_131 : i32
        %dma_start3A = arith.constant 0 : i32
        %dma_start3A_133 = tpu.memref_slice %arg4[%mul3A_132, %dma_start3A] : memref<160000x128xf32, #tpu.memory_space<hbm>> -> memref<128x128xf32, #tpu.memory_space<hbm>>
        %dma_start3A_134 = arith.constant 0 : i32
        %dma_start3A_135 = tpu.memref_slice %arg4[%mul3A_132, %dma_start3A_134] : memref<160000x128xf32, #tpu.memory_space<hbm>> -> memref<128x128xf32, #tpu.memory_space<hbm>>
        tpu.enqueue_dma source(%arg8 : memref<128x128xf32, #tpu.memory_space<vmem>>) target(%dma_start3A_135 : memref<128x128xf32, #tpu.memory_space<hbm>>) target_semaphore(%arg16 : memref<!tpu.dma_semaphore, #tpu.memory_space<semaphore_mem>>)
      } else {
      }
      %mul3A_117 = arith.constant 4 : i32
      %mul3A_118 = arith.muli %scan3A_27, %mul3A_117 : i32
      %add3A_119 = arith.constant 3 : i32
      %add3A_120 = arith.addi %mul3A_118, %add3A_119 : i32
      %lt3A_121 = arith.cmpi slt, %add3A_120, %min3A : i32
      %convert_element_type3A_122 = arith.extui %lt3A_121 : i1 to i32
      %cond3A_123 = arith.constant 0 : i32
      %cond3A_124 = arith.cmpi ne, %convert_element_type3A_122, %cond3A_123 : i32
      scf.if %cond3A_124 {
        %dma_wait3A = arith.constant 0 : i32
        %dma_wait3A_125 = tpu.memref_slice %arg5[%add3A_120, %dma_wait3A] : memref<40x128xi32, #tpu.memory_space<vmem>> -> memref<1x128xi32, #tpu.memory_space<vmem>>
        %dma_wait3A_126 = tpu.memref_squeeze %dma_wait3A_125 : memref<1x128xi32, #tpu.memory_space<vmem>> -> memref<128xi32, #tpu.memory_space<vmem>>
        %dma_wait3A_127 = arith.constant 0 : i32
        %dma_wait3A_128 = arith.constant 0 : i32
        %dma_wait3A_129 = tpu.memref_slice %arg2[%dma_wait3A_127, %dma_wait3A_128] : memref<10000x128xf32, #tpu.memory_space<hbm>> -> memref<10000x128xf32, #tpu.memory_space<hbm>>
        tpu.wait_indirect_dma semaphore(%arg13 : memref<!tpu.dma_semaphore, #tpu.memory_space<semaphore_mem>>) src(%dma_wait3A_129 : memref<10000x128xf32, #tpu.memory_space<hbm>>) dst(%arg9 : memref<128x128xf32, #tpu.memory_space<vmem>>)
        %add3A_130 = arith.addi %mul3A_2, %add3A_120 : i32
        %mul3A_131 = arith.constant 128 : i32
        %mul3A_132 = arith.muli %add3A_130, %mul3A_131 : i32
        %dma_start3A = arith.constant 0 : i32
        %dma_start3A_133 = tpu.memref_slice %arg4[%mul3A_132, %dma_start3A] : memref<160000x128xf32, #tpu.memory_space<hbm>> -> memref<128x128xf32, #tpu.memory_space<hbm>>
        %dma_start3A_134 = arith.constant 0 : i32
        %dma_start3A_135 = tpu.memref_slice %arg4[%mul3A_132, %dma_start3A_134] : memref<160000x128xf32, #tpu.memory_space<hbm>> -> memref<128x128xf32, #tpu.memory_space<hbm>>
        tpu.enqueue_dma source(%arg9 : memref<128x128xf32, #tpu.memory_space<vmem>>) target(%dma_start3A_135 : memref<128x128xf32, #tpu.memory_space<hbm>>) target_semaphore(%arg17 : memref<!tpu.dma_semaphore, #tpu.memory_space<semaphore_mem>>)
      } else {
      }
    }
    %scan3A_9 = arith.constant 10 : i32
    %gt3A = arith.constant 36 : i32
    %gt3A_10 = arith.cmpi sgt, %min3A, %gt3A : i32
    %convert_element_type3A = arith.extui %gt3A_10 : i1 to i32
    %cond3A = arith.constant 0 : i32
    %cond3A_11 = arith.cmpi ne, %convert_element_type3A, %cond3A : i32
    scf.if %cond3A_11 {
      %dma_wait3A = arith.constant 0 : i32
      %dma_wait3A_27 = arith.constant 0 : i32
      %dma_wait3A_28 = tpu.memref_slice %arg4[%dma_wait3A, %dma_wait3A_27] : memref<160000x128xf32, #tpu.memory_space<hbm>> -> memref<128x128xf32, #tpu.memory_space<hbm>>
      %dma_wait3A_29 = arith.constant 0 : i32
      %dma_wait3A_30 = arith.constant 0 : i32
      %dma_wait3A_31 = tpu.memref_slice %arg4[%dma_wait3A_29, %dma_wait3A_30] : memref<160000x128xf32, #tpu.memory_space<hbm>> -> memref<128x128xf32, #tpu.memory_space<hbm>>
      tpu.wait_dma2 semaphore(%arg14 : memref<!tpu.dma_semaphore, #tpu.memory_space<semaphore_mem>>) src(%dma_wait3A_31 : memref<128x128xf32, #tpu.memory_space<hbm>>) dst(%arg6 : memref<128x128xf32, #tpu.memory_space<vmem>>)
    } else {
    }
    %gt3A_12 = arith.constant 37 : i32
    %gt3A_13 = arith.cmpi sgt, %min3A, %gt3A_12 : i32
    %convert_element_type3A_14 = arith.extui %gt3A_13 : i1 to i32
    %cond3A_15 = arith.constant 0 : i32
    %cond3A_16 = arith.cmpi ne, %convert_element_type3A_14, %cond3A_15 : i32
    scf.if %cond3A_16 {
      %dma_wait3A = arith.constant 0 : i32
      %dma_wait3A_27 = arith.constant 0 : i32
      %dma_wait3A_28 = tpu.memref_slice %arg4[%dma_wait3A, %dma_wait3A_27] : memref<160000x128xf32, #tpu.memory_space<hbm>> -> memref<128x128xf32, #tpu.memory_space<hbm>>
      %dma_wait3A_29 = arith.constant 0 : i32
      %dma_wait3A_30 = arith.constant 0 : i32
      %dma_wait3A_31 = tpu.memref_slice %arg4[%dma_wait3A_29, %dma_wait3A_30] : memref<160000x128xf32, #tpu.memory_space<hbm>> -> memref<128x128xf32, #tpu.memory_space<hbm>>
      tpu.wait_dma2 semaphore(%arg15 : memref<!tpu.dma_semaphore, #tpu.memory_space<semaphore_mem>>) src(%dma_wait3A_31 : memref<128x128xf32, #tpu.memory_space<hbm>>) dst(%arg7 : memref<128x128xf32, #tpu.memory_space<vmem>>)
    } else {
    }
    %gt3A_17 = arith.constant 38 : i32
    %gt3A_18 = arith.cmpi sgt, %min3A, %gt3A_17 : i32
    %convert_element_type3A_19 = arith.extui %gt3A_18 : i1 to i32
    %cond3A_20 = arith.constant 0 : i32
    %cond3A_21 = arith.cmpi ne, %convert_element_type3A_19, %cond3A_20 : i32
    scf.if %cond3A_21 {
      %dma_wait3A = arith.constant 0 : i32
      %dma_wait3A_27 = arith.constant 0 : i32
      %dma_wait3A_28 = tpu.memref_slice %arg4[%dma_wait3A, %dma_wait3A_27] : memref<160000x128xf32, #tpu.memory_space<hbm>> -> memref<128x128xf32, #tpu.memory_space<hbm>>
      %dma_wait3A_29 = arith.constant 0 : i32
      %dma_wait3A_30 = arith.constant 0 : i32
      %dma_wait3A_31 = tpu.memref_slice %arg4[%dma_wait3A_29, %dma_wait3A_30] : memref<160000x128xf32, #tpu.memory_space<hbm>> -> memref<128x128xf32, #tpu.memory_space<hbm>>
      tpu.wait_dma2 semaphore(%arg16 : memref<!tpu.dma_semaphore, #tpu.memory_space<semaphore_mem>>) src(%dma_wait3A_31 : memref<128x128xf32, #tpu.memory_space<hbm>>) dst(%arg8 : memref<128x128xf32, #tpu.memory_space<vmem>>)
    } else {
    }
    %gt3A_22 = arith.constant 39 : i32
    %gt3A_23 = arith.cmpi sgt, %min3A, %gt3A_22 : i32
    %convert_element_type3A_24 = arith.extui %gt3A_23 : i1 to i32
    %cond3A_25 = arith.constant 0 : i32
    %cond3A_26 = arith.cmpi ne, %convert_element_type3A_24, %cond3A_25 : i32
    scf.if %cond3A_26 {
      %dma_wait3A = arith.constant 0 : i32
      %dma_wait3A_27 = arith.constant 0 : i32
      %dma_wait3A_28 = tpu.memref_slice %arg4[%dma_wait3A, %dma_wait3A_27] : memref<160000x128xf32, #tpu.memory_space<hbm>> -> memref<128x128xf32, #tpu.memory_space<hbm>>
      %dma_wait3A_29 = arith.constant 0 : i32
      %dma_wait3A_30 = arith.constant 0 : i32
      %dma_wait3A_31 = tpu.memref_slice %arg4[%dma_wait3A_29, %dma_wait3A_30] : memref<160000x128xf32, #tpu.memory_space<hbm>> -> memref<128x128xf32, #tpu.memory_space<hbm>>
      tpu.wait_dma2 semaphore(%arg17 : memref<!tpu.dma_semaphore, #tpu.memory_space<semaphore_mem>>) src(%dma_wait3A_31 : memref<128x128xf32, #tpu.memory_space<hbm>>) dst(%arg9 : memref<128x128xf32, #tpu.memory_space<vmem>>)
    } else {
    }
    return
  }
}

#map = affine_map<(d0, d1) -> (0, 0)>
module attributes {stable_mosaic.version = 14 : i64} {
  func.func @sc_q(%arg0: i32, %arg1: i32, %arg2: memref<10000x128xf32, #tpu.memory_space<hbm>>, %arg3: memref<128x40xi32, #tpu.memory_space<hbm>>, %arg4: memref<5000x128xf32, #tpu.memory_space<hbm>>, %arg5: memref<8x40xi32, #tpu.memory_space<vmem>>, %arg6: memref<40x128xf32, #tpu.memory_space<vmem>>, %arg7: memref<40x128xf32, #tpu.memory_space<vmem>>, %arg8: memref<!tpu.dma_semaphore, #tpu.memory_space<semaphore_mem>>, %arg9: memref<!tpu.dma_semaphore, #tpu.memory_space<semaphore_mem>>, %arg10: memref<!tpu.dma_semaphore, #tpu.memory_space<semaphore_mem>>, %arg11: memref<!tpu.dma_semaphore, #tpu.memory_space<semaphore_mem>>) attributes {dimension_semantics = [#tpu.dimension_semantics<core_parallel>, #tpu.dimension_semantics<subcore_parallel>], iteration_bounds = array<i64: 2, 16>, scalar_prefetch = 0 : i64, scratch_operands = 7 : i64, tpu.core_type = #tpu.core_type<sc_vector_subcore>, window_params = [{transform_indices = #map}, {transform_indices = #map}, {transform_indices = #map}]} {
    %mul3A = arith.constant 16 : i32
    %mul3A_0 = arith.muli %arg0, %mul3A : i32
    %add3A = arith.addi %mul3A_0, %arg1 : i32
    %mul3A_1 = arith.constant 8 : i32
    %mul3A_2 = arith.muli %add3A, %mul3A_1 : i32
    %min3A = arith.constant 120 : i32
    %min3A_3 = arith.minsi %mul3A_2, %min3A : i32
    %mul3A_4 = arith.constant 8 : i32
    %mul3A_5 = arith.muli %add3A, %mul3A_4 : i32
    %sub3A = arith.constant 125 : i32
    %sub3A_6 = arith.subi %sub3A, %mul3A_5 : i32
    %jit3A = arith.constant 0 : i32
    %jit3A_7 = arith.constant 8 : i32
    %max3A = arith.maxsi %jit3A, %sub3A_6 : i32
    %min3A_8 = arith.minsi %jit3A_7, %max3A : i32
    "tpu.region"() ({
      %run_scoped3A = tpu.sem_alloc : memref<!tpu.dma_semaphore, #tpu.memory_space<semaphore_mem>>
      %dma_start3A = arith.constant 0 : i32
      %dma_start3A_21 = tpu.memref_slice %arg3[%min3A_3, %dma_start3A] : memref<128x40xi32, #tpu.memory_space<hbm>> -> memref<8x40xi32, #tpu.memory_space<hbm>>
      %dma_start3A_22 = arith.constant 0 : i32
      %dma_start3A_23 = tpu.memref_slice %arg3[%min3A_3, %dma_start3A_22] : memref<128x40xi32, #tpu.memory_space<hbm>> -> memref<8x40xi32, #tpu.memory_space<hbm>>
      tpu.enqueue_dma source(%dma_start3A_23 : memref<8x40xi32, #tpu.memory_space<hbm>>) target(%arg5 : memref<8x40xi32, #tpu.memory_space<vmem>>) target_semaphore(%run_scoped3A : memref<!tpu.dma_semaphore, #tpu.memory_space<semaphore_mem>>)
      %dma_wait3A = arith.constant 0 : i32
      %dma_wait3A_24 = tpu.memref_slice %arg3[%min3A_3, %dma_wait3A] : memref<128x40xi32, #tpu.memory_space<hbm>> -> memref<8x40xi32, #tpu.memory_space<hbm>>
      %dma_wait3A_25 = arith.constant 0 : i32
      %dma_wait3A_26 = tpu.memref_slice %arg3[%min3A_3, %dma_wait3A_25] : memref<128x40xi32, #tpu.memory_space<hbm>> -> memref<8x40xi32, #tpu.memory_space<hbm>>
      tpu.wait_dma2 semaphore(%run_scoped3A : memref<!tpu.dma_semaphore, #tpu.memory_space<semaphore_mem>>) src(%dma_wait3A_26 : memref<8x40xi32, #tpu.memory_space<hbm>>) dst(%arg5 : memref<8x40xi32, #tpu.memory_space<vmem>>)
      tpu.yield
    }) : () -> ()
    %scan3A = arith.constant 0 : i32
    %scan3A_9 = arith.constant 0 : i32
    %scan3A_10 = arith.constant 4 : i32
    %scan3A_11 = arith.addi %scan3A_9, %scan3A_10 : i32
    %scan3A_12 = arith.constant 1 : i32
    scf.for %scan3A_21 = %scan3A_9 to %scan3A_11 step %scan3A_12  : i32 {
      %mul3A_22 = arith.constant 2 : i32
      %mul3A_23 = arith.muli %scan3A_21, %mul3A_22 : i32
      %add3A_24 = arith.constant 0 : i32
      %add3A_25 = arith.addi %mul3A_23, %add3A_24 : i32
      %ge3A = arith.constant 2 : i32
      %ge3A_26 = arith.cmpi sge, %add3A_25, %ge3A : i32
      %sub3A_27 = arith.constant 2 : i32
      %sub3A_28 = arith.subi %add3A_25, %sub3A_27 : i32
      %lt3A = arith.cmpi slt, %sub3A_28, %min3A_8 : i32
      %and3A = arith.andi %ge3A_26, %lt3A : i1
      %convert_element_type3A_29 = arith.extui %and3A : i1 to i32
      %cond3A_30 = arith.constant 0 : i32
      %cond3A_31 = arith.cmpi ne, %convert_element_type3A_29, %cond3A_30 : i32
      scf.if %cond3A_31 {
        %dma_wait3A = arith.constant 0 : i32
        %dma_wait3A_69 = arith.constant 0 : i32
        %dma_wait3A_70 = tpu.memref_slice %arg4[%dma_wait3A, %dma_wait3A_69] : memref<5000x128xf32, #tpu.memory_space<hbm>> -> memref<40x128xf32, #tpu.memory_space<hbm>>
        %dma_wait3A_71 = arith.constant 0 : i32
        %dma_wait3A_72 = arith.constant 0 : i32
        %dma_wait3A_73 = tpu.memref_slice %arg4[%dma_wait3A_71, %dma_wait3A_72] : memref<5000x128xf32, #tpu.memory_space<hbm>> -> memref<40x128xf32, #tpu.memory_space<hbm>>
        tpu.wait_dma2 semaphore(%arg10 : memref<!tpu.dma_semaphore, #tpu.memory_space<semaphore_mem>>) src(%dma_wait3A_73 : memref<40x128xf32, #tpu.memory_space<hbm>>) dst(%arg6 : memref<40x128xf32, #tpu.memory_space<vmem>>)
      } else {
      }
      %lt3A_32 = arith.cmpi slt, %add3A_25, %min3A_8 : i32
      %convert_element_type3A_33 = arith.extui %lt3A_32 : i1 to i32
      %cond3A_34 = arith.constant 0 : i32
      %cond3A_35 = arith.cmpi ne, %convert_element_type3A_33, %cond3A_34 : i32
      scf.if %cond3A_35 {
        %dma_start3A = arith.constant 0 : i32
        %dma_start3A_69 = tpu.memref_slice %arg5[%add3A_25, %dma_start3A] : memref<8x40xi32, #tpu.memory_space<vmem>> -> memref<1x40xi32, #tpu.memory_space<vmem>>
        %dma_start3A_70 = tpu.memref_squeeze %dma_start3A_69 : memref<1x40xi32, #tpu.memory_space<vmem>> -> memref<40xi32, #tpu.memory_space<vmem>>
        %dma_start3A_71 = arith.constant 0 : i32
        %dma_start3A_72 = arith.constant 0 : i32
        %dma_start3A_73 = tpu.memref_slice %arg2[%dma_start3A_71, %dma_start3A_72] : memref<10000x128xf32, #tpu.memory_space<hbm>> -> memref<10000x128xf32, #tpu.memory_space<hbm>>
        tpu.enqueue_indirect_dma source(%dma_start3A_73 : memref<10000x128xf32, #tpu.memory_space<hbm>>) target(%arg6 : memref<40x128xf32, #tpu.memory_space<vmem>>) offsets(%dma_start3A_70 : memref<40xi32, #tpu.memory_space<vmem>>) semaphore(%arg8 : memref<!tpu.dma_semaphore, #tpu.memory_space<semaphore_mem>>)
      } else {
      }
      %mul3A_36 = arith.constant 2 : i32
      %mul3A_37 = arith.muli %scan3A_21, %mul3A_36 : i32
      %add3A_38 = arith.constant 1 : i32
      %add3A_39 = arith.addi %mul3A_37, %add3A_38 : i32
      %ge3A_40 = arith.constant 2 : i32
      %ge3A_41 = arith.cmpi sge, %add3A_39, %ge3A_40 : i32
      %sub3A_42 = arith.constant 2 : i32
      %sub3A_43 = arith.subi %add3A_39, %sub3A_42 : i32
      %lt3A_44 = arith.cmpi slt, %sub3A_43, %min3A_8 : i32
      %and3A_45 = arith.andi %ge3A_41, %lt3A_44 : i1
      %convert_element_type3A_46 = arith.extui %and3A_45 : i1 to i32
      %cond3A_47 = arith.constant 0 : i32
      %cond3A_48 = arith.cmpi ne, %convert_element_type3A_46, %cond3A_47 : i32
      scf.if %cond3A_48 {
        %dma_wait3A = arith.constant 0 : i32
        %dma_wait3A_69 = arith.constant 0 : i32
        %dma_wait3A_70 = tpu.memref_slice %arg4[%dma_wait3A, %dma_wait3A_69] : memref<5000x128xf32, #tpu.memory_space<hbm>> -> memref<40x128xf32, #tpu.memory_space<hbm>>
        %dma_wait3A_71 = arith.constant 0 : i32
        %dma_wait3A_72 = arith.constant 0 : i32
        %dma_wait3A_73 = tpu.memref_slice %arg4[%dma_wait3A_71, %dma_wait3A_72] : memref<5000x128xf32, #tpu.memory_space<hbm>> -> memref<40x128xf32, #tpu.memory_space<hbm>>
        tpu.wait_dma2 semaphore(%arg11 : memref<!tpu.dma_semaphore, #tpu.memory_space<semaphore_mem>>) src(%dma_wait3A_73 : memref<40x128xf32, #tpu.memory_space<hbm>>) dst(%arg7 : memref<40x128xf32, #tpu.memory_space<vmem>>)
      } else {
      }
      %lt3A_49 = arith.cmpi slt, %add3A_39, %min3A_8 : i32
      %convert_element_type3A_50 = arith.extui %lt3A_49 : i1 to i32
      %cond3A_51 = arith.constant 0 : i32
      %cond3A_52 = arith.cmpi ne, %convert_element_type3A_50, %cond3A_51 : i32
      scf.if %cond3A_52 {
        %dma_start3A = arith.constant 0 : i32
        %dma_start3A_69 = tpu.memref_slice %arg5[%add3A_39, %dma_start3A] : memref<8x40xi32, #tpu.memory_space<vmem>> -> memref<1x40xi32, #tpu.memory_space<vmem>>
        %dma_start3A_70 = tpu.memref_squeeze %dma_start3A_69 : memref<1x40xi32, #tpu.memory_space<vmem>> -> memref<40xi32, #tpu.memory_space<vmem>>
        %dma_start3A_71 = arith.constant 0 : i32
        %dma_start3A_72 = arith.constant 0 : i32
        %dma_start3A_73 = tpu.memref_slice %arg2[%dma_start3A_71, %dma_start3A_72] : memref<10000x128xf32, #tpu.memory_space<hbm>> -> memref<10000x128xf32, #tpu.memory_space<hbm>>
        tpu.enqueue_indirect_dma source(%dma_start3A_73 : memref<10000x128xf32, #tpu.memory_space<hbm>>) target(%arg7 : memref<40x128xf32, #tpu.memory_space<vmem>>) offsets(%dma_start3A_70 : memref<40xi32, #tpu.memory_space<vmem>>) semaphore(%arg9 : memref<!tpu.dma_semaphore, #tpu.memory_space<semaphore_mem>>)
      } else {
      }
      %mul3A_53 = arith.constant 2 : i32
      %mul3A_54 = arith.muli %scan3A_21, %mul3A_53 : i32
      %add3A_55 = arith.constant 0 : i32
      %add3A_56 = arith.addi %mul3A_54, %add3A_55 : i32
      %lt3A_57 = arith.cmpi slt, %add3A_56, %min3A_8 : i32
      %convert_element_type3A_58 = arith.extui %lt3A_57 : i1 to i32
      %cond3A_59 = arith.constant 0 : i32
      %cond3A_60 = arith.cmpi ne, %convert_element_type3A_58, %cond3A_59 : i32
      scf.if %cond3A_60 {
        %dma_wait3A = arith.constant 0 : i32
        %dma_wait3A_69 = tpu.memref_slice %arg5[%add3A_56, %dma_wait3A] : memref<8x40xi32, #tpu.memory_space<vmem>> -> memref<1x40xi32, #tpu.memory_space<vmem>>
        %dma_wait3A_70 = tpu.memref_squeeze %dma_wait3A_69 : memref<1x40xi32, #tpu.memory_space<vmem>> -> memref<40xi32, #tpu.memory_space<vmem>>
        %dma_wait3A_71 = arith.constant 0 : i32
        %dma_wait3A_72 = arith.constant 0 : i32
        %dma_wait3A_73 = tpu.memref_slice %arg2[%dma_wait3A_71, %dma_wait3A_72] : memref<10000x128xf32, #tpu.memory_space<hbm>> -> memref<10000x128xf32, #tpu.memory_space<hbm>>
        tpu.wait_indirect_dma semaphore(%arg8 : memref<!tpu.dma_semaphore, #tpu.memory_space<semaphore_mem>>) src(%dma_wait3A_73 : memref<10000x128xf32, #tpu.memory_space<hbm>>) dst(%arg6 : memref<40x128xf32, #tpu.memory_space<vmem>>)
        %add3A_74 = arith.addi %min3A_3, %add3A_56 : i32
        %mul3A_75 = arith.constant 40 : i32
        %mul3A_76 = arith.muli %add3A_74, %mul3A_75 : i32
        %dma_start3A = arith.constant 0 : i32
        %dma_start3A_77 = tpu.memref_slice %arg4[%mul3A_76, %dma_start3A] : memref<5000x128xf32, #tpu.memory_space<hbm>> -> memref<40x128xf32, #tpu.memory_space<hbm>>
        %dma_start3A_78 = arith.constant 0 : i32
        %dma_start3A_79 = tpu.memref_slice %arg4[%mul3A_76, %dma_start3A_78] : memref<5000x128xf32, #tpu.memory_space<hbm>> -> memref<40x128xf32, #tpu.memory_space<hbm>>
        tpu.enqueue_dma source(%arg6 : memref<40x128xf32, #tpu.memory_space<vmem>>) target(%dma_start3A_79 : memref<40x128xf32, #tpu.memory_space<hbm>>) target_semaphore(%arg10 : memref<!tpu.dma_semaphore, #tpu.memory_space<semaphore_mem>>)
      } else {
      }
      %mul3A_61 = arith.constant 2 : i32
      %mul3A_62 = arith.muli %scan3A_21, %mul3A_61 : i32
      %add3A_63 = arith.constant 1 : i32
      %add3A_64 = arith.addi %mul3A_62, %add3A_63 : i32
      %lt3A_65 = arith.cmpi slt, %add3A_64, %min3A_8 : i32
      %convert_element_type3A_66 = arith.extui %lt3A_65 : i1 to i32
      %cond3A_67 = arith.constant 0 : i32
      %cond3A_68 = arith.cmpi ne, %convert_element_type3A_66, %cond3A_67 : i32
      scf.if %cond3A_68 {
        %dma_wait3A = arith.constant 0 : i32
        %dma_wait3A_69 = tpu.memref_slice %arg5[%add3A_64, %dma_wait3A] : memref<8x40xi32, #tpu.memory_space<vmem>> -> memref<1x40xi32, #tpu.memory_space<vmem>>
        %dma_wait3A_70 = tpu.memref_squeeze %dma_wait3A_69 : memref<1x40xi32, #tpu.memory_space<vmem>> -> memref<40xi32, #tpu.memory_space<vmem>>
        %dma_wait3A_71 = arith.constant 0 : i32
        %dma_wait3A_72 = arith.constant 0 : i32
        %dma_wait3A_73 = tpu.memref_slice %arg2[%dma_wait3A_71, %dma_wait3A_72] : memref<10000x128xf32, #tpu.memory_space<hbm>> -> memref<10000x128xf32, #tpu.memory_space<hbm>>
        tpu.wait_indirect_dma semaphore(%arg9 : memref<!tpu.dma_semaphore, #tpu.memory_space<semaphore_mem>>) src(%dma_wait3A_73 : memref<10000x128xf32, #tpu.memory_space<hbm>>) dst(%arg7 : memref<40x128xf32, #tpu.memory_space<vmem>>)
        %add3A_74 = arith.addi %min3A_3, %add3A_64 : i32
        %mul3A_75 = arith.constant 40 : i32
        %mul3A_76 = arith.muli %add3A_74, %mul3A_75 : i32
        %dma_start3A = arith.constant 0 : i32
        %dma_start3A_77 = tpu.memref_slice %arg4[%mul3A_76, %dma_start3A] : memref<5000x128xf32, #tpu.memory_space<hbm>> -> memref<40x128xf32, #tpu.memory_space<hbm>>
        %dma_start3A_78 = arith.constant 0 : i32
        %dma_start3A_79 = tpu.memref_slice %arg4[%mul3A_76, %dma_start3A_78] : memref<5000x128xf32, #tpu.memory_space<hbm>> -> memref<40x128xf32, #tpu.memory_space<hbm>>
        tpu.enqueue_dma source(%arg7 : memref<40x128xf32, #tpu.memory_space<vmem>>) target(%dma_start3A_79 : memref<40x128xf32, #tpu.memory_space<hbm>>) target_semaphore(%arg11 : memref<!tpu.dma_semaphore, #tpu.memory_space<semaphore_mem>>)
      } else {
      }
    }
    %scan3A_13 = arith.constant 4 : i32
    %gt3A = arith.constant 6 : i32
    %gt3A_14 = arith.cmpi sgt, %min3A_8, %gt3A : i32
    %convert_element_type3A = arith.extui %gt3A_14 : i1 to i32
    %cond3A = arith.constant 0 : i32
    %cond3A_15 = arith.cmpi ne, %convert_element_type3A, %cond3A : i32
    scf.if %cond3A_15 {
      %dma_wait3A = arith.constant 0 : i32
      %dma_wait3A_21 = arith.constant 0 : i32
      %dma_wait3A_22 = tpu.memref_slice %arg4[%dma_wait3A, %dma_wait3A_21] : memref<5000x128xf32, #tpu.memory_space<hbm>> -> memref<40x128xf32, #tpu.memory_space<hbm>>
      %dma_wait3A_23 = arith.constant 0 : i32
      %dma_wait3A_24 = arith.constant 0 : i32
      %dma_wait3A_25 = tpu.memref_slice %arg4[%dma_wait3A_23, %dma_wait3A_24] : memref<5000x128xf32, #tpu.memory_space<hbm>> -> memref<40x128xf32, #tpu.memory_space<hbm>>
      tpu.wait_dma2 semaphore(%arg10 : memref<!tpu.dma_semaphore, #tpu.memory_space<semaphore_mem>>) src(%dma_wait3A_25 : memref<40x128xf32, #tpu.memory_space<hbm>>) dst(%arg6 : memref<40x128xf32, #tpu.memory_space<vmem>>)
    } else {
    }
    %gt3A_16 = arith.constant 7 : i32
    %gt3A_17 = arith.cmpi sgt, %min3A_8, %gt3A_16 : i32
    %convert_element_type3A_18 = arith.extui %gt3A_17 : i1 to i32
    %cond3A_19 = arith.constant 0 : i32
    %cond3A_20 = arith.cmpi ne, %convert_element_type3A_18, %cond3A_19 : i32
    scf.if %cond3A_20 {
      %dma_wait3A = arith.constant 0 : i32
      %dma_wait3A_21 = arith.constant 0 : i32
      %dma_wait3A_22 = tpu.memref_slice %arg4[%dma_wait3A, %dma_wait3A_21] : memref<5000x128xf32, #tpu.memory_space<hbm>> -> memref<40x128xf32, #tpu.memory_space<hbm>>
      %dma_wait3A_23 = arith.constant 0 : i32
      %dma_wait3A_24 = arith.constant 0 : i32
      %dma_wait3A_25 = tpu.memref_slice %arg4[%dma_wait3A_23, %dma_wait3A_24] : memref<5000x128xf32, #tpu.memory_space<hbm>> -> memref<40x128xf32, #tpu.memory_space<hbm>>
      tpu.wait_dma2 semaphore(%arg11 : memref<!tpu.dma_semaphore, #tpu.memory_space<semaphore_mem>>) src(%dma_wait3A_25 : memref<40x128xf32, #tpu.memory_space<hbm>>) dst(%arg7 : memref<40x128xf32, #tpu.memory_space<vmem>>)
    } else {
    }
    return
  }
}

#map = affine_map<(d0, d1) -> (0, 0)>
module attributes {stable_mosaic.version = 14 : i64} {
  func.func @sc_gather(%arg0: i32, %arg1: i32, %arg2: memref<10000x128xf32, #tpu.memory_space<hbm>>, %arg3: memref<1280x128xi32, #tpu.memory_space<hbm>>, %arg4: memref<160000x128xf32, #tpu.memory_space<hbm>>, %arg5: memref<40x128xi32, #tpu.memory_space<vmem>>, %arg6: memref<128x128xf32, #tpu.memory_space<vmem>>, %arg7: memref<128x128xf32, #tpu.memory_space<vmem>>, %arg8: memref<128x128xf32, #tpu.memory_space<vmem>>, %arg9: memref<128x128xf32, #tpu.memory_space<vmem>>, %arg10: memref<!tpu.dma_semaphore, #tpu.memory_space<semaphore_mem>>, %arg11: memref<!tpu.dma_semaphore, #tpu.memory_space<semaphore_mem>>, %arg12: memref<!tpu.dma_semaphore, #tpu.memory_space<semaphore_mem>>, %arg13: memref<!tpu.dma_semaphore, #tpu.memory_space<semaphore_mem>>, %arg14: memref<!tpu.dma_semaphore, #tpu.memory_space<semaphore_mem>>, %arg15: memref<!tpu.dma_semaphore, #tpu.memory_space<semaphore_mem>>, %arg16: memref<!tpu.dma_semaphore, #tpu.memory_space<semaphore_mem>>, %arg17: memref<!tpu.dma_semaphore, #tpu.memory_space<semaphore_mem>>) attributes {dimension_semantics = [#tpu.dimension_semantics<core_parallel>, #tpu.dimension_semantics<subcore_parallel>], iteration_bounds = array<i64: 2, 16>, scalar_prefetch = 0 : i64, scratch_operands = 13 : i64, tpu.core_type = #tpu.core_type<sc_vector_subcore>, window_params = [{transform_indices = #map}, {transform_indices = #map}, {transform_indices = #map}]} {
    %mul3A = arith.constant 16 : i32
    %mul3A_0 = arith.muli %arg0, %mul3A : i32
    %add3A = arith.addi %mul3A_0, %arg1 : i32
    %mul3A_1 = arith.constant 40 : i32
    %mul3A_2 = arith.muli %add3A, %mul3A_1 : i32
    %sub3A = arith.constant 1250 : i32
    %sub3A_3 = arith.subi %sub3A, %mul3A_2 : i32
    %jit3A = arith.constant 0 : i32
    %jit3A_4 = arith.constant 40 : i32
    %max3A = arith.maxsi %jit3A, %sub3A_3 : i32
    %min3A = arith.minsi %jit3A_4, %max3A : i32
    "tpu.region"() ({
      %run_scoped3A = tpu.sem_alloc : memref<!tpu.dma_semaphore, #tpu.memory_space<semaphore_mem>>
      %dma_start3A = arith.constant 0 : i32
      %dma_start3A_27 = tpu.memref_slice %arg3[%mul3A_2, %dma_start3A] : memref<1280x128xi32, #tpu.memory_space<hbm>> -> memref<40x128xi32, #tpu.memory_space<hbm>>
      %dma_start3A_28 = arith.constant 0 : i32
      %dma_start3A_29 = tpu.memref_slice %arg3[%mul3A_2, %dma_start3A_28] : memref<1280x128xi32, #tpu.memory_space<hbm>> -> memref<40x128xi32, #tpu.memory_space<hbm>>
      tpu.enqueue_dma source(%dma_start3A_29 : memref<40x128xi32, #tpu.memory_space<hbm>>) target(%arg5 : memref<40x128xi32, #tpu.memory_space<vmem>>) target_semaphore(%run_scoped3A : memref<!tpu.dma_semaphore, #tpu.memory_space<semaphore_mem>>)
      %dma_wait3A = arith.constant 0 : i32
      %dma_wait3A_30 = tpu.memref_slice %arg3[%mul3A_2, %dma_wait3A] : memref<1280x128xi32, #tpu.memory_space<hbm>> -> memref<40x128xi32, #tpu.memory_space<hbm>>
      %dma_wait3A_31 = arith.constant 0 : i32
      %dma_wait3A_32 = tpu.memref_slice %arg3[%mul3A_2, %dma_wait3A_31] : memref<1280x128xi32, #tpu.memory_space<hbm>> -> memref<40x128xi32, #tpu.memory_space<hbm>>
      tpu.wait_dma2 semaphore(%run_scoped3A : memref<!tpu.dma_semaphore, #tpu.memory_space<semaphore_mem>>) src(%dma_wait3A_32 : memref<40x128xi32, #tpu.memory_space<hbm>>) dst(%arg5 : memref<40x128xi32, #tpu.memory_space<vmem>>)
      tpu.yield
    }) : () -> ()
    %scan3A = arith.constant 0 : i32
    %scan3A_5 = arith.constant 0 : i32
    %scan3A_6 = arith.constant 10 : i32
    %scan3A_7 = arith.addi %scan3A_5, %scan3A_6 : i32
    %scan3A_8 = arith.constant 1 : i32
    scf.for %scan3A_27 = %scan3A_5 to %scan3A_7 step %scan3A_8  : i32 {
      %mul3A_28 = arith.constant 4 : i32
      %mul3A_29 = arith.muli %scan3A_27, %mul3A_28 : i32
      %add3A_30 = arith.constant 0 : i32
      %add3A_31 = arith.addi %mul3A_29, %add3A_30 : i32
      %ge3A = arith.constant 4 : i32
      %ge3A_32 = arith.cmpi sge, %add3A_31, %ge3A : i32
      %sub3A_33 = arith.constant 4 : i32
      %sub3A_34 = arith.subi %add3A_31, %sub3A_33 : i32
      %lt3A = arith.cmpi slt, %sub3A_34, %min3A : i32
      %and3A = arith.andi %ge3A_32, %lt3A : i1
      %convert_element_type3A_35 = arith.extui %and3A : i1 to i32
      %cond3A_36 = arith.constant 0 : i32
      %cond3A_37 = arith.cmpi ne, %convert_element_type3A_35, %cond3A_36 : i32
      scf.if %cond3A_37 {
        %dma_wait3A = arith.constant 0 : i32
        %dma_wait3A_125 = arith.constant 0 : i32
        %dma_wait3A_126 = tpu.memref_slice %arg4[%dma_wait3A, %dma_wait3A_125] : memref<160000x128xf32, #tpu.memory_space<hbm>> -> memref<128x128xf32, #tpu.memory_space<hbm>>
        %dma_wait3A_127 = arith.constant 0 : i32
        %dma_wait3A_128 = arith.constant 0 : i32
        %dma_wait3A_129 = tpu.memref_slice %arg4[%dma_wait3A_127, %dma_wait3A_128] : memref<160000x128xf32, #tpu.memory_space<hbm>> -> memref<128x128xf32, #tpu.memory_space<hbm>>
        tpu.wait_dma2 semaphore(%arg14 : memref<!tpu.dma_semaphore, #tpu.memory_space<semaphore_mem>>) src(%dma_wait3A_129 : memref<128x128xf32, #tpu.memory_space<hbm>>) dst(%arg6 : memref<128x128xf32, #tpu.memory_space<vmem>>)
      } else {
      }
      %lt3A_38 = arith.cmpi slt, %add3A_31, %min3A : i32
      %convert_element_type3A_39 = arith.extui %lt3A_38 : i1 to i32
      %cond3A_40 = arith.constant 0 : i32
      %cond3A_41 = arith.cmpi ne, %convert_element_type3A_39, %cond3A_40 : i32
      scf.if %cond3A_41 {
        %dma_start3A = arith.constant 0 : i32
        %dma_start3A_125 = tpu.memref_slice %arg5[%add3A_31, %dma_start3A] : memref<40x128xi32, #tpu.memory_space<vmem>> -> memref<1x128xi32, #tpu.memory_space<vmem>>
        %dma_start3A_126 = tpu.memref_squeeze %dma_start3A_125 : memref<1x128xi32, #tpu.memory_space<vmem>> -> memref<128xi32, #tpu.memory_space<vmem>>
        %dma_start3A_127 = arith.constant 0 : i32
        %dma_start3A_128 = arith.constant 0 : i32
        %dma_start3A_129 = tpu.memref_slice %arg2[%dma_start3A_127, %dma_start3A_128] : memref<10000x128xf32, #tpu.memory_space<hbm>> -> memref<10000x128xf32, #tpu.memory_space<hbm>>
        tpu.enqueue_indirect_dma source(%dma_start3A_129 : memref<10000x128xf32, #tpu.memory_space<hbm>>) target(%arg6 : memref<128x128xf32, #tpu.memory_space<vmem>>) offsets(%dma_start3A_126 : memref<128xi32, #tpu.memory_space<vmem>>) semaphore(%arg10 : memref<!tpu.dma_semaphore, #tpu.memory_space<semaphore_mem>>)
      } else {
      }
      %mul3A_42 = arith.constant 4 : i32
      %mul3A_43 = arith.muli %scan3A_27, %mul3A_42 : i32
      %add3A_44 = arith.constant 1 : i32
      %add3A_45 = arith.addi %mul3A_43, %add3A_44 : i32
      %ge3A_46 = arith.constant 4 : i32
      %ge3A_47 = arith.cmpi sge, %add3A_45, %ge3A_46 : i32
      %sub3A_48 = arith.constant 4 : i32
      %sub3A_49 = arith.subi %add3A_45, %sub3A_48 : i32
      %lt3A_50 = arith.cmpi slt, %sub3A_49, %min3A : i32
      %and3A_51 = arith.andi %ge3A_47, %lt3A_50 : i1
      %convert_element_type3A_52 = arith.extui %and3A_51 : i1 to i32
      %cond3A_53 = arith.constant 0 : i32
      %cond3A_54 = arith.cmpi ne, %convert_element_type3A_52, %cond3A_53 : i32
      scf.if %cond3A_54 {
        %dma_wait3A = arith.constant 0 : i32
        %dma_wait3A_125 = arith.constant 0 : i32
        %dma_wait3A_126 = tpu.memref_slice %arg4[%dma_wait3A, %dma_wait3A_125] : memref<160000x128xf32, #tpu.memory_space<hbm>> -> memref<128x128xf32, #tpu.memory_space<hbm>>
        %dma_wait3A_127 = arith.constant 0 : i32
        %dma_wait3A_128 = arith.constant 0 : i32
        %dma_wait3A_129 = tpu.memref_slice %arg4[%dma_wait3A_127, %dma_wait3A_128] : memref<160000x128xf32, #tpu.memory_space<hbm>> -> memref<128x128xf32, #tpu.memory_space<hbm>>
        tpu.wait_dma2 semaphore(%arg15 : memref<!tpu.dma_semaphore, #tpu.memory_space<semaphore_mem>>) src(%dma_wait3A_129 : memref<128x128xf32, #tpu.memory_space<hbm>>) dst(%arg7 : memref<128x128xf32, #tpu.memory_space<vmem>>)
      } else {
      }
      %lt3A_55 = arith.cmpi slt, %add3A_45, %min3A : i32
      %convert_element_type3A_56 = arith.extui %lt3A_55 : i1 to i32
      %cond3A_57 = arith.constant 0 : i32
      %cond3A_58 = arith.cmpi ne, %convert_element_type3A_56, %cond3A_57 : i32
      scf.if %cond3A_58 {
        %dma_start3A = arith.constant 0 : i32
        %dma_start3A_125 = tpu.memref_slice %arg5[%add3A_45, %dma_start3A] : memref<40x128xi32, #tpu.memory_space<vmem>> -> memref<1x128xi32, #tpu.memory_space<vmem>>
        %dma_start3A_126 = tpu.memref_squeeze %dma_start3A_125 : memref<1x128xi32, #tpu.memory_space<vmem>> -> memref<128xi32, #tpu.memory_space<vmem>>
        %dma_start3A_127 = arith.constant 0 : i32
        %dma_start3A_128 = arith.constant 0 : i32
        %dma_start3A_129 = tpu.memref_slice %arg2[%dma_start3A_127, %dma_start3A_128] : memref<10000x128xf32, #tpu.memory_space<hbm>> -> memref<10000x128xf32, #tpu.memory_space<hbm>>
        tpu.enqueue_indirect_dma source(%dma_start3A_129 : memref<10000x128xf32, #tpu.memory_space<hbm>>) target(%arg7 : memref<128x128xf32, #tpu.memory_space<vmem>>) offsets(%dma_start3A_126 : memref<128xi32, #tpu.memory_space<vmem>>) semaphore(%arg11 : memref<!tpu.dma_semaphore, #tpu.memory_space<semaphore_mem>>)
      } else {
      }
      %mul3A_59 = arith.constant 4 : i32
      %mul3A_60 = arith.muli %scan3A_27, %mul3A_59 : i32
      %add3A_61 = arith.constant 2 : i32
      %add3A_62 = arith.addi %mul3A_60, %add3A_61 : i32
      %ge3A_63 = arith.constant 4 : i32
      %ge3A_64 = arith.cmpi sge, %add3A_62, %ge3A_63 : i32
      %sub3A_65 = arith.constant 4 : i32
      %sub3A_66 = arith.subi %add3A_62, %sub3A_65 : i32
      %lt3A_67 = arith.cmpi slt, %sub3A_66, %min3A : i32
      %and3A_68 = arith.andi %ge3A_64, %lt3A_67 : i1
      %convert_element_type3A_69 = arith.extui %and3A_68 : i1 to i32
      %cond3A_70 = arith.constant 0 : i32
      %cond3A_71 = arith.cmpi ne, %convert_element_type3A_69, %cond3A_70 : i32
      scf.if %cond3A_71 {
        %dma_wait3A = arith.constant 0 : i32
        %dma_wait3A_125 = arith.constant 0 : i32
        %dma_wait3A_126 = tpu.memref_slice %arg4[%dma_wait3A, %dma_wait3A_125] : memref<160000x128xf32, #tpu.memory_space<hbm>> -> memref<128x128xf32, #tpu.memory_space<hbm>>
        %dma_wait3A_127 = arith.constant 0 : i32
        %dma_wait3A_128 = arith.constant 0 : i32
        %dma_wait3A_129 = tpu.memref_slice %arg4[%dma_wait3A_127, %dma_wait3A_128] : memref<160000x128xf32, #tpu.memory_space<hbm>> -> memref<128x128xf32, #tpu.memory_space<hbm>>
        tpu.wait_dma2 semaphore(%arg16 : memref<!tpu.dma_semaphore, #tpu.memory_space<semaphore_mem>>) src(%dma_wait3A_129 : memref<128x128xf32, #tpu.memory_space<hbm>>) dst(%arg8 : memref<128x128xf32, #tpu.memory_space<vmem>>)
      } else {
      }
      %lt3A_72 = arith.cmpi slt, %add3A_62, %min3A : i32
      %convert_element_type3A_73 = arith.extui %lt3A_72 : i1 to i32
      %cond3A_74 = arith.constant 0 : i32
      %cond3A_75 = arith.cmpi ne, %convert_element_type3A_73, %cond3A_74 : i32
      scf.if %cond3A_75 {
        %dma_start3A = arith.constant 0 : i32
        %dma_start3A_125 = tpu.memref_slice %arg5[%add3A_62, %dma_start3A] : memref<40x128xi32, #tpu.memory_space<vmem>> -> memref<1x128xi32, #tpu.memory_space<vmem>>
        %dma_start3A_126 = tpu.memref_squeeze %dma_start3A_125 : memref<1x128xi32, #tpu.memory_space<vmem>> -> memref<128xi32, #tpu.memory_space<vmem>>
        %dma_start3A_127 = arith.constant 0 : i32
        %dma_start3A_128 = arith.constant 0 : i32
        %dma_start3A_129 = tpu.memref_slice %arg2[%dma_start3A_127, %dma_start3A_128] : memref<10000x128xf32, #tpu.memory_space<hbm>> -> memref<10000x128xf32, #tpu.memory_space<hbm>>
        tpu.enqueue_indirect_dma source(%dma_start3A_129 : memref<10000x128xf32, #tpu.memory_space<hbm>>) target(%arg8 : memref<128x128xf32, #tpu.memory_space<vmem>>) offsets(%dma_start3A_126 : memref<128xi32, #tpu.memory_space<vmem>>) semaphore(%arg12 : memref<!tpu.dma_semaphore, #tpu.memory_space<semaphore_mem>>)
      } else {
      }
      %mul3A_76 = arith.constant 4 : i32
      %mul3A_77 = arith.muli %scan3A_27, %mul3A_76 : i32
      %add3A_78 = arith.constant 3 : i32
      %add3A_79 = arith.addi %mul3A_77, %add3A_78 : i32
      %ge3A_80 = arith.constant 4 : i32
      %ge3A_81 = arith.cmpi sge, %add3A_79, %ge3A_80 : i32
      %sub3A_82 = arith.constant 4 : i32
      %sub3A_83 = arith.subi %add3A_79, %sub3A_82 : i32
      %lt3A_84 = arith.cmpi slt, %sub3A_83, %min3A : i32
      %and3A_85 = arith.andi %ge3A_81, %lt3A_84 : i1
      %convert_element_type3A_86 = arith.extui %and3A_85 : i1 to i32
      %cond3A_87 = arith.constant 0 : i32
      %cond3A_88 = arith.cmpi ne, %convert_element_type3A_86, %cond3A_87 : i32
      scf.if %cond3A_88 {
        %dma_wait3A = arith.constant 0 : i32
        %dma_wait3A_125 = arith.constant 0 : i32
        %dma_wait3A_126 = tpu.memref_slice %arg4[%dma_wait3A, %dma_wait3A_125] : memref<160000x128xf32, #tpu.memory_space<hbm>> -> memref<128x128xf32, #tpu.memory_space<hbm>>
        %dma_wait3A_127 = arith.constant 0 : i32
        %dma_wait3A_128 = arith.constant 0 : i32
        %dma_wait3A_129 = tpu.memref_slice %arg4[%dma_wait3A_127, %dma_wait3A_128] : memref<160000x128xf32, #tpu.memory_space<hbm>> -> memref<128x128xf32, #tpu.memory_space<hbm>>
        tpu.wait_dma2 semaphore(%arg17 : memref<!tpu.dma_semaphore, #tpu.memory_space<semaphore_mem>>) src(%dma_wait3A_129 : memref<128x128xf32, #tpu.memory_space<hbm>>) dst(%arg9 : memref<128x128xf32, #tpu.memory_space<vmem>>)
      } else {
      }
      %lt3A_89 = arith.cmpi slt, %add3A_79, %min3A : i32
      %convert_element_type3A_90 = arith.extui %lt3A_89 : i1 to i32
      %cond3A_91 = arith.constant 0 : i32
      %cond3A_92 = arith.cmpi ne, %convert_element_type3A_90, %cond3A_91 : i32
      scf.if %cond3A_92 {
        %dma_start3A = arith.constant 0 : i32
        %dma_start3A_125 = tpu.memref_slice %arg5[%add3A_79, %dma_start3A] : memref<40x128xi32, #tpu.memory_space<vmem>> -> memref<1x128xi32, #tpu.memory_space<vmem>>
        %dma_start3A_126 = tpu.memref_squeeze %dma_start3A_125 : memref<1x128xi32, #tpu.memory_space<vmem>> -> memref<128xi32, #tpu.memory_space<vmem>>
        %dma_start3A_127 = arith.constant 0 : i32
        %dma_start3A_128 = arith.constant 0 : i32
        %dma_start3A_129 = tpu.memref_slice %arg2[%dma_start3A_127, %dma_start3A_128] : memref<10000x128xf32, #tpu.memory_space<hbm>> -> memref<10000x128xf32, #tpu.memory_space<hbm>>
        tpu.enqueue_indirect_dma source(%dma_start3A_129 : memref<10000x128xf32, #tpu.memory_space<hbm>>) target(%arg9 : memref<128x128xf32, #tpu.memory_space<vmem>>) offsets(%dma_start3A_126 : memref<128xi32, #tpu.memory_space<vmem>>) semaphore(%arg13 : memref<!tpu.dma_semaphore, #tpu.memory_space<semaphore_mem>>)
      } else {
      }
      %mul3A_93 = arith.constant 4 : i32
      %mul3A_94 = arith.muli %scan3A_27, %mul3A_93 : i32
      %add3A_95 = arith.constant 0 : i32
      %add3A_96 = arith.addi %mul3A_94, %add3A_95 : i32
      %lt3A_97 = arith.cmpi slt, %add3A_96, %min3A : i32
      %convert_element_type3A_98 = arith.extui %lt3A_97 : i1 to i32
      %cond3A_99 = arith.constant 0 : i32
      %cond3A_100 = arith.cmpi ne, %convert_element_type3A_98, %cond3A_99 : i32
      scf.if %cond3A_100 {
        %dma_wait3A = arith.constant 0 : i32
        %dma_wait3A_125 = tpu.memref_slice %arg5[%add3A_96, %dma_wait3A] : memref<40x128xi32, #tpu.memory_space<vmem>> -> memref<1x128xi32, #tpu.memory_space<vmem>>
        %dma_wait3A_126 = tpu.memref_squeeze %dma_wait3A_125 : memref<1x128xi32, #tpu.memory_space<vmem>> -> memref<128xi32, #tpu.memory_space<vmem>>
        %dma_wait3A_127 = arith.constant 0 : i32
        %dma_wait3A_128 = arith.constant 0 : i32
        %dma_wait3A_129 = tpu.memref_slice %arg2[%dma_wait3A_127, %dma_wait3A_128] : memref<10000x128xf32, #tpu.memory_space<hbm>> -> memref<10000x128xf32, #tpu.memory_space<hbm>>
        tpu.wait_indirect_dma semaphore(%arg10 : memref<!tpu.dma_semaphore, #tpu.memory_space<semaphore_mem>>) src(%dma_wait3A_129 : memref<10000x128xf32, #tpu.memory_space<hbm>>) dst(%arg6 : memref<128x128xf32, #tpu.memory_space<vmem>>)
        %add3A_130 = arith.addi %mul3A_2, %add3A_96 : i32
        %mul3A_131 = arith.constant 128 : i32
        %mul3A_132 = arith.muli %add3A_130, %mul3A_131 : i32
        %dma_start3A = arith.constant 0 : i32
        %dma_start3A_133 = tpu.memref_slice %arg4[%mul3A_132, %dma_start3A] : memref<160000x128xf32, #tpu.memory_space<hbm>> -> memref<128x128xf32, #tpu.memory_space<hbm>>
        %dma_start3A_134 = arith.constant 0 : i32
        %dma_start3A_135 = tpu.memref_slice %arg4[%mul3A_132, %dma_start3A_134] : memref<160000x128xf32, #tpu.memory_space<hbm>> -> memref<128x128xf32, #tpu.memory_space<hbm>>
        tpu.enqueue_dma source(%arg6 : memref<128x128xf32, #tpu.memory_space<vmem>>) target(%dma_start3A_135 : memref<128x128xf32, #tpu.memory_space<hbm>>) target_semaphore(%arg14 : memref<!tpu.dma_semaphore, #tpu.memory_space<semaphore_mem>>)
      } else {
      }
      %mul3A_101 = arith.constant 4 : i32
      %mul3A_102 = arith.muli %scan3A_27, %mul3A_101 : i32
      %add3A_103 = arith.constant 1 : i32
      %add3A_104 = arith.addi %mul3A_102, %add3A_103 : i32
      %lt3A_105 = arith.cmpi slt, %add3A_104, %min3A : i32
      %convert_element_type3A_106 = arith.extui %lt3A_105 : i1 to i32
      %cond3A_107 = arith.constant 0 : i32
      %cond3A_108 = arith.cmpi ne, %convert_element_type3A_106, %cond3A_107 : i32
      scf.if %cond3A_108 {
        %dma_wait3A = arith.constant 0 : i32
        %dma_wait3A_125 = tpu.memref_slice %arg5[%add3A_104, %dma_wait3A] : memref<40x128xi32, #tpu.memory_space<vmem>> -> memref<1x128xi32, #tpu.memory_space<vmem>>
        %dma_wait3A_126 = tpu.memref_squeeze %dma_wait3A_125 : memref<1x128xi32, #tpu.memory_space<vmem>> -> memref<128xi32, #tpu.memory_space<vmem>>
        %dma_wait3A_127 = arith.constant 0 : i32
        %dma_wait3A_128 = arith.constant 0 : i32
        %dma_wait3A_129 = tpu.memref_slice %arg2[%dma_wait3A_127, %dma_wait3A_128] : memref<10000x128xf32, #tpu.memory_space<hbm>> -> memref<10000x128xf32, #tpu.memory_space<hbm>>
        tpu.wait_indirect_dma semaphore(%arg11 : memref<!tpu.dma_semaphore, #tpu.memory_space<semaphore_mem>>) src(%dma_wait3A_129 : memref<10000x128xf32, #tpu.memory_space<hbm>>) dst(%arg7 : memref<128x128xf32, #tpu.memory_space<vmem>>)
        %add3A_130 = arith.addi %mul3A_2, %add3A_104 : i32
        %mul3A_131 = arith.constant 128 : i32
        %mul3A_132 = arith.muli %add3A_130, %mul3A_131 : i32
        %dma_start3A = arith.constant 0 : i32
        %dma_start3A_133 = tpu.memref_slice %arg4[%mul3A_132, %dma_start3A] : memref<160000x128xf32, #tpu.memory_space<hbm>> -> memref<128x128xf32, #tpu.memory_space<hbm>>
        %dma_start3A_134 = arith.constant 0 : i32
        %dma_start3A_135 = tpu.memref_slice %arg4[%mul3A_132, %dma_start3A_134] : memref<160000x128xf32, #tpu.memory_space<hbm>> -> memref<128x128xf32, #tpu.memory_space<hbm>>
        tpu.enqueue_dma source(%arg7 : memref<128x128xf32, #tpu.memory_space<vmem>>) target(%dma_start3A_135 : memref<128x128xf32, #tpu.memory_space<hbm>>) target_semaphore(%arg15 : memref<!tpu.dma_semaphore, #tpu.memory_space<semaphore_mem>>)
      } else {
      }
      %mul3A_109 = arith.constant 4 : i32
      %mul3A_110 = arith.muli %scan3A_27, %mul3A_109 : i32
      %add3A_111 = arith.constant 2 : i32
      %add3A_112 = arith.addi %mul3A_110, %add3A_111 : i32
      %lt3A_113 = arith.cmpi slt, %add3A_112, %min3A : i32
      %convert_element_type3A_114 = arith.extui %lt3A_113 : i1 to i32
      %cond3A_115 = arith.constant 0 : i32
      %cond3A_116 = arith.cmpi ne, %convert_element_type3A_114, %cond3A_115 : i32
      scf.if %cond3A_116 {
        %dma_wait3A = arith.constant 0 : i32
        %dma_wait3A_125 = tpu.memref_slice %arg5[%add3A_112, %dma_wait3A] : memref<40x128xi32, #tpu.memory_space<vmem>> -> memref<1x128xi32, #tpu.memory_space<vmem>>
        %dma_wait3A_126 = tpu.memref_squeeze %dma_wait3A_125 : memref<1x128xi32, #tpu.memory_space<vmem>> -> memref<128xi32, #tpu.memory_space<vmem>>
        %dma_wait3A_127 = arith.constant 0 : i32
        %dma_wait3A_128 = arith.constant 0 : i32
        %dma_wait3A_129 = tpu.memref_slice %arg2[%dma_wait3A_127, %dma_wait3A_128] : memref<10000x128xf32, #tpu.memory_space<hbm>> -> memref<10000x128xf32, #tpu.memory_space<hbm>>
        tpu.wait_indirect_dma semaphore(%arg12 : memref<!tpu.dma_semaphore, #tpu.memory_space<semaphore_mem>>) src(%dma_wait3A_129 : memref<10000x128xf32, #tpu.memory_space<hbm>>) dst(%arg8 : memref<128x128xf32, #tpu.memory_space<vmem>>)
        %add3A_130 = arith.addi %mul3A_2, %add3A_112 : i32
        %mul3A_131 = arith.constant 128 : i32
        %mul3A_132 = arith.muli %add3A_130, %mul3A_131 : i32
        %dma_start3A = arith.constant 0 : i32
        %dma_start3A_133 = tpu.memref_slice %arg4[%mul3A_132, %dma_start3A] : memref<160000x128xf32, #tpu.memory_space<hbm>> -> memref<128x128xf32, #tpu.memory_space<hbm>>
        %dma_start3A_134 = arith.constant 0 : i32
        %dma_start3A_135 = tpu.memref_slice %arg4[%mul3A_132, %dma_start3A_134] : memref<160000x128xf32, #tpu.memory_space<hbm>> -> memref<128x128xf32, #tpu.memory_space<hbm>>
        tpu.enqueue_dma source(%arg8 : memref<128x128xf32, #tpu.memory_space<vmem>>) target(%dma_start3A_135 : memref<128x128xf32, #tpu.memory_space<hbm>>) target_semaphore(%arg16 : memref<!tpu.dma_semaphore, #tpu.memory_space<semaphore_mem>>)
      } else {
      }
      %mul3A_117 = arith.constant 4 : i32
      %mul3A_118 = arith.muli %scan3A_27, %mul3A_117 : i32
      %add3A_119 = arith.constant 3 : i32
      %add3A_120 = arith.addi %mul3A_118, %add3A_119 : i32
      %lt3A_121 = arith.cmpi slt, %add3A_120, %min3A : i32
      %convert_element_type3A_122 = arith.extui %lt3A_121 : i1 to i32
      %cond3A_123 = arith.constant 0 : i32
      %cond3A_124 = arith.cmpi ne, %convert_element_type3A_122, %cond3A_123 : i32
      scf.if %cond3A_124 {
        %dma_wait3A = arith.constant 0 : i32
        %dma_wait3A_125 = tpu.memref_slice %arg5[%add3A_120, %dma_wait3A] : memref<40x128xi32, #tpu.memory_space<vmem>> -> memref<1x128xi32, #tpu.memory_space<vmem>>
        %dma_wait3A_126 = tpu.memref_squeeze %dma_wait3A_125 : memref<1x128xi32, #tpu.memory_space<vmem>> -> memref<128xi32, #tpu.memory_space<vmem>>
        %dma_wait3A_127 = arith.constant 0 : i32
        %dma_wait3A_128 = arith.constant 0 : i32
        %dma_wait3A_129 = tpu.memref_slice %arg2[%dma_wait3A_127, %dma_wait3A_128] : memref<10000x128xf32, #tpu.memory_space<hbm>> -> memref<10000x128xf32, #tpu.memory_space<hbm>>
        tpu.wait_indirect_dma semaphore(%arg13 : memref<!tpu.dma_semaphore, #tpu.memory_space<semaphore_mem>>) src(%dma_wait3A_129 : memref<10000x128xf32, #tpu.memory_space<hbm>>) dst(%arg9 : memref<128x128xf32, #tpu.memory_space<vmem>>)
        %add3A_130 = arith.addi %mul3A_2, %add3A_120 : i32
        %mul3A_131 = arith.constant 128 : i32
        %mul3A_132 = arith.muli %add3A_130, %mul3A_131 : i32
        %dma_start3A = arith.constant 0 : i32
        %dma_start3A_133 = tpu.memref_slice %arg4[%mul3A_132, %dma_start3A] : memref<160000x128xf32, #tpu.memory_space<hbm>> -> memref<128x128xf32, #tpu.memory_space<hbm>>
        %dma_start3A_134 = arith.constant 0 : i32
        %dma_start3A_135 = tpu.memref_slice %arg4[%mul3A_132, %dma_start3A_134] : memref<160000x128xf32, #tpu.memory_space<hbm>> -> memref<128x128xf32, #tpu.memory_space<hbm>>
        tpu.enqueue_dma source(%arg9 : memref<128x128xf32, #tpu.memory_space<vmem>>) target(%dma_start3A_135 : memref<128x128xf32, #tpu.memory_space<hbm>>) target_semaphore(%arg17 : memref<!tpu.dma_semaphore, #tpu.memory_space<semaphore_mem>>)
      } else {
      }
    }
    %scan3A_9 = arith.constant 10 : i32
    %gt3A = arith.constant 36 : i32
    %gt3A_10 = arith.cmpi sgt, %min3A, %gt3A : i32
    %convert_element_type3A = arith.extui %gt3A_10 : i1 to i32
    %cond3A = arith.constant 0 : i32
    %cond3A_11 = arith.cmpi ne, %convert_element_type3A, %cond3A : i32
    scf.if %cond3A_11 {
      %dma_wait3A = arith.constant 0 : i32
      %dma_wait3A_27 = arith.constant 0 : i32
      %dma_wait3A_28 = tpu.memref_slice %arg4[%dma_wait3A, %dma_wait3A_27] : memref<160000x128xf32, #tpu.memory_space<hbm>> -> memref<128x128xf32, #tpu.memory_space<hbm>>
      %dma_wait3A_29 = arith.constant 0 : i32
      %dma_wait3A_30 = arith.constant 0 : i32
      %dma_wait3A_31 = tpu.memref_slice %arg4[%dma_wait3A_29, %dma_wait3A_30] : memref<160000x128xf32, #tpu.memory_space<hbm>> -> memref<128x128xf32, #tpu.memory_space<hbm>>
      tpu.wait_dma2 semaphore(%arg14 : memref<!tpu.dma_semaphore, #tpu.memory_space<semaphore_mem>>) src(%dma_wait3A_31 : memref<128x128xf32, #tpu.memory_space<hbm>>) dst(%arg6 : memref<128x128xf32, #tpu.memory_space<vmem>>)
    } else {
    }
    %gt3A_12 = arith.constant 37 : i32
    %gt3A_13 = arith.cmpi sgt, %min3A, %gt3A_12 : i32
    %convert_element_type3A_14 = arith.extui %gt3A_13 : i1 to i32
    %cond3A_15 = arith.constant 0 : i32
    %cond3A_16 = arith.cmpi ne, %convert_element_type3A_14, %cond3A_15 : i32
    scf.if %cond3A_16 {
      %dma_wait3A = arith.constant 0 : i32
      %dma_wait3A_27 = arith.constant 0 : i32
      %dma_wait3A_28 = tpu.memref_slice %arg4[%dma_wait3A, %dma_wait3A_27] : memref<160000x128xf32, #tpu.memory_space<hbm>> -> memref<128x128xf32, #tpu.memory_space<hbm>>
      %dma_wait3A_29 = arith.constant 0 : i32
      %dma_wait3A_30 = arith.constant 0 : i32
      %dma_wait3A_31 = tpu.memref_slice %arg4[%dma_wait3A_29, %dma_wait3A_30] : memref<160000x128xf32, #tpu.memory_space<hbm>> -> memref<128x128xf32, #tpu.memory_space<hbm>>
      tpu.wait_dma2 semaphore(%arg15 : memref<!tpu.dma_semaphore, #tpu.memory_space<semaphore_mem>>) src(%dma_wait3A_31 : memref<128x128xf32, #tpu.memory_space<hbm>>) dst(%arg7 : memref<128x128xf32, #tpu.memory_space<vmem>>)
    } else {
    }
    %gt3A_17 = arith.constant 38 : i32
    %gt3A_18 = arith.cmpi sgt, %min3A, %gt3A_17 : i32
    %convert_element_type3A_19 = arith.extui %gt3A_18 : i1 to i32
    %cond3A_20 = arith.constant 0 : i32
    %cond3A_21 = arith.cmpi ne, %convert_element_type3A_19, %cond3A_20 : i32
    scf.if %cond3A_21 {
      %dma_wait3A = arith.constant 0 : i32
      %dma_wait3A_27 = arith.constant 0 : i32
      %dma_wait3A_28 = tpu.memref_slice %arg4[%dma_wait3A, %dma_wait3A_27] : memref<160000x128xf32, #tpu.memory_space<hbm>> -> memref<128x128xf32, #tpu.memory_space<hbm>>
      %dma_wait3A_29 = arith.constant 0 : i32
      %dma_wait3A_30 = arith.constant 0 : i32
      %dma_wait3A_31 = tpu.memref_slice %arg4[%dma_wait3A_29, %dma_wait3A_30] : memref<160000x128xf32, #tpu.memory_space<hbm>> -> memref<128x128xf32, #tpu.memory_space<hbm>>
      tpu.wait_dma2 semaphore(%arg16 : memref<!tpu.dma_semaphore, #tpu.memory_space<semaphore_mem>>) src(%dma_wait3A_31 : memref<128x128xf32, #tpu.memory_space<hbm>>) dst(%arg8 : memref<128x128xf32, #tpu.memory_space<vmem>>)
    } else {
    }
    %gt3A_22 = arith.constant 39 : i32
    %gt3A_23 = arith.cmpi sgt, %min3A, %gt3A_22 : i32
    %convert_element_type3A_24 = arith.extui %gt3A_23 : i1 to i32
    %cond3A_25 = arith.constant 0 : i32
    %cond3A_26 = arith.cmpi ne, %convert_element_type3A_24, %cond3A_25 : i32
    scf.if %cond3A_26 {
      %dma_wait3A = arith.constant 0 : i32
      %dma_wait3A_27 = arith.constant 0 : i32
      %dma_wait3A_28 = tpu.memref_slice %arg4[%dma_wait3A, %dma_wait3A_27] : memref<160000x128xf32, #tpu.memory_space<hbm>> -> memref<128x128xf32, #tpu.memory_space<hbm>>
      %dma_wait3A_29 = arith.constant 0 : i32
      %dma_wait3A_30 = arith.constant 0 : i32
      %dma_wait3A_31 = tpu.memref_slice %arg4[%dma_wait3A_29, %dma_wait3A_30] : memref<160000x128xf32, #tpu.memory_space<hbm>> -> memref<128x128xf32, #tpu.memory_space<hbm>>
      tpu.wait_dma2 semaphore(%arg17 : memref<!tpu.dma_semaphore, #tpu.memory_space<semaphore_mem>>) src(%dma_wait3A_31 : memref<128x128xf32, #tpu.memory_space<hbm>>) dst(%arg9 : memref<128x128xf32, #tpu.memory_space<vmem>>)
    } else {
    }
    return
  }
}

module attributes {stable_mosaic.version = 14 : i64} {
  func.func @_proj_body(%arg0: i32, %arg1: memref<1000x128xf32, #tpu.memory_space<vmem>>, %arg2: memref<128x128xf32, #tpu.memory_space<vmem>>, %arg3: memref<128x128xf32, #tpu.memory_space<vmem>>, %arg4: memref<1x128xf32, #tpu.memory_space<vmem>>, %arg5: memref<1x128xf32, #tpu.memory_space<vmem>>, %arg6: memref<1000x128xf32, #tpu.memory_space<vmem>>, %arg7: memref<1000x128xf32, #tpu.memory_space<vmem>>) attributes {dimension_semantics = [#tpu.dimension_semantics<arbitrary>], iteration_bounds = array<i64: 10>, scalar_prefetch = 0 : i64, scratch_operands = 0 : i64, tpu.core_type = #tpu.core_type<tc>, window_params = [{transform_indices = @transform_0, window_bounds = array<i64: 1000, 128>}, {pipeline_mode = #tpu.pipeline_mode<synchronous>, transform_indices = @transform_1, window_bounds = array<i64: 128, 128>}, {pipeline_mode = #tpu.pipeline_mode<synchronous>, transform_indices = @transform_2, window_bounds = array<i64: 128, 128>}, {pipeline_mode = #tpu.pipeline_mode<synchronous>, transform_indices = @transform_3, window_bounds = array<i64: 1, 128>}, {pipeline_mode = #tpu.pipeline_mode<synchronous>, transform_indices = @transform_4, window_bounds = array<i64: 1, 128>}, {transform_indices = @transform_5, window_bounds = array<i64: 1000, 128>}, {transform_indices = @transform_6, window_bounds = array<i64: 1000, 128>}]} {
    %get3A = arith.constant 0 : index
    %get3A_0 = arith.constant 0 : index
    %get3A_1 = vector.load %arg1[%get3A, %get3A_0] : memref<1000x128xf32, #tpu.memory_space<vmem>>, vector<1000x128xf32>
    %get3A_2 = arith.constant 0 : index
    %get3A_3 = arith.constant 0 : index
    %get3A_4 = vector.load %arg2[%get3A_2, %get3A_3] : memref<128x128xf32, #tpu.memory_space<vmem>>, vector<128x128xf32>
    %dot_general3A = arith.constant dense<0.000000e+00> : vector<1000x128xf32>
    %dot_general3A_5 = tpu.matmul %get3A_1, %get3A_4, %dot_general3A {dimension_numbers = #tpu.dot_dimension_numbers<[1], [0], [0], [1], [0, 0, 1, 1], [], []>, transpose_lhs_hint = false} : vector<1000x128xf32>, vector<128x128xf32>, vector<1000x128xf32> -> vector<1000x128xf32>
    %get3A_6 = arith.constant 0 : index
    %get3A_7 = arith.constant 0 : index
    %get3A_8 = vector.load %arg4[%get3A_6, %get3A_7] : memref<1x128xf32, #tpu.memory_space<vmem>>, vector<1x128xf32>
    %add3A = vector.broadcast %get3A_8 : vector<1x128xf32> to vector<1000x128xf32>
    %add3A_9 = arith.addf %dot_general3A_5, %add3A : vector<1000x128xf32>
    %swap3A = arith.constant 0 : index
    %swap3A_10 = arith.constant 0 : index
    %swap3A_11 = vector.load %arg6[%swap3A, %swap3A_10] : memref<1000x128xf32, #tpu.memory_space<vmem>>, vector<1000x128xf32>
    tpu.vector_store %arg6[%swap3A, %swap3A_10], %add3A_9 {strides = array<i32>} : memref<1000x128xf32, #tpu.memory_space<vmem>>, vector<1000x128xf32>,
    %get3A_12 = arith.constant 0 : index
    %get3A_13 = arith.constant 0 : index
    %get3A_14 = vector.load %arg3[%get3A_12, %get3A_13] : memref<128x128xf32, #tpu.memory_space<vmem>>, vector<128x128xf32>
    %dot_general3A_15 = arith.constant dense<0.000000e+00> : vector<1000x128xf32>
    %dot_general3A_16 = tpu.matmul %get3A_1, %get3A_14, %dot_general3A_15 {dimension_numbers = #tpu.dot_dimension_numbers<[1], [0], [0], [1], [0, 0, 1, 1], [], []>, transpose_lhs_hint = false} : vector<1000x128xf32>, vector<128x128xf32>, vector<1000x128xf32> -> vector<1000x128xf32>
    %get3A_17 = arith.constant 0 : index
    %get3A_18 = arith.constant 0 : index
    %get3A_19 = vector.load %arg5[%get3A_17, %get3A_18] : memref<1x128xf32, #tpu.memory_space<vmem>>, vector<1x128xf32>
    %add3A_20 = vector.broadcast %get3A_19 : vector<1x128xf32> to vector<1000x128xf32>
    %add3A_21 = arith.addf %dot_general3A_16, %add3A_20 : vector<1000x128xf32>
    %swap3A_22 = arith.constant 0 : index
    %swap3A_23 = arith.constant 0 : index
    %swap3A_24 = vector.load %arg7[%swap3A_22, %swap3A_23] : memref<1000x128xf32, #tpu.memory_space<vmem>>, vector<1000x128xf32>
    tpu.vector_store %arg7[%swap3A_22, %swap3A_23], %add3A_21 {strides = array<i32>} : memref<1000x128xf32, #tpu.memory_space<vmem>>, vector<1000x128xf32>,
    return
  }
  func.func @transform_0(%arg0: i32) -> (i32, i32) {
    %c0_i32 = arith.constant 0 : i32
    %c0_i32_0 = arith.constant 0 : i32
    return %arg0, %c0_i32 : i32, i32
  }
  func.func @transform_1(%arg0: i32) -> (i32, i32) {
    %c0_i32 = arith.constant 0 : i32
    %c0_i32_0 = arith.constant 0 : i32
    %c0_i32_1 = arith.constant 0 : i32
    return %c0_i32, %c0_i32_0 : i32, i32
  }
  func.func @transform_2(%arg0: i32) -> (i32, i32) {
    %c0_i32 = arith.constant 0 : i32
    %c0_i32_0 = arith.constant 0 : i32
    %c0_i32_1 = arith.constant 0 : i32
    return %c0_i32, %c0_i32_0 : i32, i32
  }
  func.func @transform_3(%arg0: i32) -> (i32, i32) {
    %c0_i32 = arith.constant 0 : i32
    %c0_i32_0 = arith.constant 0 : i32
    %c0_i32_1 = arith.constant 0 : i32
    return %c0_i32, %c0_i32_0 : i32, i32
  }
  func.func @transform_4(%arg0: i32) -> (i32, i32) {
    %c0_i32 = arith.constant 0 : i32
    %c0_i32_0 = arith.constant 0 : i32
    %c0_i32_1 = arith.constant 0 : i32
    return %c0_i32, %c0_i32_0 : i32, i32
  }
  func.func @transform_5(%arg0: i32) -> (i32, i32) {
    %c0_i32 = arith.constant 0 : i32
    %c0_i32_0 = arith.constant 0 : i32
    return %arg0, %c0_i32 : i32, i32
  }
  func.func @transform_6(%arg0: i32) -> (i32, i32) {
    %c0_i32 = arith.constant 0 : i32
    %c0_i32_0 = arith.constant 0 : i32
    return %arg0, %c0_i32 : i32, i32
  }
}

module attributes {stable_mosaic.version = 14 : i64} {
  func.func @_attn_body(%arg0: i32, %arg1: memref<6400x128xf32, #tpu.memory_space<vmem>>, %arg2: memref<6400x128xf32, #tpu.memory_space<vmem>>, %arg3: memref<200x128xf32, #tpu.memory_space<vmem>>, %arg4: memref<128x64xf32, #tpu.memory_space<vmem>>, %arg5: memref<1x64xf32, #tpu.memory_space<vmem>>, %arg6: memref<200x64xf32, #tpu.memory_space<vmem>>) attributes {dimension_semantics = [#tpu.dimension_semantics<arbitrary>], iteration_bounds = array<i64: 25>, scalar_prefetch = 0 : i64, scratch_operands = 0 : i64, tpu.core_type = #tpu.core_type<tc>, window_params = [{transform_indices = @transform_0, window_bounds = array<i64: 6400, 128>}, {transform_indices = @transform_1, window_bounds = array<i64: 6400, 128>}, {transform_indices = @transform_2, window_bounds = array<i64: 200, 128>}, {pipeline_mode = #tpu.pipeline_mode<synchronous>, transform_indices = @transform_3, window_bounds = array<i64: 128, 64>}, {pipeline_mode = #tpu.pipeline_mode<synchronous>, transform_indices = @transform_4, window_bounds = array<i64: 1, 64>}, {transform_indices = @transform_5, window_bounds = array<i64: 200, 64>}]} {
    %get3A = arith.constant 0 : index
    %get3A_0 = arith.constant 0 : index
    %get3A_1 = vector.load %arg1[%get3A, %get3A_0] : memref<6400x128xf32, #tpu.memory_space<vmem>>, vector<6400x128xf32>
    %reshape3A = vector.shape_cast %get3A_1 : vector<6400x128xf32> to vector<200x32x128xf32>
    %slice3A = vector.extract_strided_slice %reshape3A {offsets = [0, 0, 0], sizes = [200, 32, 64], strides = [1, 1, 1]} : vector<200x32x128xf32> to vector<200x32x64xf32>
    %slice3A_2 = vector.extract_strided_slice %reshape3A {offsets = [0, 0, 64], sizes = [200, 32, 64], strides = [1, 1, 1]} : vector<200x32x128xf32> to vector<200x32x64xf32>
    %get3A_3 = arith.constant 0 : index
    %get3A_4 = arith.constant 64 : index
    %get3A_5 = vector.load %arg3[%get3A_3, %get3A_4] : memref<200x128xf32, #tpu.memory_space<vmem>>, vector<200x64xf32>
    %broadcast_in_dim3A = vector.shape_cast %get3A_5 : vector<200x64xf32> to vector<200x1x64xf32>
    %mul3A = vector.broadcast %broadcast_in_dim3A : vector<200x1x64xf32> to vector<200x32x64xf32>
    %mul3A_6 = arith.mulf %slice3A, %mul3A : vector<200x32x64xf32>
    %reduce_sum3A = arith.constant dense<0.000000e+00> : vector<200x32xf32>
    %reduce_sum3A_7 = vector.multi_reduction <add>, %mul3A_6, %reduce_sum3A [2] : vector<200x32x64xf32> to vector<200x32xf32>
    %reduce_max3A = arith.constant dense<0xFF800000> : vector<200xf32>
    %reduce_max3A_8 = vector.multi_reduction <maximumf>, %reduce_sum3A_7, %reduce_max3A [1] : vector<200x32xf32> to vector<200xf32>
    %broadcast_in_dim3A_9 = vector.shape_cast %reduce_max3A_8 : vector<200xf32> to vector<200x1xf32>
    %sub3A = vector.broadcast %broadcast_in_dim3A_9 : vector<200x1xf32> to vector<200x32xf32>
    %sub3A_10 = arith.subf %reduce_sum3A_7, %sub3A : vector<200x32xf32>
    %exp3A = math.exp %sub3A_10 : vector<200x32xf32>
    %reduce_sum3A_11 = arith.constant dense<0.000000e+00> : vector<200xf32>
    %reduce_sum3A_12 = vector.multi_reduction <add>, %exp3A, %reduce_sum3A_11 [1] : vector<200x32xf32> to vector<200xf32>
    %broadcast_in_dim3A_13 = vector.shape_cast %reduce_sum3A_12 : vector<200xf32> to vector<200x1xf32>
    %div3A = vector.broadcast %broadcast_in_dim3A_13 : vector<200x1xf32> to vector<200x32xf32>
    %div3A_14 = arith.divf %exp3A, %div3A : vector<200x32xf32>
    %broadcast_in_dim3A_15 = vector.shape_cast %div3A_14 : vector<200x32xf32> to vector<200x32x1xf32>
    %mul3A_16 = vector.broadcast %broadcast_in_dim3A_15 : vector<200x32x1xf32> to vector<200x32x64xf32>
    %mul3A_17 = arith.mulf %slice3A_2, %mul3A_16 : vector<200x32x64xf32>
    %reduce_sum3A_18 = arith.constant dense<0.000000e+00> : vector<200x64xf32>
    %reduce_sum3A_19 = vector.multi_reduction <add>, %mul3A_17, %reduce_sum3A_18 [1] : vector<200x32x64xf32> to vector<200x64xf32>
    %get3A_20 = arith.constant 0 : index
    %get3A_21 = arith.constant 0 : index
    %get3A_22 = vector.load %arg2[%get3A_20, %get3A_21] : memref<6400x128xf32, #tpu.memory_space<vmem>>, vector<6400x128xf32>
    %reshape3A_23 = vector.shape_cast %get3A_22 : vector<6400x128xf32> to vector<200x32x128xf32>
    %slice3A_24 = vector.extract_strided_slice %reshape3A_23 {offsets = [0, 0, 0], sizes = [200, 32, 64], strides = [1, 1, 1]} : vector<200x32x128xf32> to vector<200x32x64xf32>
    %reduce_sum3A_25 = arith.constant dense<0.000000e+00> : vector<200x64xf32>
    %reduce_sum3A_26 = vector.multi_reduction <add>, %slice3A_24, %reduce_sum3A_25 [1] : vector<200x32x64xf32> to vector<200x64xf32>
    %concatenate3A = tpu.concatenate %reduce_sum3A_19, %reduce_sum3A_26 in 1 : vector<200x64xf32>, vector<200x64xf32> -> vector<200x128xf32>
    %get3A_27 = arith.constant 0 : index
    %get3A_28 = arith.constant 0 : index
    %get3A_29 = vector.load %arg4[%get3A_27, %get3A_28] : memref<128x64xf32, #tpu.memory_space<vmem>>, vector<128x64xf32>
    %dot_general3A = arith.constant dense<0.000000e+00> : vector<200x64xf32>
    %dot_general3A_30 = tpu.matmul %concatenate3A, %get3A_29, %dot_general3A {dimension_numbers = #tpu.dot_dimension_numbers<[1], [0], [0], [1], [0, 0, 1, 1], [], []>, transpose_lhs_hint = false} : vector<200x128xf32>, vector<128x64xf32>, vector<200x64xf32> -> vector<200x64xf32>
    %get3A_31 = arith.constant 0 : index
    %get3A_32 = arith.constant 0 : index
    %get3A_33 = vector.load %arg5[%get3A_31, %get3A_32] : memref<1x64xf32, #tpu.memory_space<vmem>>, vector<1x64xf32>
    %add3A = vector.broadcast %get3A_33 : vector<1x64xf32> to vector<200x64xf32>
    %add3A_34 = arith.addf %dot_general3A_30, %add3A : vector<200x64xf32>
    %tanh3A = math.tanh %add3A_34 : vector<200x64xf32>
    %mul3A_35 = arith.mulf %tanh3A, %tanh3A : vector<200x64xf32>
    %reduce_sum3A_36 = arith.constant dense<0.000000e+00> : vector<200xf32>
    %reduce_sum3A_37 = vector.multi_reduction <add>, %mul3A_35, %reduce_sum3A_36 [1] : vector<200x64xf32> to vector<200xf32>
    %broadcast_in_dim3A_38 = vector.shape_cast %reduce_sum3A_37 : vector<200xf32> to vector<200x1xf32>
    %sqrt3A = math.sqrt %broadcast_in_dim3A_38 : vector<200x1xf32>
    %max3A = arith.constant 9.99999996E-13 : f32
    %max3A_39 = vector.broadcast %max3A : f32 to vector<200x1xf32>
    %max3A_40 = arith.maximumf %sqrt3A, %max3A_39 : vector<200x1xf32>
    %div3A_41 = vector.broadcast %max3A_40 : vector<200x1xf32> to vector<200x64xf32>
    %div3A_42 = arith.divf %tanh3A, %div3A_41 : vector<200x64xf32>
    %swap3A = arith.constant 0 : index
    %swap3A_43 = arith.constant 0 : index
    %swap3A_44 = vector.load %arg6[%swap3A, %swap3A_43] : memref<200x64xf32, #tpu.memory_space<vmem>>, vector<200x64xf32>
    tpu.vector_store %arg6[%swap3A, %swap3A_43], %div3A_42 {strides = array<i32>} : memref<200x64xf32, #tpu.memory_space<vmem>>, vector<200x64xf32>,
    return
  }
  func.func @transform_0(%arg0: i32) -> (i32, i32) {
    %c0_i32 = arith.constant 0 : i32
    %c0_i32_0 = arith.constant 0 : i32
    return %arg0, %c0_i32 : i32, i32
  }
  func.func @transform_1(%arg0: i32) -> (i32, i32) {
    %c0_i32 = arith.constant 0 : i32
    %c0_i32_0 = arith.constant 0 : i32
    return %arg0, %c0_i32 : i32, i32
  }
  func.func @transform_2(%arg0: i32) -> (i32, i32) {
    %c0_i32 = arith.constant 0 : i32
    %c0_i32_0 = arith.constant 0 : i32
    return %arg0, %c0_i32 : i32, i32
  }
  func.func @transform_3(%arg0: i32) -> (i32, i32) {
    %c0_i32 = arith.constant 0 : i32
    %c0_i32_0 = arith.constant 0 : i32
    %c0_i32_1 = arith.constant 0 : i32
    return %c0_i32, %c0_i32_0 : i32, i32
  }
  func.func @transform_4(%arg0: i32) -> (i32, i32) {
    %c0_i32 = arith.constant 0 : i32
    %c0_i32_0 = arith.constant 0 : i32
    %c0_i32_1 = arith.constant 0 : i32
    return %c0_i32, %c0_i32_0 : i32, i32
  }
  func.func @transform_5(%arg0: i32) -> (i32, i32) {
    %c0_i32 = arith.constant 0 : i32
    %c0_i32_0 = arith.constant 0 : i32
    return %arg0, %c0_i32 : i32, i32
  }
}

</mosaic_0001>

<sc_bundles>
// kernel: kernel.11.cloned.1.call-start
scs
__scs_entry_jumppad:
0x0: {  	(pc) =	sbr.rel $0x88, $3  }
0x1: {  	(tag) =	ssettag $0x0;
	lr =	simm.s32 $0x1  }
0x2: {  	[smem:$0x3F93] =	sst lr;
	_ =	strace $0xD0000000  }
0x3: {  	_ = 	snop  }
0x4: {  	_ = 	snop  }
0x5: {  	_ = 	snop  }
0x6: {  	_ = 	snop  }
0x7: {  	_ = 	snop  }
__scs_overlays_trampoline_lowered:
0x8: {  	[smem:$0x3FA2] =	sst s0  }
0x9: {  	[smem:$0x3FA3] =	sst s1  }
0xa: {  	[smem:$0x3FA4] =	sst s2  }
0xb: {  	[smem:$0x3FA5] =	sst s3  }
0xc: {  	[smem:$0x3FA6] =	sst s4  }
0xd: {  	[smem:$0x3FA7] =	sst s5  }
0xe: {  	[smem:$0x3FA8] =	sst s6  }
0xf: {  	[smem:$0x3FA9] =	sst s7  }
0x10: {  	[smem:$0x3FAA] =	sst s8  }
0x11: {  	[smem:$0x3FAB] =	sst s9;
	s0 =	simm.s32 @!p0 $0x0  }
0x12: {  	s1 =	sld [smem:$0x3F91];
	s0 =	simm.s32 @p0 $0x1  }
0x13: {  	[smem:$0x3FAC] =	sst s0;
	s0 =	simm.s32 @!p1 $0x0  }
0x14: {  	s2 =	sld [smem:$0x3F90];
	s0 =	simm.s32 @p1 $0x1  }
0x15: {  	[smem:$0x3FAD] =	sst s0;
	s0 =	simm.s32 @!p2 $0x0  }
0x16: {  	s3 =	sld [smem:$0x3FDB];
	s0 =	simm.s32 @p2 $0x1  }
0x17: {  	s4 =	simm.s32 $0x1BF5;
	[smem:$0x3FAF] =	sst s0  }
0x18: {  	s0 =	sld [smem:$0x3F92];
	_ =	swait.ge [sflag:s4], $0x0  }
0x19: {  	s7 =	sld [smem:$0x3F93]  }
0x1a: {  	s8 =	sadd.s32 $0xFFFFE003, lr  }
0x1b: {  	s9 =	sadd.s32 $0xFFFFFEF7, lr;
	s5 =	simm.s32 $0xFFFFFFFF;
	p2 =	slt.u32 s8, $0xFFFFF086  }
0x1c: {  	p1 =	slt.u32 s9, $0xF7A;
	s5 =	simm.s32 @!p2 $0x0  }
0x1d: {  	s5 =	simm.s32 @p1 $0x1;
	p0 =	seq.s32 s7, s2  }
0x1e: {  	s7 =	smul.u32 @!p0 $0xF7A, s2;
	p2 =	seq.s32 @!p0 s5, $0x0  }
0x1f: {  	s9 =	smul.u32 $0xF7A, s1;
	s8 =	simm.s32 @!p0 $0x1BF5;
	p2 =	por !p2, p0  }
0x20: {  	[sflag:s8] =	ssyncset.s32 @!p0 $0xFFFFF086;
	s6 =	sadd.s32 @!p0 s3, s7;
	s7 =	simm.s32 @!p0 $0x108  }
0x21: {  	s3 =	sadd.s32 s3, s9;
	s6 =	sadd.s32 @!p0 $0x88, s6;
	s7 =	simm.s32 @p2 $0x1082  }
0x22: {  	[simem:s7], [sflag:s8] =	dma.local @!p0 [hbm:s6], $0xF7A  }
0x23: {  	s9 =	sor.u32 $0xD0000000, s2;
	s6 =	simm.s32 $0x108;
	_ =	swait.ge @!p0 [sflag:s8], $0x0  }
0x24: {  	s3 =	sadd.s32 $0x88, s3;
	s6 =	simm.s32 @!p1 $0x1082;
	[sflag:s4] =	ssyncset.s32 $0xFFFFF086  }
0x25: {  	[simem:s6], [sflag:s4] =	dma.local [hbm:s3], $0xF7A  }
0x26: {  	[smem:$0x3F93] =	sst s1;
	(tag) =	ssettag s2;
	_ =	strace s9  }
0x27: {  	s1 =	sld [smem:$0x3FA3]  }
0x28: {  	s2 =	sld [smem:$0x3FA4]  }
0x29: {  	s4 =	sld [smem:$0x3FA6]  }
0x2a: {  	p0 =	seq.s32 s5, $0x0;
	s5 =	sld [smem:$0x3FA7]  }
0x2b: {  	s6 =	sld [smem:$0x3FA8]  }
0x2c: {  	s7 =	sld [smem:$0x3FA9]  }
0x2d: {  	s3 =	simm.s32 $0x108;
	s8 =	sld [smem:$0x3FAA]  }
0x2e: {  	s3 =	simm.s32 @!p0 $0x1082;
	s9 =	sld [smem:$0x3FAB]  }
0x2f: {  	lr =	sadd.s32 s0, s3;
	s0 =	sld [smem:$0x3FA2]  }
0x30: {  	s3 =	sld [smem:$0x3FA5]  }
0x31: {  	[smem:$0x3FAE] =	sst s10  }
0x32: {  	s10 =	sld [smem:$0x3FAC];
	_ =	sdelay $0x3  }
0x33: {  	p0 =	seq.s32 s10, $0x1;
	s10 =	sld [smem:$0x3FAE];
	_ =	sdelay $0x3  }
0x34: {  	[smem:$0x3FAE] =	sst s10  }
0x35: {  	s10 =	sld [smem:$0x3FAD];
	_ =	sdelay $0x3  }
0x36: {  	p1 =	seq.s32 s10, $0x1;
	s10 =	sld [smem:$0x3FAE];
	_ =	sdelay $0x3  }
0x37: {  	[smem:$0x3FAE] =	sst s10  }
0x38: {  	s10 =	sld [smem:$0x3FAF]  }
0x39: {  	_ = 	snop;
	(pc) =	sbr.ind lr, $3  }
0x3a: {  	_ = 	snop  }
0x3b: {  	_ = 	snop  }
0x3c: {  	p2 =	seq.s32 s10, $0x1;
	s10 =	sld [smem:$0x3FAE]  }
0x3d: {  	_ =	shalt  }
0x3e: {  	_ =	shalt  }
0x3f: {  	_ =	shalt  }
0x40: {  	_ =	shalt  }
0x41: {  	_ =	shalt  }
0x42: {  	_ =	shalt  }
0x43: {  	_ =	shalt  }
0x44: {  	_ =	shalt  }
0x45: {  	_ =	shalt  }
0x46: {  	_ =	shalt  }
0x47: {  	_ =	shalt  }
0x48: {  	_ =	shalt  }
0x49: {  	_ =	shalt  }
0x4a: {  	_ =	shalt  }
0x4b: {  	_ =	shalt  }
0x4c: {  	_ =	shalt  }
0x4d: {  	_ =	shalt  }
0x4e: {  	_ =	shalt  }
0x4f: {  	_ =	shalt  }
0x50: {  	_ =	shalt  }
0x51: {  	_ =	shalt  }
0x52: {  	_ =	shalt  }
0x53: {  	_ =	shalt  }
0x54: {  	_ =	shalt  }
0x55: {  	_ =	shalt  }
0x56: {  	_ =	shalt  }
0x57: {  	_ =	shalt  }
0x58: {  	_ =	shalt  }
0x59: {  	_ =	shalt  }
0x5a: {  	_ =	shalt  }
0x5b: {  	_ =	shalt  }
0x5c: {  	_ =	shalt  }
0x5d: {  	_ =	shalt  }
0x5e: {  	_ =	shalt  }
0x5f: {  	_ =	shalt  }
0x60: {  	_ =	shalt  }
0x61: {  	_ =	shalt  }
0x62: {  	_ =	shalt  }
0x63: {  	_ =	shalt  }
0x64: {  	_ =	shalt  }
0x65: {  	_ =	shalt  }
0x66: {  	_ =	shalt  }
0x67: {  	_ =	shalt  }
0x68: {  	_ =	shalt  }
0x69: {  	_ =	shalt  }
0x6a: {  	_ =	shalt  }
0x6b: {  	_ =	shalt  }
0x6c: {  	_ =	shalt  }
0x6d: {  	_ =	shalt  }
0x6e: {  	_ =	shalt  }
0x6f: {  	_ =	shalt  }
0x70: {  	_ =	shalt  }
0x71: {  	_ =	shalt  }
0x72: {  	_ =	shalt  }
0x73: {  	_ =	shalt  }
0x74: {  	_ =	shalt  }
0x75: {  	_ =	shalt  }
0x76: {  	_ =	shalt  }
0x77: {  	_ =	shalt  }
0x78: {  	_ =	shalt  }
0x79: {  	_ =	shalt  }
0x7a: {  	_ =	shalt  }
0x7b: {  	_ =	shalt  }
0x7c: {  	_ =	shalt  }
0x7d: {  	_ =	shalt  }
0x7e: {  	_ =	shalt  }
0x7f: {  	_ =	shalt  }
0x80: {  	_ =	shalt  }
0x81: {  	_ =	shalt  }
0x82: {  	_ =	shalt  }
0x83: {  	_ =	shalt  }
0x84: {  	_ =	shalt  }
0x85: {  	_ =	shalt  }
0x86: {  	_ =	shalt  }
0x87: {  	_ =	shalt  }
.Lfunc_end0:
.L_simem_size_0:
called_computation_lowered:
.L_overlay_start_0:
0x88: {  	s2 =	sld [smem:$0x3FD9]  }
0x89: {  	s3 =	sld [smem:$0x3FFE];
	_ =	sdelay $0x1  }
0x8a: {  	s1 =	srdreg.scid  }
0x8b: {  	s0 =	sand.u32 $0x1, s1  }
0x8c: {  	s17 =	sshll.u32 s0, $0xA;
	s2 =	sadd.s32 s3, s2  }
0x8d: {  	s2 =	sadd.s32 s2, s17  }
0x8e: {  	[smem:$0x3FBA] =	sst s2  }
0x8f: {  	_ = 	snop  }
0x90: {  	(tm) =	ssettm $0x1  }
0x91: {  	s18 =	sld [smem:$0x3FFB];
	_ =	sdelay $0x3  }
0x92: {  	_ =	strace s18  }
0x93: {  	s2 =	sld [smem:$0x3FFC];
	_ =	sdelay $0x3  }
0x94: {  	_ =	strace s2  }
0x95: {  	s2 =	sld [smem:$0x3FFD];
	_ =	sdelay $0x3  }
0x96: {  	_ =	strace s2  }
0x97: {  	_ =	strace $0x8FFFFFFF  }
0x98: {  	s19 =	sld [smem:$0x3FDB];
	_ =	sdelay $0x1  }
0x99: {  	s20 =	simm.s32 $_scs_section_size  }
0x9a: {  	s4 =	simm.s32 $_size__tile_overlayer_lowered;
	s5 =	simm.s32 $_tile_overlayer_lowered  }
0x9b: {  	s6 =	simm.s32 $0x1BFF;
	s21 =	sshll.u32 s5, $0x1;
	s3 =	sadd.s32 s20, s19  }
0x9c: {  	s22 =	simm.s32 $0x0;
	s4 =	sshll.u32 s4, $0x1;
	s5 =	sadd.s32 s21, s3  }
0x9d: {  	[timem:s22], [sflag:s6] =	dma.local [hbm:s5], s4  }
0x9e: {  	_ =	swait.ge [sflag:s6], s4  }
0x9f: {  	s4 =	ssub.s32 $0x0, s4;
	[sflag:s6] =	ssyncset.done $0x0  }
0xa0: {  	[sflag:s6] =	ssyncadd.s32 s4;
	_ =	sdelay $0x1  }
0xa1: {  	s23 =	simm.s32 $0x1B8B  }
0xa2: {  	_ =	swait.ge [sflag:s23], $0x1  }
0xa3: {  	[sflag:s23] =	ssyncset.done $0x0  }
0xa4: {  	[sflag:s23] =	ssyncadd.s32 $0xFFFFFFFF  }
0xa5: {  	s4 =	sld [smem:$0x0]  }
0xa6: {  	s5 =	sand.u32 $0xFFFFFFFE, s1  }
0xa7: {  	p0 =	sne.s32 s1, s5  }
0xa8: {  	s5 =	sshll.u32 @p0 s5, $0xE  }
0xa9: {  	s5 =	sadd.s32 @p0 $0x11B8D, s5;
	s6 =	sshll.u32 @p0 s4, $0x11  }
0xaa: {  	s5 =	sor.u32 @p0 s6, s5  }
0xab: {  	[sflag:s5] =	ssyncadd.remote.s32 @p0 $0x1;
	_ =	sdelay $0x1  }
0xac: {  	s5 =	simm.s32 @p0 $0x1B8D  }
0xad: {  	_ =	swait.eq @p0 [sflag:s5], $0x1  }
0xae: {  	[sflag:s5] =	ssyncadd.s32 @p0 $0xFFFFFFFF  }
0xaf: {  	s6 =	sshll.u32 @!p0 s1, $0xE  }
0xb0: {  	s6 =	sor.u32 @!p0 $0x4000, s6;
	s5 =	simm.s32 @!p0 $0x1B8D  }
0xb1: {  	s4 =	sshll.u32 @!p0 s4, $0x11;
	s6 =	sadd.s32 @!p0 $0x11B8D, s6;
	_ =	swait.eq @!p0 [sflag:s5], $0x1  }
0xb2: {  	s4 =	sor.u32 @!p0 s4, s6;
	[sflag:s5] =	ssyncadd.s32 @!p0 $0xFFFFFFFF  }
0xb3: {  	s25 =	simm.s32 $0x1B8E;
	s24 =	sld [smem:$0x3FFE];
	[sflag:s4] =	ssyncadd.remote.s32 @!p0 $0x1  }
0xb4: {  	s26 =	simm.s32 $execute0_lowered;
	[smem:$0x3FD2] =	sst s25  }
0xb5: {  	s5 =	sshll.u32 s26, $0x1;
	_ =	strace $0x8000004C;
	[dreg:$0x1] =	wrdreg $0xFFFFFFFF  }
0xb6: {  	s28 =	simm.s32 $_size_execute0_lowered;
	s3 =	sadd.s32 s3, s5;
	[dreg:$0x0] =	wrdreg $0x0  }
0xb7: {  	s5 =	sshll.u32 s28, $0x1;
	[dreg:$0x2] =	wrdreg s3  }
0xb8: {  	[dreg:$0x3] =	wrdreg s5  }
0xb9: {  	[dreg:$0x4] =	wrdreg $0xC0  }
0xba: {  	_ =	task [dreg:s22], $0x5FFFF  }
0xbb: {  	[dreg:$0x1] =	wrdreg $0xFFFFFFFF  }
0xbc: {  	[dreg:$0x0] =	wrdreg $0x60  }
0xbd: {  	[dreg:$0x2] =	wrdreg s24  }
0xbe: {  	[dreg:$0x3] =	wrdreg $0x9  }
0xbf: {  	_ =	task.clear_ibuf [dreg:s22], $0x4FFFF;
	_ =	strace $0x9000004C  }
0xc0: {  	s29 =	simm.s32 $0x9;
	_ =	strace $0x8000004E  }
0xc1: {  	_ =	swait.ge [sflag:s29], $0x1  }
0xc2: {  	[sflag:s29] =	ssyncadd.s32 $0xFFFFFFFF  }
0xc3: {  	_ =	strace $0x9000004E  }
0xc4: {  	_ =	sfence  }
0xc5: {  	s30 =	sld [smem:$0x0];
	_ =	sdelay $0x2  }
0xc6: {  	s31 =	sshll.u32 s1, $0xD;
	s1 =	sshrl.u32 s1, $0x2  }
0xc7: {  	s4 =	sand.u32 $0x4000, s31;
	s1 =	sadd.s32 s1, s30  }
0xc8: {  	s0 =	sor.u32 s4, s0;
	s1 =	sshll.u32 s1, $0x11  }
0xc9: {  	s0 =	sor.u32 s1, s0  }
0xca: {  	s0 =	sadd.s32 $0x8F2B, s0  }
0xcb: {  	[sflag:s0] =	ssyncadd.remote.s32 $0x1  }
0xcc: {  	_ =	sfence.sel $0xFFFF  }
0xcd: {  	[dreg:$0x0] =	wrdreg $0xFFFFFFFF;
	(pc) =	sbr.abs _section_cstart, $3  }
0xce: {  	[dreg:$0x1] =	wrdreg $0xFFFFFFFF  }
0xcf: {  	_ =	task.clear_ibuf [dreg:s22], $0x2FFFF;
	_ =	strace $0x9FFFFFFF  }
0xd0: {  	(tm) =	ssettm $0x7FFFFFFF  }
0xd1: {  	_ =	shalt  }
tec
execute0_lowered:
.L_overlay_start_1:
0x0: {  	(tag) =	ssettag $0x1  }
0x1: {  	s0 =	srdreg.scid;
	s5 =	rddreg [dreg:$0x0]  }
0x2: {  	s2 =	simm.s32 $0x0;
	s6 =	sand.u32 $0x1, s0;
	s0 =	stileid.u32  }
0x3: {  	[smem:$0x7FF] =	sst s2;
	s10 =	smul.u32 $0x280, s6  }
0x4: {  	s3 =	sadd.s32 $0x30A00, s5;
	s25 =	sadd.s32 $0x2E7200, s5;
	s12 =	smul.u32 $0x28, s0  }
0x5: {  	s1 =	sshll.u32 s6, $0x4;
	s9 =	ssub.s32 $0x2, s6;
	s29 =	smul.u32 $0x140000, s6  }
0x6: {  	s30 =	smul.u32 $0x14000, s0;
	s11 =	sor.u32 s0, s1;
	s1 =	rddreg [dreg:$0x1]  }
0x7: {  	_ =	strace $0x8000004D;
	s23 =	sshrl.u32 s9, $0x1;
	s4 =	smul.u32 $0x280, s11  }
0x8: {  	s7 =	smul.u32 $0x28, s11;
	s26 =	sadd.s32 s12, s10;
	p0 =	seq.s32 s11, $0x1F  }
0x9: {  	s31 =	sadd.s32 s29, s25;
	s10 =	simm.s32 $0x9;
	s11 =	simm.s32 @!p0 $0x0  }
0xa: {  	s8 =	sadd.s32 s4, s5;
	s22 =	ssub.s32 $0x4E2, s7;
	s7 =	ssub.s32 s9, s23  }
0xb: {  	s11 =	simm.s32 @p0 $0x1;
	s4 =	smin.u32 s22, $0x28;
	s5 =	sadd.s32 $0x2E2200, s8  }
0xc: {  	s8 =	sshll.u32 s26, $0xB;
	s6 =	smax.u32 s7, $0x1;
	s7 =	sadd.s32 s30, s31  }
0xd: {  	[smem:$0x7FD] =	sst s11;
	s11 =	simm.s32 $0x0;
	s24 =	sor.u32 $0x4, s4  }
0xe: {  	s28 =	sadd.s32 $0x3, s4;
	s9 =	sadd.s32 s8, s25;
	[dreg:$0x2] =	wrdreg s24  }
0xf: {  	[dreg:$0x3] =	wrdreg s28;
	s8 =	sadd.s32 $0x1800, s9;
	s9 =	sadd.s32 $0x1000, s9  }
.LBB2_1:
0x10: {  	[tilespmem:s2], [sflag:$0x9] =	stream.linear.gather [hbm4b:s5+s2], $0x1400, $0x38;
	[tilespmem:$0x11400] =	vst v63  }
0x11: {  	p0 =	por $0x1, $0x1;
	_ =	swait.ge [sflag:s10], $0x1400  }
0x12: {  	p1 =	por p0, p0;
	s12 =	rddreg [dreg:$0x2]  }
0x13: {  	p0 =	sle.u32 @!p1 s12, $0x0  }
0x14: {  	[sflag:s10] =	ssyncset.done $0x0;
	p2 =	por p0, p1  }
0x15: {  	[sflag:s10] =	ssyncadd.s32 $0xFFFFEC00;
	s12 =	simm.s32 @!p2 $0x5  }
0x16: {  	p0 =	sle.u32 s4, $0x0;
	_ =	swait.ge @!p2 [sflag:s12], $0x4000  }
0x17: {  	s14 =	simm.s32 @!p0 $0x80;
	[sflag:s12] =	ssyncset.done @!p2 $0x0;
	s13 =	rddreg [dreg:$0x3]  }
0x18: {  	s15 =	simm.s32 @!p0 $0x1400;
	[sflag:s12] =	ssyncadd.s32 @!p2 $0xFFFFC000;
	p2 =	sle.u32 @!p1 s13, $0x0  }
0x19: {  	[tilespmem:s15], [sflag:$0x1] =	stream.indirect.gather @!p0 [hbm4b:s3+s14], $0x80, s2, s14, $0xb8;
	[tilespmem:$0x11400] =	vst v63  }
0x1a: {  	p3 =	sge.u32 s4, $0x0;
	p4 =	por p2, p1  }
0x1b: {  	p5 =	por $0x0, $0x0;
	p1 =	sle.u32 s4, $0x1;
	s12 =	simm.s32 @!p4 $0x6  }
0x1c: {  	p2 =	por !p5, !p3;
	s13 =	simm.s32 @!p1 $0x80;
	_ =	swait.ge @!p4 [sflag:s12], $0x4000  }
0x1d: {  	s14 =	simm.s32 @!p1 $0x80;
	p2 =	por !p2, !p2;
	[sflag:s12] =	ssyncset.done @!p4 $0x0  }
0x1e: {  	s16 =	simm.s32 @!p1 $0x5400;
	[sflag:s12] =	ssyncadd.s32 @!p4 $0xFFFFC000;
	s12 =	simm.s32 @p2 $0x7  }
0x1f: {  	[tilespmem:s16], [sflag:$0x2] =	stream.indirect.gather @!p1 [hbm4b:s3+s14], $0x80, s13, s14, $0xb8;
	[tilespmem:$0x11400] =	vst v63  }
0x20: {  	p4 =	sle.u32 s4, $0x2;
	_ =	swait.ge @p2 [sflag:s12], $0x4000  }
0x21: {  	s17 =	simm.s32 @p2 $0x8;
	s13 =	simm.s32 @!p4 $0x100;
	[sflag:s12] =	ssyncset.done @p2 $0x0  }
0x22: {  	s14 =	simm.s32 @!p4 $0x9400;
	[sflag:s12] =	ssyncadd.s32 @p2 $0xFFFFC000;
	s12 =	simm.s32 @!p4 $0x80  }
0x23: {  	[tilespmem:s14], [sflag:$0x3] =	stream.indirect.gather @!p4 [hbm4b:s3+s12], $0x80, s13, s12, $0xb8;
	[tilespmem:$0x11400] =	vst v63  }
0x24: {  	p3 =	sle.u32 s4, $0x3;
	_ =	swait.ge @p2 [sflag:s17], $0x4000  }
0x25: {  	s20 =	simm.s32 @!p3 $0xD400;
	s12 =	simm.s32 @!p0 $0x1;
	[sflag:s17] =	ssyncset.done @p2 $0x0  }
0x26: {  	s13 =	simm.s32 @!p3 $0x180;
	[sflag:s17] =	ssyncadd.s32 @p2 $0xFFFFC000;
	s17 =	simm.s32 @!p3 $0x80  }
0x27: {  	[tilespmem:s20], [sflag:$0x4] =	stream.indirect.gather @!p3 [hbm4b:s3+s17], $0x80, s13, s17, $0xb8;
	[tilespmem:$0x11400] =	vst v63  }
0x28: {  	_ =	swait.ge @!p0 [sflag:s12], $0x4000  }
0x29: {  	p6 =	por $0x0, $0x0;
	[sflag:s12] =	ssyncset.done @!p0 $0x0  }
0x2a: {  	s13 =	simm.s32 @!p0 $0x0;
	s17 =	simm.s32 @!p1 $0x2;
	[sflag:s12] =	ssyncadd.s32 @!p0 $0xFFFFC000  }
0x2b: {  	[hbm4b:s7+s13] =	stream.linear.scatter @!p0 [tilespmem:s15], [sflag:$0x5], $0x4000, $0x38;
	[tilespmem:$0x11400] =	vst v63  }
0x2c: {  	s22 =	simm.s32 @!p3 $0x4;
	s23 =	simm.s32 @!p3 $0x0;
	_ =	swait.ge @!p1 [sflag:s17], $0x4000  }
0x2d: {  	s18 =	simm.s32 @!p4 $0x3;
	p2 =	por p6, p6;
	[sflag:s17] =	ssyncset.done @!p1 $0x0  }
0x2e: {  	s12 =	sadd.s32 @!p1 $0xFFFFF000, s8;
	s13 =	simm.s32 @!p1 $0x0;
	[sflag:s17] =	ssyncadd.s32 @!p1 $0xFFFFC000  }
0x2f: {  	[hbm4b:s12+s13] =	stream.linear.scatter @!p1 [tilespmem:s16], [sflag:$0x6], $0x4000, $0x38;
	[tilespmem:$0x11400] =	vst v63  }
0x30: {  	s15 =	simm.s32 $0x4;
	s17 =	simm.s32 $0x0;
	_ =	swait.ge @!p4 [sflag:s18], $0x4000  }
0x31: {  	s16 =	simm.s32 $0x8;
	s12 =	simm.s32 @!p4 $0x0;
	[sflag:s18] =	ssyncset.done @!p4 $0x0  }
0x32: {  	s13 =	sadd.s32 $0x2000, s9;
	[sflag:s18] =	ssyncadd.s32 @!p4 $0xFFFFC000;
	s18 =	smov.u32 s8  }
0x33: {  	[hbm4b:s9+s12] =	stream.linear.scatter @!p4 [tilespmem:s14], [sflag:$0x7], $0x4000, $0x38;
	[tilespmem:$0x11400] =	vst v63  }
0x34: {  	s12 =	sadd.s32 $0x2000, s8;
	s14 =	sadd.s32 $0x2000, s7;
	_ =	swait.ge @!p3 [sflag:s22], $0x4000  }
.LBB2_2:
0x35: {  	s24 =	rddreg [dreg:$0x2];
	[sflag:s22] =	ssyncset.done @!p3 $0x0  }
0x36: {  	[sflag:s22] =	ssyncadd.s32 @!p3 $0xFFFFC000;
	p0 =	sge.u32 @!p2 s15, s24  }
0x37: {  	[hbm4b:s18+s23] =	stream.linear.scatter @!p3 [tilespmem:s20], [sflag:$0x8], $0x4000, $0x38;
	[tilespmem:$0x11400] =	vst v63  }
0x38: {  	p0 =	por p0, p2  }
0x39: {  	s17 =	sadd.s32 $0x200, s17;
	s20 =	simm.s32 @!p0 $0x5  }
0x3a: {  	p5 =	sge.u32 s15, s4;
	s29 =	sadd.s32 $0x1, s15;
	_ =	swait.ge @!p0 [sflag:s20], $0x4000  }
0x3b: {  	s22 =	simm.s32 @!p5 $0x1400;
	[sflag:s20] =	ssyncset.done @!p0 $0x0;
	s24 =	rddreg [dreg:$0x3]  }
0x3c: {  	s23 =	simm.s32 @!p5 $0x80;
	[sflag:s20] =	ssyncadd.s32 @!p0 $0xFFFFC000;
	p0 =	sge.u32 @!p2 s15, s24  }
0x3d: {  	[tilespmem:s22], [sflag:$0x1] =	stream.indirect.gather @!p5 [hbm4b:s3+s23], $0x80, s17, s23, $0xb8;
	[tilespmem:$0x11400] =	vst v63  }
0x3e: {  	s30 =	sadd.s32 $0x2, s15;
	p6 =	sge.u32 s29, s4;
	p0 =	por p0, p2  }
0x3f: {  	p3 =	sle.u32 s15, s4;
	p2 =	sne.s32 s15, $0x0;
	s23 =	simm.s32 @!p0 $0x6  }
0x40: {  	s25 =	simm.s32 @!p6 $0x5400;
	p2 =	por !p2, !p3;
	_ =	swait.ge @!p0 [sflag:s23], $0x4000  }
0x41: {  	s20 =	sadd.s32 @!p6 $0x80, s17;
	p2 =	por !p2, !p2;
	[sflag:s23] =	ssyncset.done @!p0 $0x0  }
0x42: {  	s24 =	simm.s32 @!p6 $0x80;
	s26 =	simm.s32 @p2 $0x7;
	[sflag:s23] =	ssyncadd.s32 @!p0 $0xFFFFC000  }
0x43: {  	[tilespmem:s25], [sflag:$0x2] =	stream.indirect.gather @!p6 [hbm4b:s3+s24], $0x80, s20, s24, $0xb8;
	[tilespmem:$0x11400] =	vst v63  }
0x44: {  	s31 =	sadd.s32 $0x3, s15;
	p0 =	sge.u32 s30, s4;
	_ =	swait.ge @p2 [sflag:s26], $0x4000  }
0x45: {  	s20 =	sadd.s32 @!p0 $0x100, s17;
	s23 =	simm.s32 @!p0 $0x9400;
	[sflag:s26] =	ssyncset.done @p2 $0x0  }
0x46: {  	s24 =	simm.s32 @!p0 $0x80;
	[sflag:s26] =	ssyncadd.s32 @p2 $0xFFFFC000;
	s26 =	simm.s32 @p2 $0x8  }
0x47: {  	[tilespmem:s23], [sflag:$0x3] =	stream.indirect.gather @!p0 [hbm4b:s3+s24], $0x80, s20, s24, $0xb8;
	[tilespmem:$0x11400] =	vst v63  }
0x48: {  	p3 =	sge.u32 s31, s4;
	_ =	swait.ge @p2 [sflag:s26], $0x4000  }
0x49: {  	s28 =	sadd.s32 @!p3 $0x180, s17;
	s24 =	simm.s32 @!p5 $0x1;
	[sflag:s26] =	ssyncset.done @p2 $0x0  }
0x4a: {  	s20 =	simm.s32 @!p3 $0xD400;
	[sflag:s26] =	ssyncadd.s32 @p2 $0xFFFFC000;
	s26 =	simm.s32 @!p3 $0x80  }
0x4b: {  	[tilespmem:s20], [sflag:$0x4] =	stream.indirect.gather @!p3 [hbm4b:s3+s26], $0x80, s28, s26, $0xb8;
	[tilespmem:$0x11400] =	vst v63  }
0x4c: {  	s21 =	smov.u32 s16;
	s19 =	smov.u32 s13;
	_ =	swait.ge @!p5 [sflag:s24], $0x4000  }
0x4d: {  	p4 =	seq.s32 s21, $0x0;
	s15 =	smov.u32 s21;
	[sflag:s24] =	ssyncset.done @!p5 $0x0  }
0x4e: {  	s21 =	simm.s32 @!p5 $0x0;
	s26 =	simm.s32 @!p6 $0x2;
	[sflag:s24] =	ssyncadd.s32 @!p5 $0xFFFFC000  }
0x4f: {  	[hbm4b:s14+s21] =	stream.linear.scatter @!p5 [tilespmem:s22], [sflag:$0x5], $0x4000, $0x38;
	[tilespmem:$0x11400] =	vst v63  }
0x50: {  	s16 =	sadd.s32 $0x4, s16;
	s13 =	sadd.s32 $0x2000, s13;
	_ =	swait.ge @!p6 [sflag:s26], $0x4000  }
0x51: {  	p1 =	sne.s32 s16, $0x28;
	s24 =	simm.s32 @!p0 $0x3;
	[sflag:s26] =	ssyncset.done @!p6 $0x0  }
0x52: {  	s21 =	sadd.s32 @!p6 $0xFFFFF000, s12;
	s22 =	simm.s32 @!p6 $0x0;
	[sflag:s26] =	ssyncadd.s32 @!p6 $0xFFFFC000  }
0x53: {  	[hbm4b:s21+s22] =	stream.linear.scatter @!p6 [tilespmem:s25], [sflag:$0x6], $0x4000, $0x38;
	[tilespmem:$0x11400] =	vst v63  }
.Ltmp0:
0x54: {  	s18 =	smov.u32 s12;
	_ =	swait.ge @!p0 [sflag:s24], $0x4000;
	(pc) =	sbr.rel @p1 .LBB2_2-.Ltmp0, $4  }
0x55: {  	p2 =	por p4, p4;
	s12 =	sadd.s32 $0x2000, s12;
	[sflag:s24] =	ssyncset.done @!p0 $0x0  }
0x56: {  	s21 =	simm.s32 @!p0 $0x0;
	s22 =	simm.s32 @!p3 $0x4;
	[sflag:s24] =	ssyncadd.s32 @!p0 $0xFFFFC000  }
0x57: {  	[hbm4b:s19+s21] =	stream.linear.scatter @!p0 [tilespmem:s23], [sflag:$0x7], $0x4000, $0x38;
	[tilespmem:$0x11400] =	vst v63  }
0x58: {  	s14 =	sadd.s32 $0x2000, s14;
	s23 =	simm.s32 @!p3 $0x0;
	_ =	swait.ge @!p3 [sflag:s22], $0x4000  }
0x59: {  	s16 =	rddreg [dreg:$0x2];
	[sflag:s22] =	ssyncset.done @!p3 $0x0  }
0x5a: {  	[sflag:s22] =	ssyncadd.s32 @!p3 $0xFFFFC000;
	p0 =	sge.u32 @!p2 s15, s16  }
0x5b: {  	[hbm4b:s18+s23] =	stream.linear.scatter @!p3 [tilespmem:s20], [sflag:$0x8], $0x4000, $0x38;
	[tilespmem:$0x11400] =	vst v63  }
0x5c: {  	p1 =	por p0, p2  }
0x5d: {  	s17 =	sadd.s32 $0x200, s17;
	s16 =	simm.s32 @!p1 $0x5  }
0x5e: {  	p6 =	sle.u32 s15, s4;
	p0 =	sge.u32 s15, s4;
	_ =	swait.ge @!p1 [sflag:s16], $0x4000  }
0x5f: {  	s19 =	simm.s32 @!p0 $0x80;
	[sflag:s16] =	ssyncset.done @!p1 $0x0;
	s18 =	rddreg [dreg:$0x3]  }
0x60: {  	s20 =	simm.s32 @!p0 $0x1400;
	[sflag:s16] =	ssyncadd.s32 @!p1 $0xFFFFC000;
	p1 =	sge.u32 @!p2 s15, s18  }
0x61: {  	[tilespmem:s20], [sflag:$0x1] =	stream.indirect.gather @!p0 [hbm4b:s3+s19], $0x80, s17, s19, $0xb8;
	[tilespmem:$0x11400] =	vst v63  }
0x62: {  	s28 =	sadd.s32 $0x1, s15;
	p4 =	sne.s32 s15, $0x0;
	p2 =	por p1, p2  }
0x63: {  	s29 =	sadd.s32 $0x2, s15;
	p3 =	por !p4, !p6;
	s18 =	simm.s32 @!p2 $0x6  }
0x64: {  	p4 =	por !p3, !p3;
	p1 =	sge.u32 s28, s4;
	_ =	swait.ge @!p2 [sflag:s18], $0x4000  }
0x65: {  	s22 =	simm.s32 @p4 $0x7;
	s16 =	sadd.s32 @!p1 $0x80, s17;
	[sflag:s18] =	ssyncset.done @!p2 $0x0  }
0x66: {  	s19 =	simm.s32 @!p1 $0x80;
	s21 =	simm.s32 @!p1 $0x5400;
	[sflag:s18] =	ssyncadd.s32 @!p2 $0xFFFFC000  }
0x67: {  	[tilespmem:s21], [sflag:$0x2] =	stream.indirect.gather @!p1 [hbm4b:s3+s19], $0x80, s16, s19, $0xb8;
	[tilespmem:$0x11400] =	vst v63  }
0x68: {  	s30 =	sadd.s32 $0x3, s15;
	p2 =	sge.u32 s29, s4;
	_ =	swait.ge @p4 [sflag:s22], $0x4000  }
0x69: {  	s16 =	sadd.s32 @!p2 $0x100, s17;
	s18 =	simm.s32 @!p2 $0x9400;
	[sflag:s22] =	ssyncset.done @p4 $0x0  }
0x6a: {  	s19 =	simm.s32 @!p2 $0x80;
	[sflag:s22] =	ssyncadd.s32 @p4 $0xFFFFC000;
	s22 =	simm.s32 @p4 $0x8  }
0x6b: {  	[tilespmem:s18], [sflag:$0x3] =	stream.indirect.gather @!p2 [hbm4b:s3+s19], $0x80, s16, s19, $0xb8;
	[tilespmem:$0x11400] =	vst v63  }
0x6c: {  	p3 =	sge.u32 s30, s4;
	_ =	swait.ge @p4 [sflag:s22], $0x4000  }
0x6d: {  	s15 =	simm.s32 @!p0 $0x1;
	s16 =	sadd.s32 @!p3 $0x180, s17;
	[sflag:s22] =	ssyncset.done @p4 $0x0  }
0x6e: {  	s17 =	simm.s32 @!p3 $0xD400;
	s19 =	simm.s32 @!p3 $0x80;
	[sflag:s22] =	ssyncadd.s32 @p4 $0xFFFFC000  }
0x6f: {  	[tilespmem:s17], [sflag:$0x4] =	stream.indirect.gather @!p3 [hbm4b:s3+s19], $0x80, s16, s19, $0xb8;
	[tilespmem:$0x11400] =	vst v63  }
0x70: {  	_ =	swait.ge @!p0 [sflag:s15], $0x4000  }
0x71: {  	[sflag:s15] =	ssyncset.done @!p0 $0x0  }
0x72: {  	s16 =	simm.s32 @!p0 $0x0;
	s19 =	simm.s32 @!p1 $0x2;
	[sflag:s15] =	ssyncadd.s32 @!p0 $0xFFFFC000  }
0x73: {  	[hbm4b:s14+s16] =	stream.linear.scatter @!p0 [tilespmem:s20], [sflag:$0x5], $0x4000, $0x38;
	[tilespmem:$0x11400] =	vst v63  }
0x74: {  	_ =	swait.ge @!p1 [sflag:s19], $0x4000  }
0x75: {  	s15 =	simm.s32 @!p1 $0x0;
	[sflag:s19] =	ssyncset.done @!p1 $0x0  }
0x76: {  	s14 =	sadd.s32 @!p1 $0xFFFFF000, s12;
	s16 =	simm.s32 @!p2 $0x3;
	[sflag:s19] =	ssyncadd.s32 @!p1 $0xFFFFC000  }
0x77: {  	[hbm4b:s14+s15] =	stream.linear.scatter @!p1 [tilespmem:s21], [sflag:$0x6], $0x4000, $0x38;
	[tilespmem:$0x11400] =	vst v63  }
0x78: {  	_ =	swait.ge @!p2 [sflag:s16], $0x4000  }
0x79: {  	[sflag:s16] =	ssyncset.done @!p2 $0x0  }
0x7a: {  	s14 =	simm.s32 @!p2 $0x0;
	s15 =	simm.s32 @!p3 $0x4;
	[sflag:s16] =	ssyncadd.s32 @!p2 $0xFFFFC000  }
0x7b: {  	[hbm4b:s13+s14] =	stream.linear.scatter @!p2 [tilespmem:s18], [sflag:$0x7], $0x4000, $0x38;
	[tilespmem:$0x11400] =	vst v63  }
0x7c: {  	_ =	swait.ge @!p3 [sflag:s15], $0x4000  }
0x7d: {  	[sflag:s15] =	ssyncset.done @!p3 $0x0;
	s31 =	sld [smem:$0x7FD]  }
0x7e: {  	s13 =	simm.s32 @!p3 $0x0;
	[sflag:s15] =	ssyncadd.s32 @!p3 $0xFFFFC000  }
0x7f: {  	[hbm4b:s12+s13] =	stream.linear.scatter @!p3 [tilespmem:s17], [sflag:$0x8], $0x4000, $0x38;
	[tilespmem:$0x11400] =	vst v63  }
0x80: {  	p1 =	seq.s32 s31, $0x1  }
0x81: {  	s12 =	simm.s32 @!p1 $0x5  }
0x82: {  	_ =	swait.ge @!p1 [sflag:s12], $0x4000  }
0x83: {  	[sflag:s12] =	ssyncset.done @!p1 $0x0  }
0x84: {  	[sflag:s12] =	ssyncadd.s32 @!p1 $0xFFFFC000;
	s12 =	simm.s32 @!p1 $0x6  }
0x85: {  	_ =	swait.ge @!p1 [sflag:s12], $0x4000  }
0x86: {  	[sflag:s12] =	ssyncset.done @!p1 $0x0  }
0x87: {  	s11 =	sadd.s32 $0x1, s11;
	[sflag:s12] =	ssyncadd.s32 @!p1 $0xFFFFC000;
	s12 =	simm.s32 @!p1 $0x7  }
0x88: {  	p0 =	sne.s32 s11, s6;
	_ =	swait.ge @!p1 [sflag:s12], $0x4000  }
.Ltmp1:
0x89: {  	[sflag:s12] =	ssyncset.done @!p1 $0x0;
	(pc) =	sbr.rel @p0 .LBB2_1-.Ltmp1, $4  }
0x8a: {  	[sflag:s12] =	ssyncadd.s32 @!p1 $0xFFFFC000;
	s12 =	simm.s32 @!p1 $0x8  }
0x8b: {  	_ =	swait.ge @!p1 [sflag:s12], $0x4000  }
0x8c: {  	[sflag:s12] =	ssyncset.done @!p1 $0x0  }
0x8d: {  	[sflag:s12] =	ssyncadd.s32 @!p1 $0xFFFFC000  }
0x8e: {  	_ =	sfence.sel $0x180000  }
0x8f: {  	[bflag:$0x0] =	sbarrier.arrive $0xFFFF  }
0x90: {  	p0 =	sne.s32 s0, $0x0;
	_ =	strace $0x9000004D  }
0x91: {  	s0 =	sadd.s32 @!p0 $0x100000, s1;
	[bflag:$0x2] =	sbarrier.arrive $0xFFFF  }
0x92: {  	[sflag:s0] =	ssyncadd.tile.s32 @!p0 $0x1;
	_ =	shalt  }
.Lfunc_end2:
_tile_overlayer_lowered:
.L_overlay_start_2:
0x93: {  	(tag) =	ssettag $0x2  }
0x94: {  	s0 =	rddreg [dreg:$0x0];
	s2 =	stileid.u32  }
0x95: {  	s1 =	rddreg [dreg:$0x1];
	p0 =	sne.s32 s2, $0x0  }
0x96: {  	s3 =	rddreg [dreg:$0x2];
	[bflag:$0x3] =	sbarrier.arrive $0xFFFF;
	s2 =	simm.s32 @!p0 $0x1C09  }
0x97: {  	[timem:s3], [sflag:s2] =	dma.local @!p0 [hbm:s0], s1  }
0x98: {  	s0 =	simm.s32 @!p0 $0x9  }
0x99: {  	_ =	swait.ge @!p0 [sflag:s0], s1  }
0x9a: {  	s1 =	ssub.s32 @!p0 $0x0, s1;
	[sflag:s0] =	ssyncset.done @!p0 $0x0  }
0x9b: {  	[sflag:s0] =	ssyncadd.s32 @!p0 s1  }
0x9c: {  	[bflag:$0x3] =	sbarrier.arrive $0xFFFF  }
0x9d: {  	_ =	shalt  }

// kernel: kernel.14.cloned.1.call-start
scs
__scs_entry_jumppad:
0x0: {  	(pc) =	sbr.rel $0x88, $3  }
0x1: {  	(tag) =	ssettag $0x0;
	lr =	simm.s32 $0x1  }
0x2: {  	[smem:$0x3F93] =	sst lr;
	_ =	strace $0xD0000000  }
0x3: {  	_ = 	snop  }
0x4: {  	_ = 	snop  }
0x5: {  	_ = 	snop  }
0x6: {  	_ = 	snop  }
0x7: {  	_ = 	snop  }
__scs_overlays_trampoline_lowered:
0x8: {  	[smem:$0x3FA2] =	sst s0  }
0x9: {  	[smem:$0x3FA3] =	sst s1  }
0xa: {  	[smem:$0x3FA4] =	sst s2  }
0xb: {  	[smem:$0x3FA5] =	sst s3  }
0xc: {  	[smem:$0x3FA6] =	sst s4  }
0xd: {  	[smem:$0x3FA7] =	sst s5  }
0xe: {  	[smem:$0x3FA8] =	sst s6  }
0xf: {  	[smem:$0x3FA9] =	sst s7  }
0x10: {  	[smem:$0x3FAA] =	sst s8  }
0x11: {  	[smem:$0x3FAB] =	sst s9;
	s0 =	simm.s32 @!p0 $0x0  }
0x12: {  	s1 =	sld [smem:$0x3F91];
	s0 =	simm.s32 @p0 $0x1  }
0x13: {  	[smem:$0x3FAC] =	sst s0;
	s0 =	simm.s32 @!p1 $0x0  }
0x14: {  	s2 =	sld [smem:$0x3F90];
	s0 =	simm.s32 @p1 $0x1  }
0x15: {  	[smem:$0x3FAD] =	sst s0;
	s0 =	simm.s32 @!p2 $0x0  }
0x16: {  	s3 =	sld [smem:$0x3FDB];
	s0 =	simm.s32 @p2 $0x1  }
0x17: {  	s4 =	simm.s32 $0x1BF5;
	[smem:$0x3FAF] =	sst s0  }
0x18: {  	s0 =	sld [smem:$0x3F92];
	_ =	swait.ge [sflag:s4], $0x0  }
0x19: {  	s7 =	sld [smem:$0x3F93]  }
0x1a: {  	s8 =	sadd.s32 $0xFFFFE003, lr  }
0x1b: {  	s9 =	sadd.s32 $0xFFFFFEF7, lr;
	s5 =	simm.s32 $0xFFFFFFFF;
	p2 =	slt.u32 s8, $0xFFFFF086  }
0x1c: {  	p1 =	slt.u32 s9, $0xF7A;
	s5 =	simm.s32 @!p2 $0x0  }
0x1d: {  	s5 =	simm.s32 @p1 $0x1;
	p0 =	seq.s32 s7, s2  }
0x1e: {  	s7 =	smul.u32 @!p0 $0xF7A, s2;
	p2 =	seq.s32 @!p0 s5, $0x0  }
0x1f: {  	s9 =	smul.u32 $0xF7A, s1;
	s8 =	simm.s32 @!p0 $0x1BF5;
	p2 =	por !p2, p0  }
0x20: {  	[sflag:s8] =	ssyncset.s32 @!p0 $0xFFFFF086;
	s6 =	sadd.s32 @!p0 s3, s7;
	s7 =	simm.s32 @!p0 $0x108  }
0x21: {  	s3 =	sadd.s32 s3, s9;
	s6 =	sadd.s32 @!p0 $0x88, s6;
	s7 =	simm.s32 @p2 $0x1082  }
0x22: {  	[simem:s7], [sflag:s8] =	dma.local @!p0 [hbm:s6], $0xF7A  }
0x23: {  	s9 =	sor.u32 $0xD0000000, s2;
	s6 =	simm.s32 $0x108;
	_ =	swait.ge @!p0 [sflag:s8], $0x0  }
0x24: {  	s3 =	sadd.s32 $0x88, s3;
	s6 =	simm.s32 @!p1 $0x1082;
	[sflag:s4] =	ssyncset.s32 $0xFFFFF086  }
0x25: {  	[simem:s6], [sflag:s4] =	dma.local [hbm:s3], $0xF7A  }
0x26: {  	[smem:$0x3F93] =	sst s1;
	(tag) =	ssettag s2;
	_ =	strace s9  }
0x27: {  	s1 =	sld [smem:$0x3FA3]  }
0x28: {  	s2 =	sld [smem:$0x3FA4]  }
0x29: {  	s4 =	sld [smem:$0x3FA6]  }
0x2a: {  	p0 =	seq.s32 s5, $0x0;
	s5 =	sld [smem:$0x3FA7]  }
0x2b: {  	s6 =	sld [smem:$0x3FA8]  }
0x2c: {  	s7 =	sld [smem:$0x3FA9]  }
0x2d: {  	s3 =	simm.s32 $0x108;
	s8 =	sld [smem:$0x3FAA]  }
0x2e: {  	s3 =	simm.s32 @!p0 $0x1082;
	s9 =	sld [smem:$0x3FAB]  }
0x2f: {  	lr =	sadd.s32 s0, s3;
	s0 =	sld [smem:$0x3FA2]  }
0x30: {  	s3 =	sld [smem:$0x3FA5]  }
0x31: {  	[smem:$0x3FAE] =	sst s10  }
0x32: {  	s10 =	sld [smem:$0x3FAC];
	_ =	sdelay $0x3  }
0x33: {  	p0 =	seq.s32 s10, $0x1;
	s10 =	sld [smem:$0x3FAE];
	_ =	sdelay $0x3  }
0x34: {  	[smem:$0x3FAE] =	sst s10  }
0x35: {  	s10 =	sld [smem:$0x3FAD];
	_ =	sdelay $0x3  }
0x36: {  	p1 =	seq.s32 s10, $0x1;
	s10 =	sld [smem:$0x3FAE];
	_ =	sdelay $0x3  }
0x37: {  	[smem:$0x3FAE] =	sst s10  }
0x38: {  	s10 =	sld [smem:$0x3FAF]  }
0x39: {  	_ = 	snop;
	(pc) =	sbr.ind lr, $3  }
0x3a: {  	_ = 	snop  }
0x3b: {  	_ = 	snop  }
0x3c: {  	p2 =	seq.s32 s10, $0x1;
	s10 =	sld [smem:$0x3FAE]  }
0x3d: {  	_ =	shalt  }
0x3e: {  	_ =	shalt  }
0x3f: {  	_ =	shalt  }
0x40: {  	_ =	shalt  }
0x41: {  	_ =	shalt  }
0x42: {  	_ =	shalt  }
0x43: {  	_ =	shalt  }
0x44: {  	_ =	shalt  }
0x45: {  	_ =	shalt  }
0x46: {  	_ =	shalt  }
0x47: {  	_ =	shalt  }
0x48: {  	_ =	shalt  }
0x49: {  	_ =	shalt  }
0x4a: {  	_ =	shalt  }
0x4b: {  	_ =	shalt  }
0x4c: {  	_ =	shalt  }
0x4d: {  	_ =	shalt  }
0x4e: {  	_ =	shalt  }
0x4f: {  	_ =	shalt  }
0x50: {  	_ =	shalt  }
0x51: {  	_ =	shalt  }
0x52: {  	_ =	shalt  }
0x53: {  	_ =	shalt  }
0x54: {  	_ =	shalt  }
0x55: {  	_ =	shalt  }
0x56: {  	_ =	shalt  }
0x57: {  	_ =	shalt  }
0x58: {  	_ =	shalt  }
0x59: {  	_ =	shalt  }
0x5a: {  	_ =	shalt  }
0x5b: {  	_ =	shalt  }
0x5c: {  	_ =	shalt  }
0x5d: {  	_ =	shalt  }
0x5e: {  	_ =	shalt  }
0x5f: {  	_ =	shalt  }
0x60: {  	_ =	shalt  }
0x61: {  	_ =	shalt  }
0x62: {  	_ =	shalt  }
0x63: {  	_ =	shalt  }
0x64: {  	_ =	shalt  }
0x65: {  	_ =	shalt  }
0x66: {  	_ =	shalt  }
0x67: {  	_ =	shalt  }
0x68: {  	_ =	shalt  }
0x69: {  	_ =	shalt  }
0x6a: {  	_ =	shalt  }
0x6b: {  	_ =	shalt  }
0x6c: {  	_ =	shalt  }
0x6d: {  	_ =	shalt  }
0x6e: {  	_ =	shalt  }
0x6f: {  	_ =	shalt  }
0x70: {  	_ =	shalt  }
0x71: {  	_ =	shalt  }
0x72: {  	_ =	shalt  }
0x73: {  	_ =	shalt  }
0x74: {  	_ =	shalt  }
0x75: {  	_ =	shalt  }
0x76: {  	_ =	shalt  }
0x77: {  	_ =	shalt  }
0x78: {  	_ =	shalt  }
0x79: {  	_ =	shalt  }
0x7a: {  	_ =	shalt  }
0x7b: {  	_ =	shalt  }
0x7c: {  	_ =	shalt  }
0x7d: {  	_ =	shalt  }
0x7e: {  	_ =	shalt  }
0x7f: {  	_ =	shalt  }
0x80: {  	_ =	shalt  }
0x81: {  	_ =	shalt  }
0x82: {  	_ =	shalt  }
0x83: {  	_ =	shalt  }
0x84: {  	_ =	shalt  }
0x85: {  	_ =	shalt  }
0x86: {  	_ =	shalt  }
0x87: {  	_ =	shalt  }
.Lfunc_end0:
.L_simem_size_0:
called_computation.1_lowered:
.L_overlay_start_0:
0x88: {  	s2 =	sld [smem:$0x3FD9]  }
0x89: {  	s3 =	sld [smem:$0x3FFE];
	_ =	sdelay $0x1  }
0x8a: {  	s1 =	srdreg.scid  }
0x8b: {  	s0 =	sand.u32 $0x1, s1  }
0x8c: {  	s16 =	sshll.u32 s0, $0xA;
	s2 =	sadd.s32 s3, s2  }
0x8d: {  	s2 =	sadd.s32 s2, s16  }
0x8e: {  	[smem:$0x3FBA] =	sst s2  }
0x8f: {  	_ = 	snop  }
0x90: {  	(tm) =	ssettm $0x1  }
0x91: {  	s17 =	sld [smem:$0x3FFB];
	_ =	sdelay $0x3  }
0x92: {  	_ =	strace s17  }
0x93: {  	s2 =	sld [smem:$0x3FFC];
	_ =	sdelay $0x3  }
0x94: {  	_ =	strace s2  }
0x95: {  	s2 =	sld [smem:$0x3FFD];
	_ =	sdelay $0x3  }
0x96: {  	_ =	strace s2  }
0x97: {  	_ =	strace $0x8FFFFFFF  }
0x98: {  	s18 =	sld [smem:$0x3FDB];
	_ =	sdelay $0x1  }
0x99: {  	s19 =	simm.s32 $_scs_section_size  }
0x9a: {  	s4 =	simm.s32 $_size__tile_overlayer_lowered;
	s5 =	simm.s32 $_tile_overlayer_lowered  }
0x9b: {  	s22 =	simm.s32 $0x1BFF;
	s21 =	sshll.u32 s5, $0x1;
	s2 =	sadd.s32 s19, s18  }
0x9c: {  	s6 =	simm.s32 $0x0;
	s20 =	sshll.u32 s4, $0x1;
	s4 =	sadd.s32 s21, s2  }
0x9d: {  	[timem:s6], [sflag:s22] =	dma.local [hbm:s4], s20  }
0x9e: {  	_ =	swait.ge [sflag:s22], s20  }
0x9f: {  	s3 =	ssub.s32 $0x0, s20;
	[sflag:s22] =	ssyncset.done $0x0  }
0xa0: {  	[sflag:s22] =	ssyncadd.s32 s3;
	_ =	sdelay $0x1  }
0xa1: {  	s23 =	simm.s32 $0x1B8B  }
0xa2: {  	_ =	swait.ge [sflag:s23], $0x1  }
0xa3: {  	[sflag:s23] =	ssyncset.done $0x0  }
0xa4: {  	s25 =	simm.s32 $0x1B8E;
	s24 =	sld [smem:$0x3FFE];
	[sflag:s23] =	ssyncadd.s32 $0xFFFFFFFF  }
0xa5: {  	s26 =	simm.s32 $execute0_lowered;
	[smem:$0x3FD2] =	sst s25  }
0xa6: {  	s4 =	sshll.u32 s26, $0x1;
	_ =	strace $0x80000046;
	[dreg:$0x1] =	wrdreg $0xFFFFFFFF  }
0xa7: {  	s28 =	simm.s32 $_size_execute0_lowered;
	s2 =	sadd.s32 s2, s4;
	[dreg:$0x0] =	wrdreg $0x0  }
0xa8: {  	s4 =	sshll.u32 s28, $0x1;
	[dreg:$0x2] =	wrdreg s2  }
0xa9: {  	[dreg:$0x3] =	wrdreg s4  }
0xaa: {  	[dreg:$0x4] =	wrdreg $0xC0  }
0xab: {  	_ =	task [dreg:s6], $0x5FFFF  }
0xac: {  	[dreg:$0x1] =	wrdreg $0xFFFFFFFF  }
0xad: {  	[dreg:$0x0] =	wrdreg $0x60  }
0xae: {  	[dreg:$0x2] =	wrdreg s24  }
0xaf: {  	[dreg:$0x3] =	wrdreg $0xA  }
0xb0: {  	_ =	task.clear_ibuf [dreg:s6], $0x4FFFF;
	_ =	strace $0x90000046  }
0xb1: {  	s29 =	simm.s32 $0xA;
	_ =	strace $0x80000048  }
0xb2: {  	_ =	swait.ge [sflag:s29], $0x1  }
0xb3: {  	[sflag:s29] =	ssyncadd.s32 $0xFFFFFFFF  }
0xb4: {  	_ =	strace $0x90000048  }
0xb5: {  	_ =	sfence  }
0xb6: {  	s30 =	sld [smem:$0x0];
	_ =	sdelay $0x2  }
0xb7: {  	s31 =	sshll.u32 s1, $0xD;
	s1 =	sshrl.u32 s1, $0x2  }
0xb8: {  	s3 =	sand.u32 $0x4000, s31;
	s1 =	sadd.s32 s1, s30  }
0xb9: {  	s0 =	sor.u32 s3, s0;
	s1 =	sshll.u32 s1, $0x11  }
0xba: {  	s0 =	sor.u32 s1, s0  }
0xbb: {  	s0 =	sadd.s32 $0x8F2B, s0  }
0xbc: {  	[sflag:s0] =	ssyncadd.remote.s32 $0x1  }
0xbd: {  	_ =	sfence.sel $0xFFFF  }
0xbe: {  	[dreg:$0x0] =	wrdreg $0xFFFFFFFF;
	(pc) =	sbr.abs _section_cstart, $3  }
0xbf: {  	[dreg:$0x1] =	wrdreg $0xFFFFFFFF  }
0xc0: {  	_ =	task.clear_ibuf [dreg:s6], $0x2FFFF;
	_ =	strace $0x9FFFFFFF  }
0xc1: {  	(tm) =	ssettm $0x7FFFFFFF  }
tec
execute0_lowered:
.L_overlay_start_1:
0x0: {  	(tag) =	ssettag $0x1  }
0x1: {  	s0 =	srdreg.scid  }
0x2: {  	s6 =	sand.u32 $0x1, s0  }
0x3: {  	s0 =	stileid.u32;
	s10 =	smul.u32 $0x280, s6  }
0x4: {  	s5 =	rddreg [dreg:$0x0];
	s2 =	simm.s32 $0x0;
	s24 =	smul.u32 $0x28, s0  }
0x5: {  	[smem:$0x7FF] =	sst s2;
	s1 =	sshll.u32 s6, $0x4;
	s28 =	smul.u32 $0x140000, s6  }
0x6: {  	s12 =	sadd.s32 $0x57C00, s5;
	s29 =	smul.u32 $0x14000, s0;
	s11 =	sor.u32 s0, s1  }
0x7: {  	s23 =	ssub.s32 $0x2, s6;
	s1 =	rddreg [dreg:$0x1];
	s3 =	smul.u32 $0x28, s11  }
0x8: {  	_ =	strace $0x80000047;
	s8 =	sshrl.u32 s23, $0x1;
	s4 =	smul.u32 $0x280, s11  }
0x9: {  	s8 =	ssub.s32 s23, s8;
	s25 =	sadd.s32 s24, s10;
	s30 =	sadd.s32 s28, s12  }
0xa: {  	s10 =	simm.s32 $0x9;
	p0 =	seq.s32 s11, $0x1F;
	s6 =	smax.u32 s8, $0x1  }
0xb: {  	s11 =	simm.s32 @!p0 $0x0;
	s3 =	ssub.s32 $0x4E2, s3;
	s7 =	sadd.s32 s4, s5  }
0xc: {  	s4 =	sadd.s32 $0x9800, s5;
	s11 =	simm.s32 @p0 $0x1;
	s3 =	smin.u32 s3, $0x28  }
0xd: {  	s5 =	sadd.s32 $0x4800, s7;
	s7 =	sshll.u32 s25, $0xB;
	[smem:$0x7FD] =	sst s11  }
0xe: {  	s11 =	simm.s32 $0x0;
	s9 =	sor.u32 $0x4, s3;
	s26 =	sadd.s32 $0x3, s3  }
0xf: {  	s31 =	sadd.s32 s7, s12;
	s7 =	sadd.s32 s29, s30;
	[dreg:$0x2] =	wrdreg s9  }
0x10: {  	[dreg:$0x3] =	wrdreg s26;
	s8 =	sadd.s32 $0x1800, s31;
	s9 =	sadd.s32 $0x1000, s31  }
.LBB2_1:
0x11: {  	[tilespmem:s2], [sflag:$0x9] =	stream.linear.gather [hbm4b:s5+s2], $0x1400, $0x38;
	[tilespmem:$0x11400] =	vst v63  }
0x12: {  	p0 =	por $0x1, $0x1;
	_ =	swait.ge [sflag:s10], $0x1400  }
0x13: {  	p1 =	por p0, p0;
	s12 =	rddreg [dreg:$0x2]  }
0x14: {  	p0 =	sle.u32 @!p1 s12, $0x0  }
0x15: {  	[sflag:s10] =	ssyncset.done $0x0;
	p2 =	por p0, p1  }
0x16: {  	[sflag:s10] =	ssyncadd.s32 $0xFFFFEC00;
	s12 =	simm.s32 @!p2 $0x5  }
0x17: {  	p0 =	sle.u32 s3, $0x0;
	_ =	swait.ge @!p2 [sflag:s12], $0x4000  }
0x18: {  	s14 =	simm.s32 @!p0 $0x80;
	[sflag:s12] =	ssyncset.done @!p2 $0x0;
	s13 =	rddreg [dreg:$0x3]  }
0x19: {  	s15 =	simm.s32 @!p0 $0x1400;
	[sflag:s12] =	ssyncadd.s32 @!p2 $0xFFFFC000;
	p2 =	sle.u32 @!p1 s13, $0x0  }
0x1a: {  	[tilespmem:s15], [sflag:$0x1] =	stream.indirect.gather @!p0 [hbm4b:s4+s14], $0x80, s2, s14, $0xb8;
	[tilespmem:$0x11400] =	vst v63  }
0x1b: {  	p3 =	sge.u32 s3, $0x0;
	p4 =	por p2, p1  }
0x1c: {  	p5 =	por $0x0, $0x0;
	p1 =	sle.u32 s3, $0x1;
	s12 =	simm.s32 @!p4 $0x6  }
0x1d: {  	p2 =	por !p5, !p3;
	s13 =	simm.s32 @!p1 $0x80;
	_ =	swait.ge @!p4 [sflag:s12], $0x4000  }
0x1e: {  	s14 =	simm.s32 @!p1 $0x80;
	p2 =	por !p2, !p2;
	[sflag:s12] =	ssyncset.done @!p4 $0x0  }
0x1f: {  	s16 =	simm.s32 @!p1 $0x5400;
	[sflag:s12] =	ssyncadd.s32 @!p4 $0xFFFFC000;
	s12 =	simm.s32 @p2 $0x7  }
0x20: {  	[tilespmem:s16], [sflag:$0x2] =	stream.indirect.gather @!p1 [hbm4b:s4+s14], $0x80, s13, s14, $0xb8;
	[tilespmem:$0x11400] =	vst v63  }
0x21: {  	p4 =	sle.u32 s3, $0x2;
	_ =	swait.ge @p2 [sflag:s12], $0x4000  }
0x22: {  	s17 =	simm.s32 @p2 $0x8;
	s13 =	simm.s32 @!p4 $0x100;
	[sflag:s12] =	ssyncset.done @p2 $0x0  }
0x23: {  	s14 =	simm.s32 @!p4 $0x9400;
	[sflag:s12] =	ssyncadd.s32 @p2 $0xFFFFC000;
	s12 =	simm.s32 @!p4 $0x80  }
0x24: {  	[tilespmem:s14], [sflag:$0x3] =	stream.indirect.gather @!p4 [hbm4b:s4+s12], $0x80, s13, s12, $0xb8;
	[tilespmem:$0x11400] =	vst v63  }
0x25: {  	p3 =	sle.u32 s3, $0x3;
	_ =	swait.ge @p2 [sflag:s17], $0x4000  }
0x26: {  	s20 =	simm.s32 @!p3 $0xD400;
	s12 =	simm.s32 @!p0 $0x1;
	[sflag:s17] =	ssyncset.done @p2 $0x0  }
0x27: {  	s13 =	simm.s32 @!p3 $0x180;
	[sflag:s17] =	ssyncadd.s32 @p2 $0xFFFFC000;
	s17 =	simm.s32 @!p3 $0x80  }
0x28: {  	[tilespmem:s20], [sflag:$0x4] =	stream.indirect.gather @!p3 [hbm4b:s4+s17], $0x80, s13, s17, $0xb8;
	[tilespmem:$0x11400] =	vst v63  }
0x29: {  	_ =	swait.ge @!p0 [sflag:s12], $0x4000  }
0x2a: {  	p6 =	por $0x0, $0x0;
	[sflag:s12] =	ssyncset.done @!p0 $0x0  }
0x2b: {  	s13 =	simm.s32 @!p0 $0x0;
	s17 =	simm.s32 @!p1 $0x2;
	[sflag:s12] =	ssyncadd.s32 @!p0 $0xFFFFC000  }
0x2c: {  	[hbm4b:s7+s13] =	stream.linear.scatter @!p0 [tilespmem:s15], [sflag:$0x5], $0x4000, $0x38;
	[tilespmem:$0x11400] =	vst v63  }
0x2d: {  	s22 =	simm.s32 @!p3 $0x4;
	s23 =	simm.s32 @!p3 $0x0;
	_ =	swait.ge @!p1 [sflag:s17], $0x4000  }
0x2e: {  	s18 =	simm.s32 @!p4 $0x3;
	p2 =	por p6, p6;
	[sflag:s17] =	ssyncset.done @!p1 $0x0  }
0x2f: {  	s12 =	sadd.s32 @!p1 $0xFFFFF000, s8;
	s13 =	simm.s32 @!p1 $0x0;
	[sflag:s17] =	ssyncadd.s32 @!p1 $0xFFFFC000  }
0x30: {  	[hbm4b:s12+s13] =	stream.linear.scatter @!p1 [tilespmem:s16], [sflag:$0x6], $0x4000, $0x38;
	[tilespmem:$0x11400] =	vst v63  }
0x31: {  	s15 =	simm.s32 $0x4;
	s17 =	simm.s32 $0x0;
	_ =	swait.ge @!p4 [sflag:s18], $0x4000  }
0x32: {  	s16 =	simm.s32 $0x8;
	s12 =	simm.s32 @!p4 $0x0;
	[sflag:s18] =	ssyncset.done @!p4 $0x0  }
0x33: {  	s13 =	sadd.s32 $0x2000, s9;
	[sflag:s18] =	ssyncadd.s32 @!p4 $0xFFFFC000;
	s18 =	smov.u32 s8  }
0x34: {  	[hbm4b:s9+s12] =	stream.linear.scatter @!p4 [tilespmem:s14], [sflag:$0x7], $0x4000, $0x38;
	[tilespmem:$0x11400] =	vst v63  }
0x35: {  	s12 =	sadd.s32 $0x2000, s8;
	s14 =	sadd.s32 $0x2000, s7;
	_ =	swait.ge @!p3 [sflag:s22], $0x4000  }
.LBB2_2:
0x36: {  	s24 =	rddreg [dreg:$0x2];
	[sflag:s22] =	ssyncset.done @!p3 $0x0  }
0x37: {  	[sflag:s22] =	ssyncadd.s32 @!p3 $0xFFFFC000;
	p0 =	sge.u32 @!p2 s15, s24  }
0x38: {  	[hbm4b:s18+s23] =	stream.linear.scatter @!p3 [tilespmem:s20], [sflag:$0x8], $0x4000, $0x38;
	[tilespmem:$0x11400] =	vst v63  }
0x39: {  	p0 =	por p0, p2  }
0x3a: {  	s17 =	sadd.s32 $0x200, s17;
	s20 =	simm.s32 @!p0 $0x5  }
0x3b: {  	p5 =	sge.u32 s15, s3;
	s29 =	sadd.s32 $0x1, s15;
	_ =	swait.ge @!p0 [sflag:s20], $0x4000  }
0x3c: {  	s22 =	simm.s32 @!p5 $0x1400;
	[sflag:s20] =	ssyncset.done @!p0 $0x0;
	s24 =	rddreg [dreg:$0x3]  }
0x3d: {  	s23 =	simm.s32 @!p5 $0x80;
	[sflag:s20] =	ssyncadd.s32 @!p0 $0xFFFFC000;
	p0 =	sge.u32 @!p2 s15, s24  }
0x3e: {  	[tilespmem:s22], [sflag:$0x1] =	stream.indirect.gather @!p5 [hbm4b:s4+s23], $0x80, s17, s23, $0xb8;
	[tilespmem:$0x11400] =	vst v63  }
0x3f: {  	s30 =	sadd.s32 $0x2, s15;
	p6 =	sge.u32 s29, s3;
	p0 =	por p0, p2  }
0x40: {  	p3 =	sle.u32 s15, s3;
	p2 =	sne.s32 s15, $0x0;
	s23 =	simm.s32 @!p0 $0x6  }
0x41: {  	s25 =	simm.s32 @!p6 $0x5400;
	p2 =	por !p2, !p3;
	_ =	swait.ge @!p0 [sflag:s23], $0x4000  }
0x42: {  	s20 =	sadd.s32 @!p6 $0x80, s17;
	p2 =	por !p2, !p2;
	[sflag:s23] =	ssyncset.done @!p0 $0x0  }
0x43: {  	s24 =	simm.s32 @!p6 $0x80;
	s26 =	simm.s32 @p2 $0x7;
	[sflag:s23] =	ssyncadd.s32 @!p0 $0xFFFFC000  }
0x44: {  	[tilespmem:s25], [sflag:$0x2] =	stream.indirect.gather @!p6 [hbm4b:s4+s24], $0x80, s20, s24, $0xb8;
	[tilespmem:$0x11400] =	vst v63  }
0x45: {  	s31 =	sadd.s32 $0x3, s15;
	p0 =	sge.u32 s30, s3;
	_ =	swait.ge @p2 [sflag:s26], $0x4000  }
0x46: {  	s20 =	sadd.s32 @!p0 $0x100, s17;
	s23 =	simm.s32 @!p0 $0x9400;
	[sflag:s26] =	ssyncset.done @p2 $0x0  }
0x47: {  	s24 =	simm.s32 @!p0 $0x80;
	[sflag:s26] =	ssyncadd.s32 @p2 $0xFFFFC000;
	s26 =	simm.s32 @p2 $0x8  }
0x48: {  	[tilespmem:s23], [sflag:$0x3] =	stream.indirect.gather @!p0 [hbm4b:s4+s24], $0x80, s20, s24, $0xb8;
	[tilespmem:$0x11400] =	vst v63  }
0x49: {  	p3 =	sge.u32 s31, s3;
	_ =	swait.ge @p2 [sflag:s26], $0x4000  }
0x4a: {  	s28 =	sadd.s32 @!p3 $0x180, s17;
	s24 =	simm.s32 @!p5 $0x1;
	[sflag:s26] =	ssyncset.done @p2 $0x0  }
0x4b: {  	s20 =	simm.s32 @!p3 $0xD400;
	[sflag:s26] =	ssyncadd.s32 @p2 $0xFFFFC000;
	s26 =	simm.s32 @!p3 $0x80  }
0x4c: {  	[tilespmem:s20], [sflag:$0x4] =	stream.indirect.gather @!p3 [hbm4b:s4+s26], $0x80, s28, s26, $0xb8;
	[tilespmem:$0x11400] =	vst v63  }
0x4d: {  	s21 =	smov.u32 s16;
	s19 =	smov.u32 s13;
	_ =	swait.ge @!p5 [sflag:s24], $0x4000  }
0x4e: {  	p4 =	seq.s32 s21, $0x0;
	s15 =	smov.u32 s21;
	[sflag:s24] =	ssyncset.done @!p5 $0x0  }
0x4f: {  	s21 =	simm.s32 @!p5 $0x0;
	s26 =	simm.s32 @!p6 $0x2;
	[sflag:s24] =	ssyncadd.s32 @!p5 $0xFFFFC000  }
0x50: {  	[hbm4b:s14+s21] =	stream.linear.scatter @!p5 [tilespmem:s22], [sflag:$0x5], $0x4000, $0x38;
	[tilespmem:$0x11400] =	vst v63  }
0x51: {  	s16 =	sadd.s32 $0x4, s16;
	s13 =	sadd.s32 $0x2000, s13;
	_ =	swait.ge @!p6 [sflag:s26], $0x4000  }
0x52: {  	p1 =	sne.s32 s16, $0x28;
	s24 =	simm.s32 @!p0 $0x3;
	[sflag:s26] =	ssyncset.done @!p6 $0x0  }
0x53: {  	s21 =	sadd.s32 @!p6 $0xFFFFF000, s12;
	s22 =	simm.s32 @!p6 $0x0;
	[sflag:s26] =	ssyncadd.s32 @!p6 $0xFFFFC000  }
0x54: {  	[hbm4b:s21+s22] =	stream.linear.scatter @!p6 [tilespmem:s25], [sflag:$0x6], $0x4000, $0x38;
	[tilespmem:$0x11400] =	vst v63  }
.Ltmp0:
0x55: {  	s18 =	smov.u32 s12;
	_ =	swait.ge @!p0 [sflag:s24], $0x4000;
	(pc) =	sbr.rel @p1 .LBB2_2-.Ltmp0, $4  }
0x56: {  	p2 =	por p4, p4;
	s12 =	sadd.s32 $0x2000, s12;
	[sflag:s24] =	ssyncset.done @!p0 $0x0  }
0x57: {  	s21 =	simm.s32 @!p0 $0x0;
	s22 =	simm.s32 @!p3 $0x4;
	[sflag:s24] =	ssyncadd.s32 @!p0 $0xFFFFC000  }
0x58: {  	[hbm4b:s19+s21] =	stream.linear.scatter @!p0 [tilespmem:s23], [sflag:$0x7], $0x4000, $0x38;
	[tilespmem:$0x11400] =	vst v63  }
0x59: {  	s14 =	sadd.s32 $0x2000, s14;
	s23 =	simm.s32 @!p3 $0x0;
	_ =	swait.ge @!p3 [sflag:s22], $0x4000  }
0x5a: {  	s16 =	rddreg [dreg:$0x2];
	[sflag:s22] =	ssyncset.done @!p3 $0x0  }
0x5b: {  	[sflag:s22] =	ssyncadd.s32 @!p3 $0xFFFFC000;
	p0 =	sge.u32 @!p2 s15, s16  }
0x5c: {  	[hbm4b:s18+s23] =	stream.linear.scatter @!p3 [tilespmem:s20], [sflag:$0x8], $0x4000, $0x38;
	[tilespmem:$0x11400] =	vst v63  }
0x5d: {  	p1 =	por p0, p2  }
0x5e: {  	s17 =	sadd.s32 $0x200, s17;
	s16 =	simm.s32 @!p1 $0x5  }
0x5f: {  	p6 =	sle.u32 s15, s3;
	p0 =	sge.u32 s15, s3;
	_ =	swait.ge @!p1 [sflag:s16], $0x4000  }
0x60: {  	s19 =	simm.s32 @!p0 $0x80;
	[sflag:s16] =	ssyncset.done @!p1 $0x0;
	s18 =	rddreg [dreg:$0x3]  }
0x61: {  	s20 =	simm.s32 @!p0 $0x1400;
	[sflag:s16] =	ssyncadd.s32 @!p1 $0xFFFFC000;
	p1 =	sge.u32 @!p2 s15, s18  }
0x62: {  	[tilespmem:s20], [sflag:$0x1] =	stream.indirect.gather @!p0 [hbm4b:s4+s19], $0x80, s17, s19, $0xb8;
	[tilespmem:$0x11400] =	vst v63  }
0x63: {  	s28 =	sadd.s32 $0x1, s15;
	p4 =	sne.s32 s15, $0x0;
	p2 =	por p1, p2  }
0x64: {  	s29 =	sadd.s32 $0x2, s15;
	p3 =	por !p4, !p6;
	s18 =	simm.s32 @!p2 $0x6  }
0x65: {  	p4 =	por !p3, !p3;
	p1 =	sge.u32 s28, s3;
	_ =	swait.ge @!p2 [sflag:s18], $0x4000  }
0x66: {  	s22 =	simm.s32 @p4 $0x7;
	s16 =	sadd.s32 @!p1 $0x80, s17;
	[sflag:s18] =	ssyncset.done @!p2 $0x0  }
0x67: {  	s19 =	simm.s32 @!p1 $0x80;
	s21 =	simm.s32 @!p1 $0x5400;
	[sflag:s18] =	ssyncadd.s32 @!p2 $0xFFFFC000  }
0x68: {  	[tilespmem:s21], [sflag:$0x2] =	stream.indirect.gather @!p1 [hbm4b:s4+s19], $0x80, s16, s19, $0xb8;
	[tilespmem:$0x11400] =	vst v63  }
0x69: {  	s30 =	sadd.s32 $0x3, s15;
	p2 =	sge.u32 s29, s3;
	_ =	swait.ge @p4 [sflag:s22], $0x4000  }
0x6a: {  	s16 =	sadd.s32 @!p2 $0x100, s17;
	s18 =	simm.s32 @!p2 $0x9400;
	[sflag:s22] =	ssyncset.done @p4 $0x0  }
0x6b: {  	s19 =	simm.s32 @!p2 $0x80;
	[sflag:s22] =	ssyncadd.s32 @p4 $0xFFFFC000;
	s22 =	simm.s32 @p4 $0x8  }
0x6c: {  	[tilespmem:s18], [sflag:$0x3] =	stream.indirect.gather @!p2 [hbm4b:s4+s19], $0x80, s16, s19, $0xb8;
	[tilespmem:$0x11400] =	vst v63  }
0x6d: {  	p3 =	sge.u32 s30, s3;
	_ =	swait.ge @p4 [sflag:s22], $0x4000  }
0x6e: {  	s15 =	simm.s32 @!p0 $0x1;
	s16 =	sadd.s32 @!p3 $0x180, s17;
	[sflag:s22] =	ssyncset.done @p4 $0x0  }
0x6f: {  	s17 =	simm.s32 @!p3 $0xD400;
	s19 =	simm.s32 @!p3 $0x80;
	[sflag:s22] =	ssyncadd.s32 @p4 $0xFFFFC000  }
0x70: {  	[tilespmem:s17], [sflag:$0x4] =	stream.indirect.gather @!p3 [hbm4b:s4+s19], $0x80, s16, s19, $0xb8;
	[tilespmem:$0x11400] =	vst v63  }
0x71: {  	_ =	swait.ge @!p0 [sflag:s15], $0x4000  }
0x72: {  	[sflag:s15] =	ssyncset.done @!p0 $0x0  }
0x73: {  	s16 =	simm.s32 @!p0 $0x0;
	s19 =	simm.s32 @!p1 $0x2;
	[sflag:s15] =	ssyncadd.s32 @!p0 $0xFFFFC000  }
0x74: {  	[hbm4b:s14+s16] =	stream.linear.scatter @!p0 [tilespmem:s20], [sflag:$0x5], $0x4000, $0x38;
	[tilespmem:$0x11400] =	vst v63  }
0x75: {  	_ =	swait.ge @!p1 [sflag:s19], $0x4000  }
0x76: {  	s15 =	simm.s32 @!p1 $0x0;
	[sflag:s19] =	ssyncset.done @!p1 $0x0  }
0x77: {  	s14 =	sadd.s32 @!p1 $0xFFFFF000, s12;
	s16 =	simm.s32 @!p2 $0x3;
	[sflag:s19] =	ssyncadd.s32 @!p1 $0xFFFFC000  }
0x78: {  	[hbm4b:s14+s15] =	stream.linear.scatter @!p1 [tilespmem:s21], [sflag:$0x6], $0x4000, $0x38;
	[tilespmem:$0x11400] =	vst v63  }
0x79: {  	_ =	swait.ge @!p2 [sflag:s16], $0x4000  }
0x7a: {  	[sflag:s16] =	ssyncset.done @!p2 $0x0  }
0x7b: {  	s14 =	simm.s32 @!p2 $0x0;
	s15 =	simm.s32 @!p3 $0x4;
	[sflag:s16] =	ssyncadd.s32 @!p2 $0xFFFFC000  }
0x7c: {  	[hbm4b:s13+s14] =	stream.linear.scatter @!p2 [tilespmem:s18], [sflag:$0x7], $0x4000, $0x38;
	[tilespmem:$0x11400] =	vst v63  }
0x7d: {  	_ =	swait.ge @!p3 [sflag:s15], $0x4000  }
0x7e: {  	[sflag:s15] =	ssyncset.done @!p3 $0x0;
	s31 =	sld [smem:$0x7FD]  }
0x7f: {  	s13 =	simm.s32 @!p3 $0x0;
	[sflag:s15] =	ssyncadd.s32 @!p3 $0xFFFFC000  }
0x80: {  	[hbm4b:s12+s13] =	stream.linear.scatter @!p3 [tilespmem:s17], [sflag:$0x8], $0x4000, $0x38;
	[tilespmem:$0x11400] =	vst v63  }
0x81: {  	p1 =	seq.s32 s31, $0x1  }
0x82: {  	s12 =	simm.s32 @!p1 $0x5  }
0x83: {  	_ =	swait.ge @!p1 [sflag:s12], $0x4000  }
0x84: {  	[sflag:s12] =	ssyncset.done @!p1 $0x0  }
0x85: {  	[sflag:s12] =	ssyncadd.s32 @!p1 $0xFFFFC000;
	s12 =	simm.s32 @!p1 $0x6  }
0x86: {  	_ =	swait.ge @!p1 [sflag:s12], $0x4000  }
0x87: {  	[sflag:s12] =	ssyncset.done @!p1 $0x0  }
0x88: {  	s11 =	sadd.s32 $0x1, s11;
	[sflag:s12] =	ssyncadd.s32 @!p1 $0xFFFFC000;
	s12 =	simm.s32 @!p1 $0x7  }
0x89: {  	p0 =	sne.s32 s11, s6;
	_ =	swait.ge @!p1 [sflag:s12], $0x4000  }
.Ltmp1:
0x8a: {  	[sflag:s12] =	ssyncset.done @!p1 $0x0;
	(pc) =	sbr.rel @p0 .LBB2_1-.Ltmp1, $4  }
0x8b: {  	[sflag:s12] =	ssyncadd.s32 @!p1 $0xFFFFC000;
	s12 =	simm.s32 @!p1 $0x8  }
0x8c: {  	_ =	swait.ge @!p1 [sflag:s12], $0x4000  }
0x8d: {  	[sflag:s12] =	ssyncset.done @!p1 $0x0  }
0x8e: {  	[sflag:s12] =	ssyncadd.s32 @!p1 $0xFFFFC000  }
0x8f: {  	_ =	sfence.sel $0x180000  }
0x90: {  	[bflag:$0x0] =	sbarrier.arrive $0xFFFF  }
0x91: {  	p0 =	sne.s32 s0, $0x0;
	_ =	strace $0x90000047  }
0x92: {  	s0 =	sadd.s32 @!p0 $0x100000, s1;
	[bflag:$0x2] =	sbarrier.arrive $0xFFFF  }
0x93: {  	[sflag:s0] =	ssyncadd.tile.s32 @!p0 $0x1;
	_ =	shalt  }
.Lfunc_end2:
_tile_overlayer_lowered:
.L_overlay_start_2:
0x94: {  	(tag) =	ssettag $0x2  }
0x95: {  	s0 =	rddreg [dreg:$0x0];
	s2 =	stileid.u32  }
0x96: {  	s1 =	rddreg [dreg:$0x1];
	p0 =	sne.s32 s2, $0x0  }
0x97: {  	s3 =	rddreg [dreg:$0x2];
	[bflag:$0x3] =	sbarrier.arrive $0xFFFF;
	s2 =	simm.s32 @!p0 $0x1C09  }
0x98: {  	[timem:s3], [sflag:s2] =	dma.local @!p0 [hbm:s0], s1  }
0x99: {  	s0 =	simm.s32 @!p0 $0x9  }
0x9a: {  	_ =	swait.ge @!p0 [sflag:s0], s1  }
0x9b: {  	s1 =	ssub.s32 @!p0 $0x0, s1;
	[sflag:s0] =	ssyncset.done @!p0 $0x0  }
0x9c: {  	[sflag:s0] =	ssyncadd.s32 @!p0 s1  }
0x9d: {  	[bflag:$0x3] =	sbarrier.arrive $0xFFFF  }
0x9e: {  	_ =	shalt  }

// kernel: kernel.17.cloned.1.call-start
scs
__scs_entry_jumppad:
0x0: {  	(pc) =	sbr.rel $0x88, $3  }
0x1: {  	(tag) =	ssettag $0x0;
	lr =	simm.s32 $0x1  }
0x2: {  	[smem:$0x3F93] =	sst lr;
	_ =	strace $0xD0000000  }
0x3: {  	_ = 	snop  }
0x4: {  	_ = 	snop  }
0x5: {  	_ = 	snop  }
0x6: {  	_ = 	snop  }
0x7: {  	_ = 	snop  }
__scs_overlays_trampoline_lowered:
0x8: {  	[smem:$0x3FA2] =	sst s0  }
0x9: {  	[smem:$0x3FA3] =	sst s1  }
0xa: {  	[smem:$0x3FA4] =	sst s2  }
0xb: {  	[smem:$0x3FA5] =	sst s3  }
0xc: {  	[smem:$0x3FA6] =	sst s4  }
0xd: {  	[smem:$0x3FA7] =	sst s5  }
0xe: {  	[smem:$0x3FA8] =	sst s6  }
0xf: {  	[smem:$0x3FA9] =	sst s7  }
0x10: {  	[smem:$0x3FAA] =	sst s8  }
0x11: {  	[smem:$0x3FAB] =	sst s9;
	s0 =	simm.s32 @!p0 $0x0  }
0x12: {  	s1 =	sld [smem:$0x3F91];
	s0 =	simm.s32 @p0 $0x1  }
0x13: {  	[smem:$0x3FAC] =	sst s0;
	s0 =	simm.s32 @!p1 $0x0  }
0x14: {  	s2 =	sld [smem:$0x3F90];
	s0 =	simm.s32 @p1 $0x1  }
0x15: {  	[smem:$0x3FAD] =	sst s0;
	s0 =	simm.s32 @!p2 $0x0  }
0x16: {  	s3 =	sld [smem:$0x3FDB];
	s0 =	simm.s32 @p2 $0x1  }
0x17: {  	s4 =	simm.s32 $0x1BF5;
	[smem:$0x3FAF] =	sst s0  }
0x18: {  	s0 =	sld [smem:$0x3F92];
	_ =	swait.ge [sflag:s4], $0x0  }
0x19: {  	s7 =	sld [smem:$0x3F93]  }
0x1a: {  	s8 =	sadd.s32 $0xFFFFE003, lr  }
0x1b: {  	s9 =	sadd.s32 $0xFFFFFEF7, lr;
	s5 =	simm.s32 $0xFFFFFFFF;
	p2 =	slt.u32 s8, $0xFFFFF086  }
0x1c: {  	p1 =	slt.u32 s9, $0xF7A;
	s5 =	simm.s32 @!p2 $0x0  }
0x1d: {  	s5 =	simm.s32 @p1 $0x1;
	p0 =	seq.s32 s7, s2  }
0x1e: {  	s7 =	smul.u32 @!p0 $0xF7A, s2;
	p2 =	seq.s32 @!p0 s5, $0x0  }
0x1f: {  	s9 =	smul.u32 $0xF7A, s1;
	s8 =	simm.s32 @!p0 $0x1BF5;
	p2 =	por !p2, p0  }
0x20: {  	[sflag:s8] =	ssyncset.s32 @!p0 $0xFFFFF086;
	s6 =	sadd.s32 @!p0 s3, s7;
	s7 =	simm.s32 @!p0 $0x108  }
0x21: {  	s3 =	sadd.s32 s3, s9;
	s6 =	sadd.s32 @!p0 $0x88, s6;
	s7 =	simm.s32 @p2 $0x1082  }
0x22: {  	[simem:s7], [sflag:s8] =	dma.local @!p0 [hbm:s6], $0xF7A  }
0x23: {  	s9 =	sor.u32 $0xD0000000, s2;
	s6 =	simm.s32 $0x108;
	_ =	swait.ge @!p0 [sflag:s8], $0x0  }
0x24: {  	s3 =	sadd.s32 $0x88, s3;
	s6 =	simm.s32 @!p1 $0x1082;
	[sflag:s4] =	ssyncset.s32 $0xFFFFF086  }
0x25: {  	[simem:s6], [sflag:s4] =	dma.local [hbm:s3], $0xF7A  }
0x26: {  	[smem:$0x3F93] =	sst s1;
	(tag) =	ssettag s2;
	_ =	strace s9  }
0x27: {  	s1 =	sld [smem:$0x3FA3]  }
0x28: {  	s2 =	sld [smem:$0x3FA4]  }
0x29: {  	s4 =	sld [smem:$0x3FA6]  }
0x2a: {  	p0 =	seq.s32 s5, $0x0;
	s5 =	sld [smem:$0x3FA7]  }
0x2b: {  	s6 =	sld [smem:$0x3FA8]  }
0x2c: {  	s7 =	sld [smem:$0x3FA9]  }
0x2d: {  	s3 =	simm.s32 $0x108;
	s8 =	sld [smem:$0x3FAA]  }
0x2e: {  	s3 =	simm.s32 @!p0 $0x1082;
	s9 =	sld [smem:$0x3FAB]  }
0x2f: {  	lr =	sadd.s32 s0, s3;
	s0 =	sld [smem:$0x3FA2]  }
0x30: {  	s3 =	sld [smem:$0x3FA5]  }
0x31: {  	[smem:$0x3FAE] =	sst s10  }
0x32: {  	s10 =	sld [smem:$0x3FAC];
	_ =	sdelay $0x3  }
0x33: {  	p0 =	seq.s32 s10, $0x1;
	s10 =	sld [smem:$0x3FAE];
	_ =	sdelay $0x3  }
0x34: {  	[smem:$0x3FAE] =	sst s10  }
0x35: {  	s10 =	sld [smem:$0x3FAD];
	_ =	sdelay $0x3  }
0x36: {  	p1 =	seq.s32 s10, $0x1;
	s10 =	sld [smem:$0x3FAE];
	_ =	sdelay $0x3  }
0x37: {  	[smem:$0x3FAE] =	sst s10  }
0x38: {  	s10 =	sld [smem:$0x3FAF]  }
0x39: {  	_ = 	snop;
	(pc) =	sbr.ind lr, $3  }
0x3a: {  	_ = 	snop  }
0x3b: {  	_ = 	snop  }
0x3c: {  	p2 =	seq.s32 s10, $0x1;
	s10 =	sld [smem:$0x3FAE]  }
0x3d: {  	_ =	shalt  }
0x3e: {  	_ =	shalt  }
0x3f: {  	_ =	shalt  }
0x40: {  	_ =	shalt  }
0x41: {  	_ =	shalt  }
0x42: {  	_ =	shalt  }
0x43: {  	_ =	shalt  }
0x44: {  	_ =	shalt  }
0x45: {  	_ =	shalt  }
0x46: {  	_ =	shalt  }
0x47: {  	_ =	shalt  }
0x48: {  	_ =	shalt  }
0x49: {  	_ =	shalt  }
0x4a: {  	_ =	shalt  }
0x4b: {  	_ =	shalt  }
0x4c: {  	_ =	shalt  }
0x4d: {  	_ =	shalt  }
0x4e: {  	_ =	shalt  }
0x4f: {  	_ =	shalt  }
0x50: {  	_ =	shalt  }
0x51: {  	_ =	shalt  }
0x52: {  	_ =	shalt  }
0x53: {  	_ =	shalt  }
0x54: {  	_ =	shalt  }
0x55: {  	_ =	shalt  }
0x56: {  	_ =	shalt  }
0x57: {  	_ =	shalt  }
0x58: {  	_ =	shalt  }
0x59: {  	_ =	shalt  }
0x5a: {  	_ =	shalt  }
0x5b: {  	_ =	shalt  }
0x5c: {  	_ =	shalt  }
0x5d: {  	_ =	shalt  }
0x5e: {  	_ =	shalt  }
0x5f: {  	_ =	shalt  }
0x60: {  	_ =	shalt  }
0x61: {  	_ =	shalt  }
0x62: {  	_ =	shalt  }
0x63: {  	_ =	shalt  }
0x64: {  	_ =	shalt  }
0x65: {  	_ =	shalt  }
0x66: {  	_ =	shalt  }
0x67: {  	_ =	shalt  }
0x68: {  	_ =	shalt  }
0x69: {  	_ =	shalt  }
0x6a: {  	_ =	shalt  }
0x6b: {  	_ =	shalt  }
0x6c: {  	_ =	shalt  }
0x6d: {  	_ =	shalt  }
0x6e: {  	_ =	shalt  }
0x6f: {  	_ =	shalt  }
0x70: {  	_ =	shalt  }
0x71: {  	_ =	shalt  }
0x72: {  	_ =	shalt  }
0x73: {  	_ =	shalt  }
0x74: {  	_ =	shalt  }
0x75: {  	_ =	shalt  }
0x76: {  	_ =	shalt  }
0x77: {  	_ =	shalt  }
0x78: {  	_ =	shalt  }
0x79: {  	_ =	shalt  }
0x7a: {  	_ =	shalt  }
0x7b: {  	_ =	shalt  }
0x7c: {  	_ =	shalt  }
0x7d: {  	_ =	shalt  }
0x7e: {  	_ =	shalt  }
0x7f: {  	_ =	shalt  }
0x80: {  	_ =	shalt  }
0x81: {  	_ =	shalt  }
0x82: {  	_ =	shalt  }
0x83: {  	_ =	shalt  }
0x84: {  	_ =	shalt  }
0x85: {  	_ =	shalt  }
0x86: {  	_ =	shalt  }
0x87: {  	_ =	shalt  }
.Lfunc_end0:
.L_simem_size_0:
called_computation.2_lowered:
.L_overlay_start_0:
0x88: {  	s2 =	sld [smem:$0x3FD9]  }
0x89: {  	s3 =	sld [smem:$0x3FFE];
	_ =	sdelay $0x1  }
0x8a: {  	s1 =	srdreg.scid  }
0x8b: {  	s0 =	sand.u32 $0x1, s1  }
0x8c: {  	s17 =	sshll.u32 s0, $0xA;
	s2 =	sadd.s32 s3, s2  }
0x8d: {  	s2 =	sadd.s32 s2, s17  }
0x8e: {  	[smem:$0x3FBA] =	sst s2  }
0x8f: {  	_ = 	snop  }
0x90: {  	(tm) =	ssettm $0x1  }
0x91: {  	s18 =	sld [smem:$0x3FFB];
	_ =	sdelay $0x3  }
0x92: {  	_ =	strace s18  }
0x93: {  	s2 =	sld [smem:$0x3FFC];
	_ =	sdelay $0x3  }
0x94: {  	_ =	strace s2  }
0x95: {  	s2 =	sld [smem:$0x3FFD];
	_ =	sdelay $0x3  }
0x96: {  	_ =	strace s2  }
0x97: {  	_ =	strace $0x8FFFFFFF  }
0x98: {  	s19 =	sld [smem:$0x3FDB];
	_ =	sdelay $0x1  }
0x99: {  	s20 =	simm.s32 $_scs_section_size  }
0x9a: {  	s4 =	simm.s32 $_size__tile_overlayer_lowered;
	s5 =	simm.s32 $_tile_overlayer_lowered  }
0x9b: {  	s6 =	simm.s32 $0x1BFF;
	s21 =	sshll.u32 s5, $0x1;
	s3 =	sadd.s32 s20, s19  }
0x9c: {  	s22 =	simm.s32 $0x0;
	s4 =	sshll.u32 s4, $0x1;
	s5 =	sadd.s32 s21, s3  }
0x9d: {  	[timem:s22], [sflag:s6] =	dma.local [hbm:s5], s4  }
0x9e: {  	_ =	swait.ge [sflag:s6], s4  }
0x9f: {  	s4 =	ssub.s32 $0x0, s4;
	[sflag:s6] =	ssyncset.done $0x0  }
0xa0: {  	[sflag:s6] =	ssyncadd.s32 s4;
	_ =	sdelay $0x1  }
0xa1: {  	s23 =	simm.s32 $0x1B8B  }
0xa2: {  	_ =	swait.ge [sflag:s23], $0x1  }
0xa3: {  	[sflag:s23] =	ssyncset.done $0x0  }
0xa4: {  	[sflag:s23] =	ssyncadd.s32 $0xFFFFFFFF  }
0xa5: {  	s4 =	sld [smem:$0x0]  }
0xa6: {  	s5 =	sand.u32 $0xFFFFFFFE, s1  }
0xa7: {  	p0 =	sne.s32 s1, s5  }
0xa8: {  	s5 =	sshll.u32 @p0 s5, $0xE  }
0xa9: {  	s5 =	sadd.s32 @p0 $0x11B8D, s5;
	s6 =	sshll.u32 @p0 s4, $0x11  }
0xaa: {  	s5 =	sor.u32 @p0 s6, s5  }
0xab: {  	[sflag:s5] =	ssyncadd.remote.s32 @p0 $0x1;
	_ =	sdelay $0x1  }
0xac: {  	s5 =	simm.s32 @p0 $0x1B8D  }
0xad: {  	_ =	swait.eq @p0 [sflag:s5], $0x1  }
0xae: {  	[sflag:s5] =	ssyncadd.s32 @p0 $0xFFFFFFFF  }
0xaf: {  	s6 =	sshll.u32 @!p0 s1, $0xE  }
0xb0: {  	s6 =	sor.u32 @!p0 $0x4000, s6;
	s5 =	simm.s32 @!p0 $0x1B8D  }
0xb1: {  	s4 =	sshll.u32 @!p0 s4, $0x11;
	s6 =	sadd.s32 @!p0 $0x11B8D, s6;
	_ =	swait.eq @!p0 [sflag:s5], $0x1  }
0xb2: {  	s4 =	sor.u32 @!p0 s4, s6;
	[sflag:s5] =	ssyncadd.s32 @!p0 $0xFFFFFFFF  }
0xb3: {  	s25 =	simm.s32 $0x1B8E;
	s24 =	sld [smem:$0x3FFE];
	[sflag:s4] =	ssyncadd.remote.s32 @!p0 $0x1  }
0xb4: {  	s26 =	simm.s32 $execute0_lowered;
	[smem:$0x3FD2] =	sst s25  }
0xb5: {  	s5 =	sshll.u32 s26, $0x1;
	_ =	strace $0x80000049;
	[dreg:$0x1] =	wrdreg $0xFFFFFFFF  }
0xb6: {  	s28 =	simm.s32 $_size_execute0_lowered;
	s3 =	sadd.s32 s3, s5;
	[dreg:$0x0] =	wrdreg $0x0  }
0xb7: {  	s5 =	sshll.u32 s28, $0x1;
	[dreg:$0x2] =	wrdreg s3  }
0xb8: {  	[dreg:$0x3] =	wrdreg s5  }
0xb9: {  	[dreg:$0x4] =	wrdreg $0xC0  }
0xba: {  	_ =	task [dreg:s22], $0x5FFFF  }
0xbb: {  	[dreg:$0x1] =	wrdreg $0xFFFFFFFF  }
0xbc: {  	[dreg:$0x0] =	wrdreg $0x60  }
0xbd: {  	[dreg:$0x2] =	wrdreg s24  }
0xbe: {  	[dreg:$0x3] =	wrdreg $0xB  }
0xbf: {  	_ =	task.clear_ibuf [dreg:s22], $0x4FFFF;
	_ =	strace $0x90000049  }
0xc0: {  	s29 =	simm.s32 $0xB;
	_ =	strace $0x8000004B  }
0xc1: {  	_ =	swait.ge [sflag:s29], $0x1  }
0xc2: {  	[sflag:s29] =	ssyncadd.s32 $0xFFFFFFFF  }
0xc3: {  	_ =	strace $0x9000004B  }
0xc4: {  	_ =	sfence  }
0xc5: {  	s30 =	sld [smem:$0x0];
	_ =	sdelay $0x2  }
0xc6: {  	s31 =	sshll.u32 s1, $0xD;
	s1 =	sshrl.u32 s1, $0x2  }
0xc7: {  	s4 =	sand.u32 $0x4000, s31;
	s1 =	sadd.s32 s1, s30  }
0xc8: {  	s0 =	sor.u32 s4, s0;
	s1 =	sshll.u32 s1, $0x11  }
0xc9: {  	s0 =	sor.u32 s1, s0  }
0xca: {  	s0 =	sadd.s32 $0x8F2B, s0  }
0xcb: {  	[sflag:s0] =	ssyncadd.remote.s32 $0x1  }
0xcc: {  	_ =	sfence.sel $0xFFFF  }
0xcd: {  	[dreg:$0x0] =	wrdreg $0xFFFFFFFF;
	(pc) =	sbr.abs _section_cstart, $3  }
0xce: {  	[dreg:$0x1] =	wrdreg $0xFFFFFFFF  }
0xcf: {  	_ =	task.clear_ibuf [dreg:s22], $0x2FFFF;
	_ =	strace $0x9FFFFFFF  }
0xd0: {  	(tm) =	ssettm $0x7FFFFFFF  }
0xd1: {  	_ =	shalt  }
tec
execute0_lowered:
.L_overlay_start_1:
0x0: {  	(tag) =	ssettag $0x1  }
0x1: {  	s4 =	rddreg [dreg:$0x0];
	s2 =	srdreg.scid  }
0x2: {  	s0 =	rddreg [dreg:$0x1];
	s1 =	stileid.u32;
	s15 =	simm.s32 $0x28  }
0x3: {  	s16 =	simm.s32 $0x100;
	s17 =	simm.s32 $0x400;
	s18 =	simm.s32 $0x4  }
0x4: {  	s21 =	simm.s32 $0x380;
	s22 =	simm.s32 $0x1800;
	s23 =	simm.s32 $0x1  }
0x5: {  	s24 =	simm.s32 $0x2;
	s5 =	sand.u32 $0x1, s2;
	s2 =	simm.s32 $0x0  }
0x6: {  	s6 =	sshll.u32 s1, $0x3;
	s3 =	sshll.u32 s5, $0x7;
	[smem:$0x7FF] =	sst s2  }
0x7: {  	s5 =	ssub.s32 $0x2, s5;
	s25 =	sor.u32 s6, s3;
	_ =	strace $0x8000004A  }
0x8: {  	s3 =	sadd.s32 $0x9800, s4;
	s8 =	sshrl.u32 s5, $0x1;
	s6 =	smin.u32 s25, $0x78  }
0x9: {  	s14 =	ssub.s32 $0x7D, s25;
	s10 =	ssub.s32 s5, s8;
	p1 =	sgt.u32 s25, $0x79  }
0xa: {  	p2 =	sgt.u32 s25, $0x77;
	p6 =	sgt.u32 s25, $0x7A;
	s7 =	sshll.u32 s6, $0x4  }
0xb: {  	s6 =	smul.u32 $0x280, s6;
	p0 =	sgt.s32 s14, $0x0;
	s10 =	smax.u32 s10, $0x1  }
0xc: {  	p3 =	sgt.u32 @p1 s25, $0x7A;
	p4 =	sgt.u32 @p2 s25, $0x78;
	s26 =	simm.s32 @!p6 $0x0  }
0xd: {  	s7 =	sadd.s32 s7, s4;
	s14 =	simm.s32 @!p0 $0x0;
	p3 =	por p3, !p1  }
0xe: {  	s26 =	simm.s32 @p6 $0x1;
	p6 =	sgt.u32 s25, $0x78;
	s13 =	sadd.s32 s6, s4  }
0xf: {  	s4 =	sadd.s32 $0x2C9000, s7;
	s31 =	smin.u32 s14, $0x8;
	[smem:$0x7FA] =	sst s26  }
0x10: {  	p0 =	seq.s32 s14, $0x0;
	s5 =	sadd.s32 $0x2C9800, s13;
	s6 =	sadd.s32 $0x2C9A80, s13  }
0x11: {  	s14 =	simm.s32 $0x5;
	s7 =	sadd.s32 $0x2C9D00, s13;
	s8 =	sadd.s32 $0x2C9F80, s13  }
0x12: {  	s26 =	simm.s32 @!p6 $0x0;
	s9 =	sadd.s32 $0x2CA200, s13;
	s11 =	sadd.s32 $0x2CA480, s13  }
0x13: {  	s20 =	sor.u32 $0x2, s31;
	s12 =	sadd.s32 $0x2CA700, s13;
	s13 =	sadd.s32 $0x2CA980, s13  }
0x14: {  	s26 =	simm.s32 @p6 $0x1;
	p6 =	sgt.u32 s25, $0x76;
	p5 =	slt.u32 s20, $0x5  }
0x15: {  	[smem:$0x7FB] =	sst s26;
	s26 =	simm.s32 @!p6 $0x0;
	s19 =	simm.s32 @!p5 $0x0  }
0x16: {  	s26 =	simm.s32 @p6 $0x1;
	s19 =	simm.s32 @p5 $0x1;
	p5 =	por p4, !p2  }
.Ltmp0:
0x17: {  	p4 =	slt.u32 s20, $0x7;
	[smem:$0x7FC] =	sst s26;
	(pc) =	sbr.rel .LBB2_1-.Ltmp0, $4  }
0x18: {  	p6 =	sgt.u32 s25, $0x75;
	[smem:$0x7F8] =	sst s19;
	s20 =	simm.s32 @!p4 $0x0  }
0x19: {  	s20 =	simm.s32 @p4 $0x1;
	p4 =	sgt.u32 s25, $0x7B;
	s25 =	simm.s32 @!p6 $0x0  }
0x1a: {  	s19 =	simm.s32 $0x200;
	[smem:$0x7F9] =	sst s20;
	s25 =	simm.s32 @p6 $0x1  }
0x1b: {  	s20 =	simm.s32 $0x300;
	[smem:$0x7FD] =	sst s25;
	s25 =	simm.s32 $0x3  }
.LBB2_13:
0x1c: {  	[tilespmem:s22], [sflag:$0x2] =	stream.indirect.gather [hbm4b:s3+s15], $0x80, s21, s15, $0xb8;
	[tilespmem:$0x2C00] =	vst v63  }
0x1d: {  	_ =	swait.ge [sflag:s23], $0x1400  }
0x1e: {  	[sflag:s23] =	ssyncset.done $0x0  }
0x1f: {  	[sflag:s23] =	ssyncadd.s32 $0xFFFFEC00  }
0x20: {  	[hbm4b:s12+s2] =	stream.linear.scatter [tilespmem:s17], [sflag:$0x3], $0x1400, $0x38;
	[tilespmem:$0x2C00] =	vst v63  }
0x21: {  	_ =	swait.ge [sflag:s24], $0x1400  }
0x22: {  	[sflag:s24] =	ssyncset.done $0x0  }
0x23: {  	[sflag:s24] =	ssyncadd.s32 $0xFFFFEC00  }
0x24: {  	[hbm4b:s13+s2] =	stream.linear.scatter [tilespmem:s22], [sflag:$0x4], $0x1400, $0x38;
	[tilespmem:$0x2C00] =	vst v63  }
.LBB2_16:
0x25: {  	_ =	swait.ge [sflag:s25], $0x1400  }
0x26: {  	[sflag:s25] =	ssyncset.done $0x0  }
0x27: {  	[sflag:s25] =	ssyncadd.s32 $0xFFFFEC00  }
0x28: {  	_ =	swait.ge [sflag:s18], $0x1400  }
0x29: {  	[sflag:s18] =	ssyncset.done $0x0  }
0x2a: {  	[sflag:s18] =	ssyncadd.s32 $0xFFFFEC00  }
.LBB2_17:
0x2b: {  	s10 =	sadd.s32 $0xFFFFFFFF, s10  }
0x2c: {  	p6 =	sne.s32 s10, $0x0  }
.Ltmp1:
0x2d: {  	_ = 	snop;
	(pc) =	sbr.rel @!p6 .LBB2_18-.Ltmp1, $1  }
0x2e: {  	_ =	sdelay $0x3  }
.LBB2_1:
0x2f: {  	[tilespmem:s2], [sflag:$0x5] =	stream.linear.gather [hbm4b:s4+s2], $0x400, $0x38;
	[tilespmem:$0x2C00] =	vst v63  }
0x30: {  	_ =	swait.ge [sflag:s14], $0x400  }
0x31: {  	s26 =	simm.s32 @!p0 $0x28;
	[sflag:s14] =	ssyncset.done $0x0  }
0x32: {  	s28 =	simm.s32 @!p0 $0x0;
	s29 =	simm.s32 @!p0 $0x400;
	[sflag:s14] =	ssyncadd.s32 $0xFFFFFC00  }
0x33: {  	[tilespmem:s29], [sflag:$0x1] =	stream.indirect.gather @!p0 [hbm4b:s3+s26], $0x80, s28, s26, $0xb8;
	[tilespmem:$0x2C00] =	vst v63  }
0x34: {  	s30 =	simm.s32 @!p4 $0x80;
	s31 =	simm.s32 @!p4 $0x1800;
	s26 =	simm.s32 @!p4 $0x28  }
0x35: {  	[tilespmem:s31], [sflag:$0x2] =	stream.indirect.gather @!p4 [hbm4b:s3+s26], $0x80, s30, s26, $0xb8;
	[tilespmem:$0x2C00] =	vst v63  }
0x36: {  	s26 =	simm.s32 @!p0 $0x1  }
0x37: {  	_ =	swait.ge @!p0 [sflag:s26], $0x1400  }
0x38: {  	[sflag:s26] =	ssyncset.done @!p0 $0x0  }
0x39: {  	[sflag:s26] =	ssyncadd.s32 @!p0 $0xFFFFEC00;
	s26 =	simm.s32 @!p4 $0x2  }
0x3a: {  	[hbm4b:s5+s28] =	stream.linear.scatter @!p0 [tilespmem:s29], [sflag:$0x3], $0x1400, $0x38;
	[tilespmem:$0x2C00] =	vst v63  }
0x3b: {  	_ =	swait.ge @!p4 [sflag:s26], $0x1400  }
0x3c: {  	[sflag:s26] =	ssyncset.done @!p4 $0x0  }
0x3d: {  	[sflag:s26] =	ssyncadd.s32 @!p4 $0xFFFFEC00;
	s26 =	simm.s32 @!p4 $0x0  }
0x3e: {  	[hbm4b:s6+s26] =	stream.linear.scatter @!p4 [tilespmem:s31], [sflag:$0x4], $0x1400, $0x38;
	[tilespmem:$0x2C00] =	vst v63  }
0x3f: {  	s26 =	simm.s32 @!p0 $0x3  }
0x40: {  	_ =	swait.ge @!p0 [sflag:s26], $0x1400  }
0x41: {  	s31 =	sld [smem:$0x7FA];
	_ =	sdelay $0x2  }
0x42: {  	p6 =	seq.s32 s31, $0x1  }
.Ltmp2:
0x43: {  	_ = 	snop;
	(pc) =	sbr.rel @p6 .LBB2_3-.Ltmp2, $3  }
0x44: {  	_ =	sdelay $0x1  }
0x45: {  	[sflag:s26] =	ssyncset.done @!p0 $0x0  }
0x46: {  	[sflag:s26] =	ssyncadd.s32 @!p0 $0xFFFFEC00  }
.Ltmp3:
0x47: {  	(pc) =	sbr.rel .LBB2_4-.Ltmp3, $2  }
0x48: {  	_ =	sdelay $0x2  }
0x49: {  	[tilespmem:s17], [sflag:$0x1] =	stream.indirect.gather [hbm4b:s3+s15], $0x80, s16, s15, $0xb8;
	[tilespmem:$0x2C00] =	vst v63  }
.LBB2_3:
.Ltmp4:
0x4a: {  	(pc) =	sbr.rel @p4 .LBB2_5-.Ltmp4, $1  }
0x4b: {  	_ =	sdelay $0x3  }
.LBB2_4:
0x4c: {  	_ =	swait.ge [sflag:s18], $0x1400  }
0x4d: {  	[sflag:s18] =	ssyncset.done $0x0  }
0x4e: {  	s26 =	simm.s32 @!p3 $0x1;
	[sflag:s18] =	ssyncadd.s32 $0xFFFFEC00  }
0x4f: {  	_ =	swait.ge @!p3 [sflag:s26], $0x1400  }
0x50: {  	[sflag:s26] =	ssyncset.done @!p3 $0x0  }
0x51: {  	s28 =	simm.s32 @!p3 $0x400;
	[sflag:s26] =	ssyncadd.s32 @!p3 $0xFFFFEC00;
	s26 =	simm.s32 @!p3 $0x0  }
0x52: {  	[hbm4b:s7+s26] =	stream.linear.scatter @!p3 [tilespmem:s28], [sflag:$0x3], $0x1400, $0x38;
	[tilespmem:$0x2C00] =	vst v63  }
0x53: {  	s29 =	simm.s32 @!p1 $0x1800;
	s26 =	simm.s32 @!p1 $0x28;
	s28 =	simm.s32 @!p1 $0x180  }
0x54: {  	[tilespmem:s29], [sflag:$0x2] =	stream.indirect.gather @!p1 [hbm4b:s3+s26], $0x80, s28, s26, $0xb8;
	[tilespmem:$0x2C00] =	vst v63  }
0x55: {  	s26 =	simm.s32 @!p1 $0x1  }
0x56: {  	_ =	swait.ge @!p1 [sflag:s26], $0x1400  }
0x57: {  	[sflag:s26] =	ssyncset.done @!p1 $0x0  }
0x58: {  	s28 =	simm.s32 @!p1 $0x400;
	[sflag:s26] =	ssyncadd.s32 @!p1 $0xFFFFEC00;
	s26 =	simm.s32 @!p1 $0x0  }
0x59: {  	[hbm4b:s7+s26] =	stream.linear.scatter @!p1 [tilespmem:s28], [sflag:$0x3], $0x1400, $0x38;
	[tilespmem:$0x2C00] =	vst v63  }
0x5a: {  	s28 =	simm.s32 @!p1 $0x2  }
0x5b: {  	_ =	swait.ge @!p1 [sflag:s28], $0x1400  }
0x5c: {  	[sflag:s28] =	ssyncset.done @!p1 $0x0  }
0x5d: {  	[sflag:s28] =	ssyncadd.s32 @!p1 $0xFFFFEC00  }
0x5e: {  	[hbm4b:s8+s26] =	stream.linear.scatter @!p1 [tilespmem:s29], [sflag:$0x4], $0x1400, $0x38;
	[tilespmem:$0x2C00] =	vst v63  }
.LBB2_5:
0x5f: {  	s26 =	sld [smem:$0x7F8];
	_ =	sdelay $0x2  }
0x60: {  	p6 =	seq.s32 s26, $0x1  }
0x61: {  	s26 =	simm.s32 @!p6 $0x3  }
0x62: {  	_ =	swait.ge @!p6 [sflag:s26], $0x1400  }
0x63: {  	s31 =	sld [smem:$0x7FB];
	_ =	sdelay $0x1  }
0x64: {  	[sflag:s26] =	ssyncset.done @!p6 $0x0  }
0x65: {  	[sflag:s26] =	ssyncadd.s32 @!p6 $0xFFFFEC00;
	p6 =	seq.s32 s31, $0x1  }
.Ltmp5:
0x66: {  	_ = 	snop;
	(pc) =	sbr.rel @p6 .LBB2_7-.Ltmp5, $1  }
0x67: {  	_ =	sdelay $0x3  }
.Ltmp6:
0x68: {  	(pc) =	sbr.rel .LBB2_8-.Ltmp6, $2  }
0x69: {  	_ =	sdelay $0x2  }
0x6a: {  	[tilespmem:s17], [sflag:$0x1] =	stream.indirect.gather [hbm4b:s3+s15], $0x80, s19, s15, $0xb8;
	[tilespmem:$0x2C00] =	vst v63  }
.LBB2_7:
.Ltmp7:
0x6b: {  	(pc) =	sbr.rel @p1 .LBB2_9-.Ltmp7, $1  }
0x6c: {  	_ =	sdelay $0x3  }
.LBB2_8:
0x6d: {  	_ =	swait.ge [sflag:s18], $0x1400  }
0x6e: {  	[sflag:s18] =	ssyncset.done $0x0  }
0x6f: {  	s26 =	simm.s32 @!p5 $0x1;
	[sflag:s18] =	ssyncadd.s32 $0xFFFFEC00  }
0x70: {  	_ =	swait.ge @!p5 [sflag:s26], $0x1400  }
0x71: {  	[sflag:s26] =	ssyncset.done @!p5 $0x0  }
0x72: {  	s28 =	simm.s32 @!p5 $0x400;
	[sflag:s26] =	ssyncadd.s32 @!p5 $0xFFFFEC00;
	s26 =	simm.s32 @!p5 $0x0  }
0x73: {  	[hbm4b:s9+s26] =	stream.linear.scatter @!p5 [tilespmem:s28], [sflag:$0x3], $0x1400, $0x38;
	[tilespmem:$0x2C00] =	vst v63  }
0x74: {  	s29 =	simm.s32 @!p2 $0x1800;
	s26 =	simm.s32 @!p2 $0x28;
	s28 =	simm.s32 @!p2 $0x280  }
0x75: {  	[tilespmem:s29], [sflag:$0x2] =	stream.indirect.gather @!p2 [hbm4b:s3+s26], $0x80, s28, s26, $0xb8;
	[tilespmem:$0x2C00] =	vst v63  }
0x76: {  	s26 =	simm.s32 @!p2 $0x1  }
0x77: {  	_ =	swait.ge @!p2 [sflag:s26], $0x1400  }
0x78: {  	[sflag:s26] =	ssyncset.done @!p2 $0x0  }
0x79: {  	s28 =	simm.s32 @!p2 $0x400;
	[sflag:s26] =	ssyncadd.s32 @!p2 $0xFFFFEC00;
	s26 =	simm.s32 @!p2 $0x0  }
0x7a: {  	[hbm4b:s9+s26] =	stream.linear.scatter @!p2 [tilespmem:s28], [sflag:$0x3], $0x1400, $0x38;
	[tilespmem:$0x2C00] =	vst v63  }
0x7b: {  	s28 =	simm.s32 @!p2 $0x2  }
0x7c: {  	_ =	swait.ge @!p2 [sflag:s28], $0x1400  }
0x7d: {  	[sflag:s28] =	ssyncset.done @!p2 $0x0  }
0x7e: {  	[sflag:s28] =	ssyncadd.s32 @!p2 $0xFFFFEC00  }
0x7f: {  	[hbm4b:s11+s26] =	stream.linear.scatter @!p2 [tilespmem:s29], [sflag:$0x4], $0x1400, $0x38;
	[tilespmem:$0x2C00] =	vst v63  }
.LBB2_9:
0x80: {  	s26 =	sld [smem:$0x7F9];
	_ =	sdelay $0x2  }
0x81: {  	p6 =	seq.s32 s26, $0x1  }
0x82: {  	s26 =	simm.s32 @!p6 $0x3  }
0x83: {  	_ =	swait.ge @!p6 [sflag:s26], $0x1400  }
0x84: {  	s31 =	sld [smem:$0x7FC];
	_ =	sdelay $0x1  }
0x85: {  	[sflag:s26] =	ssyncset.done @!p6 $0x0  }
0x86: {  	[sflag:s26] =	ssyncadd.s32 @!p6 $0xFFFFEC00;
	p6 =	seq.s32 s31, $0x1  }
.Ltmp8:
0x87: {  	_ = 	snop;
	(pc) =	sbr.rel @p6 .LBB2_11-.Ltmp8, $1  }
0x88: {  	_ =	sdelay $0x3  }
.Ltmp9:
0x89: {  	(pc) =	sbr.rel .LBB2_12-.Ltmp9, $2  }
0x8a: {  	_ =	sdelay $0x2  }
0x8b: {  	[tilespmem:s17], [sflag:$0x1] =	stream.indirect.gather [hbm4b:s3+s15], $0x80, s20, s15, $0xb8;
	[tilespmem:$0x2C00] =	vst v63  }
.LBB2_11:
.Ltmp10:
0x8c: {  	(pc) =	sbr.rel @p2 .LBB2_17-.Ltmp10, $1  }
0x8d: {  	_ =	sdelay $0x3  }
.LBB2_12:
0x8e: {  	_ =	swait.ge [sflag:s18], $0x1400  }
0x8f: {  	s26 =	sld [smem:$0x7FD];
	_ =	sdelay $0x2  }
0x90: {  	p6 =	seq.s32 s26, $0x1  }
.Ltmp11:
0x91: {  	_ = 	snop;
	(pc) =	sbr.rel @!p6 .LBB2_13-.Ltmp11, $3  }
0x92: {  	_ =	sdelay $0x1  }
0x93: {  	[sflag:s18] =	ssyncset.done $0x0  }
0x94: {  	[sflag:s18] =	ssyncadd.s32 $0xFFFFEC00  }
0x95: {  	s26 =	sld [smem:$0x7FC];
	_ =	sdelay $0x2  }
0x96: {  	p6 =	seq.s32 s26, $0x1  }
.Ltmp12:
0x97: {  	_ = 	snop;
	(pc) =	sbr.rel @p6 .LBB2_17-.Ltmp12, $1  }
0x98: {  	_ =	sdelay $0x3  }
.Ltmp13:
0x99: {  	(pc) =	sbr.rel .LBB2_16-.Ltmp13, $4  }
0x9a: {  	_ =	swait.ge [sflag:s23], $0x1400  }
0x9b: {  	[sflag:s23] =	ssyncset.done $0x0  }
0x9c: {  	[sflag:s23] =	ssyncadd.s32 $0xFFFFEC00  }
0x9d: {  	[hbm4b:s12+s2] =	stream.linear.scatter [tilespmem:s17], [sflag:$0x3], $0x1400, $0x38;
	[tilespmem:$0x2C00] =	vst v63  }
.LBB2_18:
0x9e: {  	_ =	sfence.sel $0x180000  }
0x9f: {  	[bflag:$0x0] =	sbarrier.arrive $0xFFFF  }
0xa0: {  	p0 =	sne.s32 s1, $0x0;
	_ =	strace $0x9000004A  }
0xa1: {  	s0 =	sadd.s32 @!p0 $0x100000, s0;
	[bflag:$0x2] =	sbarrier.arrive $0xFFFF  }
0xa2: {  	[sflag:s0] =	ssyncadd.tile.s32 @!p0 $0x1;
	_ =	shalt  }
.Lfunc_end2:
_tile_overlayer_lowered:
.L_overlay_start_2:
0xa3: {  	(tag) =	ssettag $0x2  }
0xa4: {  	s0 =	rddreg [dreg:$0x0];
	s2 =	stileid.u32  }
0xa5: {  	s1 =	rddreg [dreg:$0x1];
	p0 =	sne.s32 s2, $0x0  }
0xa6: {  	s3 =	rddreg [dreg:$0x2];
	[bflag:$0x3] =	sbarrier.arrive $0xFFFF;
	s2 =	simm.s32 @!p0 $0x1C05  }
0xa7: {  	[timem:s3], [sflag:s2] =	dma.local @!p0 [hbm:s0], s1  }
0xa8: {  	s0 =	simm.s32 @!p0 $0x5  }
0xa9: {  	_ =	swait.ge @!p0 [sflag:s0], s1  }
0xaa: {  	s1 =	ssub.s32 @!p0 $0x0, s1;
	[sflag:s0] =	ssyncset.done @!p0 $0x0  }
0xab: {  	[sflag:s0] =	ssyncadd.s32 @!p0 s1  }
0xac: {  	[bflag:$0x3] =	sbarrier.arrive $0xFFFF  }
0xad: {  	_ =	shalt  }

// kernel: kernel.20.cloned.1.call-start
scs
__scs_entry_jumppad:
0x0: {  	(pc) =	sbr.rel $0x88, $3  }
0x1: {  	(tag) =	ssettag $0x0;
	lr =	simm.s32 $0x1  }
0x2: {  	[smem:$0x3F93] =	sst lr;
	_ =	strace $0xD0000000  }
0x3: {  	_ = 	snop  }
0x4: {  	_ = 	snop  }
0x5: {  	_ = 	snop  }
0x6: {  	_ = 	snop  }
0x7: {  	_ = 	snop  }
__scs_overlays_trampoline_lowered:
0x8: {  	[smem:$0x3FA2] =	sst s0  }
0x9: {  	[smem:$0x3FA3] =	sst s1  }
0xa: {  	[smem:$0x3FA4] =	sst s2  }
0xb: {  	[smem:$0x3FA5] =	sst s3  }
0xc: {  	[smem:$0x3FA6] =	sst s4  }
0xd: {  	[smem:$0x3FA7] =	sst s5  }
0xe: {  	[smem:$0x3FA8] =	sst s6  }
0xf: {  	[smem:$0x3FA9] =	sst s7  }
0x10: {  	[smem:$0x3FAA] =	sst s8  }
0x11: {  	[smem:$0x3FAB] =	sst s9;
	s0 =	simm.s32 @!p0 $0x0  }
0x12: {  	s1 =	sld [smem:$0x3F91];
	s0 =	simm.s32 @p0 $0x1  }
0x13: {  	[smem:$0x3FAC] =	sst s0;
	s0 =	simm.s32 @!p1 $0x0  }
0x14: {  	s2 =	sld [smem:$0x3F90];
	s0 =	simm.s32 @p1 $0x1  }
0x15: {  	[smem:$0x3FAD] =	sst s0;
	s0 =	simm.s32 @!p2 $0x0  }
0x16: {  	s3 =	sld [smem:$0x3FDB];
	s0 =	simm.s32 @p2 $0x1  }
0x17: {  	s4 =	simm.s32 $0x1BF5;
	[smem:$0x3FAF] =	sst s0  }
0x18: {  	s0 =	sld [smem:$0x3F92];
	_ =	swait.ge [sflag:s4], $0x0  }
0x19: {  	s7 =	sld [smem:$0x3F93]  }
0x1a: {  	s8 =	sadd.s32 $0xFFFFE003, lr  }
0x1b: {  	s9 =	sadd.s32 $0xFFFFFEF7, lr;
	s5 =	simm.s32 $0xFFFFFFFF;
	p2 =	slt.u32 s8, $0xFFFFF086  }
0x1c: {  	p1 =	slt.u32 s9, $0xF7A;
	s5 =	simm.s32 @!p2 $0x0  }
0x1d: {  	s5 =	simm.s32 @p1 $0x1;
	p0 =	seq.s32 s7, s2  }
0x1e: {  	s7 =	smul.u32 @!p0 $0xF7A, s2;
	p2 =	seq.s32 @!p0 s5, $0x0  }
0x1f: {  	s9 =	smul.u32 $0xF7A, s1;
	s8 =	simm.s32 @!p0 $0x1BF5;
	p2 =	por !p2, p0  }
0x20: {  	[sflag:s8] =	ssyncset.s32 @!p0 $0xFFFFF086;
	s6 =	sadd.s32 @!p0 s3, s7;
	s7 =	simm.s32 @!p0 $0x108  }
0x21: {  	s3 =	sadd.s32 s3, s9;
	s6 =	sadd.s32 @!p0 $0x88, s6;
	s7 =	simm.s32 @p2 $0x1082  }
0x22: {  	[simem:s7], [sflag:s8] =	dma.local @!p0 [hbm:s6], $0xF7A  }
0x23: {  	s9 =	sor.u32 $0xD0000000, s2;
	s6 =	simm.s32 $0x108;
	_ =	swait.ge @!p0 [sflag:s8], $0x0  }
0x24: {  	s3 =	sadd.s32 $0x88, s3;
	s6 =	simm.s32 @!p1 $0x1082;
	[sflag:s4] =	ssyncset.s32 $0xFFFFF086  }
0x25: {  	[simem:s6], [sflag:s4] =	dma.local [hbm:s3], $0xF7A  }
0x26: {  	[smem:$0x3F93] =	sst s1;
	(tag) =	ssettag s2;
	_ =	strace s9  }
0x27: {  	s1 =	sld [smem:$0x3FA3]  }
0x28: {  	s2 =	sld [smem:$0x3FA4]  }
0x29: {  	s4 =	sld [smem:$0x3FA6]  }
0x2a: {  	p0 =	seq.s32 s5, $0x0;
	s5 =	sld [smem:$0x3FA7]  }
0x2b: {  	s6 =	sld [smem:$0x3FA8]  }
0x2c: {  	s7 =	sld [smem:$0x3FA9]  }
0x2d: {  	s3 =	simm.s32 $0x108;
	s8 =	sld [smem:$0x3FAA]  }
0x2e: {  	s3 =	simm.s32 @!p0 $0x1082;
	s9 =	sld [smem:$0x3FAB]  }
0x2f: {  	lr =	sadd.s32 s0, s3;
	s0 =	sld [smem:$0x3FA2]  }
0x30: {  	s3 =	sld [smem:$0x3FA5]  }
0x31: {  	[smem:$0x3FAE] =	sst s10  }
0x32: {  	s10 =	sld [smem:$0x3FAC];
	_ =	sdelay $0x3  }
0x33: {  	p0 =	seq.s32 s10, $0x1;
	s10 =	sld [smem:$0x3FAE];
	_ =	sdelay $0x3  }
0x34: {  	[smem:$0x3FAE] =	sst s10  }
0x35: {  	s10 =	sld [smem:$0x3FAD];
	_ =	sdelay $0x3  }
0x36: {  	p1 =	seq.s32 s10, $0x1;
	s10 =	sld [smem:$0x3FAE];
	_ =	sdelay $0x3  }
0x37: {  	[smem:$0x3FAE] =	sst s10  }
0x38: {  	s10 =	sld [smem:$0x3FAF]  }
0x39: {  	_ = 	snop;
	(pc) =	sbr.ind lr, $3  }
0x3a: {  	_ = 	snop  }
0x3b: {  	_ = 	snop  }
0x3c: {  	p2 =	seq.s32 s10, $0x1;
	s10 =	sld [smem:$0x3FAE]  }
0x3d: {  	_ =	shalt  }
0x3e: {  	_ =	shalt  }
0x3f: {  	_ =	shalt  }
0x40: {  	_ =	shalt  }
0x41: {  	_ =	shalt  }
0x42: {  	_ =	shalt  }
0x43: {  	_ =	shalt  }
0x44: {  	_ =	shalt  }
0x45: {  	_ =	shalt  }
0x46: {  	_ =	shalt  }
0x47: {  	_ =	shalt  }
0x48: {  	_ =	shalt  }
0x49: {  	_ =	shalt  }
0x4a: {  	_ =	shalt  }
0x4b: {  	_ =	shalt  }
0x4c: {  	_ =	shalt  }
0x4d: {  	_ =	shalt  }
0x4e: {  	_ =	shalt  }
0x4f: {  	_ =	shalt  }
0x50: {  	_ =	shalt  }
0x51: {  	_ =	shalt  }
0x52: {  	_ =	shalt  }
0x53: {  	_ =	shalt  }
0x54: {  	_ =	shalt  }
0x55: {  	_ =	shalt  }
0x56: {  	_ =	shalt  }
0x57: {  	_ =	shalt  }
0x58: {  	_ =	shalt  }
0x59: {  	_ =	shalt  }
0x5a: {  	_ =	shalt  }
0x5b: {  	_ =	shalt  }
0x5c: {  	_ =	shalt  }
0x5d: {  	_ =	shalt  }
0x5e: {  	_ =	shalt  }
0x5f: {  	_ =	shalt  }
0x60: {  	_ =	shalt  }
0x61: {  	_ =	shalt  }
0x62: {  	_ =	shalt  }
0x63: {  	_ =	shalt  }
0x64: {  	_ =	shalt  }
0x65: {  	_ =	shalt  }
0x66: {  	_ =	shalt  }
0x67: {  	_ =	shalt  }
0x68: {  	_ =	shalt  }
0x69: {  	_ =	shalt  }
0x6a: {  	_ =	shalt  }
0x6b: {  	_ =	shalt  }
0x6c: {  	_ =	shalt  }
0x6d: {  	_ =	shalt  }
0x6e: {  	_ =	shalt  }
0x6f: {  	_ =	shalt  }
0x70: {  	_ =	shalt  }
0x71: {  	_ =	shalt  }
0x72: {  	_ =	shalt  }
0x73: {  	_ =	shalt  }
0x74: {  	_ =	shalt  }
0x75: {  	_ =	shalt  }
0x76: {  	_ =	shalt  }
0x77: {  	_ =	shalt  }
0x78: {  	_ =	shalt  }
0x79: {  	_ =	shalt  }
0x7a: {  	_ =	shalt  }
0x7b: {  	_ =	shalt  }
0x7c: {  	_ =	shalt  }
0x7d: {  	_ =	shalt  }
0x7e: {  	_ =	shalt  }
0x7f: {  	_ =	shalt  }
0x80: {  	_ =	shalt  }
0x81: {  	_ =	shalt  }
0x82: {  	_ =	shalt  }
0x83: {  	_ =	shalt  }
0x84: {  	_ =	shalt  }
0x85: {  	_ =	shalt  }
0x86: {  	_ =	shalt  }
0x87: {  	_ =	shalt  }
.Lfunc_end0:
.L_simem_size_0:
called_computation.3_lowered:
.L_overlay_start_0:
0x88: {  	s2 =	sld [smem:$0x3FD9]  }
0x89: {  	s3 =	sld [smem:$0x3FFE];
	_ =	sdelay $0x1  }
0x8a: {  	s1 =	srdreg.scid  }
0x8b: {  	s0 =	sand.u32 $0x1, s1  }
0x8c: {  	s17 =	sshll.u32 s0, $0xA;
	s2 =	sadd.s32 s3, s2  }
0x8d: {  	s2 =	sadd.s32 s2, s17  }
0x8e: {  	[smem:$0x3FBA] =	sst s2  }
0x8f: {  	_ = 	snop  }
0x90: {  	(tm) =	ssettm $0x1  }
0x91: {  	s18 =	sld [smem:$0x3FFB];
	_ =	sdelay $0x3  }
0x92: {  	_ =	strace s18  }
0x93: {  	s2 =	sld [smem:$0x3FFC];
	_ =	sdelay $0x3  }
0x94: {  	_ =	strace s2  }
0x95: {  	s2 =	sld [smem:$0x3FFD];
	_ =	sdelay $0x3  }
0x96: {  	_ =	strace s2  }
0x97: {  	_ =	strace $0x8FFFFFFF  }
0x98: {  	s19 =	sld [smem:$0x3FDB];
	_ =	sdelay $0x1  }
0x99: {  	s20 =	simm.s32 $_scs_section_size  }
0x9a: {  	s4 =	simm.s32 $_size__tile_overlayer_lowered;
	s5 =	simm.s32 $_tile_overlayer_lowered  }
0x9b: {  	s6 =	simm.s32 $0x1BFF;
	s21 =	sshll.u32 s5, $0x1;
	s3 =	sadd.s32 s20, s19  }
0x9c: {  	s22 =	simm.s32 $0x0;
	s4 =	sshll.u32 s4, $0x1;
	s5 =	sadd.s32 s21, s3  }
0x9d: {  	[timem:s22], [sflag:s6] =	dma.local [hbm:s5], s4  }
0x9e: {  	_ =	swait.ge [sflag:s6], s4  }
0x9f: {  	s4 =	ssub.s32 $0x0, s4;
	[sflag:s6] =	ssyncset.done $0x0  }
0xa0: {  	[sflag:s6] =	ssyncadd.s32 s4;
	_ =	sdelay $0x1  }
0xa1: {  	s23 =	simm.s32 $0x1B8B  }
0xa2: {  	_ =	swait.ge [sflag:s23], $0x1  }
0xa3: {  	[sflag:s23] =	ssyncset.done $0x0  }
0xa4: {  	[sflag:s23] =	ssyncadd.s32 $0xFFFFFFFF  }
0xa5: {  	s4 =	sld [smem:$0x0]  }
0xa6: {  	s5 =	sand.u32 $0xFFFFFFFE, s1  }
0xa7: {  	p0 =	sne.s32 s1, s5  }
0xa8: {  	s5 =	sshll.u32 @p0 s5, $0xE  }
0xa9: {  	s5 =	sadd.s32 @p0 $0x11B8D, s5;
	s6 =	sshll.u32 @p0 s4, $0x11  }
0xaa: {  	s5 =	sor.u32 @p0 s6, s5  }
0xab: {  	[sflag:s5] =	ssyncadd.remote.s32 @p0 $0x1;
	_ =	sdelay $0x1  }
0xac: {  	s5 =	simm.s32 @p0 $0x1B8D  }
0xad: {  	_ =	swait.eq @p0 [sflag:s5], $0x1  }
0xae: {  	[sflag:s5] =	ssyncadd.s32 @p0 $0xFFFFFFFF  }
0xaf: {  	s6 =	sshll.u32 @!p0 s1, $0xE  }
0xb0: {  	s6 =	sor.u32 @!p0 $0x4000, s6;
	s5 =	simm.s32 @!p0 $0x1B8D  }
0xb1: {  	s4 =	sshll.u32 @!p0 s4, $0x11;
	s6 =	sadd.s32 @!p0 $0x11B8D, s6;
	_ =	swait.eq @!p0 [sflag:s5], $0x1  }
0xb2: {  	s4 =	sor.u32 @!p0 s4, s6;
	[sflag:s5] =	ssyncadd.s32 @!p0 $0xFFFFFFFF  }
0xb3: {  	s25 =	simm.s32 $0x1B8E;
	s24 =	sld [smem:$0x3FFE];
	[sflag:s4] =	ssyncadd.remote.s32 @!p0 $0x1  }
0xb4: {  	s26 =	simm.s32 $execute0_lowered;
	[smem:$0x3FD2] =	sst s25  }
0xb5: {  	s5 =	sshll.u32 s26, $0x1;
	_ =	strace $0x80000055;
	[dreg:$0x1] =	wrdreg $0xFFFFFFFF  }
0xb6: {  	s28 =	simm.s32 $_size_execute0_lowered;
	s3 =	sadd.s32 s3, s5;
	[dreg:$0x0] =	wrdreg $0x0  }
0xb7: {  	s5 =	sshll.u32 s28, $0x1;
	[dreg:$0x2] =	wrdreg s3  }
0xb8: {  	[dreg:$0x3] =	wrdreg s5  }
0xb9: {  	[dreg:$0x4] =	wrdreg $0xC0  }
0xba: {  	_ =	task [dreg:s22], $0x5FFFF  }
0xbb: {  	[dreg:$0x1] =	wrdreg $0xFFFFFFFF  }
0xbc: {  	[dreg:$0x0] =	wrdreg $0x60  }
0xbd: {  	[dreg:$0x2] =	wrdreg s24  }
0xbe: {  	[dreg:$0x3] =	wrdreg $0xC  }
0xbf: {  	_ =	task.clear_ibuf [dreg:s22], $0x4FFFF;
	_ =	strace $0x90000055  }
0xc0: {  	s29 =	simm.s32 $0xC;
	_ =	strace $0x80000057  }
0xc1: {  	_ =	swait.ge [sflag:s29], $0x1  }
0xc2: {  	[sflag:s29] =	ssyncadd.s32 $0xFFFFFFFF  }
0xc3: {  	_ =	strace $0x90000057  }
0xc4: {  	_ =	sfence  }
0xc5: {  	s30 =	sld [smem:$0x0];
	_ =	sdelay $0x2  }
0xc6: {  	s31 =	sshll.u32 s1, $0xD;
	s1 =	sshrl.u32 s1, $0x2  }
0xc7: {  	s4 =	sand.u32 $0x4000, s31;
	s1 =	sadd.s32 s1, s30  }
0xc8: {  	s0 =	sor.u32 s4, s0;
	s1 =	sshll.u32 s1, $0x11  }
0xc9: {  	s0 =	sor.u32 s1, s0  }
0xca: {  	s0 =	sadd.s32 $0x8F2B, s0  }
0xcb: {  	[sflag:s0] =	ssyncadd.remote.s32 $0x1  }
0xcc: {  	_ =	sfence.sel $0xFFFF  }
0xcd: {  	[dreg:$0x0] =	wrdreg $0xFFFFFFFF;
	(pc) =	sbr.abs _section_cstart, $3  }
0xce: {  	[dreg:$0x1] =	wrdreg $0xFFFFFFFF  }
0xcf: {  	_ =	task.clear_ibuf [dreg:s22], $0x2FFFF;
	_ =	strace $0x9FFFFFFF  }
0xd0: {  	(tm) =	ssettm $0x7FFFFFFF  }
0xd1: {  	_ =	shalt  }
tec
execute0_lowered:
.L_overlay_start_1:
0x0: {  	(tag) =	ssettag $0x1  }
0x1: {  	s0 =	srdreg.scid;
	s5 =	rddreg [dreg:$0x0]  }
0x2: {  	s2 =	simm.s32 $0x0;
	s6 =	sand.u32 $0x1, s0;
	s0 =	stileid.u32  }
0x3: {  	[smem:$0x7FF] =	sst s2;
	s10 =	smul.u32 $0x280, s6  }
0x4: {  	s3 =	sadd.s32 $0x30A00, s5;
	s25 =	sadd.s32 $0x7CEA00, s5;
	s12 =	smul.u32 $0x28, s0  }
0x5: {  	s1 =	sshll.u32 s6, $0x4;
	s9 =	ssub.s32 $0x2, s6;
	s29 =	smul.u32 $0x140000, s6  }
0x6: {  	s30 =	smul.u32 $0x14000, s0;
	s11 =	sor.u32 s0, s1;
	s1 =	rddreg [dreg:$0x1]  }
0x7: {  	_ =	strace $0x80000056;
	s23 =	sshrl.u32 s9, $0x1;
	s4 =	smul.u32 $0x280, s11  }
0x8: {  	s7 =	smul.u32 $0x28, s11;
	s26 =	sadd.s32 s12, s10;
	p0 =	seq.s32 s11, $0x1F  }
0x9: {  	s31 =	sadd.s32 s29, s25;
	s10 =	simm.s32 $0x9;
	s11 =	simm.s32 @!p0 $0x0  }
0xa: {  	s8 =	sadd.s32 s4, s5;
	s22 =	ssub.s32 $0x4E2, s7;
	s7 =	ssub.s32 s9, s23  }
0xb: {  	s11 =	simm.s32 @p0 $0x1;
	s4 =	smin.u32 s22, $0x28;
	s5 =	sadd.s32 $0x2DD200, s8  }
0xc: {  	s8 =	sshll.u32 s26, $0xB;
	s6 =	smax.u32 s7, $0x1;
	s7 =	sadd.s32 s30, s31  }
0xd: {  	[smem:$0x7FD] =	sst s11;
	s11 =	simm.s32 $0x0;
	s24 =	sor.u32 $0x4, s4  }
0xe: {  	s28 =	sadd.s32 $0x3, s4;
	s9 =	sadd.s32 s8, s25;
	[dreg:$0x2] =	wrdreg s24  }
0xf: {  	[dreg:$0x3] =	wrdreg s28;
	s8 =	sadd.s32 $0x1800, s9;
	s9 =	sadd.s32 $0x1000, s9  }
.LBB2_1:
0x10: {  	[tilespmem:s2], [sflag:$0x9] =	stream.linear.gather [hbm4b:s5+s2], $0x1400, $0x38;
	[tilespmem:$0x11400] =	vst v63  }
0x11: {  	p0 =	por $0x1, $0x1;
	_ =	swait.ge [sflag:s10], $0x1400  }
0x12: {  	p1 =	por p0, p0;
	s12 =	rddreg [dreg:$0x2]  }
0x13: {  	p0 =	sle.u32 @!p1 s12, $0x0  }
0x14: {  	[sflag:s10] =	ssyncset.done $0x0;
	p2 =	por p0, p1  }
0x15: {  	[sflag:s10] =	ssyncadd.s32 $0xFFFFEC00;
	s12 =	simm.s32 @!p2 $0x5  }
0x16: {  	p0 =	sle.u32 s4, $0x0;
	_ =	swait.ge @!p2 [sflag:s12], $0x4000  }
0x17: {  	s14 =	simm.s32 @!p0 $0x80;
	[sflag:s12] =	ssyncset.done @!p2 $0x0;
	s13 =	rddreg [dreg:$0x3]  }
0x18: {  	s15 =	simm.s32 @!p0 $0x1400;
	[sflag:s12] =	ssyncadd.s32 @!p2 $0xFFFFC000;
	p2 =	sle.u32 @!p1 s13, $0x0  }
0x19: {  	[tilespmem:s15], [sflag:$0x1] =	stream.indirect.gather @!p0 [hbm4b:s3+s14], $0x80, s2, s14, $0xb8;
	[tilespmem:$0x11400] =	vst v63  }
0x1a: {  	p3 =	sge.u32 s4, $0x0;
	p4 =	por p2, p1  }
0x1b: {  	p5 =	por $0x0, $0x0;
	p1 =	sle.u32 s4, $0x1;
	s12 =	simm.s32 @!p4 $0x6  }
0x1c: {  	p2 =	por !p5, !p3;
	s13 =	simm.s32 @!p1 $0x80;
	_ =	swait.ge @!p4 [sflag:s12], $0x4000  }
0x1d: {  	s14 =	simm.s32 @!p1 $0x80;
	p2 =	por !p2, !p2;
	[sflag:s12] =	ssyncset.done @!p4 $0x0  }
0x1e: {  	s16 =	simm.s32 @!p1 $0x5400;
	[sflag:s12] =	ssyncadd.s32 @!p4 $0xFFFFC000;
	s12 =	simm.s32 @p2 $0x7  }
0x1f: {  	[tilespmem:s16], [sflag:$0x2] =	stream.indirect.gather @!p1 [hbm4b:s3+s14], $0x80, s13, s14, $0xb8;
	[tilespmem:$0x11400] =	vst v63  }
0x20: {  	p4 =	sle.u32 s4, $0x2;
	_ =	swait.ge @p2 [sflag:s12], $0x4000  }
0x21: {  	s17 =	simm.s32 @p2 $0x8;
	s13 =	simm.s32 @!p4 $0x100;
	[sflag:s12] =	ssyncset.done @p2 $0x0  }
0x22: {  	s14 =	simm.s32 @!p4 $0x9400;
	[sflag:s12] =	ssyncadd.s32 @p2 $0xFFFFC000;
	s12 =	simm.s32 @!p4 $0x80  }
0x23: {  	[tilespmem:s14], [sflag:$0x3] =	stream.indirect.gather @!p4 [hbm4b:s3+s12], $0x80, s13, s12, $0xb8;
	[tilespmem:$0x11400] =	vst v63  }
0x24: {  	p3 =	sle.u32 s4, $0x3;
	_ =	swait.ge @p2 [sflag:s17], $0x4000  }
0x25: {  	s20 =	simm.s32 @!p3 $0xD400;
	s12 =	simm.s32 @!p0 $0x1;
	[sflag:s17] =	ssyncset.done @p2 $0x0  }
0x26: {  	s13 =	simm.s32 @!p3 $0x180;
	[sflag:s17] =	ssyncadd.s32 @p2 $0xFFFFC000;
	s17 =	simm.s32 @!p3 $0x80  }
0x27: {  	[tilespmem:s20], [sflag:$0x4] =	stream.indirect.gather @!p3 [hbm4b:s3+s17], $0x80, s13, s17, $0xb8;
	[tilespmem:$0x11400] =	vst v63  }
0x28: {  	_ =	swait.ge @!p0 [sflag:s12], $0x4000  }
0x29: {  	p6 =	por $0x0, $0x0;
	[sflag:s12] =	ssyncset.done @!p0 $0x0  }
0x2a: {  	s13 =	simm.s32 @!p0 $0x0;
	s17 =	simm.s32 @!p1 $0x2;
	[sflag:s12] =	ssyncadd.s32 @!p0 $0xFFFFC000  }
0x2b: {  	[hbm4b:s7+s13] =	stream.linear.scatter @!p0 [tilespmem:s15], [sflag:$0x5], $0x4000, $0x38;
	[tilespmem:$0x11400] =	vst v63  }
0x2c: {  	s22 =	simm.s32 @!p3 $0x4;
	s23 =	simm.s32 @!p3 $0x0;
	_ =	swait.ge @!p1 [sflag:s17], $0x4000  }
0x2d: {  	s18 =	simm.s32 @!p4 $0x3;
	p2 =	por p6, p6;
	[sflag:s17] =	ssyncset.done @!p1 $0x0  }
0x2e: {  	s12 =	sadd.s32 @!p1 $0xFFFFF000, s8;
	s13 =	simm.s32 @!p1 $0x0;
	[sflag:s17] =	ssyncadd.s32 @!p1 $0xFFFFC000  }
0x2f: {  	[hbm4b:s12+s13] =	stream.linear.scatter @!p1 [tilespmem:s16], [sflag:$0x6], $0x4000, $0x38;
	[tilespmem:$0x11400] =	vst v63  }
0x30: {  	s15 =	simm.s32 $0x4;
	s17 =	simm.s32 $0x0;
	_ =	swait.ge @!p4 [sflag:s18], $0x4000  }
0x31: {  	s16 =	simm.s32 $0x8;
	s12 =	simm.s32 @!p4 $0x0;
	[sflag:s18] =	ssyncset.done @!p4 $0x0  }
0x32: {  	s13 =	sadd.s32 $0x2000, s9;
	[sflag:s18] =	ssyncadd.s32 @!p4 $0xFFFFC000;
	s18 =	smov.u32 s8  }
0x33: {  	[hbm4b:s9+s12] =	stream.linear.scatter @!p4 [tilespmem:s14], [sflag:$0x7], $0x4000, $0x38;
	[tilespmem:$0x11400] =	vst v63  }
0x34: {  	s12 =	sadd.s32 $0x2000, s8;
	s14 =	sadd.s32 $0x2000, s7;
	_ =	swait.ge @!p3 [sflag:s22], $0x4000  }
.LBB2_2:
0x35: {  	s24 =	rddreg [dreg:$0x2];
	[sflag:s22] =	ssyncset.done @!p3 $0x0  }
0x36: {  	[sflag:s22] =	ssyncadd.s32 @!p3 $0xFFFFC000;
	p0 =	sge.u32 @!p2 s15, s24  }
0x37: {  	[hbm4b:s18+s23] =	stream.linear.scatter @!p3 [tilespmem:s20], [sflag:$0x8], $0x4000, $0x38;
	[tilespmem:$0x11400] =	vst v63  }
0x38: {  	p0 =	por p0, p2  }
0x39: {  	s17 =	sadd.s32 $0x200, s17;
	s20 =	simm.s32 @!p0 $0x5  }
0x3a: {  	p5 =	sge.u32 s15, s4;
	s29 =	sadd.s32 $0x1, s15;
	_ =	swait.ge @!p0 [sflag:s20], $0x4000  }
0x3b: {  	s22 =	simm.s32 @!p5 $0x1400;
	[sflag:s20] =	ssyncset.done @!p0 $0x0;
	s24 =	rddreg [dreg:$0x3]  }
0x3c: {  	s23 =	simm.s32 @!p5 $0x80;
	[sflag:s20] =	ssyncadd.s32 @!p0 $0xFFFFC000;
	p0 =	sge.u32 @!p2 s15, s24  }
0x3d: {  	[tilespmem:s22], [sflag:$0x1] =	stream.indirect.gather @!p5 [hbm4b:s3+s23], $0x80, s17, s23, $0xb8;
	[tilespmem:$0x11400] =	vst v63  }
0x3e: {  	s30 =	sadd.s32 $0x2, s15;
	p6 =	sge.u32 s29, s4;
	p0 =	por p0, p2  }
0x3f: {  	p3 =	sle.u32 s15, s4;
	p2 =	sne.s32 s15, $0x0;
	s23 =	simm.s32 @!p0 $0x6  }
0x40: {  	s25 =	simm.s32 @!p6 $0x5400;
	p2 =	por !p2, !p3;
	_ =	swait.ge @!p0 [sflag:s23], $0x4000  }
0x41: {  	s20 =	sadd.s32 @!p6 $0x80, s17;
	p2 =	por !p2, !p2;
	[sflag:s23] =	ssyncset.done @!p0 $0x0  }
0x42: {  	s24 =	simm.s32 @!p6 $0x80;
	s26 =	simm.s32 @p2 $0x7;
	[sflag:s23] =	ssyncadd.s32 @!p0 $0xFFFFC000  }
0x43: {  	[tilespmem:s25], [sflag:$0x2] =	stream.indirect.gather @!p6 [hbm4b:s3+s24], $0x80, s20, s24, $0xb8;
	[tilespmem:$0x11400] =	vst v63  }
0x44: {  	s31 =	sadd.s32 $0x3, s15;
	p0 =	sge.u32 s30, s4;
	_ =	swait.ge @p2 [sflag:s26], $0x4000  }
0x45: {  	s20 =	sadd.s32 @!p0 $0x100, s17;
	s23 =	simm.s32 @!p0 $0x9400;
	[sflag:s26] =	ssyncset.done @p2 $0x0  }
0x46: {  	s24 =	simm.s32 @!p0 $0x80;
	[sflag:s26] =	ssyncadd.s32 @p2 $0xFFFFC000;
	s26 =	simm.s32 @p2 $0x8  }
0x47: {  	[tilespmem:s23], [sflag:$0x3] =	stream.indirect.gather @!p0 [hbm4b:s3+s24], $0x80, s20, s24, $0xb8;
	[tilespmem:$0x11400] =	vst v63  }
0x48: {  	p3 =	sge.u32 s31, s4;
	_ =	swait.ge @p2 [sflag:s26], $0x4000  }
0x49: {  	s28 =	sadd.s32 @!p3 $0x180, s17;
	s24 =	simm.s32 @!p5 $0x1;
	[sflag:s26] =	ssyncset.done @p2 $0x0  }
0x4a: {  	s20 =	simm.s32 @!p3 $0xD400;
	[sflag:s26] =	ssyncadd.s32 @p2 $0xFFFFC000;
	s26 =	simm.s32 @!p3 $0x80  }
0x4b: {  	[tilespmem:s20], [sflag:$0x4] =	stream.indirect.gather @!p3 [hbm4b:s3+s26], $0x80, s28, s26, $0xb8;
	[tilespmem:$0x11400] =	vst v63  }
0x4c: {  	s21 =	smov.u32 s16;
	s19 =	smov.u32 s13;
	_ =	swait.ge @!p5 [sflag:s24], $0x4000  }
0x4d: {  	p4 =	seq.s32 s21, $0x0;
	s15 =	smov.u32 s21;
	[sflag:s24] =	ssyncset.done @!p5 $0x0  }
0x4e: {  	s21 =	simm.s32 @!p5 $0x0;
	s26 =	simm.s32 @!p6 $0x2;
	[sflag:s24] =	ssyncadd.s32 @!p5 $0xFFFFC000  }
0x4f: {  	[hbm4b:s14+s21] =	stream.linear.scatter @!p5 [tilespmem:s22], [sflag:$0x5], $0x4000, $0x38;
	[tilespmem:$0x11400] =	vst v63  }
0x50: {  	s16 =	sadd.s32 $0x4, s16;
	s13 =	sadd.s32 $0x2000, s13;
	_ =	swait.ge @!p6 [sflag:s26], $0x4000  }
0x51: {  	p1 =	sne.s32 s16, $0x28;
	s24 =	simm.s32 @!p0 $0x3;
	[sflag:s26] =	ssyncset.done @!p6 $0x0  }
0x52: {  	s21 =	sadd.s32 @!p6 $0xFFFFF000, s12;
	s22 =	simm.s32 @!p6 $0x0;
	[sflag:s26] =	ssyncadd.s32 @!p6 $0xFFFFC000  }
0x53: {  	[hbm4b:s21+s22] =	stream.linear.scatter @!p6 [tilespmem:s25], [sflag:$0x6], $0x4000, $0x38;
	[tilespmem:$0x11400] =	vst v63  }
.Ltmp0:
0x54: {  	s18 =	smov.u32 s12;
	_ =	swait.ge @!p0 [sflag:s24], $0x4000;
	(pc) =	sbr.rel @p1 .LBB2_2-.Ltmp0, $4  }
0x55: {  	p2 =	por p4, p4;
	s12 =	sadd.s32 $0x2000, s12;
	[sflag:s24] =	ssyncset.done @!p0 $0x0  }
0x56: {  	s21 =	simm.s32 @!p0 $0x0;
	s22 =	simm.s32 @!p3 $0x4;
	[sflag:s24] =	ssyncadd.s32 @!p0 $0xFFFFC000  }
0x57: {  	[hbm4b:s19+s21] =	stream.linear.scatter @!p0 [tilespmem:s23], [sflag:$0x7], $0x4000, $0x38;
	[tilespmem:$0x11400] =	vst v63  }
0x58: {  	s14 =	sadd.s32 $0x2000, s14;
	s23 =	simm.s32 @!p3 $0x0;
	_ =	swait.ge @!p3 [sflag:s22], $0x4000  }
0x59: {  	s16 =	rddreg [dreg:$0x2];
	[sflag:s22] =	ssyncset.done @!p3 $0x0  }
0x5a: {  	[sflag:s22] =	ssyncadd.s32 @!p3 $0xFFFFC000;
	p0 =	sge.u32 @!p2 s15, s16  }
0x5b: {  	[hbm4b:s18+s23] =	stream.linear.scatter @!p3 [tilespmem:s20], [sflag:$0x8], $0x4000, $0x38;
	[tilespmem:$0x11400] =	vst v63  }
0x5c: {  	p1 =	por p0, p2  }
0x5d: {  	s17 =	sadd.s32 $0x200, s17;
	s16 =	simm.s32 @!p1 $0x5  }
0x5e: {  	p6 =	sle.u32 s15, s4;
	p0 =	sge.u32 s15, s4;
	_ =	swait.ge @!p1 [sflag:s16], $0x4000  }
0x5f: {  	s19 =	simm.s32 @!p0 $0x80;
	[sflag:s16] =	ssyncset.done @!p1 $0x0;
	s18 =	rddreg [dreg:$0x3]  }
0x60: {  	s20 =	simm.s32 @!p0 $0x1400;
	[sflag:s16] =	ssyncadd.s32 @!p1 $0xFFFFC000;
	p1 =	sge.u32 @!p2 s15, s18  }
0x61: {  	[tilespmem:s20], [sflag:$0x1] =	stream.indirect.gather @!p0 [hbm4b:s3+s19], $0x80, s17, s19, $0xb8;
	[tilespmem:$0x11400] =	vst v63  }
0x62: {  	s28 =	sadd.s32 $0x1, s15;
	p4 =	sne.s32 s15, $0x0;
	p2 =	por p1, p2  }
0x63: {  	s29 =	sadd.s32 $0x2, s15;
	p3 =	por !p4, !p6;
	s18 =	simm.s32 @!p2 $0x6  }
0x64: {  	p4 =	por !p3, !p3;
	p1 =	sge.u32 s28, s4;
	_ =	swait.ge @!p2 [sflag:s18], $0x4000  }
0x65: {  	s22 =	simm.s32 @p4 $0x7;
	s16 =	sadd.s32 @!p1 $0x80, s17;
	[sflag:s18] =	ssyncset.done @!p2 $0x0  }
0x66: {  	s19 =	simm.s32 @!p1 $0x80;
	s21 =	simm.s32 @!p1 $0x5400;
	[sflag:s18] =	ssyncadd.s32 @!p2 $0xFFFFC000  }
0x67: {  	[tilespmem:s21], [sflag:$0x2] =	stream.indirect.gather @!p1 [hbm4b:s3+s19], $0x80, s16, s19, $0xb8;
	[tilespmem:$0x11400] =	vst v63  }
0x68: {  	s30 =	sadd.s32 $0x3, s15;
	p2 =	sge.u32 s29, s4;
	_ =	swait.ge @p4 [sflag:s22], $0x4000  }
0x69: {  	s16 =	sadd.s32 @!p2 $0x100, s17;
	s18 =	simm.s32 @!p2 $0x9400;
	[sflag:s22] =	ssyncset.done @p4 $0x0  }
0x6a: {  	s19 =	simm.s32 @!p2 $0x80;
	[sflag:s22] =	ssyncadd.s32 @p4 $0xFFFFC000;
	s22 =	simm.s32 @p4 $0x8  }
0x6b: {  	[tilespmem:s18], [sflag:$0x3] =	stream.indirect.gather @!p2 [hbm4b:s3+s19], $0x80, s16, s19, $0xb8;
	[tilespmem:$0x11400] =	vst v63  }
0x6c: {  	p3 =	sge.u32 s30, s4;
	_ =	swait.ge @p4 [sflag:s22], $0x4000  }
0x6d: {  	s15 =	simm.s32 @!p0 $0x1;
	s16 =	sadd.s32 @!p3 $0x180, s17;
	[sflag:s22] =	ssyncset.done @p4 $0x0  }
0x6e: {  	s17 =	simm.s32 @!p3 $0xD400;
	s19 =	simm.s32 @!p3 $0x80;
	[sflag:s22] =	ssyncadd.s32 @p4 $0xFFFFC000  }
0x6f: {  	[tilespmem:s17], [sflag:$0x4] =	stream.indirect.gather @!p3 [hbm4b:s3+s19], $0x80, s16, s19, $0xb8;
	[tilespmem:$0x11400] =	vst v63  }
0x70: {  	_ =	swait.ge @!p0 [sflag:s15], $0x4000  }
0x71: {  	[sflag:s15] =	ssyncset.done @!p0 $0x0  }
0x72: {  	s16 =	simm.s32 @!p0 $0x0;
	s19 =	simm.s32 @!p1 $0x2;
	[sflag:s15] =	ssyncadd.s32 @!p0 $0xFFFFC000  }
0x73: {  	[hbm4b:s14+s16] =	stream.linear.scatter @!p0 [tilespmem:s20], [sflag:$0x5], $0x4000, $0x38;
	[tilespmem:$0x11400] =	vst v63  }
0x74: {  	_ =	swait.ge @!p1 [sflag:s19], $0x4000  }
0x75: {  	s15 =	simm.s32 @!p1 $0x0;
	[sflag:s19] =	ssyncset.done @!p1 $0x0  }
0x76: {  	s14 =	sadd.s32 @!p1 $0xFFFFF000, s12;
	s16 =	simm.s32 @!p2 $0x3;
	[sflag:s19] =	ssyncadd.s32 @!p1 $0xFFFFC000  }
0x77: {  	[hbm4b:s14+s15] =	stream.linear.scatter @!p1 [tilespmem:s21], [sflag:$0x6], $0x4000, $0x38;
	[tilespmem:$0x11400] =	vst v63  }
0x78: {  	_ =	swait.ge @!p2 [sflag:s16], $0x4000  }
0x79: {  	[sflag:s16] =	ssyncset.done @!p2 $0x0  }
0x7a: {  	s14 =	simm.s32 @!p2 $0x0;
	s15 =	simm.s32 @!p3 $0x4;
	[sflag:s16] =	ssyncadd.s32 @!p2 $0xFFFFC000  }
0x7b: {  	[hbm4b:s13+s14] =	stream.linear.scatter @!p2 [tilespmem:s18], [sflag:$0x7], $0x4000, $0x38;
	[tilespmem:$0x11400] =	vst v63  }
0x7c: {  	_ =	swait.ge @!p3 [sflag:s15], $0x4000  }
0x7d: {  	[sflag:s15] =	ssyncset.done @!p3 $0x0;
	s31 =	sld [smem:$0x7FD]  }
0x7e: {  	s13 =	simm.s32 @!p3 $0x0;
	[sflag:s15] =	ssyncadd.s32 @!p3 $0xFFFFC000  }
0x7f: {  	[hbm4b:s12+s13] =	stream.linear.scatter @!p3 [tilespmem:s17], [sflag:$0x8], $0x4000, $0x38;
	[tilespmem:$0x11400] =	vst v63  }
0x80: {  	p1 =	seq.s32 s31, $0x1  }
0x81: {  	s12 =	simm.s32 @!p1 $0x5  }
0x82: {  	_ =	swait.ge @!p1 [sflag:s12], $0x4000  }
0x83: {  	[sflag:s12] =	ssyncset.done @!p1 $0x0  }
0x84: {  	[sflag:s12] =	ssyncadd.s32 @!p1 $0xFFFFC000;
	s12 =	simm.s32 @!p1 $0x6  }
0x85: {  	_ =	swait.ge @!p1 [sflag:s12], $0x4000  }
0x86: {  	[sflag:s12] =	ssyncset.done @!p1 $0x0  }
0x87: {  	s11 =	sadd.s32 $0x1, s11;
	[sflag:s12] =	ssyncadd.s32 @!p1 $0xFFFFC000;
	s12 =	simm.s32 @!p1 $0x7  }
0x88: {  	p0 =	sne.s32 s11, s6;
	_ =	swait.ge @!p1 [sflag:s12], $0x4000  }
.Ltmp1:
0x89: {  	[sflag:s12] =	ssyncset.done @!p1 $0x0;
	(pc) =	sbr.rel @p0 .LBB2_1-.Ltmp1, $4  }
0x8a: {  	[sflag:s12] =	ssyncadd.s32 @!p1 $0xFFFFC000;
	s12 =	simm.s32 @!p1 $0x8  }
0x8b: {  	_ =	swait.ge @!p1 [sflag:s12], $0x4000  }
0x8c: {  	[sflag:s12] =	ssyncset.done @!p1 $0x0  }
0x8d: {  	[sflag:s12] =	ssyncadd.s32 @!p1 $0xFFFFC000  }
0x8e: {  	_ =	sfence.sel $0x180000  }
0x8f: {  	[bflag:$0x0] =	sbarrier.arrive $0xFFFF  }
0x90: {  	p0 =	sne.s32 s0, $0x0;
	_ =	strace $0x90000056  }
0x91: {  	s0 =	sadd.s32 @!p0 $0x100000, s1;
	[bflag:$0x2] =	sbarrier.arrive $0xFFFF  }
0x92: {  	[sflag:s0] =	ssyncadd.tile.s32 @!p0 $0x1;
	_ =	shalt  }
.Lfunc_end2:
_tile_overlayer_lowered:
.L_overlay_start_2:
0x93: {  	(tag) =	ssettag $0x2  }
0x94: {  	s0 =	rddreg [dreg:$0x0];
	s2 =	stileid.u32  }
0x95: {  	s1 =	rddreg [dreg:$0x1];
	p0 =	sne.s32 s2, $0x0  }
0x96: {  	s3 =	rddreg [dreg:$0x2];
	[bflag:$0x3] =	sbarrier.arrive $0xFFFF;
	s2 =	simm.s32 @!p0 $0x1C09  }
0x97: {  	[timem:s3], [sflag:s2] =	dma.local @!p0 [hbm:s0], s1  }
0x98: {  	s0 =	simm.s32 @!p0 $0x9  }
0x99: {  	_ =	swait.ge @!p0 [sflag:s0], s1  }
0x9a: {  	s1 =	ssub.s32 @!p0 $0x0, s1;
	[sflag:s0] =	ssyncset.done @!p0 $0x0  }
0x9b: {  	[sflag:s0] =	ssyncadd.s32 @!p0 s1  }
0x9c: {  	[bflag:$0x3] =	sbarrier.arrive $0xFFFF  }
0x9d: {  	_ =	shalt  }

// kernel: kernel.23.cloned.1.call-start
scs
__scs_entry_jumppad:
0x0: {  	(pc) =	sbr.rel $0x88, $3  }
0x1: {  	(tag) =	ssettag $0x0;
	lr =	simm.s32 $0x1  }
0x2: {  	[smem:$0x3F93] =	sst lr;
	_ =	strace $0xD0000000  }
0x3: {  	_ = 	snop  }
0x4: {  	_ = 	snop  }
0x5: {  	_ = 	snop  }
0x6: {  	_ = 	snop  }
0x7: {  	_ = 	snop  }
__scs_overlays_trampoline_lowered:
0x8: {  	[smem:$0x3FA2] =	sst s0  }
0x9: {  	[smem:$0x3FA3] =	sst s1  }
0xa: {  	[smem:$0x3FA4] =	sst s2  }
0xb: {  	[smem:$0x3FA5] =	sst s3  }
0xc: {  	[smem:$0x3FA6] =	sst s4  }
0xd: {  	[smem:$0x3FA7] =	sst s5  }
0xe: {  	[smem:$0x3FA8] =	sst s6  }
0xf: {  	[smem:$0x3FA9] =	sst s7  }
0x10: {  	[smem:$0x3FAA] =	sst s8  }
0x11: {  	[smem:$0x3FAB] =	sst s9;
	s0 =	simm.s32 @!p0 $0x0  }
0x12: {  	s1 =	sld [smem:$0x3F91];
	s0 =	simm.s32 @p0 $0x1  }
0x13: {  	[smem:$0x3FAC] =	sst s0;
	s0 =	simm.s32 @!p1 $0x0  }
0x14: {  	s2 =	sld [smem:$0x3F90];
	s0 =	simm.s32 @p1 $0x1  }
0x15: {  	[smem:$0x3FAD] =	sst s0;
	s0 =	simm.s32 @!p2 $0x0  }
0x16: {  	s3 =	sld [smem:$0x3FDB];
	s0 =	simm.s32 @p2 $0x1  }
0x17: {  	s4 =	simm.s32 $0x1BF5;
	[smem:$0x3FAF] =	sst s0  }
0x18: {  	s0 =	sld [smem:$0x3F92];
	_ =	swait.ge [sflag:s4], $0x0  }
0x19: {  	s7 =	sld [smem:$0x3F93]  }
0x1a: {  	s8 =	sadd.s32 $0xFFFFE003, lr  }
0x1b: {  	s9 =	sadd.s32 $0xFFFFFEF7, lr;
	s5 =	simm.s32 $0xFFFFFFFF;
	p2 =	slt.u32 s8, $0xFFFFF086  }
0x1c: {  	p1 =	slt.u32 s9, $0xF7A;
	s5 =	simm.s32 @!p2 $0x0  }
0x1d: {  	s5 =	simm.s32 @p1 $0x1;
	p0 =	seq.s32 s7, s2  }
0x1e: {  	s7 =	smul.u32 @!p0 $0xF7A, s2;
	p2 =	seq.s32 @!p0 s5, $0x0  }
0x1f: {  	s9 =	smul.u32 $0xF7A, s1;
	s8 =	simm.s32 @!p0 $0x1BF5;
	p2 =	por !p2, p0  }
0x20: {  	[sflag:s8] =	ssyncset.s32 @!p0 $0xFFFFF086;
	s6 =	sadd.s32 @!p0 s3, s7;
	s7 =	simm.s32 @!p0 $0x108  }
0x21: {  	s3 =	sadd.s32 s3, s9;
	s6 =	sadd.s32 @!p0 $0x88, s6;
	s7 =	simm.s32 @p2 $0x1082  }
0x22: {  	[simem:s7], [sflag:s8] =	dma.local @!p0 [hbm:s6], $0xF7A  }
0x23: {  	s9 =	sor.u32 $0xD0000000, s2;
	s6 =	simm.s32 $0x108;
	_ =	swait.ge @!p0 [sflag:s8], $0x0  }
0x24: {  	s3 =	sadd.s32 $0x88, s3;
	s6 =	simm.s32 @!p1 $0x1082;
	[sflag:s4] =	ssyncset.s32 $0xFFFFF086  }
0x25: {  	[simem:s6], [sflag:s4] =	dma.local [hbm:s3], $0xF7A  }
0x26: {  	[smem:$0x3F93] =	sst s1;
	(tag) =	ssettag s2;
	_ =	strace s9  }
0x27: {  	s1 =	sld [smem:$0x3FA3]  }
0x28: {  	s2 =	sld [smem:$0x3FA4]  }
0x29: {  	s4 =	sld [smem:$0x3FA6]  }
0x2a: {  	p0 =	seq.s32 s5, $0x0;
	s5 =	sld [smem:$0x3FA7]  }
0x2b: {  	s6 =	sld [smem:$0x3FA8]  }
0x2c: {  	s7 =	sld [smem:$0x3FA9]  }
0x2d: {  	s3 =	simm.s32 $0x108;
	s8 =	sld [smem:$0x3FAA]  }
0x2e: {  	s3 =	simm.s32 @!p0 $0x1082;
	s9 =	sld [smem:$0x3FAB]  }
0x2f: {  	lr =	sadd.s32 s0, s3;
	s0 =	sld [smem:$0x3FA2]  }
0x30: {  	s3 =	sld [smem:$0x3FA5]  }
0x31: {  	[smem:$0x3FAE] =	sst s10  }
0x32: {  	s10 =	sld [smem:$0x3FAC];
	_ =	sdelay $0x3  }
0x33: {  	p0 =	seq.s32 s10, $0x1;
	s10 =	sld [smem:$0x3FAE];
	_ =	sdelay $0x3  }
0x34: {  	[smem:$0x3FAE] =	sst s10  }
0x35: {  	s10 =	sld [smem:$0x3FAD];
	_ =	sdelay $0x3  }
0x36: {  	p1 =	seq.s32 s10, $0x1;
	s10 =	sld [smem:$0x3FAE];
	_ =	sdelay $0x3  }
0x37: {  	[smem:$0x3FAE] =	sst s10  }
0x38: {  	s10 =	sld [smem:$0x3FAF]  }
0x39: {  	_ = 	snop;
	(pc) =	sbr.ind lr, $3  }
0x3a: {  	_ = 	snop  }
0x3b: {  	_ = 	snop  }
0x3c: {  	p2 =	seq.s32 s10, $0x1;
	s10 =	sld [smem:$0x3FAE]  }
0x3d: {  	_ =	shalt  }
0x3e: {  	_ =	shalt  }
0x3f: {  	_ =	shalt  }
0x40: {  	_ =	shalt  }
0x41: {  	_ =	shalt  }
0x42: {  	_ =	shalt  }
0x43: {  	_ =	shalt  }
0x44: {  	_ =	shalt  }
0x45: {  	_ =	shalt  }
0x46: {  	_ =	shalt  }
0x47: {  	_ =	shalt  }
0x48: {  	_ =	shalt  }
0x49: {  	_ =	shalt  }
0x4a: {  	_ =	shalt  }
0x4b: {  	_ =	shalt  }
0x4c: {  	_ =	shalt  }
0x4d: {  	_ =	shalt  }
0x4e: {  	_ =	shalt  }
0x4f: {  	_ =	shalt  }
0x50: {  	_ =	shalt  }
0x51: {  	_ =	shalt  }
0x52: {  	_ =	shalt  }
0x53: {  	_ =	shalt  }
0x54: {  	_ =	shalt  }
0x55: {  	_ =	shalt  }
0x56: {  	_ =	shalt  }
0x57: {  	_ =	shalt  }
0x58: {  	_ =	shalt  }
0x59: {  	_ =	shalt  }
0x5a: {  	_ =	shalt  }
0x5b: {  	_ =	shalt  }
0x5c: {  	_ =	shalt  }
0x5d: {  	_ =	shalt  }
0x5e: {  	_ =	shalt  }
0x5f: {  	_ =	shalt  }
0x60: {  	_ =	shalt  }
0x61: {  	_ =	shalt  }
0x62: {  	_ =	shalt  }
0x63: {  	_ =	shalt  }
0x64: {  	_ =	shalt  }
0x65: {  	_ =	shalt  }
0x66: {  	_ =	shalt  }
0x67: {  	_ =	shalt  }
0x68: {  	_ =	shalt  }
0x69: {  	_ =	shalt  }
0x6a: {  	_ =	shalt  }
0x6b: {  	_ =	shalt  }
0x6c: {  	_ =	shalt  }
0x6d: {  	_ =	shalt  }
0x6e: {  	_ =	shalt  }
0x6f: {  	_ =	shalt  }
0x70: {  	_ =	shalt  }
0x71: {  	_ =	shalt  }
0x72: {  	_ =	shalt  }
0x73: {  	_ =	shalt  }
0x74: {  	_ =	shalt  }
0x75: {  	_ =	shalt  }
0x76: {  	_ =	shalt  }
0x77: {  	_ =	shalt  }
0x78: {  	_ =	shalt  }
0x79: {  	_ =	shalt  }
0x7a: {  	_ =	shalt  }
0x7b: {  	_ =	shalt  }
0x7c: {  	_ =	shalt  }
0x7d: {  	_ =	shalt  }
0x7e: {  	_ =	shalt  }
0x7f: {  	_ =	shalt  }
0x80: {  	_ =	shalt  }
0x81: {  	_ =	shalt  }
0x82: {  	_ =	shalt  }
0x83: {  	_ =	shalt  }
0x84: {  	_ =	shalt  }
0x85: {  	_ =	shalt  }
0x86: {  	_ =	shalt  }
0x87: {  	_ =	shalt  }
.Lfunc_end0:
.L_simem_size_0:
called_computation.4_lowered:
.L_overlay_start_0:
0x88: {  	s2 =	sld [smem:$0x3FD9]  }
0x89: {  	s3 =	sld [smem:$0x3FFE];
	_ =	sdelay $0x1  }
0x8a: {  	s1 =	srdreg.scid  }
0x8b: {  	s0 =	sand.u32 $0x1, s1  }
0x8c: {  	s17 =	sshll.u32 s0, $0xA;
	s2 =	sadd.s32 s3, s2  }
0x8d: {  	s2 =	sadd.s32 s2, s17  }
0x8e: {  	[smem:$0x3FBA] =	sst s2  }
0x8f: {  	_ = 	snop  }
0x90: {  	(tm) =	ssettm $0x1  }
0x91: {  	s18 =	sld [smem:$0x3FFB];
	_ =	sdelay $0x3  }
0x92: {  	_ =	strace s18  }
0x93: {  	s2 =	sld [smem:$0x3FFC];
	_ =	sdelay $0x3  }
0x94: {  	_ =	strace s2  }
0x95: {  	s2 =	sld [smem:$0x3FFD];
	_ =	sdelay $0x3  }
0x96: {  	_ =	strace s2  }
0x97: {  	_ =	strace $0x8FFFFFFF  }
0x98: {  	s19 =	sld [smem:$0x3FDB];
	_ =	sdelay $0x1  }
0x99: {  	s20 =	simm.s32 $_scs_section_size  }
0x9a: {  	s4 =	simm.s32 $_size__tile_overlayer_lowered;
	s5 =	simm.s32 $_tile_overlayer_lowered  }
0x9b: {  	s6 =	simm.s32 $0x1BFF;
	s21 =	sshll.u32 s5, $0x1;
	s3 =	sadd.s32 s20, s19  }
0x9c: {  	s22 =	simm.s32 $0x0;
	s4 =	sshll.u32 s4, $0x1;
	s5 =	sadd.s32 s21, s3  }
0x9d: {  	[timem:s22], [sflag:s6] =	dma.local [hbm:s5], s4  }
0x9e: {  	_ =	swait.ge [sflag:s6], s4  }
0x9f: {  	s4 =	ssub.s32 $0x0, s4;
	[sflag:s6] =	ssyncset.done $0x0  }
0xa0: {  	[sflag:s6] =	ssyncadd.s32 s4;
	_ =	sdelay $0x1  }
0xa1: {  	s23 =	simm.s32 $0x1B8B  }
0xa2: {  	_ =	swait.ge [sflag:s23], $0x1  }
0xa3: {  	[sflag:s23] =	ssyncset.done $0x0  }
0xa4: {  	[sflag:s23] =	ssyncadd.s32 $0xFFFFFFFF  }
0xa5: {  	s4 =	sld [smem:$0x0]  }
0xa6: {  	s5 =	sand.u32 $0xFFFFFFFE, s1  }
0xa7: {  	p0 =	sne.s32 s1, s5  }
0xa8: {  	s5 =	sshll.u32 @p0 s5, $0xE  }
0xa9: {  	s5 =	sadd.s32 @p0 $0x11B8D, s5;
	s6 =	sshll.u32 @p0 s4, $0x11  }
0xaa: {  	s5 =	sor.u32 @p0 s6, s5  }
0xab: {  	[sflag:s5] =	ssyncadd.remote.s32 @p0 $0x1;
	_ =	sdelay $0x1  }
0xac: {  	s5 =	simm.s32 @p0 $0x1B8D  }
0xad: {  	_ =	swait.eq @p0 [sflag:s5], $0x1  }
0xae: {  	[sflag:s5] =	ssyncadd.s32 @p0 $0xFFFFFFFF  }
0xaf: {  	s6 =	sshll.u32 @!p0 s1, $0xE  }
0xb0: {  	s6 =	sor.u32 @!p0 $0x4000, s6;
	s5 =	simm.s32 @!p0 $0x1B8D  }
0xb1: {  	s4 =	sshll.u32 @!p0 s4, $0x11;
	s6 =	sadd.s32 @!p0 $0x11B8D, s6;
	_ =	swait.eq @!p0 [sflag:s5], $0x1  }
0xb2: {  	s4 =	sor.u32 @!p0 s4, s6;
	[sflag:s5] =	ssyncadd.s32 @!p0 $0xFFFFFFFF  }
0xb3: {  	s25 =	simm.s32 $0x1B8E;
	s24 =	sld [smem:$0x3FFE];
	[sflag:s4] =	ssyncadd.remote.s32 @!p0 $0x1  }
0xb4: {  	s26 =	simm.s32 $execute0_lowered;
	[smem:$0x3FD2] =	sst s25  }
0xb5: {  	s5 =	sshll.u32 s26, $0x1;
	_ =	strace $0x8000004F;
	[dreg:$0x1] =	wrdreg $0xFFFFFFFF  }
0xb6: {  	s28 =	simm.s32 $_size_execute0_lowered;
	s3 =	sadd.s32 s3, s5;
	[dreg:$0x0] =	wrdreg $0x0  }
0xb7: {  	s5 =	sshll.u32 s28, $0x1;
	[dreg:$0x2] =	wrdreg s3  }
0xb8: {  	[dreg:$0x3] =	wrdreg s5  }
0xb9: {  	[dreg:$0x4] =	wrdreg $0xC0  }
0xba: {  	_ =	task [dreg:s22], $0x5FFFF  }
0xbb: {  	[dreg:$0x1] =	wrdreg $0xFFFFFFFF  }
0xbc: {  	[dreg:$0x0] =	wrdreg $0x60  }
0xbd: {  	[dreg:$0x2] =	wrdreg s24  }
0xbe: {  	[dreg:$0x3] =	wrdreg $0xD  }
0xbf: {  	_ =	task.clear_ibuf [dreg:s22], $0x4FFFF;
	_ =	strace $0x9000004F  }
0xc0: {  	s29 =	simm.s32 $0xD;
	_ =	strace $0x80000051  }
0xc1: {  	_ =	swait.ge [sflag:s29], $0x1  }
0xc2: {  	[sflag:s29] =	ssyncadd.s32 $0xFFFFFFFF  }
0xc3: {  	_ =	strace $0x90000051  }
0xc4: {  	_ =	sfence  }
0xc5: {  	s30 =	sld [smem:$0x0];
	_ =	sdelay $0x2  }
0xc6: {  	s31 =	sshll.u32 s1, $0xD;
	s1 =	sshrl.u32 s1, $0x2  }
0xc7: {  	s4 =	sand.u32 $0x4000, s31;
	s1 =	sadd.s32 s1, s30  }
0xc8: {  	s0 =	sor.u32 s4, s0;
	s1 =	sshll.u32 s1, $0x11  }
0xc9: {  	s0 =	sor.u32 s1, s0  }
0xca: {  	s0 =	sadd.s32 $0x8F2B, s0  }
0xcb: {  	[sflag:s0] =	ssyncadd.remote.s32 $0x1  }
0xcc: {  	_ =	sfence.sel $0xFFFF  }
0xcd: {  	[dreg:$0x0] =	wrdreg $0xFFFFFFFF;
	(pc) =	sbr.abs _section_cstart, $3  }
0xce: {  	[dreg:$0x1] =	wrdreg $0xFFFFFFFF  }
0xcf: {  	_ =	task.clear_ibuf [dreg:s22], $0x2FFFF;
	_ =	strace $0x9FFFFFFF  }
0xd0: {  	(tm) =	ssettm $0x7FFFFFFF  }
0xd1: {  	_ =	shalt  }
tec
execute0_lowered:
.L_overlay_start_1:
0x0: {  	(tag) =	ssettag $0x1  }
0x1: {  	s0 =	srdreg.scid;
	s5 =	rddreg [dreg:$0x0]  }
0x2: {  	s2 =	simm.s32 $0x0;
	s6 =	sand.u32 $0x1, s0;
	s0 =	stileid.u32  }
0x3: {  	[smem:$0x7FF] =	sst s2;
	s10 =	smul.u32 $0x280, s6  }
0x4: {  	s3 =	sadd.s32 $0x9800, s5;
	s25 =	sadd.s32 $0x55D200, s5;
	s12 =	smul.u32 $0x28, s0  }
0x5: {  	s1 =	sshll.u32 s6, $0x4;
	s9 =	ssub.s32 $0x2, s6;
	s29 =	smul.u32 $0x140000, s6  }
0x6: {  	s30 =	smul.u32 $0x14000, s0;
	s11 =	sor.u32 s0, s1;
	s1 =	rddreg [dreg:$0x1]  }
0x7: {  	_ =	strace $0x80000050;
	s23 =	sshrl.u32 s9, $0x1;
	s4 =	smul.u32 $0x280, s11  }
0x8: {  	s7 =	smul.u32 $0x28, s11;
	s26 =	sadd.s32 s12, s10;
	p0 =	seq.s32 s11, $0x1F  }
0x9: {  	s31 =	sadd.s32 s29, s25;
	s10 =	simm.s32 $0x9;
	s11 =	simm.s32 @!p0 $0x0  }
0xa: {  	s8 =	sadd.s32 s4, s5;
	s22 =	ssub.s32 $0x4E2, s7;
	s7 =	ssub.s32 s9, s23  }
0xb: {  	s11 =	simm.s32 @p0 $0x1;
	s4 =	smin.u32 s22, $0x28;
	s5 =	sadd.s32 $0x558200, s8  }
0xc: {  	s8 =	sshll.u32 s26, $0xB;
	s6 =	smax.u32 s7, $0x1;
	s7 =	sadd.s32 s30, s31  }
0xd: {  	[smem:$0x7FD] =	sst s11;
	s11 =	simm.s32 $0x0;
	s24 =	sor.u32 $0x4, s4  }
0xe: {  	s28 =	sadd.s32 $0x3, s4;
	s9 =	sadd.s32 s8, s25;
	[dreg:$0x2] =	wrdreg s24  }
0xf: {  	[dreg:$0x3] =	wrdreg s28;
	s8 =	sadd.s32 $0x1800, s9;
	s9 =	sadd.s32 $0x1000, s9  }
.LBB2_1:
0x10: {  	[tilespmem:s2], [sflag:$0x9] =	stream.linear.gather [hbm4b:s5+s2], $0x1400, $0x38;
	[tilespmem:$0x11400] =	vst v63  }
0x11: {  	p0 =	por $0x1, $0x1;
	_ =	swait.ge [sflag:s10], $0x1400  }
0x12: {  	p1 =	por p0, p0;
	s12 =	rddreg [dreg:$0x2]  }
0x13: {  	p0 =	sle.u32 @!p1 s12, $0x0  }
0x14: {  	[sflag:s10] =	ssyncset.done $0x0;
	p2 =	por p0, p1  }
0x15: {  	[sflag:s10] =	ssyncadd.s32 $0xFFFFEC00;
	s12 =	simm.s32 @!p2 $0x5  }
0x16: {  	p0 =	sle.u32 s4, $0x0;
	_ =	swait.ge @!p2 [sflag:s12], $0x4000  }
0x17: {  	s14 =	simm.s32 @!p0 $0x80;
	[sflag:s12] =	ssyncset.done @!p2 $0x0;
	s13 =	rddreg [dreg:$0x3]  }
0x18: {  	s15 =	simm.s32 @!p0 $0x1400;
	[sflag:s12] =	ssyncadd.s32 @!p2 $0xFFFFC000;
	p2 =	sle.u32 @!p1 s13, $0x0  }
0x19: {  	[tilespmem:s15], [sflag:$0x1] =	stream.indirect.gather @!p0 [hbm4b:s3+s14], $0x80, s2, s14, $0xb8;
	[tilespmem:$0x11400] =	vst v63  }
0x1a: {  	p3 =	sge.u32 s4, $0x0;
	p4 =	por p2, p1  }
0x1b: {  	p5 =	por $0x0, $0x0;
	p1 =	sle.u32 s4, $0x1;
	s12 =	simm.s32 @!p4 $0x6  }
0x1c: {  	p2 =	por !p5, !p3;
	s13 =	simm.s32 @!p1 $0x80;
	_ =	swait.ge @!p4 [sflag:s12], $0x4000  }
0x1d: {  	s14 =	simm.s32 @!p1 $0x80;
	p2 =	por !p2, !p2;
	[sflag:s12] =	ssyncset.done @!p4 $0x0  }
0x1e: {  	s16 =	simm.s32 @!p1 $0x5400;
	[sflag:s12] =	ssyncadd.s32 @!p4 $0xFFFFC000;
	s12 =	simm.s32 @p2 $0x7  }
0x1f: {  	[tilespmem:s16], [sflag:$0x2] =	stream.indirect.gather @!p1 [hbm4b:s3+s14], $0x80, s13, s14, $0xb8;
	[tilespmem:$0x11400] =	vst v63  }
0x20: {  	p4 =	sle.u32 s4, $0x2;
	_ =	swait.ge @p2 [sflag:s12], $0x4000  }
0x21: {  	s17 =	simm.s32 @p2 $0x8;
	s13 =	simm.s32 @!p4 $0x100;
	[sflag:s12] =	ssyncset.done @p2 $0x0  }
0x22: {  	s14 =	simm.s32 @!p4 $0x9400;
	[sflag:s12] =	ssyncadd.s32 @p2 $0xFFFFC000;
	s12 =	simm.s32 @!p4 $0x80  }
0x23: {  	[tilespmem:s14], [sflag:$0x3] =	stream.indirect.gather @!p4 [hbm4b:s3+s12], $0x80, s13, s12, $0xb8;
	[tilespmem:$0x11400] =	vst v63  }
0x24: {  	p3 =	sle.u32 s4, $0x3;
	_ =	swait.ge @p2 [sflag:s17], $0x4000  }
0x25: {  	s20 =	simm.s32 @!p3 $0xD400;
	s12 =	simm.s32 @!p0 $0x1;
	[sflag:s17] =	ssyncset.done @p2 $0x0  }
0x26: {  	s13 =	simm.s32 @!p3 $0x180;
	[sflag:s17] =	ssyncadd.s32 @p2 $0xFFFFC000;
	s17 =	simm.s32 @!p3 $0x80  }
0x27: {  	[tilespmem:s20], [sflag:$0x4] =	stream.indirect.gather @!p3 [hbm4b:s3+s17], $0x80, s13, s17, $0xb8;
	[tilespmem:$0x11400] =	vst v63  }
0x28: {  	_ =	swait.ge @!p0 [sflag:s12], $0x4000  }
0x29: {  	p6 =	por $0x0, $0x0;
	[sflag:s12] =	ssyncset.done @!p0 $0x0  }
0x2a: {  	s13 =	simm.s32 @!p0 $0x0;
	s17 =	simm.s32 @!p1 $0x2;
	[sflag:s12] =	ssyncadd.s32 @!p0 $0xFFFFC000  }
0x2b: {  	[hbm4b:s7+s13] =	stream.linear.scatter @!p0 [tilespmem:s15], [sflag:$0x5], $0x4000, $0x38;
	[tilespmem:$0x11400] =	vst v63  }
0x2c: {  	s22 =	simm.s32 @!p3 $0x4;
	s23 =	simm.s32 @!p3 $0x0;
	_ =	swait.ge @!p1 [sflag:s17], $0x4000  }
0x2d: {  	s18 =	simm.s32 @!p4 $0x3;
	p2 =	por p6, p6;
	[sflag:s17] =	ssyncset.done @!p1 $0x0  }
0x2e: {  	s12 =	sadd.s32 @!p1 $0xFFFFF000, s8;
	s13 =	simm.s32 @!p1 $0x0;
	[sflag:s17] =	ssyncadd.s32 @!p1 $0xFFFFC000  }
0x2f: {  	[hbm4b:s12+s13] =	stream.linear.scatter @!p1 [tilespmem:s16], [sflag:$0x6], $0x4000, $0x38;
	[tilespmem:$0x11400] =	vst v63  }
0x30: {  	s15 =	simm.s32 $0x4;
	s17 =	simm.s32 $0x0;
	_ =	swait.ge @!p4 [sflag:s18], $0x4000  }
0x31: {  	s16 =	simm.s32 $0x8;
	s12 =	simm.s32 @!p4 $0x0;
	[sflag:s18] =	ssyncset.done @!p4 $0x0  }
0x32: {  	s13 =	sadd.s32 $0x2000, s9;
	[sflag:s18] =	ssyncadd.s32 @!p4 $0xFFFFC000;
	s18 =	smov.u32 s8  }
0x33: {  	[hbm4b:s9+s12] =	stream.linear.scatter @!p4 [tilespmem:s14], [sflag:$0x7], $0x4000, $0x38;
	[tilespmem:$0x11400] =	vst v63  }
0x34: {  	s12 =	sadd.s32 $0x2000, s8;
	s14 =	sadd.s32 $0x2000, s7;
	_ =	swait.ge @!p3 [sflag:s22], $0x4000  }
.LBB2_2:
0x35: {  	s24 =	rddreg [dreg:$0x2];
	[sflag:s22] =	ssyncset.done @!p3 $0x0  }
0x36: {  	[sflag:s22] =	ssyncadd.s32 @!p3 $0xFFFFC000;
	p0 =	sge.u32 @!p2 s15, s24  }
0x37: {  	[hbm4b:s18+s23] =	stream.linear.scatter @!p3 [tilespmem:s20], [sflag:$0x8], $0x4000, $0x38;
	[tilespmem:$0x11400] =	vst v63  }
0x38: {  	p0 =	por p0, p2  }
0x39: {  	s17 =	sadd.s32 $0x200, s17;
	s20 =	simm.s32 @!p0 $0x5  }
0x3a: {  	p5 =	sge.u32 s15, s4;
	s29 =	sadd.s32 $0x1, s15;
	_ =	swait.ge @!p0 [sflag:s20], $0x4000  }
0x3b: {  	s22 =	simm.s32 @!p5 $0x1400;
	[sflag:s20] =	ssyncset.done @!p0 $0x0;
	s24 =	rddreg [dreg:$0x3]  }
0x3c: {  	s23 =	simm.s32 @!p5 $0x80;
	[sflag:s20] =	ssyncadd.s32 @!p0 $0xFFFFC000;
	p0 =	sge.u32 @!p2 s15, s24  }
0x3d: {  	[tilespmem:s22], [sflag:$0x1] =	stream.indirect.gather @!p5 [hbm4b:s3+s23], $0x80, s17, s23, $0xb8;
	[tilespmem:$0x11400] =	vst v63  }
0x3e: {  	s30 =	sadd.s32 $0x2, s15;
	p6 =	sge.u32 s29, s4;
	p0 =	por p0, p2  }
0x3f: {  	p3 =	sle.u32 s15, s4;
	p2 =	sne.s32 s15, $0x0;
	s23 =	simm.s32 @!p0 $0x6  }
0x40: {  	s25 =	simm.s32 @!p6 $0x5400;
	p2 =	por !p2, !p3;
	_ =	swait.ge @!p0 [sflag:s23], $0x4000  }
0x41: {  	s20 =	sadd.s32 @!p6 $0x80, s17;
	p2 =	por !p2, !p2;
	[sflag:s23] =	ssyncset.done @!p0 $0x0  }
0x42: {  	s24 =	simm.s32 @!p6 $0x80;
	s26 =	simm.s32 @p2 $0x7;
	[sflag:s23] =	ssyncadd.s32 @!p0 $0xFFFFC000  }
0x43: {  	[tilespmem:s25], [sflag:$0x2] =	stream.indirect.gather @!p6 [hbm4b:s3+s24], $0x80, s20, s24, $0xb8;
	[tilespmem:$0x11400] =	vst v63  }
0x44: {  	s31 =	sadd.s32 $0x3, s15;
	p0 =	sge.u32 s30, s4;
	_ =	swait.ge @p2 [sflag:s26], $0x4000  }
0x45: {  	s20 =	sadd.s32 @!p0 $0x100, s17;
	s23 =	simm.s32 @!p0 $0x9400;
	[sflag:s26] =	ssyncset.done @p2 $0x0  }
0x46: {  	s24 =	simm.s32 @!p0 $0x80;
	[sflag:s26] =	ssyncadd.s32 @p2 $0xFFFFC000;
	s26 =	simm.s32 @p2 $0x8  }
0x47: {  	[tilespmem:s23], [sflag:$0x3] =	stream.indirect.gather @!p0 [hbm4b:s3+s24], $0x80, s20, s24, $0xb8;
	[tilespmem:$0x11400] =	vst v63  }
0x48: {  	p3 =	sge.u32 s31, s4;
	_ =	swait.ge @p2 [sflag:s26], $0x4000  }
0x49: {  	s28 =	sadd.s32 @!p3 $0x180, s17;
	s24 =	simm.s32 @!p5 $0x1;
	[sflag:s26] =	ssyncset.done @p2 $0x0  }
0x4a: {  	s20 =	simm.s32 @!p3 $0xD400;
	[sflag:s26] =	ssyncadd.s32 @p2 $0xFFFFC000;
	s26 =	simm.s32 @!p3 $0x80  }
0x4b: {  	[tilespmem:s20], [sflag:$0x4] =	stream.indirect.gather @!p3 [hbm4b:s3+s26], $0x80, s28, s26, $0xb8;
	[tilespmem:$0x11400] =	vst v63  }
0x4c: {  	s21 =	smov.u32 s16;
	s19 =	smov.u32 s13;
	_ =	swait.ge @!p5 [sflag:s24], $0x4000  }
0x4d: {  	p4 =	seq.s32 s21, $0x0;
	s15 =	smov.u32 s21;
	[sflag:s24] =	ssyncset.done @!p5 $0x0  }
0x4e: {  	s21 =	simm.s32 @!p5 $0x0;
	s26 =	simm.s32 @!p6 $0x2;
	[sflag:s24] =	ssyncadd.s32 @!p5 $0xFFFFC000  }
0x4f: {  	[hbm4b:s14+s21] =	stream.linear.scatter @!p5 [tilespmem:s22], [sflag:$0x5], $0x4000, $0x38;
	[tilespmem:$0x11400] =	vst v63  }
0x50: {  	s16 =	sadd.s32 $0x4, s16;
	s13 =	sadd.s32 $0x2000, s13;
	_ =	swait.ge @!p6 [sflag:s26], $0x4000  }
0x51: {  	p1 =	sne.s32 s16, $0x28;
	s24 =	simm.s32 @!p0 $0x3;
	[sflag:s26] =	ssyncset.done @!p6 $0x0  }
0x52: {  	s21 =	sadd.s32 @!p6 $0xFFFFF000, s12;
	s22 =	simm.s32 @!p6 $0x0;
	[sflag:s26] =	ssyncadd.s32 @!p6 $0xFFFFC000  }
0x53: {  	[hbm4b:s21+s22] =	stream.linear.scatter @!p6 [tilespmem:s25], [sflag:$0x6], $0x4000, $0x38;
	[tilespmem:$0x11400] =	vst v63  }
.Ltmp0:
0x54: {  	s18 =	smov.u32 s12;
	_ =	swait.ge @!p0 [sflag:s24], $0x4000;
	(pc) =	sbr.rel @p1 .LBB2_2-.Ltmp0, $4  }
0x55: {  	p2 =	por p4, p4;
	s12 =	sadd.s32 $0x2000, s12;
	[sflag:s24] =	ssyncset.done @!p0 $0x0  }
0x56: {  	s21 =	simm.s32 @!p0 $0x0;
	s22 =	simm.s32 @!p3 $0x4;
	[sflag:s24] =	ssyncadd.s32 @!p0 $0xFFFFC000  }
0x57: {  	[hbm4b:s19+s21] =	stream.linear.scatter @!p0 [tilespmem:s23], [sflag:$0x7], $0x4000, $0x38;
	[tilespmem:$0x11400] =	vst v63  }
0x58: {  	s14 =	sadd.s32 $0x2000, s14;
	s23 =	simm.s32 @!p3 $0x0;
	_ =	swait.ge @!p3 [sflag:s22], $0x4000  }
0x59: {  	s16 =	rddreg [dreg:$0x2];
	[sflag:s22] =	ssyncset.done @!p3 $0x0  }
0x5a: {  	[sflag:s22] =	ssyncadd.s32 @!p3 $0xFFFFC000;
	p0 =	sge.u32 @!p2 s15, s16  }
0x5b: {  	[hbm4b:s18+s23] =	stream.linear.scatter @!p3 [tilespmem:s20], [sflag:$0x8], $0x4000, $0x38;
	[tilespmem:$0x11400] =	vst v63  }
0x5c: {  	p1 =	por p0, p2  }
0x5d: {  	s17 =	sadd.s32 $0x200, s17;
	s16 =	simm.s32 @!p1 $0x5  }
0x5e: {  	p6 =	sle.u32 s15, s4;
	p0 =	sge.u32 s15, s4;
	_ =	swait.ge @!p1 [sflag:s16], $0x4000  }
0x5f: {  	s19 =	simm.s32 @!p0 $0x80;
	[sflag:s16] =	ssyncset.done @!p1 $0x0;
	s18 =	rddreg [dreg:$0x3]  }
0x60: {  	s20 =	simm.s32 @!p0 $0x1400;
	[sflag:s16] =	ssyncadd.s32 @!p1 $0xFFFFC000;
	p1 =	sge.u32 @!p2 s15, s18  }
0x61: {  	[tilespmem:s20], [sflag:$0x1] =	stream.indirect.gather @!p0 [hbm4b:s3+s19], $0x80, s17, s19, $0xb8;
	[tilespmem:$0x11400] =	vst v63  }
0x62: {  	s28 =	sadd.s32 $0x1, s15;
	p4 =	sne.s32 s15, $0x0;
	p2 =	por p1, p2  }
0x63: {  	s29 =	sadd.s32 $0x2, s15;
	p3 =	por !p4, !p6;
	s18 =	simm.s32 @!p2 $0x6  }
0x64: {  	p4 =	por !p3, !p3;
	p1 =	sge.u32 s28, s4;
	_ =	swait.ge @!p2 [sflag:s18], $0x4000  }
0x65: {  	s22 =	simm.s32 @p4 $0x7;
	s16 =	sadd.s32 @!p1 $0x80, s17;
	[sflag:s18] =	ssyncset.done @!p2 $0x0  }
0x66: {  	s19 =	simm.s32 @!p1 $0x80;
	s21 =	simm.s32 @!p1 $0x5400;
	[sflag:s18] =	ssyncadd.s32 @!p2 $0xFFFFC000  }
0x67: {  	[tilespmem:s21], [sflag:$0x2] =	stream.indirect.gather @!p1 [hbm4b:s3+s19], $0x80, s16, s19, $0xb8;
	[tilespmem:$0x11400] =	vst v63  }
0x68: {  	s30 =	sadd.s32 $0x3, s15;
	p2 =	sge.u32 s29, s4;
	_ =	swait.ge @p4 [sflag:s22], $0x4000  }
0x69: {  	s16 =	sadd.s32 @!p2 $0x100, s17;
	s18 =	simm.s32 @!p2 $0x9400;
	[sflag:s22] =	ssyncset.done @p4 $0x0  }
0x6a: {  	s19 =	simm.s32 @!p2 $0x80;
	[sflag:s22] =	ssyncadd.s32 @p4 $0xFFFFC000;
	s22 =	simm.s32 @p4 $0x8  }
0x6b: {  	[tilespmem:s18], [sflag:$0x3] =	stream.indirect.gather @!p2 [hbm4b:s3+s19], $0x80, s16, s19, $0xb8;
	[tilespmem:$0x11400] =	vst v63  }
0x6c: {  	p3 =	sge.u32 s30, s4;
	_ =	swait.ge @p4 [sflag:s22], $0x4000  }
0x6d: {  	s15 =	simm.s32 @!p0 $0x1;
	s16 =	sadd.s32 @!p3 $0x180, s17;
	[sflag:s22] =	ssyncset.done @p4 $0x0  }
0x6e: {  	s17 =	simm.s32 @!p3 $0xD400;
	s19 =	simm.s32 @!p3 $0x80;
	[sflag:s22] =	ssyncadd.s32 @p4 $0xFFFFC000  }
0x6f: {  	[tilespmem:s17], [sflag:$0x4] =	stream.indirect.gather @!p3 [hbm4b:s3+s19], $0x80, s16, s19, $0xb8;
	[tilespmem:$0x11400] =	vst v63  }
0x70: {  	_ =	swait.ge @!p0 [sflag:s15], $0x4000  }
0x71: {  	[sflag:s15] =	ssyncset.done @!p0 $0x0  }
0x72: {  	s16 =	simm.s32 @!p0 $0x0;
	s19 =	simm.s32 @!p1 $0x2;
	[sflag:s15] =	ssyncadd.s32 @!p0 $0xFFFFC000  }
0x73: {  	[hbm4b:s14+s16] =	stream.linear.scatter @!p0 [tilespmem:s20], [sflag:$0x5], $0x4000, $0x38;
	[tilespmem:$0x11400] =	vst v63  }
0x74: {  	_ =	swait.ge @!p1 [sflag:s19], $0x4000  }
0x75: {  	s15 =	simm.s32 @!p1 $0x0;
	[sflag:s19] =	ssyncset.done @!p1 $0x0  }
0x76: {  	s14 =	sadd.s32 @!p1 $0xFFFFF000, s12;
	s16 =	simm.s32 @!p2 $0x3;
	[sflag:s19] =	ssyncadd.s32 @!p1 $0xFFFFC000  }
0x77: {  	[hbm4b:s14+s15] =	stream.linear.scatter @!p1 [tilespmem:s21], [sflag:$0x6], $0x4000, $0x38;
	[tilespmem:$0x11400] =	vst v63  }
0x78: {  	_ =	swait.ge @!p2 [sflag:s16], $0x4000  }
0x79: {  	[sflag:s16] =	ssyncset.done @!p2 $0x0  }
0x7a: {  	s14 =	simm.s32 @!p2 $0x0;
	s15 =	simm.s32 @!p3 $0x4;
	[sflag:s16] =	ssyncadd.s32 @!p2 $0xFFFFC000  }
0x7b: {  	[hbm4b:s13+s14] =	stream.linear.scatter @!p2 [tilespmem:s18], [sflag:$0x7], $0x4000, $0x38;
	[tilespmem:$0x11400] =	vst v63  }
0x7c: {  	_ =	swait.ge @!p3 [sflag:s15], $0x4000  }
0x7d: {  	[sflag:s15] =	ssyncset.done @!p3 $0x0;
	s31 =	sld [smem:$0x7FD]  }
0x7e: {  	s13 =	simm.s32 @!p3 $0x0;
	[sflag:s15] =	ssyncadd.s32 @!p3 $0xFFFFC000  }
0x7f: {  	[hbm4b:s12+s13] =	stream.linear.scatter @!p3 [tilespmem:s17], [sflag:$0x8], $0x4000, $0x38;
	[tilespmem:$0x11400] =	vst v63  }
0x80: {  	p1 =	seq.s32 s31, $0x1  }
0x81: {  	s12 =	simm.s32 @!p1 $0x5  }
0x82: {  	_ =	swait.ge @!p1 [sflag:s12], $0x4000  }
0x83: {  	[sflag:s12] =	ssyncset.done @!p1 $0x0  }
0x84: {  	[sflag:s12] =	ssyncadd.s32 @!p1 $0xFFFFC000;
	s12 =	simm.s32 @!p1 $0x6  }
0x85: {  	_ =	swait.ge @!p1 [sflag:s12], $0x4000  }
0x86: {  	[sflag:s12] =	ssyncset.done @!p1 $0x0  }
0x87: {  	s11 =	sadd.s32 $0x1, s11;
	[sflag:s12] =	ssyncadd.s32 @!p1 $0xFFFFC000;
	s12 =	simm.s32 @!p1 $0x7  }
0x88: {  	p0 =	sne.s32 s11, s6;
	_ =	swait.ge @!p1 [sflag:s12], $0x4000  }
.Ltmp1:
0x89: {  	[sflag:s12] =	ssyncset.done @!p1 $0x0;
	(pc) =	sbr.rel @p0 .LBB2_1-.Ltmp1, $4  }
0x8a: {  	[sflag:s12] =	ssyncadd.s32 @!p1 $0xFFFFC000;
	s12 =	simm.s32 @!p1 $0x8  }
0x8b: {  	_ =	swait.ge @!p1 [sflag:s12], $0x4000  }
0x8c: {  	[sflag:s12] =	ssyncset.done @!p1 $0x0  }
0x8d: {  	[sflag:s12] =	ssyncadd.s32 @!p1 $0xFFFFC000  }
0x8e: {  	_ =	sfence.sel $0x180000  }
0x8f: {  	[bflag:$0x0] =	sbarrier.arrive $0xFFFF  }
0x90: {  	p0 =	sne.s32 s0, $0x0;
	_ =	strace $0x90000050  }
0x91: {  	s0 =	sadd.s32 @!p0 $0x100000, s1;
	[bflag:$0x2] =	sbarrier.arrive $0xFFFF  }
0x92: {  	[sflag:s0] =	ssyncadd.tile.s32 @!p0 $0x1;
	_ =	shalt  }
.Lfunc_end2:
_tile_overlayer_lowered:
.L_overlay_start_2:
0x93: {  	(tag) =	ssettag $0x2  }
0x94: {  	s0 =	rddreg [dreg:$0x0];
	s2 =	stileid.u32  }
0x95: {  	s1 =	rddreg [dreg:$0x1];
	p0 =	sne.s32 s2, $0x0  }
0x96: {  	s3 =	rddreg [dreg:$0x2];
	[bflag:$0x3] =	sbarrier.arrive $0xFFFF;
	s2 =	simm.s32 @!p0 $0x1C09  }
0x97: {  	[timem:s3], [sflag:s2] =	dma.local @!p0 [hbm:s0], s1  }
0x98: {  	s0 =	simm.s32 @!p0 $0x9  }
0x99: {  	_ =	swait.ge @!p0 [sflag:s0], s1  }
0x9a: {  	s1 =	ssub.s32 @!p0 $0x0, s1;
	[sflag:s0] =	ssyncset.done @!p0 $0x0  }
0x9b: {  	[sflag:s0] =	ssyncadd.s32 @!p0 s1  }
0x9c: {  	[bflag:$0x3] =	sbarrier.arrive $0xFFFF  }
0x9d: {  	_ =	shalt  }

// kernel: kernel.26.cloned.1.call-start
scs
__scs_entry_jumppad:
0x0: {  	(pc) =	sbr.rel $0x88, $3  }
0x1: {  	(tag) =	ssettag $0x0;
	lr =	simm.s32 $0x1  }
0x2: {  	[smem:$0x3F93] =	sst lr;
	_ =	strace $0xD0000000  }
0x3: {  	_ = 	snop  }
0x4: {  	_ = 	snop  }
0x5: {  	_ = 	snop  }
0x6: {  	_ = 	snop  }
0x7: {  	_ = 	snop  }
__scs_overlays_trampoline_lowered:
0x8: {  	[smem:$0x3FA2] =	sst s0  }
0x9: {  	[smem:$0x3FA3] =	sst s1  }
0xa: {  	[smem:$0x3FA4] =	sst s2  }
0xb: {  	[smem:$0x3FA5] =	sst s3  }
0xc: {  	[smem:$0x3FA6] =	sst s4  }
0xd: {  	[smem:$0x3FA7] =	sst s5  }
0xe: {  	[smem:$0x3FA8] =	sst s6  }
0xf: {  	[smem:$0x3FA9] =	sst s7  }
0x10: {  	[smem:$0x3FAA] =	sst s8  }
0x11: {  	[smem:$0x3FAB] =	sst s9;
	s0 =	simm.s32 @!p0 $0x0  }
0x12: {  	s1 =	sld [smem:$0x3F91];
	s0 =	simm.s32 @p0 $0x1  }
0x13: {  	[smem:$0x3FAC] =	sst s0;
	s0 =	simm.s32 @!p1 $0x0  }
0x14: {  	s2 =	sld [smem:$0x3F90];
	s0 =	simm.s32 @p1 $0x1  }
0x15: {  	[smem:$0x3FAD] =	sst s0;
	s0 =	simm.s32 @!p2 $0x0  }
0x16: {  	s3 =	sld [smem:$0x3FDB];
	s0 =	simm.s32 @p2 $0x1  }
0x17: {  	s4 =	simm.s32 $0x1BF5;
	[smem:$0x3FAF] =	sst s0  }
0x18: {  	s0 =	sld [smem:$0x3F92];
	_ =	swait.ge [sflag:s4], $0x0  }
0x19: {  	s7 =	sld [smem:$0x3F93]  }
0x1a: {  	s8 =	sadd.s32 $0xFFFFE003, lr  }
0x1b: {  	s9 =	sadd.s32 $0xFFFFFEF7, lr;
	s5 =	simm.s32 $0xFFFFFFFF;
	p2 =	slt.u32 s8, $0xFFFFF086  }
0x1c: {  	p1 =	slt.u32 s9, $0xF7A;
	s5 =	simm.s32 @!p2 $0x0  }
0x1d: {  	s5 =	simm.s32 @p1 $0x1;
	p0 =	seq.s32 s7, s2  }
0x1e: {  	s7 =	smul.u32 @!p0 $0xF7A, s2;
	p2 =	seq.s32 @!p0 s5, $0x0  }
0x1f: {  	s9 =	smul.u32 $0xF7A, s1;
	s8 =	simm.s32 @!p0 $0x1BF5;
	p2 =	por !p2, p0  }
0x20: {  	[sflag:s8] =	ssyncset.s32 @!p0 $0xFFFFF086;
	s6 =	sadd.s32 @!p0 s3, s7;
	s7 =	simm.s32 @!p0 $0x108  }
0x21: {  	s3 =	sadd.s32 s3, s9;
	s6 =	sadd.s32 @!p0 $0x88, s6;
	s7 =	simm.s32 @p2 $0x1082  }
0x22: {  	[simem:s7], [sflag:s8] =	dma.local @!p0 [hbm:s6], $0xF7A  }
0x23: {  	s9 =	sor.u32 $0xD0000000, s2;
	s6 =	simm.s32 $0x108;
	_ =	swait.ge @!p0 [sflag:s8], $0x0  }
0x24: {  	s3 =	sadd.s32 $0x88, s3;
	s6 =	simm.s32 @!p1 $0x1082;
	[sflag:s4] =	ssyncset.s32 $0xFFFFF086  }
0x25: {  	[simem:s6], [sflag:s4] =	dma.local [hbm:s3], $0xF7A  }
0x26: {  	[smem:$0x3F93] =	sst s1;
	(tag) =	ssettag s2;
	_ =	strace s9  }
0x27: {  	s1 =	sld [smem:$0x3FA3]  }
0x28: {  	s2 =	sld [smem:$0x3FA4]  }
0x29: {  	s4 =	sld [smem:$0x3FA6]  }
0x2a: {  	p0 =	seq.s32 s5, $0x0;
	s5 =	sld [smem:$0x3FA7]  }
0x2b: {  	s6 =	sld [smem:$0x3FA8]  }
0x2c: {  	s7 =	sld [smem:$0x3FA9]  }
0x2d: {  	s3 =	simm.s32 $0x108;
	s8 =	sld [smem:$0x3FAA]  }
0x2e: {  	s3 =	simm.s32 @!p0 $0x1082;
	s9 =	sld [smem:$0x3FAB]  }
0x2f: {  	lr =	sadd.s32 s0, s3;
	s0 =	sld [smem:$0x3FA2]  }
0x30: {  	s3 =	sld [smem:$0x3FA5]  }
0x31: {  	[smem:$0x3FAE] =	sst s10  }
0x32: {  	s10 =	sld [smem:$0x3FAC];
	_ =	sdelay $0x3  }
0x33: {  	p0 =	seq.s32 s10, $0x1;
	s10 =	sld [smem:$0x3FAE];
	_ =	sdelay $0x3  }
0x34: {  	[smem:$0x3FAE] =	sst s10  }
0x35: {  	s10 =	sld [smem:$0x3FAD];
	_ =	sdelay $0x3  }
0x36: {  	p1 =	seq.s32 s10, $0x1;
	s10 =	sld [smem:$0x3FAE];
	_ =	sdelay $0x3  }
0x37: {  	[smem:$0x3FAE] =	sst s10  }
0x38: {  	s10 =	sld [smem:$0x3FAF]  }
0x39: {  	_ = 	snop;
	(pc) =	sbr.ind lr, $3  }
0x3a: {  	_ = 	snop  }
0x3b: {  	_ = 	snop  }
0x3c: {  	p2 =	seq.s32 s10, $0x1;
	s10 =	sld [smem:$0x3FAE]  }
0x3d: {  	_ =	shalt  }
0x3e: {  	_ =	shalt  }
0x3f: {  	_ =	shalt  }
0x40: {  	_ =	shalt  }
0x41: {  	_ =	shalt  }
0x42: {  	_ =	shalt  }
0x43: {  	_ =	shalt  }
0x44: {  	_ =	shalt  }
0x45: {  	_ =	shalt  }
0x46: {  	_ =	shalt  }
0x47: {  	_ =	shalt  }
0x48: {  	_ =	shalt  }
0x49: {  	_ =	shalt  }
0x4a: {  	_ =	shalt  }
0x4b: {  	_ =	shalt  }
0x4c: {  	_ =	shalt  }
0x4d: {  	_ =	shalt  }
0x4e: {  	_ =	shalt  }
0x4f: {  	_ =	shalt  }
0x50: {  	_ =	shalt  }
0x51: {  	_ =	shalt  }
0x52: {  	_ =	shalt  }
0x53: {  	_ =	shalt  }
0x54: {  	_ =	shalt  }
0x55: {  	_ =	shalt  }
0x56: {  	_ =	shalt  }
0x57: {  	_ =	shalt  }
0x58: {  	_ =	shalt  }
0x59: {  	_ =	shalt  }
0x5a: {  	_ =	shalt  }
0x5b: {  	_ =	shalt  }
0x5c: {  	_ =	shalt  }
0x5d: {  	_ =	shalt  }
0x5e: {  	_ =	shalt  }
0x5f: {  	_ =	shalt  }
0x60: {  	_ =	shalt  }
0x61: {  	_ =	shalt  }
0x62: {  	_ =	shalt  }
0x63: {  	_ =	shalt  }
0x64: {  	_ =	shalt  }
0x65: {  	_ =	shalt  }
0x66: {  	_ =	shalt  }
0x67: {  	_ =	shalt  }
0x68: {  	_ =	shalt  }
0x69: {  	_ =	shalt  }
0x6a: {  	_ =	shalt  }
0x6b: {  	_ =	shalt  }
0x6c: {  	_ =	shalt  }
0x6d: {  	_ =	shalt  }
0x6e: {  	_ =	shalt  }
0x6f: {  	_ =	shalt  }
0x70: {  	_ =	shalt  }
0x71: {  	_ =	shalt  }
0x72: {  	_ =	shalt  }
0x73: {  	_ =	shalt  }
0x74: {  	_ =	shalt  }
0x75: {  	_ =	shalt  }
0x76: {  	_ =	shalt  }
0x77: {  	_ =	shalt  }
0x78: {  	_ =	shalt  }
0x79: {  	_ =	shalt  }
0x7a: {  	_ =	shalt  }
0x7b: {  	_ =	shalt  }
0x7c: {  	_ =	shalt  }
0x7d: {  	_ =	shalt  }
0x7e: {  	_ =	shalt  }
0x7f: {  	_ =	shalt  }
0x80: {  	_ =	shalt  }
0x81: {  	_ =	shalt  }
0x82: {  	_ =	shalt  }
0x83: {  	_ =	shalt  }
0x84: {  	_ =	shalt  }
0x85: {  	_ =	shalt  }
0x86: {  	_ =	shalt  }
0x87: {  	_ =	shalt  }
.Lfunc_end0:
.L_simem_size_0:
called_computation.5_lowered:
.L_overlay_start_0:
0x88: {  	s2 =	sld [smem:$0x3FD9]  }
0x89: {  	s3 =	sld [smem:$0x3FFE];
	_ =	sdelay $0x1  }
0x8a: {  	s1 =	srdreg.scid  }
0x8b: {  	s0 =	sand.u32 $0x1, s1  }
0x8c: {  	s17 =	sshll.u32 s0, $0xA;
	s2 =	sadd.s32 s3, s2  }
0x8d: {  	s2 =	sadd.s32 s2, s17  }
0x8e: {  	[smem:$0x3FBA] =	sst s2  }
0x8f: {  	_ = 	snop  }
0x90: {  	s18 =	sld [smem:$0x3FD0];
	(tm) =	ssettm $0x1  }
0x91: {  	s19 =	sld [smem:$0x3FFB];
	_ =	sdelay $0x3  }
0x92: {  	_ =	strace s19  }
0x93: {  	s2 =	sld [smem:$0x3FFC];
	_ =	sdelay $0x3  }
0x94: {  	_ =	strace s2  }
0x95: {  	s2 =	sld [smem:$0x3FFD];
	_ =	sdelay $0x3  }
0x96: {  	_ =	strace s2  }
0x97: {  	_ =	strace $0x8FFFFFFF  }
0x98: {  	s20 =	sld [smem:$0x3FDB];
	_ =	sdelay $0x1  }
0x99: {  	s4 =	simm.s32 $_scs_section_size  }
0x9a: {  	s5 =	simm.s32 $_size__tile_overlayer_lowered;
	s6 =	simm.s32 $_tile_overlayer_lowered  }
0x9b: {  	s7 =	simm.s32 $0x1BFF;
	s21 =	sshll.u32 s6, $0x1;
	s4 =	sadd.s32 s4, s20  }
0x9c: {  	s22 =	simm.s32 $0x0;
	s5 =	sshll.u32 s5, $0x1;
	s6 =	sadd.s32 s21, s4  }
0x9d: {  	[timem:s22], [sflag:s7] =	dma.local [hbm:s6], s5  }
0x9e: {  	_ =	swait.ge [sflag:s7], s5  }
0x9f: {  	s5 =	ssub.s32 $0x0, s5;
	[sflag:s7] =	ssyncset.done $0x0  }
0xa0: {  	[sflag:s7] =	ssyncadd.s32 s5;
	_ =	sdelay $0x1  }
0xa1: {  	s23 =	simm.s32 $0x1B8B  }
0xa2: {  	_ =	swait.ge [sflag:s23], $0x1  }
0xa3: {  	[sflag:s23] =	ssyncset.done $0x0  }
0xa4: {  	[sflag:s23] =	ssyncadd.s32 $0xFFFFFFFF  }
0xa5: {  	s5 =	sld [smem:$0x0]  }
0xa6: {  	s6 =	sand.u32 $0xFFFFFFFE, s1  }
0xa7: {  	p0 =	sne.s32 s1, s6  }
0xa8: {  	s6 =	sshll.u32 @p0 s6, $0xE  }
0xa9: {  	s6 =	sadd.s32 @p0 $0x11B8D, s6;
	s7 =	sshll.u32 @p0 s5, $0x11  }
0xaa: {  	s6 =	sor.u32 @p0 s7, s6  }
0xab: {  	[sflag:s6] =	ssyncadd.remote.s32 @p0 $0x1;
	_ =	sdelay $0x1  }
0xac: {  	s6 =	simm.s32 @p0 $0x1B8D  }
0xad: {  	_ =	swait.eq @p0 [sflag:s6], $0x1  }
0xae: {  	[sflag:s6] =	ssyncadd.s32 @p0 $0xFFFFFFFF  }
0xaf: {  	s7 =	sshll.u32 @!p0 s1, $0xE  }
0xb0: {  	s7 =	sor.u32 @!p0 $0x4000, s7;
	s6 =	simm.s32 @!p0 $0x1B8D  }
0xb1: {  	s5 =	sshll.u32 @!p0 s5, $0x11;
	s7 =	sadd.s32 @!p0 $0x11B8D, s7;
	_ =	swait.eq @!p0 [sflag:s6], $0x1  }
0xb2: {  	s5 =	sor.u32 @!p0 s5, s7;
	[sflag:s6] =	ssyncadd.s32 @!p0 $0xFFFFFFFF  }
0xb3: {  	s25 =	simm.s32 $0x1B8E;
	s24 =	sld [smem:$0x3FFE];
	[sflag:s5] =	ssyncadd.remote.s32 @!p0 $0x1  }
0xb4: {  	s26 =	simm.s32 $execute0_lowered;
	[smem:$0x3FD2] =	sst s25  }
0xb5: {  	s6 =	sshll.u32 s26, $0x1;
	_ =	strace $0x80000052;
	[dreg:$0x1] =	wrdreg $0xFFFFFFFF  }
0xb6: {  	s28 =	simm.s32 $_size_execute0_lowered;
	s4 =	sadd.s32 s4, s6;
	[dreg:$0x0] =	wrdreg $0x0  }
0xb7: {  	s6 =	sshll.u32 s28, $0x1;
	[dreg:$0x2] =	wrdreg s4  }
0xb8: {  	[dreg:$0x3] =	wrdreg s6  }
0xb9: {  	[dreg:$0x4] =	wrdreg $0xC0  }
0xba: {  	_ =	task [dreg:s22], $0x5FFFF  }
0xbb: {  	[dreg:$0x1] =	wrdreg $0xFFFFFFFF  }
0xbc: {  	[dreg:$0x0] =	wrdreg $0x60  }
0xbd: {  	[dreg:$0x2] =	wrdreg s24  }
0xbe: {  	[dreg:$0x3] =	wrdreg s18  }
0xbf: {  	[dreg:$0x4] =	wrdreg $0xE  }
0xc0: {  	_ =	task.clear_ibuf [dreg:s22], $0x5FFFF;
	_ =	strace $0x90000052  }
0xc1: {  	s29 =	simm.s32 $0xE;
	_ =	strace $0x80000054  }
0xc2: {  	_ =	swait.ge [sflag:s29], $0x1  }
0xc3: {  	[sflag:s29] =	ssyncadd.s32 $0xFFFFFFFF  }
0xc4: {  	_ =	strace $0x90000054  }
0xc5: {  	_ =	sfence  }
0xc6: {  	s30 =	sld [smem:$0x0];
	_ =	sdelay $0x2  }
0xc7: {  	s31 =	sshll.u32 s1, $0xD;
	s1 =	sshrl.u32 s1, $0x2  }
0xc8: {  	s4 =	sand.u32 $0x4000, s31;
	s1 =	sadd.s32 s1, s30  }
0xc9: {  	s0 =	sor.u32 s4, s0;
	s1 =	sshll.u32 s1, $0x11  }
0xca: {  	s0 =	sor.u32 s1, s0  }
0xcb: {  	s0 =	sadd.s32 $0x8F2B, s0  }
0xcc: {  	[sflag:s0] =	ssyncadd.remote.s32 $0x1  }
0xcd: {  	_ =	sfence.sel $0xFFFF  }
0xce: {  	[dreg:$0x0] =	wrdreg $0xFFFFFFFF;
	(pc) =	sbr.abs _section_cstart, $3  }
0xcf: {  	[dreg:$0x1] =	wrdreg $0xFFFFFFFF  }
0xd0: {  	_ =	task.clear_ibuf [dreg:s22], $0x2FFFF;
	_ =	strace $0x9FFFFFFF  }
0xd1: {  	(tm) =	ssettm $0x7FFFFFFF  }
tec
execute0_lowered:
.L_overlay_start_1:
0x0: {  	(tag) =	ssettag $0x1  }
0x1: {  	s4 =	rddreg [dreg:$0x0]  }
0x2: {  	s6 =	rddreg [dreg:$0x1];
	s2 =	srdreg.scid  }
0x3: {  	s0 =	rddreg [dreg:$0x2];
	s1 =	stileid.u32  }
0x4: {  	s15 =	simm.s32 $0x28;
	s16 =	simm.s32 $0x100;
	s17 =	simm.s32 $0x400  }
0x5: {  	s18 =	simm.s32 $0x4;
	s21 =	simm.s32 $0x380;
	s22 =	simm.s32 $0x1800  }
0x6: {  	s23 =	simm.s32 $0x1;
	s24 =	simm.s32 $0x2;
	s5 =	sand.u32 $0x1, s2  }
0x7: {  	s2 =	simm.s32 $0x0;
	s7 =	sshll.u32 s1, $0x3;
	s3 =	sshll.u32 s5, $0x7  }
0x8: {  	[smem:$0x7FF] =	sst s2;
	s5 =	ssub.s32 $0x2, s5;
	s25 =	sor.u32 s7, s3  }
0x9: {  	_ =	strace $0x80000053;
	s3 =	sadd.s32 $0x9800, s4;
	s30 =	sshrl.u32 s5, $0x1  }
0xa: {  	s7 =	smin.u32 s25, $0x78;
	s14 =	ssub.s32 $0x7D, s25;
	s5 =	ssub.s32 s5, s30  }
0xb: {  	p1 =	sgt.u32 s25, $0x79;
	p2 =	sgt.u32 s25, $0x77;
	p6 =	sgt.u32 s25, $0x7A  }
0xc: {  	s8 =	sshll.u32 s7, $0x4;
	p0 =	sgt.s32 s14, $0x0;
	s7 =	smul.u32 $0x280, s7  }
0xd: {  	s5 =	smax.u32 s5, $0x1;
	p3 =	sgt.u32 @p1 s25, $0x7A;
	p4 =	sgt.u32 @p2 s25, $0x78  }
0xe: {  	s26 =	simm.s32 @!p6 $0x0;
	s4 =	sadd.s32 s8, s4;
	s14 =	simm.s32 @!p0 $0x0  }
0xf: {  	p3 =	por p3, !p1;
	s26 =	simm.s32 @p6 $0x1;
	p6 =	sgt.u32 s25, $0x78  }
0x10: {  	s31 =	smin.u32 s14, $0x8;
	s4 =	sadd.s32 $0x7CE200, s4;
	s6 =	sadd.s32 s6, s7  }
0x11: {  	p0 =	seq.s32 s14, $0x0;
	s14 =	simm.s32 $0x5;
	[smem:$0x7FA] =	sst s26  }
0x12: {  	s26 =	simm.s32 @!p6 $0x0;
	s20 =	sor.u32 $0x2, s31;
	s7 =	sadd.s32 $0x280, s6  }
0x13: {  	s8 =	sadd.s32 $0x500, s6;
	s9 =	sadd.s32 $0x780, s6;
	s10 =	sadd.s32 $0xA00, s6  }
0x14: {  	s11 =	sadd.s32 $0xC80, s6;
	s12 =	sadd.s32 $0xF00, s6;
	s13 =	sadd.s32 $0x1180, s6  }
0x15: {  	s26 =	simm.s32 @p6 $0x1;
	p6 =	sgt.u32 s25, $0x76;
	p5 =	slt.u32 s20, $0x5  }
0x16: {  	[smem:$0x7FB] =	sst s26;
	s26 =	simm.s32 @!p6 $0x0;
	s19 =	simm.s32 @!p5 $0x0  }
0x17: {  	s26 =	simm.s32 @p6 $0x1;
	s19 =	simm.s32 @p5 $0x1;
	p5 =	por p4, !p2  }
.Ltmp0:
0x18: {  	p4 =	slt.u32 s20, $0x7;
	[smem:$0x7FC] =	sst s26;
	(pc) =	sbr.rel .LBB2_1-.Ltmp0, $4  }
0x19: {  	p6 =	sgt.u32 s25, $0x75;
	[smem:$0x7F8] =	sst s19;
	s20 =	simm.s32 @!p4 $0x0  }
0x1a: {  	s20 =	simm.s32 @p4 $0x1;
	p4 =	sgt.u32 s25, $0x7B;
	s25 =	simm.s32 @!p6 $0x0  }
0x1b: {  	s19 =	simm.s32 $0x200;
	[smem:$0x7F9] =	sst s20;
	s25 =	simm.s32 @p6 $0x1  }
0x1c: {  	s20 =	simm.s32 $0x300;
	[smem:$0x7FD] =	sst s25;
	s25 =	simm.s32 $0x3  }
.LBB2_13:
0x1d: {  	[tilespmem:s22], [sflag:$0x2] =	stream.indirect.gather [hbm4b:s3+s15], $0x80, s21, s15, $0xb8;
	[tilespmem:$0x2C00] =	vst v63  }
0x1e: {  	_ =	swait.ge [sflag:s23], $0x1400  }
0x1f: {  	[sflag:s23] =	ssyncset.done $0x0  }
0x20: {  	[sflag:s23] =	ssyncadd.s32 $0xFFFFEC00  }
0x21: {  	[hbm4b:s12+s2] =	stream.linear.scatter [tilespmem:s17], [sflag:$0x3], $0x1400, $0x38;
	[tilespmem:$0x2C00] =	vst v63  }
0x22: {  	_ =	swait.ge [sflag:s24], $0x1400  }
0x23: {  	[sflag:s24] =	ssyncset.done $0x0  }
0x24: {  	[sflag:s24] =	ssyncadd.s32 $0xFFFFEC00  }
0x25: {  	[hbm4b:s13+s2] =	stream.linear.scatter [tilespmem:s22], [sflag:$0x4], $0x1400, $0x38;
	[tilespmem:$0x2C00] =	vst v63  }
.LBB2_16:
0x26: {  	_ =	swait.ge [sflag:s25], $0x1400  }
0x27: {  	[sflag:s25] =	ssyncset.done $0x0  }
0x28: {  	[sflag:s25] =	ssyncadd.s32 $0xFFFFEC00  }
0x29: {  	_ =	swait.ge [sflag:s18], $0x1400  }
0x2a: {  	[sflag:s18] =	ssyncset.done $0x0  }
0x2b: {  	[sflag:s18] =	ssyncadd.s32 $0xFFFFEC00  }
.LBB2_17:
0x2c: {  	s5 =	sadd.s32 $0xFFFFFFFF, s5  }
0x2d: {  	p6 =	sne.s32 s5, $0x0  }
.Ltmp1:
0x2e: {  	_ = 	snop;
	(pc) =	sbr.rel @!p6 .LBB2_18-.Ltmp1, $1  }
0x2f: {  	_ =	sdelay $0x3  }
.LBB2_1:
0x30: {  	[tilespmem:s2], [sflag:$0x5] =	stream.linear.gather [hbm4b:s4+s2], $0x400, $0x38;
	[tilespmem:$0x2C00] =	vst v63  }
0x31: {  	_ =	swait.ge [sflag:s14], $0x400  }
0x32: {  	s26 =	simm.s32 @!p0 $0x28;
	[sflag:s14] =	ssyncset.done $0x0  }
0x33: {  	s28 =	simm.s32 @!p0 $0x0;
	s29 =	simm.s32 @!p0 $0x400;
	[sflag:s14] =	ssyncadd.s32 $0xFFFFFC00  }
0x34: {  	[tilespmem:s29], [sflag:$0x1] =	stream.indirect.gather @!p0 [hbm4b:s3+s26], $0x80, s28, s26, $0xb8;
	[tilespmem:$0x2C00] =	vst v63  }
0x35: {  	s30 =	simm.s32 @!p4 $0x80;
	s31 =	simm.s32 @!p4 $0x1800;
	s26 =	simm.s32 @!p4 $0x28  }
0x36: {  	[tilespmem:s31], [sflag:$0x2] =	stream.indirect.gather @!p4 [hbm4b:s3+s26], $0x80, s30, s26, $0xb8;
	[tilespmem:$0x2C00] =	vst v63  }
0x37: {  	s26 =	simm.s32 @!p0 $0x1  }
0x38: {  	_ =	swait.ge @!p0 [sflag:s26], $0x1400  }
0x39: {  	[sflag:s26] =	ssyncset.done @!p0 $0x0  }
0x3a: {  	[sflag:s26] =	ssyncadd.s32 @!p0 $0xFFFFEC00;
	s26 =	simm.s32 @!p4 $0x2  }
0x3b: {  	[hbm4b:s6+s28] =	stream.linear.scatter @!p0 [tilespmem:s29], [sflag:$0x3], $0x1400, $0x38;
	[tilespmem:$0x2C00] =	vst v63  }
0x3c: {  	_ =	swait.ge @!p4 [sflag:s26], $0x1400  }
0x3d: {  	[sflag:s26] =	ssyncset.done @!p4 $0x0  }
0x3e: {  	[sflag:s26] =	ssyncadd.s32 @!p4 $0xFFFFEC00;
	s26 =	simm.s32 @!p4 $0x0  }
0x3f: {  	[hbm4b:s7+s26] =	stream.linear.scatter @!p4 [tilespmem:s31], [sflag:$0x4], $0x1400, $0x38;
	[tilespmem:$0x2C00] =	vst v63  }
0x40: {  	s26 =	simm.s32 @!p0 $0x3  }
0x41: {  	_ =	swait.ge @!p0 [sflag:s26], $0x1400  }
0x42: {  	s31 =	sld [smem:$0x7FA];
	_ =	sdelay $0x2  }
0x43: {  	p6 =	seq.s32 s31, $0x1  }
.Ltmp2:
0x44: {  	_ = 	snop;
	(pc) =	sbr.rel @p6 .LBB2_3-.Ltmp2, $3  }
0x45: {  	_ =	sdelay $0x1  }
0x46: {  	[sflag:s26] =	ssyncset.done @!p0 $0x0  }
0x47: {  	[sflag:s26] =	ssyncadd.s32 @!p0 $0xFFFFEC00  }
.Ltmp3:
0x48: {  	(pc) =	sbr.rel .LBB2_4-.Ltmp3, $2  }
0x49: {  	_ =	sdelay $0x2  }
0x4a: {  	[tilespmem:s17], [sflag:$0x1] =	stream.indirect.gather [hbm4b:s3+s15], $0x80, s16, s15, $0xb8;
	[tilespmem:$0x2C00] =	vst v63  }
.LBB2_3:
.Ltmp4:
0x4b: {  	(pc) =	sbr.rel @p4 .LBB2_5-.Ltmp4, $1  }
0x4c: {  	_ =	sdelay $0x3  }
.LBB2_4:
0x4d: {  	_ =	swait.ge [sflag:s18], $0x1400  }
0x4e: {  	[sflag:s18] =	ssyncset.done $0x0  }
0x4f: {  	s26 =	simm.s32 @!p3 $0x1;
	[sflag:s18] =	ssyncadd.s32 $0xFFFFEC00  }
0x50: {  	_ =	swait.ge @!p3 [sflag:s26], $0x1400  }
0x51: {  	[sflag:s26] =	ssyncset.done @!p3 $0x0  }
0x52: {  	s28 =	simm.s32 @!p3 $0x400;
	[sflag:s26] =	ssyncadd.s32 @!p3 $0xFFFFEC00;
	s26 =	simm.s32 @!p3 $0x0  }
0x53: {  	[hbm4b:s8+s26] =	stream.linear.scatter @!p3 [tilespmem:s28], [sflag:$0x3], $0x1400, $0x38;
	[tilespmem:$0x2C00] =	vst v63  }
0x54: {  	s29 =	simm.s32 @!p1 $0x1800;
	s26 =	simm.s32 @!p1 $0x28;
	s28 =	simm.s32 @!p1 $0x180  }
0x55: {  	[tilespmem:s29], [sflag:$0x2] =	stream.indirect.gather @!p1 [hbm4b:s3+s26], $0x80, s28, s26, $0xb8;
	[tilespmem:$0x2C00] =	vst v63  }
0x56: {  	s26 =	simm.s32 @!p1 $0x1  }
0x57: {  	_ =	swait.ge @!p1 [sflag:s26], $0x1400  }
0x58: {  	[sflag:s26] =	ssyncset.done @!p1 $0x0  }
0x59: {  	s28 =	simm.s32 @!p1 $0x400;
	[sflag:s26] =	ssyncadd.s32 @!p1 $0xFFFFEC00;
	s26 =	simm.s32 @!p1 $0x0  }
0x5a: {  	[hbm4b:s8+s26] =	stream.linear.scatter @!p1 [tilespmem:s28], [sflag:$0x3], $0x1400, $0x38;
	[tilespmem:$0x2C00] =	vst v63  }
0x5b: {  	s28 =	simm.s32 @!p1 $0x2  }
0x5c: {  	_ =	swait.ge @!p1 [sflag:s28], $0x1400  }
0x5d: {  	[sflag:s28] =	ssyncset.done @!p1 $0x0  }
0x5e: {  	[sflag:s28] =	ssyncadd.s32 @!p1 $0xFFFFEC00  }
0x5f: {  	[hbm4b:s9+s26] =	stream.linear.scatter @!p1 [tilespmem:s29], [sflag:$0x4], $0x1400, $0x38;
	[tilespmem:$0x2C00] =	vst v63  }
.LBB2_5:
0x60: {  	s26 =	sld [smem:$0x7F8];
	_ =	sdelay $0x2  }
0x61: {  	p6 =	seq.s32 s26, $0x1  }
0x62: {  	s26 =	simm.s32 @!p6 $0x3  }
0x63: {  	_ =	swait.ge @!p6 [sflag:s26], $0x1400  }
0x64: {  	s31 =	sld [smem:$0x7FB];
	_ =	sdelay $0x1  }
0x65: {  	[sflag:s26] =	ssyncset.done @!p6 $0x0  }
0x66: {  	[sflag:s26] =	ssyncadd.s32 @!p6 $0xFFFFEC00;
	p6 =	seq.s32 s31, $0x1  }
.Ltmp5:
0x67: {  	_ = 	snop;
	(pc) =	sbr.rel @p6 .LBB2_7-.Ltmp5, $1  }
0x68: {  	_ =	sdelay $0x3  }
.Ltmp6:
0x69: {  	(pc) =	sbr.rel .LBB2_8-.Ltmp6, $2  }
0x6a: {  	_ =	sdelay $0x2  }
0x6b: {  	[tilespmem:s17], [sflag:$0x1] =	stream.indirect.gather [hbm4b:s3+s15], $0x80, s19, s15, $0xb8;
	[tilespmem:$0x2C00] =	vst v63  }
.LBB2_7:
.Ltmp7:
0x6c: {  	(pc) =	sbr.rel @p1 .LBB2_9-.Ltmp7, $1  }
0x6d: {  	_ =	sdelay $0x3  }
.LBB2_8:
0x6e: {  	_ =	swait.ge [sflag:s18], $0x1400  }
0x6f: {  	[sflag:s18] =	ssyncset.done $0x0  }
0x70: {  	s26 =	simm.s32 @!p5 $0x1;
	[sflag:s18] =	ssyncadd.s32 $0xFFFFEC00  }
0x71: {  	_ =	swait.ge @!p5 [sflag:s26], $0x1400  }
0x72: {  	[sflag:s26] =	ssyncset.done @!p5 $0x0  }
0x73: {  	s28 =	simm.s32 @!p5 $0x400;
	[sflag:s26] =	ssyncadd.s32 @!p5 $0xFFFFEC00;
	s26 =	simm.s32 @!p5 $0x0  }
0x74: {  	[hbm4b:s10+s26] =	stream.linear.scatter @!p5 [tilespmem:s28], [sflag:$0x3], $0x1400, $0x38;
	[tilespmem:$0x2C00] =	vst v63  }
0x75: {  	s29 =	simm.s32 @!p2 $0x1800;
	s26 =	simm.s32 @!p2 $0x28;
	s28 =	simm.s32 @!p2 $0x280  }
0x76: {  	[tilespmem:s29], [sflag:$0x2] =	stream.indirect.gather @!p2 [hbm4b:s3+s26], $0x80, s28, s26, $0xb8;
	[tilespmem:$0x2C00] =	vst v63  }
0x77: {  	s26 =	simm.s32 @!p2 $0x1  }
0x78: {  	_ =	swait.ge @!p2 [sflag:s26], $0x1400  }
0x79: {  	[sflag:s26] =	ssyncset.done @!p2 $0x0  }
0x7a: {  	s28 =	simm.s32 @!p2 $0x400;
	[sflag:s26] =	ssyncadd.s32 @!p2 $0xFFFFEC00;
	s26 =	simm.s32 @!p2 $0x0  }
0x7b: {  	[hbm4b:s10+s26] =	stream.linear.scatter @!p2 [tilespmem:s28], [sflag:$0x3], $0x1400, $0x38;
	[tilespmem:$0x2C00] =	vst v63  }
0x7c: {  	s28 =	simm.s32 @!p2 $0x2  }
0x7d: {  	_ =	swait.ge @!p2 [sflag:s28], $0x1400  }
0x7e: {  	[sflag:s28] =	ssyncset.done @!p2 $0x0  }
0x7f: {  	[sflag:s28] =	ssyncadd.s32 @!p2 $0xFFFFEC00  }
0x80: {  	[hbm4b:s11+s26] =	stream.linear.scatter @!p2 [tilespmem:s29], [sflag:$0x4], $0x1400, $0x38;
	[tilespmem:$0x2C00] =	vst v63  }
.LBB2_9:
0x81: {  	s26 =	sld [smem:$0x7F9];
	_ =	sdelay $0x2  }
0x82: {  	p6 =	seq.s32 s26, $0x1  }
0x83: {  	s26 =	simm.s32 @!p6 $0x3  }
0x84: {  	_ =	swait.ge @!p6 [sflag:s26], $0x1400  }
0x85: {  	s31 =	sld [smem:$0x7FC];
	_ =	sdelay $0x1  }
0x86: {  	[sflag:s26] =	ssyncset.done @!p6 $0x0  }
0x87: {  	[sflag:s26] =	ssyncadd.s32 @!p6 $0xFFFFEC00;
	p6 =	seq.s32 s31, $0x1  }
.Ltmp8:
0x88: {  	_ = 	snop;
	(pc) =	sbr.rel @p6 .LBB2_11-.Ltmp8, $1  }
0x89: {  	_ =	sdelay $0x3  }
.Ltmp9:
0x8a: {  	(pc) =	sbr.rel .LBB2_12-.Ltmp9, $2  }
0x8b: {  	_ =	sdelay $0x2  }
0x8c: {  	[tilespmem:s17], [sflag:$0x1] =	stream.indirect.gather [hbm4b:s3+s15], $0x80, s20, s15, $0xb8;
	[tilespmem:$0x2C00] =	vst v63  }
.LBB2_11:
.Ltmp10:
0x8d: {  	(pc) =	sbr.rel @p2 .LBB2_17-.Ltmp10, $1  }
0x8e: {  	_ =	sdelay $0x3  }
.LBB2_12:
0x8f: {  	_ =	swait.ge [sflag:s18], $0x1400  }
0x90: {  	s26 =	sld [smem:$0x7FD];
	_ =	sdelay $0x2  }
0x91: {  	p6 =	seq.s32 s26, $0x1  }
.Ltmp11:
0x92: {  	_ = 	snop;
	(pc) =	sbr.rel @!p6 .LBB2_13-.Ltmp11, $3  }
0x93: {  	_ =	sdelay $0x1  }
0x94: {  	[sflag:s18] =	ssyncset.done $0x0  }
0x95: {  	[sflag:s18] =	ssyncadd.s32 $0xFFFFEC00  }
0x96: {  	s26 =	sld [smem:$0x7FC];
	_ =	sdelay $0x2  }
0x97: {  	p6 =	seq.s32 s26, $0x1  }
.Ltmp12:
0x98: {  	_ = 	snop;
	(pc) =	sbr.rel @p6 .LBB2_17-.Ltmp12, $1  }
0x99: {  	_ =	sdelay $0x3  }
.Ltmp13:
0x9a: {  	(pc) =	sbr.rel .LBB2_16-.Ltmp13, $4  }
0x9b: {  	_ =	swait.ge [sflag:s23], $0x1400  }
0x9c: {  	[sflag:s23] =	ssyncset.done $0x0  }
0x9d: {  	[sflag:s23] =	ssyncadd.s32 $0xFFFFEC00  }
0x9e: {  	[hbm4b:s12+s2] =	stream.linear.scatter [tilespmem:s17], [sflag:$0x3], $0x1400, $0x38;
	[tilespmem:$0x2C00] =	vst v63  }
.LBB2_18:
0x9f: {  	_ =	sfence.sel $0x180000  }
0xa0: {  	[bflag:$0x0] =	sbarrier.arrive $0xFFFF  }
0xa1: {  	p0 =	sne.s32 s1, $0x0;
	_ =	strace $0x90000053  }
0xa2: {  	s0 =	sadd.s32 @!p0 $0x100000, s0;
	[bflag:$0x2] =	sbarrier.arrive $0xFFFF  }
0xa3: {  	[sflag:s0] =	ssyncadd.tile.s32 @!p0 $0x1;
	_ =	shalt  }
.Lfunc_end2:
_tile_overlayer_lowered:
.L_overlay_start_2:
0xa4: {  	(tag) =	ssettag $0x2  }
0xa5: {  	s0 =	rddreg [dreg:$0x0];
	s2 =	stileid.u32  }
0xa6: {  	s1 =	rddreg [dreg:$0x1];
	p0 =	sne.s32 s2, $0x0  }
0xa7: {  	s3 =	rddreg [dreg:$0x2];
	[bflag:$0x3] =	sbarrier.arrive $0xFFFF;
	s2 =	simm.s32 @!p0 $0x1C05  }
0xa8: {  	[timem:s3], [sflag:s2] =	dma.local @!p0 [hbm:s0], s1  }
0xa9: {  	s0 =	simm.s32 @!p0 $0x5  }
0xaa: {  	_ =	swait.ge @!p0 [sflag:s0], s1  }
0xab: {  	s1 =	ssub.s32 @!p0 $0x0, s1;
	[sflag:s0] =	ssyncset.done @!p0 $0x0  }
0xac: {  	[sflag:s0] =	ssyncadd.s32 @!p0 s1  }
0xad: {  	[bflag:$0x3] =	sbarrier.arrive $0xFFFF  }
0xae: {  	_ =	shalt  }

</sc_bundles>
